<compile_context>
chip_gen: v7x
topology: tpu7x:2x2x1
jax: 0.10.2.dev20260603
libtpu: 0.0.44.dev20260713+nightly
codegen_flags: <defaults>
</compile_context>

<pallas_src>
import jax
import jax.numpy as jnp
from jax import lax
from jax.experimental import pallas as pl
from jax.experimental.pallas import tpu as pltpu
from jax.experimental.pallas import tpu_sc as plsc

N_NODES = 10000
N_PAD = 10240
SINK = N_NODES
E_EDGES = 320000
E_PAD = 327680
IDX_ROWS = E_PAD // 128
ROWS_PER_TILE = IDX_ROWS // 16
GROUPS_PER_TILE = ROWS_PER_TILE // 8
D = 128
HID = 64
OUT = 128
G = 64
MLP_BLK = 8192


def _proj_body(p0_ref, p1_ref, wcat_ref, ab_ref):
    state = p0_ref[...] + p1_ref[...]
    ab_ref[...] = jnp.dot(state, wcat_ref[...],
                          preferred_element_type=jnp.float32)


def _proj(p0, p1, wcat):
    blk = 2048
    grid = N_PAD // blk
    return pl.pallas_call(
        _proj_body,
        grid=(grid,),
        in_specs=[
            pl.BlockSpec((blk, D), lambda i: (i, 0)),
            pl.BlockSpec((blk, D), lambda i: (i, 0)),
            pl.BlockSpec((D, D), lambda i: (0, 0)),
        ],
        out_specs=pl.BlockSpec((blk, D), lambda i: (i, 0)),
        out_shape=jax.ShapeDtypeStruct((N_PAD, D), jnp.float32),
    )(p0, p1, wcat)


GATHER_GROUP = 1
G_GROUPS = ROWS_PER_TILE // GATHER_GROUP


def _gather_sc_body(ab_hbm, src_hbm, dst_hbm, pre_s_hbm, pre_d_hbm,
                    idx0_v, idx1_v, rows0_v, rows1_v, ab_sp,
                    gsem, osem0, osem1, isem0, isem1):
    c = lax.axis_index("c")
    s = lax.axis_index("s")
    bufs = [(idx0_v, rows0_v, osem0, isem0), (idx1_v, rows1_v, osem1, isem1)]
    nrows = GATHER_GROUP * 128

    pltpu.sync_copy(ab_hbm.at[pl.ds(s * (N_PAD // 16), N_PAD // 16)],
                    ab_sp.at[pl.ds(s * (N_PAD // 16), N_PAD // 16)])
    plsc.subcore_barrier()

    def run(idx2d, out):
        tile_row = s * ROWS_PER_TILE

        def idx_dma(g, b):
            idx_v = bufs[b][0]
            isem = bufs[b][3]
            return pltpu.make_async_copy(
                idx2d.at[pl.ds(tile_row + g * GATHER_GROUP, GATHER_GROUP)],
                idx_v, isem)

        def out_dma(g, b):
            rows_v = bufs[b][1]
            osem = bufs[b][2]
            return pltpu.make_async_copy(
                rows_v,
                out.at[pl.ds((tile_row + g * GATHER_GROUP) * 128, nrows)],
                osem)

        idx_dma(0, 0).start()
        idx_dma(1, 1).start()

        def group(g, _):
            b = lax.rem(g, 2)

            def body(bi):
                idx_v, rows_v, _, _ = bufs[bi]
                @pl.when(g >= 2)
                def _():
                    out_dma(g, bi).wait()
                idx_dma(g, bi).wait()
                descs = [
                    pltpu.make_async_copy(
                        ab_sp.at[idx_v.at[j]],
                        rows_v.at[pl.ds(j * 128, 128)],
                        gsem,
                    )
                    for j in range(GATHER_GROUP)
                ]
                for d_ in descs:
                    d_.start()
                for d_ in descs:
                    d_.wait()
                out_dma(g, bi).start()
                @pl.when(g + 2 < G_GROUPS)
                def _():
                    idx_dma(g + 2, bi).start()

            @pl.when(b == 0)
            def _():
                body(0)

            @pl.when(b == 1)
            def _():
                body(1)

            return 0

        lax.fori_loop(0, G_GROUPS, group, 0)
        out_dma(G_GROUPS - 2, 0).wait()
        out_dma(G_GROUPS - 1, 1).wait()

    @pl.when(c == 0)
    def _():
        run(src_hbm, pre_s_hbm)

    @pl.when(c == 1)
    def _():
        run(dst_hbm, pre_d_hbm)


def _gather(ab, src2d, dst2d):
    return pl.kernel(
        _gather_sc_body,
        out_type=[
            jax.ShapeDtypeStruct((E_PAD, D), jnp.float32),
            jax.ShapeDtypeStruct((E_PAD, D), jnp.float32),
        ],
        mesh=plsc.VectorSubcoreMesh(core_axis_name="c", subcore_axis_name="s"),
        scratch_types=[
            pltpu.VMEM((GATHER_GROUP, 128), jnp.int32),
            pltpu.VMEM((GATHER_GROUP, 128), jnp.int32),
            pltpu.VMEM((GATHER_GROUP * 128, D), jnp.float32),
            pltpu.VMEM((GATHER_GROUP * 128, D), jnp.float32),
            pltpu.VMEM_SHARED((N_PAD, D), jnp.float32),
            pltpu.SemaphoreType.DMA,
            pltpu.SemaphoreType.DMA,
            pltpu.SemaphoreType.DMA,
            pltpu.SemaphoreType.DMA,
            pltpu.SemaphoreType.DMA,
        ],
    )(ab, src2d, dst2d)


def _mlp_body(pre_s_ref, pre_d_ref, bin_ref, wh_ref, bh_ref, wout_ref,
              bout_ref, m_ref):
    pre = (pre_s_ref[:, :HID].astype(jnp.float32)
           + pre_d_ref[:, HID:].astype(jnp.float32))
    h = jax.nn.relu(pre + bin_ref[...])
    h = jax.nn.relu(
        jnp.dot(h, wh_ref[...], preferred_element_type=jnp.float32)
        + bh_ref[...])
    m_ref[...] = jax.nn.relu(
        jnp.dot(h, wout_ref[...], preferred_element_type=jnp.float32)
        + bout_ref[...])


def _mlp(pre_s, pre_d, bin_s, wh, bh, wout, bout):
    grid = E_PAD // MLP_BLK
    return pl.pallas_call(
        _mlp_body,
        grid=(grid,),
        in_specs=[
            pl.BlockSpec((MLP_BLK, D), lambda i: (i, 0)),
            pl.BlockSpec((MLP_BLK, D), lambda i: (i, 0)),
            pl.BlockSpec((1, HID), lambda i: (0, 0)),
            pl.BlockSpec((HID, HID), lambda i: (0, 0)),
            pl.BlockSpec((1, HID), lambda i: (0, 0)),
            pl.BlockSpec((HID, D), lambda i: (0, 0)),
            pl.BlockSpec((1, D), lambda i: (0, 0)),
        ],
        out_specs=pl.BlockSpec((MLP_BLK, D), lambda i: (i, 0)),
        out_shape=jax.ShapeDtypeStruct((E_PAD, D), jnp.float32),
    )(pre_s, pre_d, bin_s, wh, bh, wout, bout)


SC_ROWS_PER_TILE = IDX_ROWS // 32
def _scatter_sc_body(m_hbm, dst_hbm, zeros_hbm, p0_hbm, p1_hbm,
                     idx0_v, idx1_v, rows0_v, rows1_v, acc,
                     isem0, isem1, msem0, msem1):
    c = lax.axis_index("c")
    s = lax.axis_index("s")
    bufs = [(idx0_v, rows0_v, isem0, msem0), (idx1_v, rows1_v, isem1, msem1)]

    def run(out):
        tile_row = (c * 16 + s) * SC_ROWS_PER_TILE

        def idx_dma(g, b):
            return pltpu.make_async_copy(
                dst_hbm.at[pl.ds(tile_row + g, 1)], bufs[b][0], bufs[b][2])

        def m_dma(g, b):
            return pltpu.make_async_copy(
                m_hbm.at[pl.ds((tile_row + g) * 128, 128)],
                bufs[b][1], bufs[b][3])

        idx_dma(0, 0).start()
        m_dma(0, 0).start()
        idx_dma(1, 1).start()
        m_dma(1, 1).start()
        pltpu.sync_copy(zeros_hbm, acc.at[pl.ds(s * 640, 640)])
        plsc.subcore_barrier()

        def group(g, _):
            b = lax.rem(g, 2)

            def body(bi):
                idx_v, rows_v, _, _ = bufs[bi]
                idx_dma(g, bi).wait()
                m_dma(g, bi).wait()
                pltpu.sync_copy(rows_v, acc.at[idx_v.at[0]], add=True)
                @pl.when(g + 2 < SC_ROWS_PER_TILE)
                def _():
                    idx_dma(g + 2, bi).start()
                    m_dma(g + 2, bi).start()

            @pl.when(b == 0)
            def _():
                body(0)

            @pl.when(b == 1)
            def _():
                body(1)

            return 0

        lax.fori_loop(0, SC_ROWS_PER_TILE, group, 0)
        plsc.subcore_barrier()
        pltpu.sync_copy(acc.at[pl.ds(s * 640, 640)],
                        out.at[pl.ds(s * 640, 640)])

    @pl.when(c == 0)
    def _():
        run(p0_hbm)

    @pl.when(c == 1)
    def _():
        run(p1_hbm)


def _scatter(m, dst2d, zeros_rows):
    return pl.kernel(
        _scatter_sc_body,
        out_type=[
            jax.ShapeDtypeStruct((N_PAD, D), jnp.float32),
            jax.ShapeDtypeStruct((N_PAD, D), jnp.float32),
        ],
        mesh=plsc.VectorSubcoreMesh(core_axis_name="c", subcore_axis_name="s"),
        scratch_types=[
            pltpu.VMEM((1, 128), jnp.int32),
            pltpu.VMEM((1, 128), jnp.int32),
            pltpu.VMEM((128, D), jnp.float32),
            pltpu.VMEM((128, D), jnp.float32),
            pltpu.VMEM_SHARED((N_PAD, D), jnp.float32),
            pltpu.SemaphoreType.DMA,
            pltpu.SemaphoreType.DMA,
            pltpu.SemaphoreType.DMA,
            pltpu.SemaphoreType.DMA,
        ],
    )(m, dst2d, zeros_rows)


def _readout_body(p0_ref, p1_ref, ids_ref, w1_ref, b1_ref, w2_ref, b2_ref,
                  wo_ref, bo_ref, out_ref):
    gids = lax.broadcasted_iota(jnp.int32, (G, N_PAD), 0).astype(jnp.float32)
    oh = jnp.where(ids_ref[...] == gids, 1.0, 0.0)
    state = p0_ref[...] + p1_ref[...]
    mol = jnp.dot(oh, state, preferred_element_type=jnp.float32)
    h = jax.nn.relu(
        jnp.dot(mol, w1_ref[...], preferred_element_type=jnp.float32)
        + b1_ref[...])
    h = jax.nn.relu(
        jnp.dot(h, w2_ref[...], preferred_element_type=jnp.float32)
        + b2_ref[...])
    out_ref[...] = (
        jnp.dot(h, wo_ref[...], preferred_element_type=jnp.float32)
        + bo_ref[...])


def _readout(p0, p1, ids_f, w1, b1, w2, b2, wo, bo):
    return pl.pallas_call(
        _readout_body,
        out_shape=jax.ShapeDtypeStruct((G, OUT), jnp.float32),
    )(p0, p1, ids_f, w1, b1, w2, b2, wo, bo)


def kernel(x, edge_index, graph_ids, Win, bin_, Wh, bh, Wout, bout,
           W1, b1, W2, b2, Wo, bo):
    src = edge_index[0]
    dst = edge_index[1]
    pad_e = E_PAD - E_EDGES
    src2d = jnp.concatenate(
        [src, jnp.zeros((pad_e,), jnp.int32)]).reshape(IDX_ROWS, 128)
    dst2d = jnp.concatenate(
        [dst, jnp.full((pad_e,), SINK, jnp.int32)]).reshape(IDX_ROWS, 128)

    xp = jnp.pad(x, ((0, N_PAD - N_NODES), (0, 0)))
    ids_f = jnp.concatenate(
        [graph_ids, jnp.full((N_PAD - N_NODES,), G, jnp.int32)]
    ).astype(jnp.float32).reshape(1, N_PAD)
    zeros_rows = jnp.zeros((640, D), jnp.float32)
    zeros_n = jnp.zeros((N_PAD, D), jnp.float32)

    p0, p1 = xp, zeros_n
    for step in range(3):
        wcat = jnp.concatenate([Win[step][:D], Win[step][D:]], axis=1)
        ab = _proj(p0, p1, wcat)
        pre_s, pre_d = _gather(ab, src2d, dst2d)
        m = _mlp(pre_s, pre_d, bin_[step].reshape(1, HID), Wh[step],
                 bh[step].reshape(1, HID), Wout[step],
                 bout[step].reshape(1, D))
        p0, p1 = _scatter(m, dst2d, zeros_rows)

    return _readout(p0, p1, ids_f, W1, b1.reshape(1, HID), W2,
                    b2.reshape(1, HID), Wo, bo.reshape(1, OUT))

# --- scband reference (transcript-rebuilt; emitter-appended) ---
"""Pipeline reference for scband-message-passing-net-36275293782879 (READ-ONLY COPY).

The authoritative reference and input builder live on the scoring server;
editing this copy changes nothing except your own understanding.
"""

import jax, jax.numpy as jnp
import numpy as np

N = 10000
E = 320000
D = 128
HID = 64
OUT = 128
STEPS = 3
G = 64


def setup_inputs(seed: int = 0) -> dict:
    key = jax.random.key(seed)
    ks = jax.random.split(key, 20)
    x = jax.random.normal(ks[0], (N, D), dtype=jnp.float32)
    edge_index = jax.random.randint(ks[1], (2, E), 0, N, dtype=jnp.int32)
    graph_ids = jnp.sort(jax.random.randint(ks[2], (N,), 0, G, dtype=jnp.int32))
    Win = jax.random.normal(ks[3], (STEPS, 2 * D, HID), dtype=jnp.float32) * (1.0 / np.sqrt(2 * D))
    bin_ = jnp.zeros((STEPS, HID), dtype=jnp.float32)
    Wh = jax.random.normal(ks[4], (STEPS, HID, HID), dtype=jnp.float32) * (1.0 / np.sqrt(HID))
    bh = jnp.zeros((STEPS, HID), dtype=jnp.float32)
    Wout = jax.random.normal(ks[5], (STEPS, HID, D), dtype=jnp.float32) * (1.0 / np.sqrt(HID))
    bout = jnp.zeros((STEPS, D), dtype=jnp.float32)
    W1 = jax.random.normal(ks[6], (D, HID), dtype=jnp.float32) * (1.0 / np.sqrt(D))
    b1 = jnp.zeros((HID,), dtype=jnp.float32)
    W2 = jax.random.normal(ks[7], (HID, HID), dtype=jnp.float32) * (1.0 / np.sqrt(HID))
    b2 = jnp.zeros((HID,), dtype=jnp.float32)
    Wo = jax.random.normal(ks[8], (HID, OUT), dtype=jnp.float32) * (1.0 / np.sqrt(HID))
    bo = jnp.zeros((OUT,), dtype=jnp.float32)
    return {"x": x, "edge_index": edge_index, "graph_ids": graph_ids,
            "Win": Win, "bin_": bin_, "Wh": Wh, "bh": bh, "Wout": Wout, "bout": bout,
            "W1": W1, "b1": b1, "W2": W2, "b2": b2, "Wo": Wo, "bo": bo}


def reference(x, edge_index, graph_ids, Win, bin_, Wh, bh, Wout, bout, W1, b1, W2, b2, Wo, bo):
    # Tensorized message passing: each edge (src,dst) builds a message from
    # concat(state[src], state[dst]) (the 'connectivity' vector of dim 2*atom_state_dim),
    # passes it through the per-step MLP (2D->64->64->D, ReLU), and messages are
    # summed per destination atom to form the new atom state.
    src = edge_index[0]
    dst = edge_index[1]
    state = x
    for step in range(STEPS):
        m = jnp.concatenate([state[src], state[dst]], axis=-1)
        m = jax.nn.relu(m @ Win[step] + bin_[step])
        m = jax.nn.relu(m @ Wh[step] + bh[step])
        m = jax.nn.relu(m @ Wout[step] + bout[step])
        state = jax.ops.segment_sum(m, dst, num_segments=N)
    # Per-molecule readout: sum final atom states within each molecule.
    mol_repr = jax.ops.segment_sum(state, graph_ids, num_segments=G)
    h = jax.nn.relu(mol_repr @ W1 + b1)
    h = jax.nn.relu(h @ W2 + b2)
    return h @ Wo + bo

if __name__ == "__main__":
    import jax
    _d = setup_inputs()
    print(jax.jit(kernel)(*tuple(_d.values())))

</pallas_src>

<mosaic_0001>
#map = affine_map<(d0, d1) -> (0, 0)>
module attributes {stable_mosaic.version = 14 : i64} {
  func.func @_scatter_sc_body(%arg0: i32, %arg1: i32, %arg2: memref<327680x128xf32, #tpu.memory_space<hbm>>, %arg3: memref<2560x128xi32, #tpu.memory_space<hbm>>, %arg4: memref<640x128xf32, #tpu.memory_space<hbm>>, %arg5: memref<10240x128xf32, #tpu.memory_space<hbm>>, %arg6: memref<10240x128xf32, #tpu.memory_space<hbm>>, %arg7: memref<1x128xi32, #tpu.memory_space<vmem>>, %arg8: memref<1x128xi32, #tpu.memory_space<vmem>>, %arg9: memref<128x128xf32, #tpu.memory_space<vmem>>, %arg10: memref<128x128xf32, #tpu.memory_space<vmem>>, %arg11: memref<10240x128xf32, #tpu.memory_space<vmem_shared>>, %arg12: memref<!tpu.dma_semaphore, #tpu.memory_space<semaphore_mem>>, %arg13: memref<!tpu.dma_semaphore, #tpu.memory_space<semaphore_mem>>, %arg14: memref<!tpu.dma_semaphore, #tpu.memory_space<semaphore_mem>>, %arg15: memref<!tpu.dma_semaphore, #tpu.memory_space<semaphore_mem>>) attributes {dimension_semantics = [#tpu.dimension_semantics<core_parallel>, #tpu.dimension_semantics<subcore_parallel>], iteration_bounds = array<i64: 2, 16>, scalar_prefetch = 0 : i64, scratch_operands = 9 : i64, tpu.core_type = #tpu.core_type<sc_vector_subcore>, window_params = [{transform_indices = #map}, {transform_indices = #map}, {transform_indices = #map}, {transform_indices = #map}, {transform_indices = #map}]} {
    %eq3A = arith.constant 0 : i32
    %eq3A_0 = arith.cmpi eq, %arg0, %eq3A : i32
    %convert_element_type3A = arith.extui %eq3A_0 : i1 to i32
    %cond3A = arith.constant 0 : i32
    %cond3A_1 = arith.cmpi ne, %convert_element_type3A, %cond3A : i32
    scf.if %cond3A_1 {
      %mul3A = arith.constant 16 : i32
      %mul3A_7 = arith.muli %arg0, %mul3A : i32
      %add3A = arith.addi %mul3A_7, %arg1 : i32
      %mul3A_8 = arith.constant 80 : i32
      %mul3A_9 = arith.muli %add3A, %mul3A_8 : i32
      %add3A_10 = arith.constant 0 : i32
      %add3A_11 = arith.addi %mul3A_9, %add3A_10 : i32
      %dma_start3A = arith.constant 0 : i32
      %dma_start3A_12 = tpu.memref_slice %arg3[%add3A_11, %dma_start3A] : memref<2560x128xi32, #tpu.memory_space<hbm>> -> memref<1x128xi32, #tpu.memory_space<hbm>>
      %dma_start3A_13 = arith.constant 0 : i32
      %dma_start3A_14 = tpu.memref_slice %arg3[%add3A_11, %dma_start3A_13] : memref<2560x128xi32, #tpu.memory_space<hbm>> -> memref<1x128xi32, #tpu.memory_space<hbm>>
      tpu.enqueue_dma source(%dma_start3A_14 : memref<1x128xi32, #tpu.memory_space<hbm>>) target(%arg7 : memref<1x128xi32, #tpu.memory_space<vmem>>) target_semaphore(%arg12 : memref<!tpu.dma_semaphore, #tpu.memory_space<semaphore_mem>>)
      %add3A_15 = arith.constant 0 : i32
      %add3A_16 = arith.addi %mul3A_9, %add3A_15 : i32
      %mul3A_17 = arith.constant 128 : i32
      %mul3A_18 = arith.muli %add3A_16, %mul3A_17 : i32
      %dma_start3A_19 = arith.constant 0 : i32
      %dma_start3A_20 = tpu.memref_slice %arg2[%mul3A_18, %dma_start3A_19] : memref<327680x128xf32, #tpu.memory_space<hbm>> -> memref<128x128xf32, #tpu.memory_space<hbm>>
      %dma_start3A_21 = arith.constant 0 : i32
      %dma_start3A_22 = tpu.memref_slice %arg2[%mul3A_18, %dma_start3A_21] : memref<327680x128xf32, #tpu.memory_space<hbm>> -> memref<128x128xf32, #tpu.memory_space<hbm>>
      tpu.enqueue_dma source(%dma_start3A_22 : memref<128x128xf32, #tpu.memory_space<hbm>>) target(%arg9 : memref<128x128xf32, #tpu.memory_space<vmem>>) target_semaphore(%arg14 : memref<!tpu.dma_semaphore, #tpu.memory_space<semaphore_mem>>)
      %add3A_23 = arith.constant 1 : i32
      %add3A_24 = arith.addi %mul3A_9, %add3A_23 : i32
      %dma_start3A_25 = arith.constant 0 : i32
      %dma_start3A_26 = tpu.memref_slice %arg3[%add3A_24, %dma_start3A_25] : memref<2560x128xi32, #tpu.memory_space<hbm>> -> memref<1x128xi32, #tpu.memory_space<hbm>>
      %dma_start3A_27 = arith.constant 0 : i32
      %dma_start3A_28 = tpu.memref_slice %arg3[%add3A_24, %dma_start3A_27] : memref<2560x128xi32, #tpu.memory_space<hbm>> -> memref<1x128xi32, #tpu.memory_space<hbm>>
      tpu.enqueue_dma source(%dma_start3A_28 : memref<1x128xi32, #tpu.memory_space<hbm>>) target(%arg8 : memref<1x128xi32, #tpu.memory_space<vmem>>) target_semaphore(%arg13 : memref<!tpu.dma_semaphore, #tpu.memory_space<semaphore_mem>>)
      %add3A_29 = arith.constant 1 : i32
      %add3A_30 = arith.addi %mul3A_9, %add3A_29 : i32
      %mul3A_31 = arith.constant 128 : i32
      %mul3A_32 = arith.muli %add3A_30, %mul3A_31 : i32
      %dma_start3A_33 = arith.constant 0 : i32
      %dma_start3A_34 = tpu.memref_slice %arg2[%mul3A_32, %dma_start3A_33] : memref<327680x128xf32, #tpu.memory_space<hbm>> -> memref<128x128xf32, #tpu.memory_space<hbm>>
      %dma_start3A_35 = arith.constant 0 : i32
      %dma_start3A_36 = tpu.memref_slice %arg2[%mul3A_32, %dma_start3A_35] : memref<327680x128xf32, #tpu.memory_space<hbm>> -> memref<128x128xf32, #tpu.memory_space<hbm>>
      tpu.enqueue_dma source(%dma_start3A_36 : memref<128x128xf32, #tpu.memory_space<hbm>>) target(%arg10 : memref<128x128xf32, #tpu.memory_space<vmem>>) target_semaphore(%arg15 : memref<!tpu.dma_semaphore, #tpu.memory_space<semaphore_mem>>)
      %mul3A_37 = arith.constant 640 : i32
      %mul3A_38 = arith.muli %arg1, %mul3A_37 : i32
      "tpu.region"() ({
        %run_scoped3A = tpu.sem_alloc : memref<!tpu.dma_semaphore, #tpu.memory_space<semaphore_mem>>
        %dma_start3A_50 = arith.constant 0 : i32
        %dma_start3A_51 = tpu.memref_slice %arg11[%mul3A_38, %dma_start3A_50] : memref<10240x128xf32, #tpu.memory_space<vmem_shared>> -> memref<640x128xf32, #tpu.memory_space<vmem_shared>>
        tpu.enqueue_dma source(%arg4 : memref<640x128xf32, #tpu.memory_space<hbm>>) target(%dma_start3A_51 : memref<640x128xf32, #tpu.memory_space<vmem_shared>>) target_semaphore(%run_scoped3A : memref<!tpu.dma_semaphore, #tpu.memory_space<semaphore_mem>>)
        %dma_wait3A = arith.constant 0 : i32
        %dma_wait3A_52 = tpu.memref_slice %arg11[%mul3A_38, %dma_wait3A] : memref<10240x128xf32, #tpu.memory_space<vmem_shared>> -> memref<640x128xf32, #tpu.memory_space<vmem_shared>>
        tpu.wait_dma2 semaphore(%run_scoped3A : memref<!tpu.dma_semaphore, #tpu.memory_space<semaphore_mem>>) src(%arg4 : memref<640x128xf32, #tpu.memory_space<hbm>>) dst(%dma_wait3A_52 : memref<640x128xf32, #tpu.memory_space<vmem_shared>>)
        tpu.yield
      }) : () -> ()
      %barrier3A = arith.constant 0 : index
      tpu.barrier barrier_id(%barrier3A)
      %scan3A = arith.constant 0 : i32
      %scan3A_39 = arith.constant 0 : i32
      %scan3A_40 = arith.constant 80 : i32
      %scan3A_41 = arith.addi %scan3A_39, %scan3A_40 : i32
      %scan3A_42 = arith.constant 1 : i32
      %scan3A_43 = scf.for %scan3A_50 = %scan3A_39 to %scan3A_41 step %scan3A_42 iter_args(%scan3A_51 = %scan3A) -> (i32)  : i32 {
        %rem3A = arith.constant 2 : i32
        %rem3A_52 = arith.remsi %scan3A_50, %rem3A : i32
        %eq3A_53 = arith.constant 0 : i32
        %eq3A_54 = arith.cmpi eq, %rem3A_52, %eq3A_53 : i32
        %convert_element_type3A_55 = arith.extui %eq3A_54 : i1 to i32
        %cond3A_56 = arith.constant 0 : i32
        %cond3A_57 = arith.cmpi ne, %convert_element_type3A_55, %cond3A_56 : i32
        scf.if %cond3A_57 {
          %add3A_64 = arith.addi %mul3A_9, %scan3A_50 : i32
          %dma_wait3A = arith.constant 0 : i32
          %dma_wait3A_65 = tpu.memref_slice %arg3[%add3A_64, %dma_wait3A] : memref<2560x128xi32, #tpu.memory_space<hbm>> -> memref<1x128xi32, #tpu.memory_space<hbm>>
          %dma_wait3A_66 = arith.constant 0 : i32
          %dma_wait3A_67 = tpu.memref_slice %arg3[%add3A_64, %dma_wait3A_66] : memref<2560x128xi32, #tpu.memory_space<hbm>> -> memref<1x128xi32, #tpu.memory_space<hbm>>
          tpu.wait_dma2 semaphore(%arg12 : memref<!tpu.dma_semaphore, #tpu.memory_space<semaphore_mem>>) src(%dma_wait3A_67 : memref<1x128xi32, #tpu.memory_space<hbm>>) dst(%arg7 : memref<1x128xi32, #tpu.memory_space<vmem>>)
          %add3A_68 = arith.addi %mul3A_9, %scan3A_50 : i32
          %mul3A_69 = arith.constant 128 : i32
          %mul3A_70 = arith.muli %add3A_68, %mul3A_69 : i32
          %dma_wait3A_71 = arith.constant 0 : i32
          %dma_wait3A_72 = tpu.memref_slice %arg2[%mul3A_70, %dma_wait3A_71] : memref<327680x128xf32, #tpu.memory_space<hbm>> -> memref<128x128xf32, #tpu.memory_space<hbm>>
          %dma_wait3A_73 = arith.constant 0 : i32
          %dma_wait3A_74 = tpu.memref_slice %arg2[%mul3A_70, %dma_wait3A_73] : memref<327680x128xf32, #tpu.memory_space<hbm>> -> memref<128x128xf32, #tpu.memory_space<hbm>>
          tpu.wait_dma2 semaphore(%arg14 : memref<!tpu.dma_semaphore, #tpu.memory_space<semaphore_mem>>) src(%dma_wait3A_74 : memref<128x128xf32, #tpu.memory_space<hbm>>) dst(%arg9 : memref<128x128xf32, #tpu.memory_space<vmem>>)
          %run_scoped3A = arith.constant 0 : i32
          "tpu.region"() ({
            %run_scoped3A_81 = tpu.sem_alloc : memref<!tpu.dma_semaphore, #tpu.memory_space<semaphore_mem>>
            %dma_start3A_82 = arith.constant 0 : i32
            %dma_start3A_83 = tpu.memref_slice %arg7[%run_scoped3A, %dma_start3A_82] : memref<1x128xi32, #tpu.memory_space<vmem>> -> memref<1x128xi32, #tpu.memory_space<vmem>>
            %dma_start3A_84 = tpu.memref_squeeze %dma_start3A_83 : memref<1x128xi32, #tpu.memory_space<vmem>> -> memref<128xi32, #tpu.memory_space<vmem>>
            %dma_start3A_85 = arith.constant 0 : i32
            %dma_start3A_86 = arith.constant 0 : i32
            %dma_start3A_87 = tpu.memref_slice %arg11[%dma_start3A_85, %dma_start3A_86] : memref<10240x128xf32, #tpu.memory_space<vmem_shared>> -> memref<10240x128xf32, #tpu.memory_space<vmem_shared>>
            tpu.enqueue_indirect_dma source(%arg9 : memref<128x128xf32, #tpu.memory_space<vmem>>) target(%dma_start3A_87 : memref<10240x128xf32, #tpu.memory_space<vmem_shared>>) offsets(%dma_start3A_84 : memref<128xi32, #tpu.memory_space<vmem>>) semaphore(%run_scoped3A_81 : memref<!tpu.dma_semaphore, #tpu.memory_space<semaphore_mem>>) {add = true}
            %dma_wait3A_88 = arith.constant 0 : i32
            %dma_wait3A_89 = tpu.memref_slice %arg7[%run_scoped3A, %dma_wait3A_88] : memref<1x128xi32, #tpu.memory_space<vmem>> -> memref<1x128xi32, #tpu.memory_space<vmem>>
            %dma_wait3A_90 = tpu.memref_squeeze %dma_wait3A_89 : memref<1x128xi32, #tpu.memory_space<vmem>> -> memref<128xi32, #tpu.memory_space<vmem>>
            %dma_wait3A_91 = arith.constant 0 : i32
            %dma_wait3A_92 = arith.constant 0 : i32
            %dma_wait3A_93 = tpu.memref_slice %arg11[%dma_wait3A_91, %dma_wait3A_92] : memref<10240x128xf32, #tpu.memory_space<vmem_shared>> -> memref<10240x128xf32, #tpu.memory_space<vmem_shared>>
            tpu.wait_indirect_dma semaphore(%run_scoped3A_81 : memref<!tpu.dma_semaphore, #tpu.memory_space<semaphore_mem>>) src(%arg9 : memref<128x128xf32, #tpu.memory_space<vmem>>) dst(%dma_wait3A_93 : memref<10240x128xf32, #tpu.memory_space<vmem_shared>>)
            tpu.yield
          }) : () -> ()
          %add3A_75 = arith.constant 2 : i32
          %add3A_76 = arith.addi %scan3A_50, %add3A_75 : i32
          %lt3A = arith.constant 80 : i32
          %lt3A_77 = arith.cmpi slt, %add3A_76, %lt3A : i32
          %convert_element_type3A_78 = arith.extui %lt3A_77 : i1 to i32
          %cond3A_79 = arith.constant 0 : i32
          %cond3A_80 = arith.cmpi ne, %convert_element_type3A_78, %cond3A_79 : i32
          scf.if %cond3A_80 {
            %add3A_81 = arith.constant 2 : i32
            %add3A_82 = arith.addi %scan3A_50, %add3A_81 : i32
            %add3A_83 = arith.addi %mul3A_9, %add3A_82 : i32
            %dma_start3A_84 = arith.constant 0 : i32
            %dma_start3A_85 = tpu.memref_slice %arg3[%add3A_83, %dma_start3A_84] : memref<2560x128xi32, #tpu.memory_space<hbm>> -> memref<1x128xi32, #tpu.memory_space<hbm>>
            %dma_start3A_86 = arith.constant 0 : i32
            %dma_start3A_87 = tpu.memref_slice %arg3[%add3A_83, %dma_start3A_86] : memref<2560x128xi32, #tpu.memory_space<hbm>> -> memref<1x128xi32, #tpu.memory_space<hbm>>
            tpu.enqueue_dma source(%dma_start3A_87 : memref<1x128xi32, #tpu.memory_space<hbm>>) target(%arg7 : memref<1x128xi32, #tpu.memory_space<vmem>>) target_semaphore(%arg12 : memref<!tpu.dma_semaphore, #tpu.memory_space<semaphore_mem>>)
            %add3A_88 = arith.constant 2 : i32
            %add3A_89 = arith.addi %scan3A_50, %add3A_88 : i32
            %add3A_90 = arith.addi %mul3A_9, %add3A_89 : i32
            %mul3A_91 = arith.constant 128 : i32
            %mul3A_92 = arith.muli %add3A_90, %mul3A_91 : i32
            %dma_start3A_93 = arith.constant 0 : i32
            %dma_start3A_94 = tpu.memref_slice %arg2[%mul3A_92, %dma_start3A_93] : memref<327680x128xf32, #tpu.memory_space<hbm>> -> memref<128x128xf32, #tpu.memory_space<hbm>>
            %dma_start3A_95 = arith.constant 0 : i32
            %dma_start3A_96 = tpu.memref_slice %arg2[%mul3A_92, %dma_start3A_95] : memref<327680x128xf32, #tpu.memory_space<hbm>> -> memref<128x128xf32, #tpu.memory_space<hbm>>
            tpu.enqueue_dma source(%dma_start3A_96 : memref<128x128xf32, #tpu.memory_space<hbm>>) target(%arg9 : memref<128x128xf32, #tpu.memory_space<vmem>>) target_semaphore(%arg14 : memref<!tpu.dma_semaphore, #tpu.memory_space<semaphore_mem>>)
          } else {
          }
        } else {
        }
        %eq3A_58 = arith.constant 1 : i32
        %eq3A_59 = arith.cmpi eq, %rem3A_52, %eq3A_58 : i32
        %convert_element_type3A_60 = arith.extui %eq3A_59 : i1 to i32
        %cond3A_61 = arith.constant 0 : i32
        %cond3A_62 = arith.cmpi ne, %convert_element_type3A_60, %cond3A_61 : i32
        scf.if %cond3A_62 {
          %add3A_64 = arith.addi %mul3A_9, %scan3A_50 : i32
          %dma_wait3A = arith.constant 0 : i32
          %dma_wait3A_65 = tpu.memref_slice %arg3[%add3A_64, %dma_wait3A] : memref<2560x128xi32, #tpu.memory_space<hbm>> -> memref<1x128xi32, #tpu.memory_space<hbm>>
          %dma_wait3A_66 = arith.constant 0 : i32
          %dma_wait3A_67 = tpu.memref_slice %arg3[%add3A_64, %dma_wait3A_66] : memref<2560x128xi32, #tpu.memory_space<hbm>> -> memref<1x128xi32, #tpu.memory_space<hbm>>
          tpu.wait_dma2 semaphore(%arg13 : memref<!tpu.dma_semaphore, #tpu.memory_space<semaphore_mem>>) src(%dma_wait3A_67 : memref<1x128xi32, #tpu.memory_space<hbm>>) dst(%arg8 : memref<1x128xi32, #tpu.memory_space<vmem>>)
          %add3A_68 = arith.addi %mul3A_9, %scan3A_50 : i32
          %mul3A_69 = arith.constant 128 : i32
          %mul3A_70 = arith.muli %add3A_68, %mul3A_69 : i32
          %dma_wait3A_71 = arith.constant 0 : i32
          %dma_wait3A_72 = tpu.memref_slice %arg2[%mul3A_70, %dma_wait3A_71] : memref<327680x128xf32, #tpu.memory_space<hbm>> -> memref<128x128xf32, #tpu.memory_space<hbm>>
          %dma_wait3A_73 = arith.constant 0 : i32
          %dma_wait3A_74 = tpu.memref_slice %arg2[%mul3A_70, %dma_wait3A_73] : memref<327680x128xf32, #tpu.memory_space<hbm>> -> memref<128x128xf32, #tpu.memory_space<hbm>>
          tpu.wait_dma2 semaphore(%arg15 : memref<!tpu.dma_semaphore, #tpu.memory_space<semaphore_mem>>) src(%dma_wait3A_74 : memref<128x128xf32, #tpu.memory_space<hbm>>) dst(%arg10 : memref<128x128xf32, #tpu.memory_space<vmem>>)
          %run_scoped3A = arith.constant 0 : i32
          "tpu.region"() ({
            %run_scoped3A_81 = tpu.sem_alloc : memref<!tpu.dma_semaphore, #tpu.memory_space<semaphore_mem>>
            %dma_start3A_82 = arith.constant 0 : i32
            %dma_start3A_83 = tpu.memref_slice %arg8[%run_scoped3A, %dma_start3A_82] : memref<1x128xi32, #tpu.memory_space<vmem>> -> memref<1x128xi32, #tpu.memory_space<vmem>>
            %dma_start3A_84 = tpu.memref_squeeze %dma_start3A_83 : memref<1x128xi32, #tpu.memory_space<vmem>> -> memref<128xi32, #tpu.memory_space<vmem>>
            %dma_start3A_85 = arith.constant 0 : i32
            %dma_start3A_86 = arith.constant 0 : i32
            %dma_start3A_87 = tpu.memref_slice %arg11[%dma_start3A_85, %dma_start3A_86] : memref<10240x128xf32, #tpu.memory_space<vmem_shared>> -> memref<10240x128xf32, #tpu.memory_space<vmem_shared>>
            tpu.enqueue_indirect_dma source(%arg10 : memref<128x128xf32, #tpu.memory_space<vmem>>) target(%dma_start3A_87 : memref<10240x128xf32, #tpu.memory_space<vmem_shared>>) offsets(%dma_start3A_84 : memref<128xi32, #tpu.memory_space<vmem>>) semaphore(%run_scoped3A_81 : memref<!tpu.dma_semaphore, #tpu.memory_space<semaphore_mem>>) {add = true}
            %dma_wait3A_88 = arith.constant 0 : i32
            %dma_wait3A_89 = tpu.memref_slice %arg8[%run_scoped3A, %dma_wait3A_88] : memref<1x128xi32, #tpu.memory_space<vmem>> -> memref<1x128xi32, #tpu.memory_space<vmem>>
            %dma_wait3A_90 = tpu.memref_squeeze %dma_wait3A_89 : memref<1x128xi32, #tpu.memory_space<vmem>> -> memref<128xi32, #tpu.memory_space<vmem>>
            %dma_wait3A_91 = arith.constant 0 : i32
            %dma_wait3A_92 = arith.constant 0 : i32
            %dma_wait3A_93 = tpu.memref_slice %arg11[%dma_wait3A_91, %dma_wait3A_92] : memref<10240x128xf32, #tpu.memory_space<vmem_shared>> -> memref<10240x128xf32, #tpu.memory_space<vmem_shared>>
            tpu.wait_indirect_dma semaphore(%run_scoped3A_81 : memref<!tpu.dma_semaphore, #tpu.memory_space<semaphore_mem>>) src(%arg10 : memref<128x128xf32, #tpu.memory_space<vmem>>) dst(%dma_wait3A_93 : memref<10240x128xf32, #tpu.memory_space<vmem_shared>>)
            tpu.yield
          }) : () -> ()
          %add3A_75 = arith.constant 2 : i32
          %add3A_76 = arith.addi %scan3A_50, %add3A_75 : i32
          %lt3A = arith.constant 80 : i32
          %lt3A_77 = arith.cmpi slt, %add3A_76, %lt3A : i32
          %convert_element_type3A_78 = arith.extui %lt3A_77 : i1 to i32
          %cond3A_79 = arith.constant 0 : i32
          %cond3A_80 = arith.cmpi ne, %convert_element_type3A_78, %cond3A_79 : i32
          scf.if %cond3A_80 {
            %add3A_81 = arith.constant 2 : i32
            %add3A_82 = arith.addi %scan3A_50, %add3A_81 : i32
            %add3A_83 = arith.addi %mul3A_9, %add3A_82 : i32
            %dma_start3A_84 = arith.constant 0 : i32
            %dma_start3A_85 = tpu.memref_slice %arg3[%add3A_83, %dma_start3A_84] : memref<2560x128xi32, #tpu.memory_space<hbm>> -> memref<1x128xi32, #tpu.memory_space<hbm>>
            %dma_start3A_86 = arith.constant 0 : i32
            %dma_start3A_87 = tpu.memref_slice %arg3[%add3A_83, %dma_start3A_86] : memref<2560x128xi32, #tpu.memory_space<hbm>> -> memref<1x128xi32, #tpu.memory_space<hbm>>
            tpu.enqueue_dma source(%dma_start3A_87 : memref<1x128xi32, #tpu.memory_space<hbm>>) target(%arg8 : memref<1x128xi32, #tpu.memory_space<vmem>>) target_semaphore(%arg13 : memref<!tpu.dma_semaphore, #tpu.memory_space<semaphore_mem>>)
            %add3A_88 = arith.constant 2 : i32
            %add3A_89 = arith.addi %scan3A_50, %add3A_88 : i32
            %add3A_90 = arith.addi %mul3A_9, %add3A_89 : i32
            %mul3A_91 = arith.constant 128 : i32
            %mul3A_92 = arith.muli %add3A_90, %mul3A_91 : i32
            %dma_start3A_93 = arith.constant 0 : i32
            %dma_start3A_94 = tpu.memref_slice %arg2[%mul3A_92, %dma_start3A_93] : memref<327680x128xf32, #tpu.memory_space<hbm>> -> memref<128x128xf32, #tpu.memory_space<hbm>>
            %dma_start3A_95 = arith.constant 0 : i32
            %dma_start3A_96 = tpu.memref_slice %arg2[%mul3A_92, %dma_start3A_95] : memref<327680x128xf32, #tpu.memory_space<hbm>> -> memref<128x128xf32, #tpu.memory_space<hbm>>
            tpu.enqueue_dma source(%dma_start3A_96 : memref<128x128xf32, #tpu.memory_space<hbm>>) target(%arg10 : memref<128x128xf32, #tpu.memory_space<vmem>>) target_semaphore(%arg15 : memref<!tpu.dma_semaphore, #tpu.memory_space<semaphore_mem>>)
          } else {
          }
        } else {
        }
        %scan3A_63 = arith.constant 0 : i32
        scf.yield %scan3A_63 : i32
      }
      %scan3A_44 = arith.constant 80 : i32
      %barrier3A_45 = arith.constant 0 : index
      tpu.barrier barrier_id(%barrier3A_45)
      %mul3A_46 = arith.constant 640 : i32
      %mul3A_47 = arith.muli %arg1, %mul3A_46 : i32
      %mul3A_48 = arith.constant 640 : i32
      %mul3A_49 = arith.muli %arg1, %mul3A_48 : i32
      "tpu.region"() ({
        %run_scoped3A = tpu.sem_alloc : memref<!tpu.dma_semaphore, #tpu.memory_space<semaphore_mem>>
        %dma_start3A_50 = arith.constant 0 : i32
        %dma_start3A_51 = tpu.memref_slice %arg5[%mul3A_49, %dma_start3A_50] : memref<10240x128xf32, #tpu.memory_space<hbm>> -> memref<640x128xf32, #tpu.memory_space<hbm>>
        %dma_start3A_52 = arith.constant 0 : i32
        %dma_start3A_53 = tpu.memref_slice %arg11[%mul3A_47, %dma_start3A_52] : memref<10240x128xf32, #tpu.memory_space<vmem_shared>> -> memref<640x128xf32, #tpu.memory_space<vmem_shared>>
        tpu.enqueue_dma source(%dma_start3A_53 : memref<640x128xf32, #tpu.memory_space<vmem_shared>>) target(%dma_start3A_51 : memref<640x128xf32, #tpu.memory_space<hbm>>) target_semaphore(%run_scoped3A : memref<!tpu.dma_semaphore, #tpu.memory_space<semaphore_mem>>)
        %dma_wait3A = arith.constant 0 : i32
        %dma_wait3A_54 = tpu.memref_slice %arg5[%mul3A_49, %dma_wait3A] : memref<10240x128xf32, #tpu.memory_space<hbm>> -> memref<640x128xf32, #tpu.memory_space<hbm>>
        %dma_wait3A_55 = arith.constant 0 : i32
        %dma_wait3A_56 = tpu.memref_slice %arg11[%mul3A_47, %dma_wait3A_55] : memref<10240x128xf32, #tpu.memory_space<vmem_shared>> -> memref<640x128xf32, #tpu.memory_space<vmem_shared>>
        tpu.wait_dma2 semaphore(%run_scoped3A : memref<!tpu.dma_semaphore, #tpu.memory_space<semaphore_mem>>) src(%dma_wait3A_56 : memref<640x128xf32, #tpu.memory_space<vmem_shared>>) dst(%dma_wait3A_54 : memref<640x128xf32, #tpu.memory_space<hbm>>)
        tpu.yield
      }) : () -> ()
    } else {
    }
    %eq3A_2 = arith.constant 1 : i32
    %eq3A_3 = arith.cmpi eq, %arg0, %eq3A_2 : i32
    %convert_element_type3A_4 = arith.extui %eq3A_3 : i1 to i32
    %cond3A_5 = arith.constant 0 : i32
    %cond3A_6 = arith.cmpi ne, %convert_element_type3A_4, %cond3A_5 : i32
    scf.if %cond3A_6 {
      %mul3A = arith.constant 16 : i32
      %mul3A_7 = arith.muli %arg0, %mul3A : i32
      %add3A = arith.addi %mul3A_7, %arg1 : i32
      %mul3A_8 = arith.constant 80 : i32
      %mul3A_9 = arith.muli %add3A, %mul3A_8 : i32
      %add3A_10 = arith.constant 0 : i32
      %add3A_11 = arith.addi %mul3A_9, %add3A_10 : i32
      %dma_start3A = arith.constant 0 : i32
      %dma_start3A_12 = tpu.memref_slice %arg3[%add3A_11, %dma_start3A] : memref<2560x128xi32, #tpu.memory_space<hbm>> -> memref<1x128xi32, #tpu.memory_space<hbm>>
      %dma_start3A_13 = arith.constant 0 : i32
      %dma_start3A_14 = tpu.memref_slice %arg3[%add3A_11, %dma_start3A_13] : memref<2560x128xi32, #tpu.memory_space<hbm>> -> memref<1x128xi32, #tpu.memory_space<hbm>>
      tpu.enqueue_dma source(%dma_start3A_14 : memref<1x128xi32, #tpu.memory_space<hbm>>) target(%arg7 : memref<1x128xi32, #tpu.memory_space<vmem>>) target_semaphore(%arg12 : memref<!tpu.dma_semaphore, #tpu.memory_space<semaphore_mem>>)
      %add3A_15 = arith.constant 0 : i32
      %add3A_16 = arith.addi %mul3A_9, %add3A_15 : i32
      %mul3A_17 = arith.constant 128 : i32
      %mul3A_18 = arith.muli %add3A_16, %mul3A_17 : i32
      %dma_start3A_19 = arith.constant 0 : i32
      %dma_start3A_20 = tpu.memref_slice %arg2[%mul3A_18, %dma_start3A_19] : memref<327680x128xf32, #tpu.memory_space<hbm>> -> memref<128x128xf32, #tpu.memory_space<hbm>>
      %dma_start3A_21 = arith.constant 0 : i32
      %dma_start3A_22 = tpu.memref_slice %arg2[%mul3A_18, %dma_start3A_21] : memref<327680x128xf32, #tpu.memory_space<hbm>> -> memref<128x128xf32, #tpu.memory_space<hbm>>
      tpu.enqueue_dma source(%dma_start3A_22 : memref<128x128xf32, #tpu.memory_space<hbm>>) target(%arg9 : memref<128x128xf32, #tpu.memory_space<vmem>>) target_semaphore(%arg14 : memref<!tpu.dma_semaphore, #tpu.memory_space<semaphore_mem>>)
      %add3A_23 = arith.constant 1 : i32
      %add3A_24 = arith.addi %mul3A_9, %add3A_23 : i32
      %dma_start3A_25 = arith.constant 0 : i32
      %dma_start3A_26 = tpu.memref_slice %arg3[%add3A_24, %dma_start3A_25] : memref<2560x128xi32, #tpu.memory_space<hbm>> -> memref<1x128xi32, #tpu.memory_space<hbm>>
      %dma_start3A_27 = arith.constant 0 : i32
      %dma_start3A_28 = tpu.memref_slice %arg3[%add3A_24, %dma_start3A_27] : memref<2560x128xi32, #tpu.memory_space<hbm>> -> memref<1x128xi32, #tpu.memory_space<hbm>>
      tpu.enqueue_dma source(%dma_start3A_28 : memref<1x128xi32, #tpu.memory_space<hbm>>) target(%arg8 : memref<1x128xi32, #tpu.memory_space<vmem>>) target_semaphore(%arg13 : memref<!tpu.dma_semaphore, #tpu.memory_space<semaphore_mem>>)
      %add3A_29 = arith.constant 1 : i32
      %add3A_30 = arith.addi %mul3A_9, %add3A_29 : i32
      %mul3A_31 = arith.constant 128 : i32
      %mul3A_32 = arith.muli %add3A_30, %mul3A_31 : i32
      %dma_start3A_33 = arith.constant 0 : i32
      %dma_start3A_34 = tpu.memref_slice %arg2[%mul3A_32, %dma_start3A_33] : memref<327680x128xf32, #tpu.memory_space<hbm>> -> memref<128x128xf32, #tpu.memory_space<hbm>>
      %dma_start3A_35 = arith.constant 0 : i32
      %dma_start3A_36 = tpu.memref_slice %arg2[%mul3A_32, %dma_start3A_35] : memref<327680x128xf32, #tpu.memory_space<hbm>> -> memref<128x128xf32, #tpu.memory_space<hbm>>
      tpu.enqueue_dma source(%dma_start3A_36 : memref<128x128xf32, #tpu.memory_space<hbm>>) target(%arg10 : memref<128x128xf32, #tpu.memory_space<vmem>>) target_semaphore(%arg15 : memref<!tpu.dma_semaphore, #tpu.memory_space<semaphore_mem>>)
      %mul3A_37 = arith.constant 640 : i32
      %mul3A_38 = arith.muli %arg1, %mul3A_37 : i32
      "tpu.region"() ({
        %run_scoped3A = tpu.sem_alloc : memref<!tpu.dma_semaphore, #tpu.memory_space<semaphore_mem>>
        %dma_start3A_50 = arith.constant 0 : i32
        %dma_start3A_51 = tpu.memref_slice %arg11[%mul3A_38, %dma_start3A_50] : memref<10240x128xf32, #tpu.memory_space<vmem_shared>> -> memref<640x128xf32, #tpu.memory_space<vmem_shared>>
        tpu.enqueue_dma source(%arg4 : memref<640x128xf32, #tpu.memory_space<hbm>>) target(%dma_start3A_51 : memref<640x128xf32, #tpu.memory_space<vmem_shared>>) target_semaphore(%run_scoped3A : memref<!tpu.dma_semaphore, #tpu.memory_space<semaphore_mem>>)
        %dma_wait3A = arith.constant 0 : i32
        %dma_wait3A_52 = tpu.memref_slice %arg11[%mul3A_38, %dma_wait3A] : memref<10240x128xf32, #tpu.memory_space<vmem_shared>> -> memref<640x128xf32, #tpu.memory_space<vmem_shared>>
        tpu.wait_dma2 semaphore(%run_scoped3A : memref<!tpu.dma_semaphore, #tpu.memory_space<semaphore_mem>>) src(%arg4 : memref<640x128xf32, #tpu.memory_space<hbm>>) dst(%dma_wait3A_52 : memref<640x128xf32, #tpu.memory_space<vmem_shared>>)
        tpu.yield
      }) : () -> ()
      %barrier3A = arith.constant 0 : index
      tpu.barrier barrier_id(%barrier3A)
      %scan3A = arith.constant 0 : i32
      %scan3A_39 = arith.constant 0 : i32
      %scan3A_40 = arith.constant 80 : i32
      %scan3A_41 = arith.addi %scan3A_39, %scan3A_40 : i32
      %scan3A_42 = arith.constant 1 : i32
      %scan3A_43 = scf.for %scan3A_50 = %scan3A_39 to %scan3A_41 step %scan3A_42 iter_args(%scan3A_51 = %scan3A) -> (i32)  : i32 {
        %rem3A = arith.constant 2 : i32
        %rem3A_52 = arith.remsi %scan3A_50, %rem3A : i32
        %eq3A_53 = arith.constant 0 : i32
        %eq3A_54 = arith.cmpi eq, %rem3A_52, %eq3A_53 : i32
        %convert_element_type3A_55 = arith.extui %eq3A_54 : i1 to i32
        %cond3A_56 = arith.constant 0 : i32
        %cond3A_57 = arith.cmpi ne, %convert_element_type3A_55, %cond3A_56 : i32
        scf.if %cond3A_57 {
          %add3A_64 = arith.addi %mul3A_9, %scan3A_50 : i32
          %dma_wait3A = arith.constant 0 : i32
          %dma_wait3A_65 = tpu.memref_slice %arg3[%add3A_64, %dma_wait3A] : memref<2560x128xi32, #tpu.memory_space<hbm>> -> memref<1x128xi32, #tpu.memory_space<hbm>>
          %dma_wait3A_66 = arith.constant 0 : i32
          %dma_wait3A_67 = tpu.memref_slice %arg3[%add3A_64, %dma_wait3A_66] : memref<2560x128xi32, #tpu.memory_space<hbm>> -> memref<1x128xi32, #tpu.memory_space<hbm>>
          tpu.wait_dma2 semaphore(%arg12 : memref<!tpu.dma_semaphore, #tpu.memory_space<semaphore_mem>>) src(%dma_wait3A_67 : memref<1x128xi32, #tpu.memory_space<hbm>>) dst(%arg7 : memref<1x128xi32, #tpu.memory_space<vmem>>)
          %add3A_68 = arith.addi %mul3A_9, %scan3A_50 : i32
          %mul3A_69 = arith.constant 128 : i32
          %mul3A_70 = arith.muli %add3A_68, %mul3A_69 : i32
          %dma_wait3A_71 = arith.constant 0 : i32
          %dma_wait3A_72 = tpu.memref_slice %arg2[%mul3A_70, %dma_wait3A_71] : memref<327680x128xf32, #tpu.memory_space<hbm>> -> memref<128x128xf32, #tpu.memory_space<hbm>>
          %dma_wait3A_73 = arith.constant 0 : i32
          %dma_wait3A_74 = tpu.memref_slice %arg2[%mul3A_70, %dma_wait3A_73] : memref<327680x128xf32, #tpu.memory_space<hbm>> -> memref<128x128xf32, #tpu.memory_space<hbm>>
          tpu.wait_dma2 semaphore(%arg14 : memref<!tpu.dma_semaphore, #tpu.memory_space<semaphore_mem>>) src(%dma_wait3A_74 : memref<128x128xf32, #tpu.memory_space<hbm>>) dst(%arg9 : memref<128x128xf32, #tpu.memory_space<vmem>>)
          %run_scoped3A = arith.constant 0 : i32
          "tpu.region"() ({
            %run_scoped3A_81 = tpu.sem_alloc : memref<!tpu.dma_semaphore, #tpu.memory_space<semaphore_mem>>
            %dma_start3A_82 = arith.constant 0 : i32
            %dma_start3A_83 = tpu.memref_slice %arg7[%run_scoped3A, %dma_start3A_82] : memref<1x128xi32, #tpu.memory_space<vmem>> -> memref<1x128xi32, #tpu.memory_space<vmem>>
            %dma_start3A_84 = tpu.memref_squeeze %dma_start3A_83 : memref<1x128xi32, #tpu.memory_space<vmem>> -> memref<128xi32, #tpu.memory_space<vmem>>
            %dma_start3A_85 = arith.constant 0 : i32
            %dma_start3A_86 = arith.constant 0 : i32
            %dma_start3A_87 = tpu.memref_slice %arg11[%dma_start3A_85, %dma_start3A_86] : memref<10240x128xf32, #tpu.memory_space<vmem_shared>> -> memref<10240x128xf32, #tpu.memory_space<vmem_shared>>
            tpu.enqueue_indirect_dma source(%arg9 : memref<128x128xf32, #tpu.memory_space<vmem>>) target(%dma_start3A_87 : memref<10240x128xf32, #tpu.memory_space<vmem_shared>>) offsets(%dma_start3A_84 : memref<128xi32, #tpu.memory_space<vmem>>) semaphore(%run_scoped3A_81 : memref<!tpu.dma_semaphore, #tpu.memory_space<semaphore_mem>>) {add = true}
            %dma_wait3A_88 = arith.constant 0 : i32
            %dma_wait3A_89 = tpu.memref_slice %arg7[%run_scoped3A, %dma_wait3A_88] : memref<1x128xi32, #tpu.memory_space<vmem>> -> memref<1x128xi32, #tpu.memory_space<vmem>>
            %dma_wait3A_90 = tpu.memref_squeeze %dma_wait3A_89 : memref<1x128xi32, #tpu.memory_space<vmem>> -> memref<128xi32, #tpu.memory_space<vmem>>
            %dma_wait3A_91 = arith.constant 0 : i32
            %dma_wait3A_92 = arith.constant 0 : i32
            %dma_wait3A_93 = tpu.memref_slice %arg11[%dma_wait3A_91, %dma_wait3A_92] : memref<10240x128xf32, #tpu.memory_space<vmem_shared>> -> memref<10240x128xf32, #tpu.memory_space<vmem_shared>>
            tpu.wait_indirect_dma semaphore(%run_scoped3A_81 : memref<!tpu.dma_semaphore, #tpu.memory_space<semaphore_mem>>) src(%arg9 : memref<128x128xf32, #tpu.memory_space<vmem>>) dst(%dma_wait3A_93 : memref<10240x128xf32, #tpu.memory_space<vmem_shared>>)
            tpu.yield
          }) : () -> ()
          %add3A_75 = arith.constant 2 : i32
          %add3A_76 = arith.addi %scan3A_50, %add3A_75 : i32
          %lt3A = arith.constant 80 : i32
          %lt3A_77 = arith.cmpi slt, %add3A_76, %lt3A : i32
          %convert_element_type3A_78 = arith.extui %lt3A_77 : i1 to i32
          %cond3A_79 = arith.constant 0 : i32
          %cond3A_80 = arith.cmpi ne, %convert_element_type3A_78, %cond3A_79 : i32
          scf.if %cond3A_80 {
            %add3A_81 = arith.constant 2 : i32
            %add3A_82 = arith.addi %scan3A_50, %add3A_81 : i32
            %add3A_83 = arith.addi %mul3A_9, %add3A_82 : i32
            %dma_start3A_84 = arith.constant 0 : i32
            %dma_start3A_85 = tpu.memref_slice %arg3[%add3A_83, %dma_start3A_84] : memref<2560x128xi32, #tpu.memory_space<hbm>> -> memref<1x128xi32, #tpu.memory_space<hbm>>
            %dma_start3A_86 = arith.constant 0 : i32
            %dma_start3A_87 = tpu.memref_slice %arg3[%add3A_83, %dma_start3A_86] : memref<2560x128xi32, #tpu.memory_space<hbm>> -> memref<1x128xi32, #tpu.memory_space<hbm>>
            tpu.enqueue_dma source(%dma_start3A_87 : memref<1x128xi32, #tpu.memory_space<hbm>>) target(%arg7 : memref<1x128xi32, #tpu.memory_space<vmem>>) target_semaphore(%arg12 : memref<!tpu.dma_semaphore, #tpu.memory_space<semaphore_mem>>)
            %add3A_88 = arith.constant 2 : i32
            %add3A_89 = arith.addi %scan3A_50, %add3A_88 : i32
            %add3A_90 = arith.addi %mul3A_9, %add3A_89 : i32
            %mul3A_91 = arith.constant 128 : i32
            %mul3A_92 = arith.muli %add3A_90, %mul3A_91 : i32
            %dma_start3A_93 = arith.constant 0 : i32
            %dma_start3A_94 = tpu.memref_slice %arg2[%mul3A_92, %dma_start3A_93] : memref<327680x128xf32, #tpu.memory_space<hbm>> -> memref<128x128xf32, #tpu.memory_space<hbm>>
            %dma_start3A_95 = arith.constant 0 : i32
            %dma_start3A_96 = tpu.memref_slice %arg2[%mul3A_92, %dma_start3A_95] : memref<327680x128xf32, #tpu.memory_space<hbm>> -> memref<128x128xf32, #tpu.memory_space<hbm>>
            tpu.enqueue_dma source(%dma_start3A_96 : memref<128x128xf32, #tpu.memory_space<hbm>>) target(%arg9 : memref<128x128xf32, #tpu.memory_space<vmem>>) target_semaphore(%arg14 : memref<!tpu.dma_semaphore, #tpu.memory_space<semaphore_mem>>)
          } else {
          }
        } else {
        }
        %eq3A_58 = arith.constant 1 : i32
        %eq3A_59 = arith.cmpi eq, %rem3A_52, %eq3A_58 : i32
        %convert_element_type3A_60 = arith.extui %eq3A_59 : i1 to i32
        %cond3A_61 = arith.constant 0 : i32
        %cond3A_62 = arith.cmpi ne, %convert_element_type3A_60, %cond3A_61 : i32
        scf.if %cond3A_62 {
          %add3A_64 = arith.addi %mul3A_9, %scan3A_50 : i32
          %dma_wait3A = arith.constant 0 : i32
          %dma_wait3A_65 = tpu.memref_slice %arg3[%add3A_64, %dma_wait3A] : memref<2560x128xi32, #tpu.memory_space<hbm>> -> memref<1x128xi32, #tpu.memory_space<hbm>>
          %dma_wait3A_66 = arith.constant 0 : i32
          %dma_wait3A_67 = tpu.memref_slice %arg3[%add3A_64, %dma_wait3A_66] : memref<2560x128xi32, #tpu.memory_space<hbm>> -> memref<1x128xi32, #tpu.memory_space<hbm>>
          tpu.wait_dma2 semaphore(%arg13 : memref<!tpu.dma_semaphore, #tpu.memory_space<semaphore_mem>>) src(%dma_wait3A_67 : memref<1x128xi32, #tpu.memory_space<hbm>>) dst(%arg8 : memref<1x128xi32, #tpu.memory_space<vmem>>)
          %add3A_68 = arith.addi %mul3A_9, %scan3A_50 : i32
          %mul3A_69 = arith.constant 128 : i32
          %mul3A_70 = arith.muli %add3A_68, %mul3A_69 : i32
          %dma_wait3A_71 = arith.constant 0 : i32
          %dma_wait3A_72 = tpu.memref_slice %arg2[%mul3A_70, %dma_wait3A_71] : memref<327680x128xf32, #tpu.memory_space<hbm>> -> memref<128x128xf32, #tpu.memory_space<hbm>>
          %dma_wait3A_73 = arith.constant 0 : i32
          %dma_wait3A_74 = tpu.memref_slice %arg2[%mul3A_70, %dma_wait3A_73] : memref<327680x128xf32, #tpu.memory_space<hbm>> -> memref<128x128xf32, #tpu.memory_space<hbm>>
          tpu.wait_dma2 semaphore(%arg15 : memref<!tpu.dma_semaphore, #tpu.memory_space<semaphore_mem>>) src(%dma_wait3A_74 : memref<128x128xf32, #tpu.memory_space<hbm>>) dst(%arg10 : memref<128x128xf32, #tpu.memory_space<vmem>>)
          %run_scoped3A = arith.constant 0 : i32
          "tpu.region"() ({
            %run_scoped3A_81 = tpu.sem_alloc : memref<!tpu.dma_semaphore, #tpu.memory_space<semaphore_mem>>
            %dma_start3A_82 = arith.constant 0 : i32
            %dma_start3A_83 = tpu.memref_slice %arg8[%run_scoped3A, %dma_start3A_82] : memref<1x128xi32, #tpu.memory_space<vmem>> -> memref<1x128xi32, #tpu.memory_space<vmem>>
            %dma_start3A_84 = tpu.memref_squeeze %dma_start3A_83 : memref<1x128xi32, #tpu.memory_space<vmem>> -> memref<128xi32, #tpu.memory_space<vmem>>
            %dma_start3A_85 = arith.constant 0 : i32
            %dma_start3A_86 = arith.constant 0 : i32
            %dma_start3A_87 = tpu.memref_slice %arg11[%dma_start3A_85, %dma_start3A_86] : memref<10240x128xf32, #tpu.memory_space<vmem_shared>> -> memref<10240x128xf32, #tpu.memory_space<vmem_shared>>
            tpu.enqueue_indirect_dma source(%arg10 : memref<128x128xf32, #tpu.memory_space<vmem>>) target(%dma_start3A_87 : memref<10240x128xf32, #tpu.memory_space<vmem_shared>>) offsets(%dma_start3A_84 : memref<128xi32, #tpu.memory_space<vmem>>) semaphore(%run_scoped3A_81 : memref<!tpu.dma_semaphore, #tpu.memory_space<semaphore_mem>>) {add = true}
            %dma_wait3A_88 = arith.constant 0 : i32
            %dma_wait3A_89 = tpu.memref_slice %arg8[%run_scoped3A, %dma_wait3A_88] : memref<1x128xi32, #tpu.memory_space<vmem>> -> memref<1x128xi32, #tpu.memory_space<vmem>>
            %dma_wait3A_90 = tpu.memref_squeeze %dma_wait3A_89 : memref<1x128xi32, #tpu.memory_space<vmem>> -> memref<128xi32, #tpu.memory_space<vmem>>
            %dma_wait3A_91 = arith.constant 0 : i32
            %dma_wait3A_92 = arith.constant 0 : i32
            %dma_wait3A_93 = tpu.memref_slice %arg11[%dma_wait3A_91, %dma_wait3A_92] : memref<10240x128xf32, #tpu.memory_space<vmem_shared>> -> memref<10240x128xf32, #tpu.memory_space<vmem_shared>>
            tpu.wait_indirect_dma semaphore(%run_scoped3A_81 : memref<!tpu.dma_semaphore, #tpu.memory_space<semaphore_mem>>) src(%arg10 : memref<128x128xf32, #tpu.memory_space<vmem>>) dst(%dma_wait3A_93 : memref<10240x128xf32, #tpu.memory_space<vmem_shared>>)
            tpu.yield
          }) : () -> ()
          %add3A_75 = arith.constant 2 : i32
          %add3A_76 = arith.addi %scan3A_50, %add3A_75 : i32
          %lt3A = arith.constant 80 : i32
          %lt3A_77 = arith.cmpi slt, %add3A_76, %lt3A : i32
          %convert_element_type3A_78 = arith.extui %lt3A_77 : i1 to i32
          %cond3A_79 = arith.constant 0 : i32
          %cond3A_80 = arith.cmpi ne, %convert_element_type3A_78, %cond3A_79 : i32
          scf.if %cond3A_80 {
            %add3A_81 = arith.constant 2 : i32
            %add3A_82 = arith.addi %scan3A_50, %add3A_81 : i32
            %add3A_83 = arith.addi %mul3A_9, %add3A_82 : i32
            %dma_start3A_84 = arith.constant 0 : i32
            %dma_start3A_85 = tpu.memref_slice %arg3[%add3A_83, %dma_start3A_84] : memref<2560x128xi32, #tpu.memory_space<hbm>> -> memref<1x128xi32, #tpu.memory_space<hbm>>
            %dma_start3A_86 = arith.constant 0 : i32
            %dma_start3A_87 = tpu.memref_slice %arg3[%add3A_83, %dma_start3A_86] : memref<2560x128xi32, #tpu.memory_space<hbm>> -> memref<1x128xi32, #tpu.memory_space<hbm>>
            tpu.enqueue_dma source(%dma_start3A_87 : memref<1x128xi32, #tpu.memory_space<hbm>>) target(%arg8 : memref<1x128xi32, #tpu.memory_space<vmem>>) target_semaphore(%arg13 : memref<!tpu.dma_semaphore, #tpu.memory_space<semaphore_mem>>)
            %add3A_88 = arith.constant 2 : i32
            %add3A_89 = arith.addi %scan3A_50, %add3A_88 : i32
            %add3A_90 = arith.addi %mul3A_9, %add3A_89 : i32
            %mul3A_91 = arith.constant 128 : i32
            %mul3A_92 = arith.muli %add3A_90, %mul3A_91 : i32
            %dma_start3A_93 = arith.constant 0 : i32
            %dma_start3A_94 = tpu.memref_slice %arg2[%mul3A_92, %dma_start3A_93] : memref<327680x128xf32, #tpu.memory_space<hbm>> -> memref<128x128xf32, #tpu.memory_space<hbm>>
            %dma_start3A_95 = arith.constant 0 : i32
            %dma_start3A_96 = tpu.memref_slice %arg2[%mul3A_92, %dma_start3A_95] : memref<327680x128xf32, #tpu.memory_space<hbm>> -> memref<128x128xf32, #tpu.memory_space<hbm>>
            tpu.enqueue_dma source(%dma_start3A_96 : memref<128x128xf32, #tpu.memory_space<hbm>>) target(%arg10 : memref<128x128xf32, #tpu.memory_space<vmem>>) target_semaphore(%arg15 : memref<!tpu.dma_semaphore, #tpu.memory_space<semaphore_mem>>)
          } else {
          }
        } else {
        }
        %scan3A_63 = arith.constant 0 : i32
        scf.yield %scan3A_63 : i32
      }
      %scan3A_44 = arith.constant 80 : i32
      %barrier3A_45 = arith.constant 0 : index
      tpu.barrier barrier_id(%barrier3A_45)
      %mul3A_46 = arith.constant 640 : i32
      %mul3A_47 = arith.muli %arg1, %mul3A_46 : i32
      %mul3A_48 = arith.constant 640 : i32
      %mul3A_49 = arith.muli %arg1, %mul3A_48 : i32
      "tpu.region"() ({
        %run_scoped3A = tpu.sem_alloc : memref<!tpu.dma_semaphore, #tpu.memory_space<semaphore_mem>>
        %dma_start3A_50 = arith.constant 0 : i32
        %dma_start3A_51 = tpu.memref_slice %arg6[%mul3A_49, %dma_start3A_50] : memref<10240x128xf32, #tpu.memory_space<hbm>> -> memref<640x128xf32, #tpu.memory_space<hbm>>
        %dma_start3A_52 = arith.constant 0 : i32
        %dma_start3A_53 = tpu.memref_slice %arg11[%mul3A_47, %dma_start3A_52] : memref<10240x128xf32, #tpu.memory_space<vmem_shared>> -> memref<640x128xf32, #tpu.memory_space<vmem_shared>>
        tpu.enqueue_dma source(%dma_start3A_53 : memref<640x128xf32, #tpu.memory_space<vmem_shared>>) target(%dma_start3A_51 : memref<640x128xf32, #tpu.memory_space<hbm>>) target_semaphore(%run_scoped3A : memref<!tpu.dma_semaphore, #tpu.memory_space<semaphore_mem>>)
        %dma_wait3A = arith.constant 0 : i32
        %dma_wait3A_54 = tpu.memref_slice %arg6[%mul3A_49, %dma_wait3A] : memref<10240x128xf32, #tpu.memory_space<hbm>> -> memref<640x128xf32, #tpu.memory_space<hbm>>
        %dma_wait3A_55 = arith.constant 0 : i32
        %dma_wait3A_56 = tpu.memref_slice %arg11[%mul3A_47, %dma_wait3A_55] : memref<10240x128xf32, #tpu.memory_space<vmem_shared>> -> memref<640x128xf32, #tpu.memory_space<vmem_shared>>
        tpu.wait_dma2 semaphore(%run_scoped3A : memref<!tpu.dma_semaphore, #tpu.memory_space<semaphore_mem>>) src(%dma_wait3A_56 : memref<640x128xf32, #tpu.memory_space<vmem_shared>>) dst(%dma_wait3A_54 : memref<640x128xf32, #tpu.memory_space<hbm>>)
        tpu.yield
      }) : () -> ()
    } else {
    }
    return
  }
}

#map = affine_map<(d0, d1) -> (0, 0)>
module attributes {stable_mosaic.version = 14 : i64} {
  func.func @_gather_sc_body(%arg0: i32, %arg1: i32, %arg2: memref<10240x128xf32, #tpu.memory_space<hbm>>, %arg3: memref<2560x128xi32, #tpu.memory_space<hbm>>, %arg4: memref<2560x128xi32, #tpu.memory_space<hbm>>, %arg5: memref<327680x128xf32, #tpu.memory_space<hbm>>, %arg6: memref<327680x128xf32, #tpu.memory_space<hbm>>, %arg7: memref<1x128xi32, #tpu.memory_space<vmem>>, %arg8: memref<1x128xi32, #tpu.memory_space<vmem>>, %arg9: memref<128x128xf32, #tpu.memory_space<vmem>>, %arg10: memref<128x128xf32, #tpu.memory_space<vmem>>, %arg11: memref<10240x128xf32, #tpu.memory_space<vmem_shared>>, %arg12: memref<!tpu.dma_semaphore, #tpu.memory_space<semaphore_mem>>, %arg13: memref<!tpu.dma_semaphore, #tpu.memory_space<semaphore_mem>>, %arg14: memref<!tpu.dma_semaphore, #tpu.memory_space<semaphore_mem>>, %arg15: memref<!tpu.dma_semaphore, #tpu.memory_space<semaphore_mem>>, %arg16: memref<!tpu.dma_semaphore, #tpu.memory_space<semaphore_mem>>) attributes {dimension_semantics = [#tpu.dimension_semantics<core_parallel>, #tpu.dimension_semantics<subcore_parallel>], iteration_bounds = array<i64: 2, 16>, scalar_prefetch = 0 : i64, scratch_operands = 10 : i64, tpu.core_type = #tpu.core_type<sc_vector_subcore>, window_params = [{transform_indices = #map}, {transform_indices = #map}, {transform_indices = #map}, {transform_indices = #map}, {transform_indices = #map}]} {
    %mul3A = arith.constant 640 : i32
    %mul3A_0 = arith.muli %arg1, %mul3A : i32
    %mul3A_1 = arith.constant 640 : i32
    %mul3A_2 = arith.muli %arg1, %mul3A_1 : i32
    "tpu.region"() ({
      %run_scoped3A = tpu.sem_alloc : memref<!tpu.dma_semaphore, #tpu.memory_space<semaphore_mem>>
      %dma_start3A = arith.constant 0 : i32
      %dma_start3A_10 = tpu.memref_slice %arg11[%mul3A_2, %dma_start3A] : memref<10240x128xf32, #tpu.memory_space<vmem_shared>> -> memref<640x128xf32, #tpu.memory_space<vmem_shared>>
      %dma_start3A_11 = arith.constant 0 : i32
      %dma_start3A_12 = tpu.memref_slice %arg2[%mul3A_0, %dma_start3A_11] : memref<10240x128xf32, #tpu.memory_space<hbm>> -> memref<640x128xf32, #tpu.memory_space<hbm>>
      tpu.enqueue_dma source(%dma_start3A_12 : memref<640x128xf32, #tpu.memory_space<hbm>>) target(%dma_start3A_10 : memref<640x128xf32, #tpu.memory_space<vmem_shared>>) target_semaphore(%run_scoped3A : memref<!tpu.dma_semaphore, #tpu.memory_space<semaphore_mem>>)
      %dma_wait3A = arith.constant 0 : i32
      %dma_wait3A_13 = tpu.memref_slice %arg11[%mul3A_2, %dma_wait3A] : memref<10240x128xf32, #tpu.memory_space<vmem_shared>> -> memref<640x128xf32, #tpu.memory_space<vmem_shared>>
      %dma_wait3A_14 = arith.constant 0 : i32
      %dma_wait3A_15 = tpu.memref_slice %arg2[%mul3A_0, %dma_wait3A_14] : memref<10240x128xf32, #tpu.memory_space<hbm>> -> memref<640x128xf32, #tpu.memory_space<hbm>>
      tpu.wait_dma2 semaphore(%run_scoped3A : memref<!tpu.dma_semaphore, #tpu.memory_space<semaphore_mem>>) src(%dma_wait3A_15 : memref<640x128xf32, #tpu.memory_space<hbm>>) dst(%dma_wait3A_13 : memref<640x128xf32, #tpu.memory_space<vmem_shared>>)
      tpu.yield
    }) : () -> ()
    %barrier3A = arith.constant 0 : index
    tpu.barrier barrier_id(%barrier3A)
    %eq3A = arith.constant 0 : i32
    %eq3A_3 = arith.cmpi eq, %arg0, %eq3A : i32
    %convert_element_type3A = arith.extui %eq3A_3 : i1 to i32
    %cond3A = arith.constant 0 : i32
    %cond3A_4 = arith.cmpi ne, %convert_element_type3A, %cond3A : i32
    scf.if %cond3A_4 {
      %mul3A_10 = arith.constant 160 : i32
      %mul3A_11 = arith.muli %arg1, %mul3A_10 : i32
      %add3A = arith.constant 0 : i32
      %add3A_12 = arith.addi %mul3A_11, %add3A : i32
      %dma_start3A = arith.constant 0 : i32
      %dma_start3A_13 = tpu.memref_slice %arg3[%add3A_12, %dma_start3A] : memref<2560x128xi32, #tpu.memory_space<hbm>> -> memref<1x128xi32, #tpu.memory_space<hbm>>
      %dma_start3A_14 = arith.constant 0 : i32
      %dma_start3A_15 = tpu.memref_slice %arg3[%add3A_12, %dma_start3A_14] : memref<2560x128xi32, #tpu.memory_space<hbm>> -> memref<1x128xi32, #tpu.memory_space<hbm>>
      tpu.enqueue_dma source(%dma_start3A_15 : memref<1x128xi32, #tpu.memory_space<hbm>>) target(%arg7 : memref<1x128xi32, #tpu.memory_space<vmem>>) target_semaphore(%arg15 : memref<!tpu.dma_semaphore, #tpu.memory_space<semaphore_mem>>)
      %add3A_16 = arith.constant 1 : i32
      %add3A_17 = arith.addi %mul3A_11, %add3A_16 : i32
      %dma_start3A_18 = arith.constant 0 : i32
      %dma_start3A_19 = tpu.memref_slice %arg3[%add3A_17, %dma_start3A_18] : memref<2560x128xi32, #tpu.memory_space<hbm>> -> memref<1x128xi32, #tpu.memory_space<hbm>>
      %dma_start3A_20 = arith.constant 0 : i32
      %dma_start3A_21 = tpu.memref_slice %arg3[%add3A_17, %dma_start3A_20] : memref<2560x128xi32, #tpu.memory_space<hbm>> -> memref<1x128xi32, #tpu.memory_space<hbm>>
      tpu.enqueue_dma source(%dma_start3A_21 : memref<1x128xi32, #tpu.memory_space<hbm>>) target(%arg8 : memref<1x128xi32, #tpu.memory_space<vmem>>) target_semaphore(%arg16 : memref<!tpu.dma_semaphore, #tpu.memory_space<semaphore_mem>>)
      %scan3A = arith.constant 0 : i32
      %scan3A_22 = arith.constant 0 : i32
      %scan3A_23 = arith.constant 160 : i32
      %scan3A_24 = arith.addi %scan3A_22, %scan3A_23 : i32
      %scan3A_25 = arith.constant 1 : i32
      %scan3A_26 = scf.for %scan3A_43 = %scan3A_22 to %scan3A_24 step %scan3A_25 iter_args(%scan3A_44 = %scan3A) -> (i32)  : i32 {
        %rem3A = arith.constant 2 : i32
        %rem3A_45 = arith.remsi %scan3A_43, %rem3A : i32
        %eq3A_46 = arith.constant 0 : i32
        %eq3A_47 = arith.cmpi eq, %rem3A_45, %eq3A_46 : i32
        %convert_element_type3A_48 = arith.extui %eq3A_47 : i1 to i32
        %cond3A_49 = arith.constant 0 : i32
        %cond3A_50 = arith.cmpi ne, %convert_element_type3A_48, %cond3A_49 : i32
        scf.if %cond3A_50 {
          %ge3A = arith.constant 2 : i32
          %ge3A_57 = arith.cmpi sge, %scan3A_43, %ge3A : i32
          %convert_element_type3A_58 = arith.extui %ge3A_57 : i1 to i32
          %cond3A_59 = arith.constant 0 : i32
          %cond3A_60 = arith.cmpi ne, %convert_element_type3A_58, %cond3A_59 : i32
          scf.if %cond3A_60 {
            %mul3A_103 = arith.constant 1 : i32
            %mul3A_104 = arith.muli %scan3A_43, %mul3A_103 : i32
            %add3A_105 = arith.addi %mul3A_11, %mul3A_104 : i32
            %mul3A_106 = arith.constant 128 : i32
            %mul3A_107 = arith.muli %add3A_105, %mul3A_106 : i32
            %dma_wait3A_108 = arith.constant 0 : i32
            %dma_wait3A_109 = tpu.memref_slice %arg5[%mul3A_107, %dma_wait3A_108] : memref<327680x128xf32, #tpu.memory_space<hbm>> -> memref<128x128xf32, #tpu.memory_space<hbm>>
            %dma_wait3A_110 = arith.constant 0 : i32
            %dma_wait3A_111 = tpu.memref_slice %arg5[%mul3A_107, %dma_wait3A_110] : memref<327680x128xf32, #tpu.memory_space<hbm>> -> memref<128x128xf32, #tpu.memory_space<hbm>>
            tpu.wait_dma2 semaphore(%arg13 : memref<!tpu.dma_semaphore, #tpu.memory_space<semaphore_mem>>) src(%arg9 : memref<128x128xf32, #tpu.memory_space<vmem>>) dst(%dma_wait3A_111 : memref<128x128xf32, #tpu.memory_space<hbm>>)
          } else {
          }
          %mul3A_61 = arith.constant 1 : i32
          %mul3A_62 = arith.muli %scan3A_43, %mul3A_61 : i32
          %add3A_63 = arith.addi %mul3A_11, %mul3A_62 : i32
          %dma_wait3A_64 = arith.constant 0 : i32
          %dma_wait3A_65 = tpu.memref_slice %arg3[%add3A_63, %dma_wait3A_64] : memref<2560x128xi32, #tpu.memory_space<hbm>> -> memref<1x128xi32, #tpu.memory_space<hbm>>
          %dma_wait3A_66 = arith.constant 0 : i32
          %dma_wait3A_67 = tpu.memref_slice %arg3[%add3A_63, %dma_wait3A_66] : memref<2560x128xi32, #tpu.memory_space<hbm>> -> memref<1x128xi32, #tpu.memory_space<hbm>>
          tpu.wait_dma2 semaphore(%arg15 : memref<!tpu.dma_semaphore, #tpu.memory_space<semaphore_mem>>) src(%dma_wait3A_67 : memref<1x128xi32, #tpu.memory_space<hbm>>) dst(%arg7 : memref<1x128xi32, #tpu.memory_space<vmem>>)
          %dma_start3A_68 = arith.constant 0 : i32
          %dma_start3A_69 = arith.constant 0 : i32
          %dma_start3A_70 = arith.constant 0 : i32
          %dma_start3A_71 = tpu.memref_slice %arg9[%dma_start3A_69, %dma_start3A_70] : memref<128x128xf32, #tpu.memory_space<vmem>> -> memref<128x128xf32, #tpu.memory_space<vmem>>
          %dma_start3A_72 = arith.constant 0 : i32
          %dma_start3A_73 = tpu.memref_slice %arg7[%dma_start3A_68, %dma_start3A_72] : memref<1x128xi32, #tpu.memory_space<vmem>> -> memref<1x128xi32, #tpu.memory_space<vmem>>
          %dma_start3A_74 = tpu.memref_squeeze %dma_start3A_73 : memref<1x128xi32, #tpu.memory_space<vmem>> -> memref<128xi32, #tpu.memory_space<vmem>>
          %dma_start3A_75 = arith.constant 0 : i32
          %dma_start3A_76 = arith.constant 0 : i32
          %dma_start3A_77 = tpu.memref_slice %arg11[%dma_start3A_75, %dma_start3A_76] : memref<10240x128xf32, #tpu.memory_space<vmem_shared>> -> memref<10240x128xf32, #tpu.memory_space<vmem_shared>>
          tpu.enqueue_indirect_dma source(%dma_start3A_77 : memref<10240x128xf32, #tpu.memory_space<vmem_shared>>) target(%dma_start3A_71 : memref<128x128xf32, #tpu.memory_space<vmem>>) offsets(%dma_start3A_74 : memref<128xi32, #tpu.memory_space<vmem>>) semaphore(%arg12 : memref<!tpu.dma_semaphore, #tpu.memory_space<semaphore_mem>>)
          %dma_wait3A_78 = arith.constant 0 : i32
          %dma_wait3A_79 = arith.constant 0 : i32
          %dma_wait3A_80 = arith.constant 0 : i32
          %dma_wait3A_81 = tpu.memref_slice %arg9[%dma_wait3A_79, %dma_wait3A_80] : memref<128x128xf32, #tpu.memory_space<vmem>> -> memref<128x128xf32, #tpu.memory_space<vmem>>
          %dma_wait3A_82 = arith.constant 0 : i32
          %dma_wait3A_83 = tpu.memref_slice %arg7[%dma_wait3A_78, %dma_wait3A_82] : memref<1x128xi32, #tpu.memory_space<vmem>> -> memref<1x128xi32, #tpu.memory_space<vmem>>
          %dma_wait3A_84 = tpu.memref_squeeze %dma_wait3A_83 : memref<1x128xi32, #tpu.memory_space<vmem>> -> memref<128xi32, #tpu.memory_space<vmem>>
          %dma_wait3A_85 = arith.constant 0 : i32
          %dma_wait3A_86 = arith.constant 0 : i32
          %dma_wait3A_87 = tpu.memref_slice %arg11[%dma_wait3A_85, %dma_wait3A_86] : memref<10240x128xf32, #tpu.memory_space<vmem_shared>> -> memref<10240x128xf32, #tpu.memory_space<vmem_shared>>
          tpu.wait_indirect_dma semaphore(%arg12 : memref<!tpu.dma_semaphore, #tpu.memory_space<semaphore_mem>>) src(%dma_wait3A_87 : memref<10240x128xf32, #tpu.memory_space<vmem_shared>>) dst(%dma_wait3A_81 : memref<128x128xf32, #tpu.memory_space<vmem>>)
          %mul3A_88 = arith.constant 1 : i32
          %mul3A_89 = arith.muli %scan3A_43, %mul3A_88 : i32
          %add3A_90 = arith.addi %mul3A_11, %mul3A_89 : i32
          %mul3A_91 = arith.constant 128 : i32
          %mul3A_92 = arith.muli %add3A_90, %mul3A_91 : i32
          %dma_start3A_93 = arith.constant 0 : i32
          %dma_start3A_94 = tpu.memref_slice %arg5[%mul3A_92, %dma_start3A_93] : memref<327680x128xf32, #tpu.memory_space<hbm>> -> memref<128x128xf32, #tpu.memory_space<hbm>>
          %dma_start3A_95 = arith.constant 0 : i32
          %dma_start3A_96 = tpu.memref_slice %arg5[%mul3A_92, %dma_start3A_95] : memref<327680x128xf32, #tpu.memory_space<hbm>> -> memref<128x128xf32, #tpu.memory_space<hbm>>
          tpu.enqueue_dma source(%arg9 : memref<128x128xf32, #tpu.memory_space<vmem>>) target(%dma_start3A_96 : memref<128x128xf32, #tpu.memory_space<hbm>>) target_semaphore(%arg13 : memref<!tpu.dma_semaphore, #tpu.memory_space<semaphore_mem>>)
          %add3A_97 = arith.constant 2 : i32
          %add3A_98 = arith.addi %scan3A_43, %add3A_97 : i32
          %lt3A = arith.constant 160 : i32
          %lt3A_99 = arith.cmpi slt, %add3A_98, %lt3A : i32
          %convert_element_type3A_100 = arith.extui %lt3A_99 : i1 to i32
          %cond3A_101 = arith.constant 0 : i32
          %cond3A_102 = arith.cmpi ne, %convert_element_type3A_100, %cond3A_101 : i32
          scf.if %cond3A_102 {
            %add3A_103 = arith.constant 2 : i32
            %add3A_104 = arith.addi %scan3A_43, %add3A_103 : i32
            %mul3A_105 = arith.constant 1 : i32
            %mul3A_106 = arith.muli %add3A_104, %mul3A_105 : i32
            %add3A_107 = arith.addi %mul3A_11, %mul3A_106 : i32
            %dma_start3A_108 = arith.constant 0 : i32
            %dma_start3A_109 = tpu.memref_slice %arg3[%add3A_107, %dma_start3A_108] : memref<2560x128xi32, #tpu.memory_space<hbm>> -> memref<1x128xi32, #tpu.memory_space<hbm>>
            %dma_start3A_110 = arith.constant 0 : i32
            %dma_start3A_111 = tpu.memref_slice %arg3[%add3A_107, %dma_start3A_110] : memref<2560x128xi32, #tpu.memory_space<hbm>> -> memref<1x128xi32, #tpu.memory_space<hbm>>
            tpu.enqueue_dma source(%dma_start3A_111 : memref<1x128xi32, #tpu.memory_space<hbm>>) target(%arg7 : memref<1x128xi32, #tpu.memory_space<vmem>>) target_semaphore(%arg15 : memref<!tpu.dma_semaphore, #tpu.memory_space<semaphore_mem>>)
          } else {
          }
        } else {
        }
        %eq3A_51 = arith.constant 1 : i32
        %eq3A_52 = arith.cmpi eq, %rem3A_45, %eq3A_51 : i32
        %convert_element_type3A_53 = arith.extui %eq3A_52 : i1 to i32
        %cond3A_54 = arith.constant 0 : i32
        %cond3A_55 = arith.cmpi ne, %convert_element_type3A_53, %cond3A_54 : i32
        scf.if %cond3A_55 {
          %ge3A = arith.constant 2 : i32
          %ge3A_57 = arith.cmpi sge, %scan3A_43, %ge3A : i32
          %convert_element_type3A_58 = arith.extui %ge3A_57 : i1 to i32
          %cond3A_59 = arith.constant 0 : i32
          %cond3A_60 = arith.cmpi ne, %convert_element_type3A_58, %cond3A_59 : i32
          scf.if %cond3A_60 {
            %mul3A_103 = arith.constant 1 : i32
            %mul3A_104 = arith.muli %scan3A_43, %mul3A_103 : i32
            %add3A_105 = arith.addi %mul3A_11, %mul3A_104 : i32
            %mul3A_106 = arith.constant 128 : i32
            %mul3A_107 = arith.muli %add3A_105, %mul3A_106 : i32
            %dma_wait3A_108 = arith.constant 0 : i32
            %dma_wait3A_109 = tpu.memref_slice %arg5[%mul3A_107, %dma_wait3A_108] : memref<327680x128xf32, #tpu.memory_space<hbm>> -> memref<128x128xf32, #tpu.memory_space<hbm>>
            %dma_wait3A_110 = arith.constant 0 : i32
            %dma_wait3A_111 = tpu.memref_slice %arg5[%mul3A_107, %dma_wait3A_110] : memref<327680x128xf32, #tpu.memory_space<hbm>> -> memref<128x128xf32, #tpu.memory_space<hbm>>
            tpu.wait_dma2 semaphore(%arg14 : memref<!tpu.dma_semaphore, #tpu.memory_space<semaphore_mem>>) src(%arg10 : memref<128x128xf32, #tpu.memory_space<vmem>>) dst(%dma_wait3A_111 : memref<128x128xf32, #tpu.memory_space<hbm>>)
          } else {
          }
          %mul3A_61 = arith.constant 1 : i32
          %mul3A_62 = arith.muli %scan3A_43, %mul3A_61 : i32
          %add3A_63 = arith.addi %mul3A_11, %mul3A_62 : i32
          %dma_wait3A_64 = arith.constant 0 : i32
          %dma_wait3A_65 = tpu.memref_slice %arg3[%add3A_63, %dma_wait3A_64] : memref<2560x128xi32, #tpu.memory_space<hbm>> -> memref<1x128xi32, #tpu.memory_space<hbm>>
          %dma_wait3A_66 = arith.constant 0 : i32
          %dma_wait3A_67 = tpu.memref_slice %arg3[%add3A_63, %dma_wait3A_66] : memref<2560x128xi32, #tpu.memory_space<hbm>> -> memref<1x128xi32, #tpu.memory_space<hbm>>
          tpu.wait_dma2 semaphore(%arg16 : memref<!tpu.dma_semaphore, #tpu.memory_space<semaphore_mem>>) src(%dma_wait3A_67 : memref<1x128xi32, #tpu.memory_space<hbm>>) dst(%arg8 : memref<1x128xi32, #tpu.memory_space<vmem>>)
          %dma_start3A_68 = arith.constant 0 : i32
          %dma_start3A_69 = arith.constant 0 : i32
          %dma_start3A_70 = arith.constant 0 : i32
          %dma_start3A_71 = tpu.memref_slice %arg10[%dma_start3A_69, %dma_start3A_70] : memref<128x128xf32, #tpu.memory_space<vmem>> -> memref<128x128xf32, #tpu.memory_space<vmem>>
          %dma_start3A_72 = arith.constant 0 : i32
          %dma_start3A_73 = tpu.memref_slice %arg8[%dma_start3A_68, %dma_start3A_72] : memref<1x128xi32, #tpu.memory_space<vmem>> -> memref<1x128xi32, #tpu.memory_space<vmem>>
          %dma_start3A_74 = tpu.memref_squeeze %dma_start3A_73 : memref<1x128xi32, #tpu.memory_space<vmem>> -> memref<128xi32, #tpu.memory_space<vmem>>
          %dma_start3A_75 = arith.constant 0 : i32
          %dma_start3A_76 = arith.constant 0 : i32
          %dma_start3A_77 = tpu.memref_slice %arg11[%dma_start3A_75, %dma_start3A_76] : memref<10240x128xf32, #tpu.memory_space<vmem_shared>> -> memref<10240x128xf32, #tpu.memory_space<vmem_shared>>
          tpu.enqueue_indirect_dma source(%dma_start3A_77 : memref<10240x128xf32, #tpu.memory_space<vmem_shared>>) target(%dma_start3A_71 : memref<128x128xf32, #tpu.memory_space<vmem>>) offsets(%dma_start3A_74 : memref<128xi32, #tpu.memory_space<vmem>>) semaphore(%arg12 : memref<!tpu.dma_semaphore, #tpu.memory_space<semaphore_mem>>)
          %dma_wait3A_78 = arith.constant 0 : i32
          %dma_wait3A_79 = arith.constant 0 : i32
          %dma_wait3A_80 = arith.constant 0 : i32
          %dma_wait3A_81 = tpu.memref_slice %arg10[%dma_wait3A_79, %dma_wait3A_80] : memref<128x128xf32, #tpu.memory_space<vmem>> -> memref<128x128xf32, #tpu.memory_space<vmem>>
          %dma_wait3A_82 = arith.constant 0 : i32
          %dma_wait3A_83 = tpu.memref_slice %arg8[%dma_wait3A_78, %dma_wait3A_82] : memref<1x128xi32, #tpu.memory_space<vmem>> -> memref<1x128xi32, #tpu.memory_space<vmem>>
          %dma_wait3A_84 = tpu.memref_squeeze %dma_wait3A_83 : memref<1x128xi32, #tpu.memory_space<vmem>> -> memref<128xi32, #tpu.memory_space<vmem>>
          %dma_wait3A_85 = arith.constant 0 : i32
          %dma_wait3A_86 = arith.constant 0 : i32
          %dma_wait3A_87 = tpu.memref_slice %arg11[%dma_wait3A_85, %dma_wait3A_86] : memref<10240x128xf32, #tpu.memory_space<vmem_shared>> -> memref<10240x128xf32, #tpu.memory_space<vmem_shared>>
          tpu.wait_indirect_dma semaphore(%arg12 : memref<!tpu.dma_semaphore, #tpu.memory_space<semaphore_mem>>) src(%dma_wait3A_87 : memref<10240x128xf32, #tpu.memory_space<vmem_shared>>) dst(%dma_wait3A_81 : memref<128x128xf32, #tpu.memory_space<vmem>>)
          %mul3A_88 = arith.constant 1 : i32
          %mul3A_89 = arith.muli %scan3A_43, %mul3A_88 : i32
          %add3A_90 = arith.addi %mul3A_11, %mul3A_89 : i32
          %mul3A_91 = arith.constant 128 : i32
          %mul3A_92 = arith.muli %add3A_90, %mul3A_91 : i32
          %dma_start3A_93 = arith.constant 0 : i32
          %dma_start3A_94 = tpu.memref_slice %arg5[%mul3A_92, %dma_start3A_93] : memref<327680x128xf32, #tpu.memory_space<hbm>> -> memref<128x128xf32, #tpu.memory_space<hbm>>
          %dma_start3A_95 = arith.constant 0 : i32
          %dma_start3A_96 = tpu.memref_slice %arg5[%mul3A_92, %dma_start3A_95] : memref<327680x128xf32, #tpu.memory_space<hbm>> -> memref<128x128xf32, #tpu.memory_space<hbm>>
          tpu.enqueue_dma source(%arg10 : memref<128x128xf32, #tpu.memory_space<vmem>>) target(%dma_start3A_96 : memref<128x128xf32, #tpu.memory_space<hbm>>) target_semaphore(%arg14 : memref<!tpu.dma_semaphore, #tpu.memory_space<semaphore_mem>>)
          %add3A_97 = arith.constant 2 : i32
          %add3A_98 = arith.addi %scan3A_43, %add3A_97 : i32
          %lt3A = arith.constant 160 : i32
          %lt3A_99 = arith.cmpi slt, %add3A_98, %lt3A : i32
          %convert_element_type3A_100 = arith.extui %lt3A_99 : i1 to i32
          %cond3A_101 = arith.constant 0 : i32
          %cond3A_102 = arith.cmpi ne, %convert_element_type3A_100, %cond3A_101 : i32
          scf.if %cond3A_102 {
            %add3A_103 = arith.constant 2 : i32
            %add3A_104 = arith.addi %scan3A_43, %add3A_103 : i32
            %mul3A_105 = arith.constant 1 : i32
            %mul3A_106 = arith.muli %add3A_104, %mul3A_105 : i32
            %add3A_107 = arith.addi %mul3A_11, %mul3A_106 : i32
            %dma_start3A_108 = arith.constant 0 : i32
            %dma_start3A_109 = tpu.memref_slice %arg3[%add3A_107, %dma_start3A_108] : memref<2560x128xi32, #tpu.memory_space<hbm>> -> memref<1x128xi32, #tpu.memory_space<hbm>>
            %dma_start3A_110 = arith.constant 0 : i32
            %dma_start3A_111 = tpu.memref_slice %arg3[%add3A_107, %dma_start3A_110] : memref<2560x128xi32, #tpu.memory_space<hbm>> -> memref<1x128xi32, #tpu.memory_space<hbm>>
            tpu.enqueue_dma source(%dma_start3A_111 : memref<1x128xi32, #tpu.memory_space<hbm>>) target(%arg8 : memref<1x128xi32, #tpu.memory_space<vmem>>) target_semaphore(%arg16 : memref<!tpu.dma_semaphore, #tpu.memory_space<semaphore_mem>>)
          } else {
          }
        } else {
        }
        %scan3A_56 = arith.constant 0 : i32
        scf.yield %scan3A_56 : i32
      }
      %scan3A_27 = arith.constant 160 : i32
      %add3A_28 = arith.constant 158 : i32
      %add3A_29 = arith.addi %mul3A_11, %add3A_28 : i32
      %mul3A_30 = arith.constant 128 : i32
      %mul3A_31 = arith.muli %add3A_29, %mul3A_30 : i32
      %dma_wait3A = arith.constant 0 : i32
      %dma_wait3A_32 = tpu.memref_slice %arg5[%mul3A_31, %dma_wait3A] : memref<327680x128xf32, #tpu.memory_space<hbm>> -> memref<128x128xf32, #tpu.memory_space<hbm>>
      %dma_wait3A_33 = arith.constant 0 : i32
      %dma_wait3A_34 = tpu.memref_slice %arg5[%mul3A_31, %dma_wait3A_33] : memref<327680x128xf32, #tpu.memory_space<hbm>> -> memref<128x128xf32, #tpu.memory_space<hbm>>
      tpu.wait_dma2 semaphore(%arg13 : memref<!tpu.dma_semaphore, #tpu.memory_space<semaphore_mem>>) src(%arg9 : memref<128x128xf32, #tpu.memory_space<vmem>>) dst(%dma_wait3A_34 : memref<128x128xf32, #tpu.memory_space<hbm>>)
      %add3A_35 = arith.constant 159 : i32
      %add3A_36 = arith.addi %mul3A_11, %add3A_35 : i32
      %mul3A_37 = arith.constant 128 : i32
      %mul3A_38 = arith.muli %add3A_36, %mul3A_37 : i32
      %dma_wait3A_39 = arith.constant 0 : i32
      %dma_wait3A_40 = tpu.memref_slice %arg5[%mul3A_38, %dma_wait3A_39] : memref<327680x128xf32, #tpu.memory_space<hbm>> -> memref<128x128xf32, #tpu.memory_space<hbm>>
      %dma_wait3A_41 = arith.constant 0 : i32
      %dma_wait3A_42 = tpu.memref_slice %arg5[%mul3A_38, %dma_wait3A_41] : memref<327680x128xf32, #tpu.memory_space<hbm>> -> memref<128x128xf32, #tpu.memory_space<hbm>>
      tpu.wait_dma2 semaphore(%arg14 : memref<!tpu.dma_semaphore, #tpu.memory_space<semaphore_mem>>) src(%arg10 : memref<128x128xf32, #tpu.memory_space<vmem>>) dst(%dma_wait3A_42 : memref<128x128xf32, #tpu.memory_space<hbm>>)
    } else {
    }
    %eq3A_5 = arith.constant 1 : i32
    %eq3A_6 = arith.cmpi eq, %arg0, %eq3A_5 : i32
    %convert_element_type3A_7 = arith.extui %eq3A_6 : i1 to i32
    %cond3A_8 = arith.constant 0 : i32
    %cond3A_9 = arith.cmpi ne, %convert_element_type3A_7, %cond3A_8 : i32
    scf.if %cond3A_9 {
      %mul3A_10 = arith.constant 160 : i32
      %mul3A_11 = arith.muli %arg1, %mul3A_10 : i32
      %add3A = arith.constant 0 : i32
      %add3A_12 = arith.addi %mul3A_11, %add3A : i32
      %dma_start3A = arith.constant 0 : i32
      %dma_start3A_13 = tpu.memref_slice %arg4[%add3A_12, %dma_start3A] : memref<2560x128xi32, #tpu.memory_space<hbm>> -> memref<1x128xi32, #tpu.memory_space<hbm>>
      %dma_start3A_14 = arith.constant 0 : i32
      %dma_start3A_15 = tpu.memref_slice %arg4[%add3A_12, %dma_start3A_14] : memref<2560x128xi32, #tpu.memory_space<hbm>> -> memref<1x128xi32, #tpu.memory_space<hbm>>
      tpu.enqueue_dma source(%dma_start3A_15 : memref<1x128xi32, #tpu.memory_space<hbm>>) target(%arg7 : memref<1x128xi32, #tpu.memory_space<vmem>>) target_semaphore(%arg15 : memref<!tpu.dma_semaphore, #tpu.memory_space<semaphore_mem>>)
      %add3A_16 = arith.constant 1 : i32
      %add3A_17 = arith.addi %mul3A_11, %add3A_16 : i32
      %dma_start3A_18 = arith.constant 0 : i32
      %dma_start3A_19 = tpu.memref_slice %arg4[%add3A_17, %dma_start3A_18] : memref<2560x128xi32, #tpu.memory_space<hbm>> -> memref<1x128xi32, #tpu.memory_space<hbm>>
      %dma_start3A_20 = arith.constant 0 : i32
      %dma_start3A_21 = tpu.memref_slice %arg4[%add3A_17, %dma_start3A_20] : memref<2560x128xi32, #tpu.memory_space<hbm>> -> memref<1x128xi32, #tpu.memory_space<hbm>>
      tpu.enqueue_dma source(%dma_start3A_21 : memref<1x128xi32, #tpu.memory_space<hbm>>) target(%arg8 : memref<1x128xi32, #tpu.memory_space<vmem>>) target_semaphore(%arg16 : memref<!tpu.dma_semaphore, #tpu.memory_space<semaphore_mem>>)
      %scan3A = arith.constant 0 : i32
      %scan3A_22 = arith.constant 0 : i32
      %scan3A_23 = arith.constant 160 : i32
      %scan3A_24 = arith.addi %scan3A_22, %scan3A_23 : i32
      %scan3A_25 = arith.constant 1 : i32
      %scan3A_26 = scf.for %scan3A_43 = %scan3A_22 to %scan3A_24 step %scan3A_25 iter_args(%scan3A_44 = %scan3A) -> (i32)  : i32 {
        %rem3A = arith.constant 2 : i32
        %rem3A_45 = arith.remsi %scan3A_43, %rem3A : i32
        %eq3A_46 = arith.constant 0 : i32
        %eq3A_47 = arith.cmpi eq, %rem3A_45, %eq3A_46 : i32
        %convert_element_type3A_48 = arith.extui %eq3A_47 : i1 to i32
        %cond3A_49 = arith.constant 0 : i32
        %cond3A_50 = arith.cmpi ne, %convert_element_type3A_48, %cond3A_49 : i32
        scf.if %cond3A_50 {
          %ge3A = arith.constant 2 : i32
          %ge3A_57 = arith.cmpi sge, %scan3A_43, %ge3A : i32
          %convert_element_type3A_58 = arith.extui %ge3A_57 : i1 to i32
          %cond3A_59 = arith.constant 0 : i32
          %cond3A_60 = arith.cmpi ne, %convert_element_type3A_58, %cond3A_59 : i32
          scf.if %cond3A_60 {
            %mul3A_103 = arith.constant 1 : i32
            %mul3A_104 = arith.muli %scan3A_43, %mul3A_103 : i32
            %add3A_105 = arith.addi %mul3A_11, %mul3A_104 : i32
            %mul3A_106 = arith.constant 128 : i32
            %mul3A_107 = arith.muli %add3A_105, %mul3A_106 : i32
            %dma_wait3A_108 = arith.constant 0 : i32
            %dma_wait3A_109 = tpu.memref_slice %arg6[%mul3A_107, %dma_wait3A_108] : memref<327680x128xf32, #tpu.memory_space<hbm>> -> memref<128x128xf32, #tpu.memory_space<hbm>>
            %dma_wait3A_110 = arith.constant 0 : i32
            %dma_wait3A_111 = tpu.memref_slice %arg6[%mul3A_107, %dma_wait3A_110] : memref<327680x128xf32, #tpu.memory_space<hbm>> -> memref<128x128xf32, #tpu.memory_space<hbm>>
            tpu.wait_dma2 semaphore(%arg13 : memref<!tpu.dma_semaphore, #tpu.memory_space<semaphore_mem>>) src(%arg9 : memref<128x128xf32, #tpu.memory_space<vmem>>) dst(%dma_wait3A_111 : memref<128x128xf32, #tpu.memory_space<hbm>>)
          } else {
          }
          %mul3A_61 = arith.constant 1 : i32
          %mul3A_62 = arith.muli %scan3A_43, %mul3A_61 : i32
          %add3A_63 = arith.addi %mul3A_11, %mul3A_62 : i32
          %dma_wait3A_64 = arith.constant 0 : i32
          %dma_wait3A_65 = tpu.memref_slice %arg4[%add3A_63, %dma_wait3A_64] : memref<2560x128xi32, #tpu.memory_space<hbm>> -> memref<1x128xi32, #tpu.memory_space<hbm>>
          %dma_wait3A_66 = arith.constant 0 : i32
          %dma_wait3A_67 = tpu.memref_slice %arg4[%add3A_63, %dma_wait3A_66] : memref<2560x128xi32, #tpu.memory_space<hbm>> -> memref<1x128xi32, #tpu.memory_space<hbm>>
          tpu.wait_dma2 semaphore(%arg15 : memref<!tpu.dma_semaphore, #tpu.memory_space<semaphore_mem>>) src(%dma_wait3A_67 : memref<1x128xi32, #tpu.memory_space<hbm>>) dst(%arg7 : memref<1x128xi32, #tpu.memory_space<vmem>>)
          %dma_start3A_68 = arith.constant 0 : i32
          %dma_start3A_69 = arith.constant 0 : i32
          %dma_start3A_70 = arith.constant 0 : i32
          %dma_start3A_71 = tpu.memref_slice %arg9[%dma_start3A_69, %dma_start3A_70] : memref<128x128xf32, #tpu.memory_space<vmem>> -> memref<128x128xf32, #tpu.memory_space<vmem>>
          %dma_start3A_72 = arith.constant 0 : i32
          %dma_start3A_73 = tpu.memref_slice %arg7[%dma_start3A_68, %dma_start3A_72] : memref<1x128xi32, #tpu.memory_space<vmem>> -> memref<1x128xi32, #tpu.memory_space<vmem>>
          %dma_start3A_74 = tpu.memref_squeeze %dma_start3A_73 : memref<1x128xi32, #tpu.memory_space<vmem>> -> memref<128xi32, #tpu.memory_space<vmem>>
          %dma_start3A_75 = arith.constant 0 : i32
          %dma_start3A_76 = arith.constant 0 : i32
          %dma_start3A_77 = tpu.memref_slice %arg11[%dma_start3A_75, %dma_start3A_76] : memref<10240x128xf32, #tpu.memory_space<vmem_shared>> -> memref<10240x128xf32, #tpu.memory_space<vmem_shared>>
          tpu.enqueue_indirect_dma source(%dma_start3A_77 : memref<10240x128xf32, #tpu.memory_space<vmem_shared>>) target(%dma_start3A_71 : memref<128x128xf32, #tpu.memory_space<vmem>>) offsets(%dma_start3A_74 : memref<128xi32, #tpu.memory_space<vmem>>) semaphore(%arg12 : memref<!tpu.dma_semaphore, #tpu.memory_space<semaphore_mem>>)
          %dma_wait3A_78 = arith.constant 0 : i32
          %dma_wait3A_79 = arith.constant 0 : i32
          %dma_wait3A_80 = arith.constant 0 : i32
          %dma_wait3A_81 = tpu.memref_slice %arg9[%dma_wait3A_79, %dma_wait3A_80] : memref<128x128xf32, #tpu.memory_space<vmem>> -> memref<128x128xf32, #tpu.memory_space<vmem>>
          %dma_wait3A_82 = arith.constant 0 : i32
          %dma_wait3A_83 = tpu.memref_slice %arg7[%dma_wait3A_78, %dma_wait3A_82] : memref<1x128xi32, #tpu.memory_space<vmem>> -> memref<1x128xi32, #tpu.memory_space<vmem>>
          %dma_wait3A_84 = tpu.memref_squeeze %dma_wait3A_83 : memref<1x128xi32, #tpu.memory_space<vmem>> -> memref<128xi32, #tpu.memory_space<vmem>>
          %dma_wait3A_85 = arith.constant 0 : i32
          %dma_wait3A_86 = arith.constant 0 : i32
          %dma_wait3A_87 = tpu.memref_slice %arg11[%dma_wait3A_85, %dma_wait3A_86] : memref<10240x128xf32, #tpu.memory_space<vmem_shared>> -> memref<10240x128xf32, #tpu.memory_space<vmem_shared>>
          tpu.wait_indirect_dma semaphore(%arg12 : memref<!tpu.dma_semaphore, #tpu.memory_space<semaphore_mem>>) src(%dma_wait3A_87 : memref<10240x128xf32, #tpu.memory_space<vmem_shared>>) dst(%dma_wait3A_81 : memref<128x128xf32, #tpu.memory_space<vmem>>)
          %mul3A_88 = arith.constant 1 : i32
          %mul3A_89 = arith.muli %scan3A_43, %mul3A_88 : i32
          %add3A_90 = arith.addi %mul3A_11, %mul3A_89 : i32
          %mul3A_91 = arith.constant 128 : i32
          %mul3A_92 = arith.muli %add3A_90, %mul3A_91 : i32
          %dma_start3A_93 = arith.constant 0 : i32
          %dma_start3A_94 = tpu.memref_slice %arg6[%mul3A_92, %dma_start3A_93] : memref<327680x128xf32, #tpu.memory_space<hbm>> -> memref<128x128xf32, #tpu.memory_space<hbm>>
          %dma_start3A_95 = arith.constant 0 : i32
          %dma_start3A_96 = tpu.memref_slice %arg6[%mul3A_92, %dma_start3A_95] : memref<327680x128xf32, #tpu.memory_space<hbm>> -> memref<128x128xf32, #tpu.memory_space<hbm>>
          tpu.enqueue_dma source(%arg9 : memref<128x128xf32, #tpu.memory_space<vmem>>) target(%dma_start3A_96 : memref<128x128xf32, #tpu.memory_space<hbm>>) target_semaphore(%arg13 : memref<!tpu.dma_semaphore, #tpu.memory_space<semaphore_mem>>)
          %add3A_97 = arith.constant 2 : i32
          %add3A_98 = arith.addi %scan3A_43, %add3A_97 : i32
          %lt3A = arith.constant 160 : i32
          %lt3A_99 = arith.cmpi slt, %add3A_98, %lt3A : i32
          %convert_element_type3A_100 = arith.extui %lt3A_99 : i1 to i32
          %cond3A_101 = arith.constant 0 : i32
          %cond3A_102 = arith.cmpi ne, %convert_element_type3A_100, %cond3A_101 : i32
          scf.if %cond3A_102 {
            %add3A_103 = arith.constant 2 : i32
            %add3A_104 = arith.addi %scan3A_43, %add3A_103 : i32
            %mul3A_105 = arith.constant 1 : i32
            %mul3A_106 = arith.muli %add3A_104, %mul3A_105 : i32
            %add3A_107 = arith.addi %mul3A_11, %mul3A_106 : i32
            %dma_start3A_108 = arith.constant 0 : i32
            %dma_start3A_109 = tpu.memref_slice %arg4[%add3A_107, %dma_start3A_108] : memref<2560x128xi32, #tpu.memory_space<hbm>> -> memref<1x128xi32, #tpu.memory_space<hbm>>
            %dma_start3A_110 = arith.constant 0 : i32
            %dma_start3A_111 = tpu.memref_slice %arg4[%add3A_107, %dma_start3A_110] : memref<2560x128xi32, #tpu.memory_space<hbm>> -> memref<1x128xi32, #tpu.memory_space<hbm>>
            tpu.enqueue_dma source(%dma_start3A_111 : memref<1x128xi32, #tpu.memory_space<hbm>>) target(%arg7 : memref<1x128xi32, #tpu.memory_space<vmem>>) target_semaphore(%arg15 : memref<!tpu.dma_semaphore, #tpu.memory_space<semaphore_mem>>)
          } else {
          }
        } else {
        }
        %eq3A_51 = arith.constant 1 : i32
        %eq3A_52 = arith.cmpi eq, %rem3A_45, %eq3A_51 : i32
        %convert_element_type3A_53 = arith.extui %eq3A_52 : i1 to i32
        %cond3A_54 = arith.constant 0 : i32
        %cond3A_55 = arith.cmpi ne, %convert_element_type3A_53, %cond3A_54 : i32
        scf.if %cond3A_55 {
          %ge3A = arith.constant 2 : i32
          %ge3A_57 = arith.cmpi sge, %scan3A_43, %ge3A : i32
          %convert_element_type3A_58 = arith.extui %ge3A_57 : i1 to i32
          %cond3A_59 = arith.constant 0 : i32
          %cond3A_60 = arith.cmpi ne, %convert_element_type3A_58, %cond3A_59 : i32
          scf.if %cond3A_60 {
            %mul3A_103 = arith.constant 1 : i32
            %mul3A_104 = arith.muli %scan3A_43, %mul3A_103 : i32
            %add3A_105 = arith.addi %mul3A_11, %mul3A_104 : i32
            %mul3A_106 = arith.constant 128 : i32
            %mul3A_107 = arith.muli %add3A_105, %mul3A_106 : i32
            %dma_wait3A_108 = arith.constant 0 : i32
            %dma_wait3A_109 = tpu.memref_slice %arg6[%mul3A_107, %dma_wait3A_108] : memref<327680x128xf32, #tpu.memory_space<hbm>> -> memref<128x128xf32, #tpu.memory_space<hbm>>
            %dma_wait3A_110 = arith.constant 0 : i32
            %dma_wait3A_111 = tpu.memref_slice %arg6[%mul3A_107, %dma_wait3A_110] : memref<327680x128xf32, #tpu.memory_space<hbm>> -> memref<128x128xf32, #tpu.memory_space<hbm>>
            tpu.wait_dma2 semaphore(%arg14 : memref<!tpu.dma_semaphore, #tpu.memory_space<semaphore_mem>>) src(%arg10 : memref<128x128xf32, #tpu.memory_space<vmem>>) dst(%dma_wait3A_111 : memref<128x128xf32, #tpu.memory_space<hbm>>)
          } else {
          }
          %mul3A_61 = arith.constant 1 : i32
          %mul3A_62 = arith.muli %scan3A_43, %mul3A_61 : i32
          %add3A_63 = arith.addi %mul3A_11, %mul3A_62 : i32
          %dma_wait3A_64 = arith.constant 0 : i32
          %dma_wait3A_65 = tpu.memref_slice %arg4[%add3A_63, %dma_wait3A_64] : memref<2560x128xi32, #tpu.memory_space<hbm>> -> memref<1x128xi32, #tpu.memory_space<hbm>>
          %dma_wait3A_66 = arith.constant 0 : i32
          %dma_wait3A_67 = tpu.memref_slice %arg4[%add3A_63, %dma_wait3A_66] : memref<2560x128xi32, #tpu.memory_space<hbm>> -> memref<1x128xi32, #tpu.memory_space<hbm>>
          tpu.wait_dma2 semaphore(%arg16 : memref<!tpu.dma_semaphore, #tpu.memory_space<semaphore_mem>>) src(%dma_wait3A_67 : memref<1x128xi32, #tpu.memory_space<hbm>>) dst(%arg8 : memref<1x128xi32, #tpu.memory_space<vmem>>)
          %dma_start3A_68 = arith.constant 0 : i32
          %dma_start3A_69 = arith.constant 0 : i32
          %dma_start3A_70 = arith.constant 0 : i32
          %dma_start3A_71 = tpu.memref_slice %arg10[%dma_start3A_69, %dma_start3A_70] : memref<128x128xf32, #tpu.memory_space<vmem>> -> memref<128x128xf32, #tpu.memory_space<vmem>>
          %dma_start3A_72 = arith.constant 0 : i32
          %dma_start3A_73 = tpu.memref_slice %arg8[%dma_start3A_68, %dma_start3A_72] : memref<1x128xi32, #tpu.memory_space<vmem>> -> memref<1x128xi32, #tpu.memory_space<vmem>>
          %dma_start3A_74 = tpu.memref_squeeze %dma_start3A_73 : memref<1x128xi32, #tpu.memory_space<vmem>> -> memref<128xi32, #tpu.memory_space<vmem>>
          %dma_start3A_75 = arith.constant 0 : i32
          %dma_start3A_76 = arith.constant 0 : i32
          %dma_start3A_77 = tpu.memref_slice %arg11[%dma_start3A_75, %dma_start3A_76] : memref<10240x128xf32, #tpu.memory_space<vmem_shared>> -> memref<10240x128xf32, #tpu.memory_space<vmem_shared>>
          tpu.enqueue_indirect_dma source(%dma_start3A_77 : memref<10240x128xf32, #tpu.memory_space<vmem_shared>>) target(%dma_start3A_71 : memref<128x128xf32, #tpu.memory_space<vmem>>) offsets(%dma_start3A_74 : memref<128xi32, #tpu.memory_space<vmem>>) semaphore(%arg12 : memref<!tpu.dma_semaphore, #tpu.memory_space<semaphore_mem>>)
          %dma_wait3A_78 = arith.constant 0 : i32
          %dma_wait3A_79 = arith.constant 0 : i32
          %dma_wait3A_80 = arith.constant 0 : i32
          %dma_wait3A_81 = tpu.memref_slice %arg10[%dma_wait3A_79, %dma_wait3A_80] : memref<128x128xf32, #tpu.memory_space<vmem>> -> memref<128x128xf32, #tpu.memory_space<vmem>>
          %dma_wait3A_82 = arith.constant 0 : i32
          %dma_wait3A_83 = tpu.memref_slice %arg8[%dma_wait3A_78, %dma_wait3A_82] : memref<1x128xi32, #tpu.memory_space<vmem>> -> memref<1x128xi32, #tpu.memory_space<vmem>>
          %dma_wait3A_84 = tpu.memref_squeeze %dma_wait3A_83 : memref<1x128xi32, #tpu.memory_space<vmem>> -> memref<128xi32, #tpu.memory_space<vmem>>
          %dma_wait3A_85 = arith.constant 0 : i32
          %dma_wait3A_86 = arith.constant 0 : i32
          %dma_wait3A_87 = tpu.memref_slice %arg11[%dma_wait3A_85, %dma_wait3A_86] : memref<10240x128xf32, #tpu.memory_space<vmem_shared>> -> memref<10240x128xf32, #tpu.memory_space<vmem_shared>>
          tpu.wait_indirect_dma semaphore(%arg12 : memref<!tpu.dma_semaphore, #tpu.memory_space<semaphore_mem>>) src(%dma_wait3A_87 : memref<10240x128xf32, #tpu.memory_space<vmem_shared>>) dst(%dma_wait3A_81 : memref<128x128xf32, #tpu.memory_space<vmem>>)
          %mul3A_88 = arith.constant 1 : i32
          %mul3A_89 = arith.muli %scan3A_43, %mul3A_88 : i32
          %add3A_90 = arith.addi %mul3A_11, %mul3A_89 : i32
          %mul3A_91 = arith.constant 128 : i32
          %mul3A_92 = arith.muli %add3A_90, %mul3A_91 : i32
          %dma_start3A_93 = arith.constant 0 : i32
          %dma_start3A_94 = tpu.memref_slice %arg6[%mul3A_92, %dma_start3A_93] : memref<327680x128xf32, #tpu.memory_space<hbm>> -> memref<128x128xf32, #tpu.memory_space<hbm>>
          %dma_start3A_95 = arith.constant 0 : i32
          %dma_start3A_96 = tpu.memref_slice %arg6[%mul3A_92, %dma_start3A_95] : memref<327680x128xf32, #tpu.memory_space<hbm>> -> memref<128x128xf32, #tpu.memory_space<hbm>>
          tpu.enqueue_dma source(%arg10 : memref<128x128xf32, #tpu.memory_space<vmem>>) target(%dma_start3A_96 : memref<128x128xf32, #tpu.memory_space<hbm>>) target_semaphore(%arg14 : memref<!tpu.dma_semaphore, #tpu.memory_space<semaphore_mem>>)
          %add3A_97 = arith.constant 2 : i32
          %add3A_98 = arith.addi %scan3A_43, %add3A_97 : i32
          %lt3A = arith.constant 160 : i32
          %lt3A_99 = arith.cmpi slt, %add3A_98, %lt3A : i32
          %convert_element_type3A_100 = arith.extui %lt3A_99 : i1 to i32
          %cond3A_101 = arith.constant 0 : i32
          %cond3A_102 = arith.cmpi ne, %convert_element_type3A_100, %cond3A_101 : i32
          scf.if %cond3A_102 {
            %add3A_103 = arith.constant 2 : i32
            %add3A_104 = arith.addi %scan3A_43, %add3A_103 : i32
            %mul3A_105 = arith.constant 1 : i32
            %mul3A_106 = arith.muli %add3A_104, %mul3A_105 : i32
            %add3A_107 = arith.addi %mul3A_11, %mul3A_106 : i32
            %dma_start3A_108 = arith.constant 0 : i32
            %dma_start3A_109 = tpu.memref_slice %arg4[%add3A_107, %dma_start3A_108] : memref<2560x128xi32, #tpu.memory_space<hbm>> -> memref<1x128xi32, #tpu.memory_space<hbm>>
            %dma_start3A_110 = arith.constant 0 : i32
            %dma_start3A_111 = tpu.memref_slice %arg4[%add3A_107, %dma_start3A_110] : memref<2560x128xi32, #tpu.memory_space<hbm>> -> memref<1x128xi32, #tpu.memory_space<hbm>>
            tpu.enqueue_dma source(%dma_start3A_111 : memref<1x128xi32, #tpu.memory_space<hbm>>) target(%arg8 : memref<1x128xi32, #tpu.memory_space<vmem>>) target_semaphore(%arg16 : memref<!tpu.dma_semaphore, #tpu.memory_space<semaphore_mem>>)
          } else {
          }
        } else {
        }
        %scan3A_56 = arith.constant 0 : i32
        scf.yield %scan3A_56 : i32
      }
      %scan3A_27 = arith.constant 160 : i32
      %add3A_28 = arith.constant 158 : i32
      %add3A_29 = arith.addi %mul3A_11, %add3A_28 : i32
      %mul3A_30 = arith.constant 128 : i32
      %mul3A_31 = arith.muli %add3A_29, %mul3A_30 : i32
      %dma_wait3A = arith.constant 0 : i32
      %dma_wait3A_32 = tpu.memref_slice %arg6[%mul3A_31, %dma_wait3A] : memref<327680x128xf32, #tpu.memory_space<hbm>> -> memref<128x128xf32, #tpu.memory_space<hbm>>
      %dma_wait3A_33 = arith.constant 0 : i32
      %dma_wait3A_34 = tpu.memref_slice %arg6[%mul3A_31, %dma_wait3A_33] : memref<327680x128xf32, #tpu.memory_space<hbm>> -> memref<128x128xf32, #tpu.memory_space<hbm>>
      tpu.wait_dma2 semaphore(%arg13 : memref<!tpu.dma_semaphore, #tpu.memory_space<semaphore_mem>>) src(%arg9 : memref<128x128xf32, #tpu.memory_space<vmem>>) dst(%dma_wait3A_34 : memref<128x128xf32, #tpu.memory_space<hbm>>)
      %add3A_35 = arith.constant 159 : i32
      %add3A_36 = arith.addi %mul3A_11, %add3A_35 : i32
      %mul3A_37 = arith.constant 128 : i32
      %mul3A_38 = arith.muli %add3A_36, %mul3A_37 : i32
      %dma_wait3A_39 = arith.constant 0 : i32
      %dma_wait3A_40 = tpu.memref_slice %arg6[%mul3A_38, %dma_wait3A_39] : memref<327680x128xf32, #tpu.memory_space<hbm>> -> memref<128x128xf32, #tpu.memory_space<hbm>>
      %dma_wait3A_41 = arith.constant 0 : i32
      %dma_wait3A_42 = tpu.memref_slice %arg6[%mul3A_38, %dma_wait3A_41] : memref<327680x128xf32, #tpu.memory_space<hbm>> -> memref<128x128xf32, #tpu.memory_space<hbm>>
      tpu.wait_dma2 semaphore(%arg14 : memref<!tpu.dma_semaphore, #tpu.memory_space<semaphore_mem>>) src(%arg10 : memref<128x128xf32, #tpu.memory_space<vmem>>) dst(%dma_wait3A_42 : memref<128x128xf32, #tpu.memory_space<hbm>>)
    } else {
    }
    return
  }
}

#map = affine_map<(d0, d1) -> (0, 0)>
module attributes {stable_mosaic.version = 14 : i64} {
  func.func @_gather_sc_body(%arg0: i32, %arg1: i32, %arg2: memref<10240x128xf32, #tpu.memory_space<hbm>>, %arg3: memref<2560x128xi32, #tpu.memory_space<hbm>>, %arg4: memref<2560x128xi32, #tpu.memory_space<hbm>>, %arg5: memref<327680x128xf32, #tpu.memory_space<hbm>>, %arg6: memref<327680x128xf32, #tpu.memory_space<hbm>>, %arg7: memref<1x128xi32, #tpu.memory_space<vmem>>, %arg8: memref<1x128xi32, #tpu.memory_space<vmem>>, %arg9: memref<128x128xf32, #tpu.memory_space<vmem>>, %arg10: memref<128x128xf32, #tpu.memory_space<vmem>>, %arg11: memref<10240x128xf32, #tpu.memory_space<vmem_shared>>, %arg12: memref<!tpu.dma_semaphore, #tpu.memory_space<semaphore_mem>>, %arg13: memref<!tpu.dma_semaphore, #tpu.memory_space<semaphore_mem>>, %arg14: memref<!tpu.dma_semaphore, #tpu.memory_space<semaphore_mem>>, %arg15: memref<!tpu.dma_semaphore, #tpu.memory_space<semaphore_mem>>, %arg16: memref<!tpu.dma_semaphore, #tpu.memory_space<semaphore_mem>>) attributes {dimension_semantics = [#tpu.dimension_semantics<core_parallel>, #tpu.dimension_semantics<subcore_parallel>], iteration_bounds = array<i64: 2, 16>, scalar_prefetch = 0 : i64, scratch_operands = 10 : i64, tpu.core_type = #tpu.core_type<sc_vector_subcore>, window_params = [{transform_indices = #map}, {transform_indices = #map}, {transform_indices = #map}, {transform_indices = #map}, {transform_indices = #map}]} {
    %mul3A = arith.constant 640 : i32
    %mul3A_0 = arith.muli %arg1, %mul3A : i32
    %mul3A_1 = arith.constant 640 : i32
    %mul3A_2 = arith.muli %arg1, %mul3A_1 : i32
    "tpu.region"() ({
      %run_scoped3A = tpu.sem_alloc : memref<!tpu.dma_semaphore, #tpu.memory_space<semaphore_mem>>
      %dma_start3A = arith.constant 0 : i32
      %dma_start3A_10 = tpu.memref_slice %arg11[%mul3A_2, %dma_start3A] : memref<10240x128xf32, #tpu.memory_space<vmem_shared>> -> memref<640x128xf32, #tpu.memory_space<vmem_shared>>
      %dma_start3A_11 = arith.constant 0 : i32
      %dma_start3A_12 = tpu.memref_slice %arg2[%mul3A_0, %dma_start3A_11] : memref<10240x128xf32, #tpu.memory_space<hbm>> -> memref<640x128xf32, #tpu.memory_space<hbm>>
      tpu.enqueue_dma source(%dma_start3A_12 : memref<640x128xf32, #tpu.memory_space<hbm>>) target(%dma_start3A_10 : memref<640x128xf32, #tpu.memory_space<vmem_shared>>) target_semaphore(%run_scoped3A : memref<!tpu.dma_semaphore, #tpu.memory_space<semaphore_mem>>)
      %dma_wait3A = arith.constant 0 : i32
      %dma_wait3A_13 = tpu.memref_slice %arg11[%mul3A_2, %dma_wait3A] : memref<10240x128xf32, #tpu.memory_space<vmem_shared>> -> memref<640x128xf32, #tpu.memory_space<vmem_shared>>
      %dma_wait3A_14 = arith.constant 0 : i32
      %dma_wait3A_15 = tpu.memref_slice %arg2[%mul3A_0, %dma_wait3A_14] : memref<10240x128xf32, #tpu.memory_space<hbm>> -> memref<640x128xf32, #tpu.memory_space<hbm>>
      tpu.wait_dma2 semaphore(%run_scoped3A : memref<!tpu.dma_semaphore, #tpu.memory_space<semaphore_mem>>) src(%dma_wait3A_15 : memref<640x128xf32, #tpu.memory_space<hbm>>) dst(%dma_wait3A_13 : memref<640x128xf32, #tpu.memory_space<vmem_shared>>)
      tpu.yield
    }) : () -> ()
    %barrier3A = arith.constant 0 : index
    tpu.barrier barrier_id(%barrier3A)
    %eq3A = arith.constant 0 : i32
    %eq3A_3 = arith.cmpi eq, %arg0, %eq3A : i32
    %convert_element_type3A = arith.extui %eq3A_3 : i1 to i32
    %cond3A = arith.constant 0 : i32
    %cond3A_4 = arith.cmpi ne, %convert_element_type3A, %cond3A : i32
    scf.if %cond3A_4 {
      %mul3A_10 = arith.constant 160 : i32
      %mul3A_11 = arith.muli %arg1, %mul3A_10 : i32
      %add3A = arith.constant 0 : i32
      %add3A_12 = arith.addi %mul3A_11, %add3A : i32
      %dma_start3A = arith.constant 0 : i32
      %dma_start3A_13 = tpu.memref_slice %arg3[%add3A_12, %dma_start3A] : memref<2560x128xi32, #tpu.memory_space<hbm>> -> memref<1x128xi32, #tpu.memory_space<hbm>>
      %dma_start3A_14 = arith.constant 0 : i32
      %dma_start3A_15 = tpu.memref_slice %arg3[%add3A_12, %dma_start3A_14] : memref<2560x128xi32, #tpu.memory_space<hbm>> -> memref<1x128xi32, #tpu.memory_space<hbm>>
      tpu.enqueue_dma source(%dma_start3A_15 : memref<1x128xi32, #tpu.memory_space<hbm>>) target(%arg7 : memref<1x128xi32, #tpu.memory_space<vmem>>) target_semaphore(%arg15 : memref<!tpu.dma_semaphore, #tpu.memory_space<semaphore_mem>>)
      %add3A_16 = arith.constant 1 : i32
      %add3A_17 = arith.addi %mul3A_11, %add3A_16 : i32
      %dma_start3A_18 = arith.constant 0 : i32
      %dma_start3A_19 = tpu.memref_slice %arg3[%add3A_17, %dma_start3A_18] : memref<2560x128xi32, #tpu.memory_space<hbm>> -> memref<1x128xi32, #tpu.memory_space<hbm>>
      %dma_start3A_20 = arith.constant 0 : i32
      %dma_start3A_21 = tpu.memref_slice %arg3[%add3A_17, %dma_start3A_20] : memref<2560x128xi32, #tpu.memory_space<hbm>> -> memref<1x128xi32, #tpu.memory_space<hbm>>
      tpu.enqueue_dma source(%dma_start3A_21 : memref<1x128xi32, #tpu.memory_space<hbm>>) target(%arg8 : memref<1x128xi32, #tpu.memory_space<vmem>>) target_semaphore(%arg16 : memref<!tpu.dma_semaphore, #tpu.memory_space<semaphore_mem>>)
      %scan3A = arith.constant 0 : i32
      %scan3A_22 = arith.constant 0 : i32
      %scan3A_23 = arith.constant 160 : i32
      %scan3A_24 = arith.addi %scan3A_22, %scan3A_23 : i32
      %scan3A_25 = arith.constant 1 : i32
      %scan3A_26 = scf.for %scan3A_43 = %scan3A_22 to %scan3A_24 step %scan3A_25 iter_args(%scan3A_44 = %scan3A) -> (i32)  : i32 {
        %rem3A = arith.constant 2 : i32
        %rem3A_45 = arith.remsi %scan3A_43, %rem3A : i32
        %eq3A_46 = arith.constant 0 : i32
        %eq3A_47 = arith.cmpi eq, %rem3A_45, %eq3A_46 : i32
        %convert_element_type3A_48 = arith.extui %eq3A_47 : i1 to i32
        %cond3A_49 = arith.constant 0 : i32
        %cond3A_50 = arith.cmpi ne, %convert_element_type3A_48, %cond3A_49 : i32
        scf.if %cond3A_50 {
          %ge3A = arith.constant 2 : i32
          %ge3A_57 = arith.cmpi sge, %scan3A_43, %ge3A : i32
          %convert_element_type3A_58 = arith.extui %ge3A_57 : i1 to i32
          %cond3A_59 = arith.constant 0 : i32
          %cond3A_60 = arith.cmpi ne, %convert_element_type3A_58, %cond3A_59 : i32
          scf.if %cond3A_60 {
            %mul3A_103 = arith.constant 1 : i32
            %mul3A_104 = arith.muli %scan3A_43, %mul3A_103 : i32
            %add3A_105 = arith.addi %mul3A_11, %mul3A_104 : i32
            %mul3A_106 = arith.constant 128 : i32
            %mul3A_107 = arith.muli %add3A_105, %mul3A_106 : i32
            %dma_wait3A_108 = arith.constant 0 : i32
            %dma_wait3A_109 = tpu.memref_slice %arg5[%mul3A_107, %dma_wait3A_108] : memref<327680x128xf32, #tpu.memory_space<hbm>> -> memref<128x128xf32, #tpu.memory_space<hbm>>
            %dma_wait3A_110 = arith.constant 0 : i32
            %dma_wait3A_111 = tpu.memref_slice %arg5[%mul3A_107, %dma_wait3A_110] : memref<327680x128xf32, #tpu.memory_space<hbm>> -> memref<128x128xf32, #tpu.memory_space<hbm>>
            tpu.wait_dma2 semaphore(%arg13 : memref<!tpu.dma_semaphore, #tpu.memory_space<semaphore_mem>>) src(%arg9 : memref<128x128xf32, #tpu.memory_space<vmem>>) dst(%dma_wait3A_111 : memref<128x128xf32, #tpu.memory_space<hbm>>)
          } else {
          }
          %mul3A_61 = arith.constant 1 : i32
          %mul3A_62 = arith.muli %scan3A_43, %mul3A_61 : i32
          %add3A_63 = arith.addi %mul3A_11, %mul3A_62 : i32
          %dma_wait3A_64 = arith.constant 0 : i32
          %dma_wait3A_65 = tpu.memref_slice %arg3[%add3A_63, %dma_wait3A_64] : memref<2560x128xi32, #tpu.memory_space<hbm>> -> memref<1x128xi32, #tpu.memory_space<hbm>>
          %dma_wait3A_66 = arith.constant 0 : i32
          %dma_wait3A_67 = tpu.memref_slice %arg3[%add3A_63, %dma_wait3A_66] : memref<2560x128xi32, #tpu.memory_space<hbm>> -> memref<1x128xi32, #tpu.memory_space<hbm>>
          tpu.wait_dma2 semaphore(%arg15 : memref<!tpu.dma_semaphore, #tpu.memory_space<semaphore_mem>>) src(%dma_wait3A_67 : memref<1x128xi32, #tpu.memory_space<hbm>>) dst(%arg7 : memref<1x128xi32, #tpu.memory_space<vmem>>)
          %dma_start3A_68 = arith.constant 0 : i32
          %dma_start3A_69 = arith.constant 0 : i32
          %dma_start3A_70 = arith.constant 0 : i32
          %dma_start3A_71 = tpu.memref_slice %arg9[%dma_start3A_69, %dma_start3A_70] : memref<128x128xf32, #tpu.memory_space<vmem>> -> memref<128x128xf32, #tpu.memory_space<vmem>>
          %dma_start3A_72 = arith.constant 0 : i32
          %dma_start3A_73 = tpu.memref_slice %arg7[%dma_start3A_68, %dma_start3A_72] : memref<1x128xi32, #tpu.memory_space<vmem>> -> memref<1x128xi32, #tpu.memory_space<vmem>>
          %dma_start3A_74 = tpu.memref_squeeze %dma_start3A_73 : memref<1x128xi32, #tpu.memory_space<vmem>> -> memref<128xi32, #tpu.memory_space<vmem>>
          %dma_start3A_75 = arith.constant 0 : i32
          %dma_start3A_76 = arith.constant 0 : i32
          %dma_start3A_77 = tpu.memref_slice %arg11[%dma_start3A_75, %dma_start3A_76] : memref<10240x128xf32, #tpu.memory_space<vmem_shared>> -> memref<10240x128xf32, #tpu.memory_space<vmem_shared>>
          tpu.enqueue_indirect_dma source(%dma_start3A_77 : memref<10240x128xf32, #tpu.memory_space<vmem_shared>>) target(%dma_start3A_71 : memref<128x128xf32, #tpu.memory_space<vmem>>) offsets(%dma_start3A_74 : memref<128xi32, #tpu.memory_space<vmem>>) semaphore(%arg12 : memref<!tpu.dma_semaphore, #tpu.memory_space<semaphore_mem>>)
          %dma_wait3A_78 = arith.constant 0 : i32
          %dma_wait3A_79 = arith.constant 0 : i32
          %dma_wait3A_80 = arith.constant 0 : i32
          %dma_wait3A_81 = tpu.memref_slice %arg9[%dma_wait3A_79, %dma_wait3A_80] : memref<128x128xf32, #tpu.memory_space<vmem>> -> memref<128x128xf32, #tpu.memory_space<vmem>>
          %dma_wait3A_82 = arith.constant 0 : i32
          %dma_wait3A_83 = tpu.memref_slice %arg7[%dma_wait3A_78, %dma_wait3A_82] : memref<1x128xi32, #tpu.memory_space<vmem>> -> memref<1x128xi32, #tpu.memory_space<vmem>>
          %dma_wait3A_84 = tpu.memref_squeeze %dma_wait3A_83 : memref<1x128xi32, #tpu.memory_space<vmem>> -> memref<128xi32, #tpu.memory_space<vmem>>
          %dma_wait3A_85 = arith.constant 0 : i32
          %dma_wait3A_86 = arith.constant 0 : i32
          %dma_wait3A_87 = tpu.memref_slice %arg11[%dma_wait3A_85, %dma_wait3A_86] : memref<10240x128xf32, #tpu.memory_space<vmem_shared>> -> memref<10240x128xf32, #tpu.memory_space<vmem_shared>>
          tpu.wait_indirect_dma semaphore(%arg12 : memref<!tpu.dma_semaphore, #tpu.memory_space<semaphore_mem>>) src(%dma_wait3A_87 : memref<10240x128xf32, #tpu.memory_space<vmem_shared>>) dst(%dma_wait3A_81 : memref<128x128xf32, #tpu.memory_space<vmem>>)
          %mul3A_88 = arith.constant 1 : i32
          %mul3A_89 = arith.muli %scan3A_43, %mul3A_88 : i32
          %add3A_90 = arith.addi %mul3A_11, %mul3A_89 : i32
          %mul3A_91 = arith.constant 128 : i32
          %mul3A_92 = arith.muli %add3A_90, %mul3A_91 : i32
          %dma_start3A_93 = arith.constant 0 : i32
          %dma_start3A_94 = tpu.memref_slice %arg5[%mul3A_92, %dma_start3A_93] : memref<327680x128xf32, #tpu.memory_space<hbm>> -> memref<128x128xf32, #tpu.memory_space<hbm>>
          %dma_start3A_95 = arith.constant 0 : i32
          %dma_start3A_96 = tpu.memref_slice %arg5[%mul3A_92, %dma_start3A_95] : memref<327680x128xf32, #tpu.memory_space<hbm>> -> memref<128x128xf32, #tpu.memory_space<hbm>>
          tpu.enqueue_dma source(%arg9 : memref<128x128xf32, #tpu.memory_space<vmem>>) target(%dma_start3A_96 : memref<128x128xf32, #tpu.memory_space<hbm>>) target_semaphore(%arg13 : memref<!tpu.dma_semaphore, #tpu.memory_space<semaphore_mem>>)
          %add3A_97 = arith.constant 2 : i32
          %add3A_98 = arith.addi %scan3A_43, %add3A_97 : i32
          %lt3A = arith.constant 160 : i32
          %lt3A_99 = arith.cmpi slt, %add3A_98, %lt3A : i32
          %convert_element_type3A_100 = arith.extui %lt3A_99 : i1 to i32
          %cond3A_101 = arith.constant 0 : i32
          %cond3A_102 = arith.cmpi ne, %convert_element_type3A_100, %cond3A_101 : i32
          scf.if %cond3A_102 {
            %add3A_103 = arith.constant 2 : i32
            %add3A_104 = arith.addi %scan3A_43, %add3A_103 : i32
            %mul3A_105 = arith.constant 1 : i32
            %mul3A_106 = arith.muli %add3A_104, %mul3A_105 : i32
            %add3A_107 = arith.addi %mul3A_11, %mul3A_106 : i32
            %dma_start3A_108 = arith.constant 0 : i32
            %dma_start3A_109 = tpu.memref_slice %arg3[%add3A_107, %dma_start3A_108] : memref<2560x128xi32, #tpu.memory_space<hbm>> -> memref<1x128xi32, #tpu.memory_space<hbm>>
            %dma_start3A_110 = arith.constant 0 : i32
            %dma_start3A_111 = tpu.memref_slice %arg3[%add3A_107, %dma_start3A_110] : memref<2560x128xi32, #tpu.memory_space<hbm>> -> memref<1x128xi32, #tpu.memory_space<hbm>>
            tpu.enqueue_dma source(%dma_start3A_111 : memref<1x128xi32, #tpu.memory_space<hbm>>) target(%arg7 : memref<1x128xi32, #tpu.memory_space<vmem>>) target_semaphore(%arg15 : memref<!tpu.dma_semaphore, #tpu.memory_space<semaphore_mem>>)
          } else {
          }
        } else {
        }
        %eq3A_51 = arith.constant 1 : i32
        %eq3A_52 = arith.cmpi eq, %rem3A_45, %eq3A_51 : i32
        %convert_element_type3A_53 = arith.extui %eq3A_52 : i1 to i32
        %cond3A_54 = arith.constant 0 : i32
        %cond3A_55 = arith.cmpi ne, %convert_element_type3A_53, %cond3A_54 : i32
        scf.if %cond3A_55 {
          %ge3A = arith.constant 2 : i32
          %ge3A_57 = arith.cmpi sge, %scan3A_43, %ge3A : i32
          %convert_element_type3A_58 = arith.extui %ge3A_57 : i1 to i32
          %cond3A_59 = arith.constant 0 : i32
          %cond3A_60 = arith.cmpi ne, %convert_element_type3A_58, %cond3A_59 : i32
          scf.if %cond3A_60 {
            %mul3A_103 = arith.constant 1 : i32
            %mul3A_104 = arith.muli %scan3A_43, %mul3A_103 : i32
            %add3A_105 = arith.addi %mul3A_11, %mul3A_104 : i32
            %mul3A_106 = arith.constant 128 : i32
            %mul3A_107 = arith.muli %add3A_105, %mul3A_106 : i32
            %dma_wait3A_108 = arith.constant 0 : i32
            %dma_wait3A_109 = tpu.memref_slice %arg5[%mul3A_107, %dma_wait3A_108] : memref<327680x128xf32, #tpu.memory_space<hbm>> -> memref<128x128xf32, #tpu.memory_space<hbm>>
            %dma_wait3A_110 = arith.constant 0 : i32
            %dma_wait3A_111 = tpu.memref_slice %arg5[%mul3A_107, %dma_wait3A_110] : memref<327680x128xf32, #tpu.memory_space<hbm>> -> memref<128x128xf32, #tpu.memory_space<hbm>>
            tpu.wait_dma2 semaphore(%arg14 : memref<!tpu.dma_semaphore, #tpu.memory_space<semaphore_mem>>) src(%arg10 : memref<128x128xf32, #tpu.memory_space<vmem>>) dst(%dma_wait3A_111 : memref<128x128xf32, #tpu.memory_space<hbm>>)
          } else {
          }
          %mul3A_61 = arith.constant 1 : i32
          %mul3A_62 = arith.muli %scan3A_43, %mul3A_61 : i32
          %add3A_63 = arith.addi %mul3A_11, %mul3A_62 : i32
          %dma_wait3A_64 = arith.constant 0 : i32
          %dma_wait3A_65 = tpu.memref_slice %arg3[%add3A_63, %dma_wait3A_64] : memref<2560x128xi32, #tpu.memory_space<hbm>> -> memref<1x128xi32, #tpu.memory_space<hbm>>
          %dma_wait3A_66 = arith.constant 0 : i32
          %dma_wait3A_67 = tpu.memref_slice %arg3[%add3A_63, %dma_wait3A_66] : memref<2560x128xi32, #tpu.memory_space<hbm>> -> memref<1x128xi32, #tpu.memory_space<hbm>>
          tpu.wait_dma2 semaphore(%arg16 : memref<!tpu.dma_semaphore, #tpu.memory_space<semaphore_mem>>) src(%dma_wait3A_67 : memref<1x128xi32, #tpu.memory_space<hbm>>) dst(%arg8 : memref<1x128xi32, #tpu.memory_space<vmem>>)
          %dma_start3A_68 = arith.constant 0 : i32
          %dma_start3A_69 = arith.constant 0 : i32
          %dma_start3A_70 = arith.constant 0 : i32
          %dma_start3A_71 = tpu.memref_slice %arg10[%dma_start3A_69, %dma_start3A_70] : memref<128x128xf32, #tpu.memory_space<vmem>> -> memref<128x128xf32, #tpu.memory_space<vmem>>
          %dma_start3A_72 = arith.constant 0 : i32
          %dma_start3A_73 = tpu.memref_slice %arg8[%dma_start3A_68, %dma_start3A_72] : memref<1x128xi32, #tpu.memory_space<vmem>> -> memref<1x128xi32, #tpu.memory_space<vmem>>
          %dma_start3A_74 = tpu.memref_squeeze %dma_start3A_73 : memref<1x128xi32, #tpu.memory_space<vmem>> -> memref<128xi32, #tpu.memory_space<vmem>>
          %dma_start3A_75 = arith.constant 0 : i32
          %dma_start3A_76 = arith.constant 0 : i32
          %dma_start3A_77 = tpu.memref_slice %arg11[%dma_start3A_75, %dma_start3A_76] : memref<10240x128xf32, #tpu.memory_space<vmem_shared>> -> memref<10240x128xf32, #tpu.memory_space<vmem_shared>>
          tpu.enqueue_indirect_dma source(%dma_start3A_77 : memref<10240x128xf32, #tpu.memory_space<vmem_shared>>) target(%dma_start3A_71 : memref<128x128xf32, #tpu.memory_space<vmem>>) offsets(%dma_start3A_74 : memref<128xi32, #tpu.memory_space<vmem>>) semaphore(%arg12 : memref<!tpu.dma_semaphore, #tpu.memory_space<semaphore_mem>>)
          %dma_wait3A_78 = arith.constant 0 : i32
          %dma_wait3A_79 = arith.constant 0 : i32
          %dma_wait3A_80 = arith.constant 0 : i32
          %dma_wait3A_81 = tpu.memref_slice %arg10[%dma_wait3A_79, %dma_wait3A_80] : memref<128x128xf32, #tpu.memory_space<vmem>> -> memref<128x128xf32, #tpu.memory_space<vmem>>
          %dma_wait3A_82 = arith.constant 0 : i32
          %dma_wait3A_83 = tpu.memref_slice %arg8[%dma_wait3A_78, %dma_wait3A_82] : memref<1x128xi32, #tpu.memory_space<vmem>> -> memref<1x128xi32, #tpu.memory_space<vmem>>
          %dma_wait3A_84 = tpu.memref_squeeze %dma_wait3A_83 : memref<1x128xi32, #tpu.memory_space<vmem>> -> memref<128xi32, #tpu.memory_space<vmem>>
          %dma_wait3A_85 = arith.constant 0 : i32
          %dma_wait3A_86 = arith.constant 0 : i32
          %dma_wait3A_87 = tpu.memref_slice %arg11[%dma_wait3A_85, %dma_wait3A_86] : memref<10240x128xf32, #tpu.memory_space<vmem_shared>> -> memref<10240x128xf32, #tpu.memory_space<vmem_shared>>
          tpu.wait_indirect_dma semaphore(%arg12 : memref<!tpu.dma_semaphore, #tpu.memory_space<semaphore_mem>>) src(%dma_wait3A_87 : memref<10240x128xf32, #tpu.memory_space<vmem_shared>>) dst(%dma_wait3A_81 : memref<128x128xf32, #tpu.memory_space<vmem>>)
          %mul3A_88 = arith.constant 1 : i32
          %mul3A_89 = arith.muli %scan3A_43, %mul3A_88 : i32
          %add3A_90 = arith.addi %mul3A_11, %mul3A_89 : i32
          %mul3A_91 = arith.constant 128 : i32
          %mul3A_92 = arith.muli %add3A_90, %mul3A_91 : i32
          %dma_start3A_93 = arith.constant 0 : i32
          %dma_start3A_94 = tpu.memref_slice %arg5[%mul3A_92, %dma_start3A_93] : memref<327680x128xf32, #tpu.memory_space<hbm>> -> memref<128x128xf32, #tpu.memory_space<hbm>>
          %dma_start3A_95 = arith.constant 0 : i32
          %dma_start3A_96 = tpu.memref_slice %arg5[%mul3A_92, %dma_start3A_95] : memref<327680x128xf32, #tpu.memory_space<hbm>> -> memref<128x128xf32, #tpu.memory_space<hbm>>
          tpu.enqueue_dma source(%arg10 : memref<128x128xf32, #tpu.memory_space<vmem>>) target(%dma_start3A_96 : memref<128x128xf32, #tpu.memory_space<hbm>>) target_semaphore(%arg14 : memref<!tpu.dma_semaphore, #tpu.memory_space<semaphore_mem>>)
          %add3A_97 = arith.constant 2 : i32
          %add3A_98 = arith.addi %scan3A_43, %add3A_97 : i32
          %lt3A = arith.constant 160 : i32
          %lt3A_99 = arith.cmpi slt, %add3A_98, %lt3A : i32
          %convert_element_type3A_100 = arith.extui %lt3A_99 : i1 to i32
          %cond3A_101 = arith.constant 0 : i32
          %cond3A_102 = arith.cmpi ne, %convert_element_type3A_100, %cond3A_101 : i32
          scf.if %cond3A_102 {
            %add3A_103 = arith.constant 2 : i32
            %add3A_104 = arith.addi %scan3A_43, %add3A_103 : i32
            %mul3A_105 = arith.constant 1 : i32
            %mul3A_106 = arith.muli %add3A_104, %mul3A_105 : i32
            %add3A_107 = arith.addi %mul3A_11, %mul3A_106 : i32
            %dma_start3A_108 = arith.constant 0 : i32
            %dma_start3A_109 = tpu.memref_slice %arg3[%add3A_107, %dma_start3A_108] : memref<2560x128xi32, #tpu.memory_space<hbm>> -> memref<1x128xi32, #tpu.memory_space<hbm>>
            %dma_start3A_110 = arith.constant 0 : i32
            %dma_start3A_111 = tpu.memref_slice %arg3[%add3A_107, %dma_start3A_110] : memref<2560x128xi32, #tpu.memory_space<hbm>> -> memref<1x128xi32, #tpu.memory_space<hbm>>
            tpu.enqueue_dma source(%dma_start3A_111 : memref<1x128xi32, #tpu.memory_space<hbm>>) target(%arg8 : memref<1x128xi32, #tpu.memory_space<vmem>>) target_semaphore(%arg16 : memref<!tpu.dma_semaphore, #tpu.memory_space<semaphore_mem>>)
          } else {
          }
        } else {
        }
        %scan3A_56 = arith.constant 0 : i32
        scf.yield %scan3A_56 : i32
      }
      %scan3A_27 = arith.constant 160 : i32
      %add3A_28 = arith.constant 158 : i32
      %add3A_29 = arith.addi %mul3A_11, %add3A_28 : i32
      %mul3A_30 = arith.constant 128 : i32
      %mul3A_31 = arith.muli %add3A_29, %mul3A_30 : i32
      %dma_wait3A = arith.constant 0 : i32
      %dma_wait3A_32 = tpu.memref_slice %arg5[%mul3A_31, %dma_wait3A] : memref<327680x128xf32, #tpu.memory_space<hbm>> -> memref<128x128xf32, #tpu.memory_space<hbm>>
      %dma_wait3A_33 = arith.constant 0 : i32
      %dma_wait3A_34 = tpu.memref_slice %arg5[%mul3A_31, %dma_wait3A_33] : memref<327680x128xf32, #tpu.memory_space<hbm>> -> memref<128x128xf32, #tpu.memory_space<hbm>>
      tpu.wait_dma2 semaphore(%arg13 : memref<!tpu.dma_semaphore, #tpu.memory_space<semaphore_mem>>) src(%arg9 : memref<128x128xf32, #tpu.memory_space<vmem>>) dst(%dma_wait3A_34 : memref<128x128xf32, #tpu.memory_space<hbm>>)
      %add3A_35 = arith.constant 159 : i32
      %add3A_36 = arith.addi %mul3A_11, %add3A_35 : i32
      %mul3A_37 = arith.constant 128 : i32
      %mul3A_38 = arith.muli %add3A_36, %mul3A_37 : i32
      %dma_wait3A_39 = arith.constant 0 : i32
      %dma_wait3A_40 = tpu.memref_slice %arg5[%mul3A_38, %dma_wait3A_39] : memref<327680x128xf32, #tpu.memory_space<hbm>> -> memref<128x128xf32, #tpu.memory_space<hbm>>
      %dma_wait3A_41 = arith.constant 0 : i32
      %dma_wait3A_42 = tpu.memref_slice %arg5[%mul3A_38, %dma_wait3A_41] : memref<327680x128xf32, #tpu.memory_space<hbm>> -> memref<128x128xf32, #tpu.memory_space<hbm>>
      tpu.wait_dma2 semaphore(%arg14 : memref<!tpu.dma_semaphore, #tpu.memory_space<semaphore_mem>>) src(%arg10 : memref<128x128xf32, #tpu.memory_space<vmem>>) dst(%dma_wait3A_42 : memref<128x128xf32, #tpu.memory_space<hbm>>)
    } else {
    }
    %eq3A_5 = arith.constant 1 : i32
    %eq3A_6 = arith.cmpi eq, %arg0, %eq3A_5 : i32
    %convert_element_type3A_7 = arith.extui %eq3A_6 : i1 to i32
    %cond3A_8 = arith.constant 0 : i32
    %cond3A_9 = arith.cmpi ne, %convert_element_type3A_7, %cond3A_8 : i32
    scf.if %cond3A_9 {
      %mul3A_10 = arith.constant 160 : i32
      %mul3A_11 = arith.muli %arg1, %mul3A_10 : i32
      %add3A = arith.constant 0 : i32
      %add3A_12 = arith.addi %mul3A_11, %add3A : i32
      %dma_start3A = arith.constant 0 : i32
      %dma_start3A_13 = tpu.memref_slice %arg4[%add3A_12, %dma_start3A] : memref<2560x128xi32, #tpu.memory_space<hbm>> -> memref<1x128xi32, #tpu.memory_space<hbm>>
      %dma_start3A_14 = arith.constant 0 : i32
      %dma_start3A_15 = tpu.memref_slice %arg4[%add3A_12, %dma_start3A_14] : memref<2560x128xi32, #tpu.memory_space<hbm>> -> memref<1x128xi32, #tpu.memory_space<hbm>>
      tpu.enqueue_dma source(%dma_start3A_15 : memref<1x128xi32, #tpu.memory_space<hbm>>) target(%arg7 : memref<1x128xi32, #tpu.memory_space<vmem>>) target_semaphore(%arg15 : memref<!tpu.dma_semaphore, #tpu.memory_space<semaphore_mem>>)
      %add3A_16 = arith.constant 1 : i32
      %add3A_17 = arith.addi %mul3A_11, %add3A_16 : i32
      %dma_start3A_18 = arith.constant 0 : i32
      %dma_start3A_19 = tpu.memref_slice %arg4[%add3A_17, %dma_start3A_18] : memref<2560x128xi32, #tpu.memory_space<hbm>> -> memref<1x128xi32, #tpu.memory_space<hbm>>
      %dma_start3A_20 = arith.constant 0 : i32
      %dma_start3A_21 = tpu.memref_slice %arg4[%add3A_17, %dma_start3A_20] : memref<2560x128xi32, #tpu.memory_space<hbm>> -> memref<1x128xi32, #tpu.memory_space<hbm>>
      tpu.enqueue_dma source(%dma_start3A_21 : memref<1x128xi32, #tpu.memory_space<hbm>>) target(%arg8 : memref<1x128xi32, #tpu.memory_space<vmem>>) target_semaphore(%arg16 : memref<!tpu.dma_semaphore, #tpu.memory_space<semaphore_mem>>)
      %scan3A = arith.constant 0 : i32
      %scan3A_22 = arith.constant 0 : i32
      %scan3A_23 = arith.constant 160 : i32
      %scan3A_24 = arith.addi %scan3A_22, %scan3A_23 : i32
      %scan3A_25 = arith.constant 1 : i32
      %scan3A_26 = scf.for %scan3A_43 = %scan3A_22 to %scan3A_24 step %scan3A_25 iter_args(%scan3A_44 = %scan3A) -> (i32)  : i32 {
        %rem3A = arith.constant 2 : i32
        %rem3A_45 = arith.remsi %scan3A_43, %rem3A : i32
        %eq3A_46 = arith.constant 0 : i32
        %eq3A_47 = arith.cmpi eq, %rem3A_45, %eq3A_46 : i32
        %convert_element_type3A_48 = arith.extui %eq3A_47 : i1 to i32
        %cond3A_49 = arith.constant 0 : i32
        %cond3A_50 = arith.cmpi ne, %convert_element_type3A_48, %cond3A_49 : i32
        scf.if %cond3A_50 {
          %ge3A = arith.constant 2 : i32
          %ge3A_57 = arith.cmpi sge, %scan3A_43, %ge3A : i32
          %convert_element_type3A_58 = arith.extui %ge3A_57 : i1 to i32
          %cond3A_59 = arith.constant 0 : i32
          %cond3A_60 = arith.cmpi ne, %convert_element_type3A_58, %cond3A_59 : i32
          scf.if %cond3A_60 {
            %mul3A_103 = arith.constant 1 : i32
            %mul3A_104 = arith.muli %scan3A_43, %mul3A_103 : i32
            %add3A_105 = arith.addi %mul3A_11, %mul3A_104 : i32
            %mul3A_106 = arith.constant 128 : i32
            %mul3A_107 = arith.muli %add3A_105, %mul3A_106 : i32
            %dma_wait3A_108 = arith.constant 0 : i32
            %dma_wait3A_109 = tpu.memref_slice %arg6[%mul3A_107, %dma_wait3A_108] : memref<327680x128xf32, #tpu.memory_space<hbm>> -> memref<128x128xf32, #tpu.memory_space<hbm>>
            %dma_wait3A_110 = arith.constant 0 : i32
            %dma_wait3A_111 = tpu.memref_slice %arg6[%mul3A_107, %dma_wait3A_110] : memref<327680x128xf32, #tpu.memory_space<hbm>> -> memref<128x128xf32, #tpu.memory_space<hbm>>
            tpu.wait_dma2 semaphore(%arg13 : memref<!tpu.dma_semaphore, #tpu.memory_space<semaphore_mem>>) src(%arg9 : memref<128x128xf32, #tpu.memory_space<vmem>>) dst(%dma_wait3A_111 : memref<128x128xf32, #tpu.memory_space<hbm>>)
          } else {
          }
          %mul3A_61 = arith.constant 1 : i32
          %mul3A_62 = arith.muli %scan3A_43, %mul3A_61 : i32
          %add3A_63 = arith.addi %mul3A_11, %mul3A_62 : i32
          %dma_wait3A_64 = arith.constant 0 : i32
          %dma_wait3A_65 = tpu.memref_slice %arg4[%add3A_63, %dma_wait3A_64] : memref<2560x128xi32, #tpu.memory_space<hbm>> -> memref<1x128xi32, #tpu.memory_space<hbm>>
          %dma_wait3A_66 = arith.constant 0 : i32
          %dma_wait3A_67 = tpu.memref_slice %arg4[%add3A_63, %dma_wait3A_66] : memref<2560x128xi32, #tpu.memory_space<hbm>> -> memref<1x128xi32, #tpu.memory_space<hbm>>
          tpu.wait_dma2 semaphore(%arg15 : memref<!tpu.dma_semaphore, #tpu.memory_space<semaphore_mem>>) src(%dma_wait3A_67 : memref<1x128xi32, #tpu.memory_space<hbm>>) dst(%arg7 : memref<1x128xi32, #tpu.memory_space<vmem>>)
          %dma_start3A_68 = arith.constant 0 : i32
          %dma_start3A_69 = arith.constant 0 : i32
          %dma_start3A_70 = arith.constant 0 : i32
          %dma_start3A_71 = tpu.memref_slice %arg9[%dma_start3A_69, %dma_start3A_70] : memref<128x128xf32, #tpu.memory_space<vmem>> -> memref<128x128xf32, #tpu.memory_space<vmem>>
          %dma_start3A_72 = arith.constant 0 : i32
          %dma_start3A_73 = tpu.memref_slice %arg7[%dma_start3A_68, %dma_start3A_72] : memref<1x128xi32, #tpu.memory_space<vmem>> -> memref<1x128xi32, #tpu.memory_space<vmem>>
          %dma_start3A_74 = tpu.memref_squeeze %dma_start3A_73 : memref<1x128xi32, #tpu.memory_space<vmem>> -> memref<128xi32, #tpu.memory_space<vmem>>
          %dma_start3A_75 = arith.constant 0 : i32
          %dma_start3A_76 = arith.constant 0 : i32
          %dma_start3A_77 = tpu.memref_slice %arg11[%dma_start3A_75, %dma_start3A_76] : memref<10240x128xf32, #tpu.memory_space<vmem_shared>> -> memref<10240x128xf32, #tpu.memory_space<vmem_shared>>
          tpu.enqueue_indirect_dma source(%dma_start3A_77 : memref<10240x128xf32, #tpu.memory_space<vmem_shared>>) target(%dma_start3A_71 : memref<128x128xf32, #tpu.memory_space<vmem>>) offsets(%dma_start3A_74 : memref<128xi32, #tpu.memory_space<vmem>>) semaphore(%arg12 : memref<!tpu.dma_semaphore, #tpu.memory_space<semaphore_mem>>)
          %dma_wait3A_78 = arith.constant 0 : i32
          %dma_wait3A_79 = arith.constant 0 : i32
          %dma_wait3A_80 = arith.constant 0 : i32
          %dma_wait3A_81 = tpu.memref_slice %arg9[%dma_wait3A_79, %dma_wait3A_80] : memref<128x128xf32, #tpu.memory_space<vmem>> -> memref<128x128xf32, #tpu.memory_space<vmem>>
          %dma_wait3A_82 = arith.constant 0 : i32
          %dma_wait3A_83 = tpu.memref_slice %arg7[%dma_wait3A_78, %dma_wait3A_82] : memref<1x128xi32, #tpu.memory_space<vmem>> -> memref<1x128xi32, #tpu.memory_space<vmem>>
          %dma_wait3A_84 = tpu.memref_squeeze %dma_wait3A_83 : memref<1x128xi32, #tpu.memory_space<vmem>> -> memref<128xi32, #tpu.memory_space<vmem>>
          %dma_wait3A_85 = arith.constant 0 : i32
          %dma_wait3A_86 = arith.constant 0 : i32
          %dma_wait3A_87 = tpu.memref_slice %arg11[%dma_wait3A_85, %dma_wait3A_86] : memref<10240x128xf32, #tpu.memory_space<vmem_shared>> -> memref<10240x128xf32, #tpu.memory_space<vmem_shared>>
          tpu.wait_indirect_dma semaphore(%arg12 : memref<!tpu.dma_semaphore, #tpu.memory_space<semaphore_mem>>) src(%dma_wait3A_87 : memref<10240x128xf32, #tpu.memory_space<vmem_shared>>) dst(%dma_wait3A_81 : memref<128x128xf32, #tpu.memory_space<vmem>>)
          %mul3A_88 = arith.constant 1 : i32
          %mul3A_89 = arith.muli %scan3A_43, %mul3A_88 : i32
          %add3A_90 = arith.addi %mul3A_11, %mul3A_89 : i32
          %mul3A_91 = arith.constant 128 : i32
          %mul3A_92 = arith.muli %add3A_90, %mul3A_91 : i32
          %dma_start3A_93 = arith.constant 0 : i32
          %dma_start3A_94 = tpu.memref_slice %arg6[%mul3A_92, %dma_start3A_93] : memref<327680x128xf32, #tpu.memory_space<hbm>> -> memref<128x128xf32, #tpu.memory_space<hbm>>
          %dma_start3A_95 = arith.constant 0 : i32
          %dma_start3A_96 = tpu.memref_slice %arg6[%mul3A_92, %dma_start3A_95] : memref<327680x128xf32, #tpu.memory_space<hbm>> -> memref<128x128xf32, #tpu.memory_space<hbm>>
          tpu.enqueue_dma source(%arg9 : memref<128x128xf32, #tpu.memory_space<vmem>>) target(%dma_start3A_96 : memref<128x128xf32, #tpu.memory_space<hbm>>) target_semaphore(%arg13 : memref<!tpu.dma_semaphore, #tpu.memory_space<semaphore_mem>>)
          %add3A_97 = arith.constant 2 : i32
          %add3A_98 = arith.addi %scan3A_43, %add3A_97 : i32
          %lt3A = arith.constant 160 : i32
          %lt3A_99 = arith.cmpi slt, %add3A_98, %lt3A : i32
          %convert_element_type3A_100 = arith.extui %lt3A_99 : i1 to i32
          %cond3A_101 = arith.constant 0 : i32
          %cond3A_102 = arith.cmpi ne, %convert_element_type3A_100, %cond3A_101 : i32
          scf.if %cond3A_102 {
            %add3A_103 = arith.constant 2 : i32
            %add3A_104 = arith.addi %scan3A_43, %add3A_103 : i32
            %mul3A_105 = arith.constant 1 : i32
            %mul3A_106 = arith.muli %add3A_104, %mul3A_105 : i32
            %add3A_107 = arith.addi %mul3A_11, %mul3A_106 : i32
            %dma_start3A_108 = arith.constant 0 : i32
            %dma_start3A_109 = tpu.memref_slice %arg4[%add3A_107, %dma_start3A_108] : memref<2560x128xi32, #tpu.memory_space<hbm>> -> memref<1x128xi32, #tpu.memory_space<hbm>>
            %dma_start3A_110 = arith.constant 0 : i32
            %dma_start3A_111 = tpu.memref_slice %arg4[%add3A_107, %dma_start3A_110] : memref<2560x128xi32, #tpu.memory_space<hbm>> -> memref<1x128xi32, #tpu.memory_space<hbm>>
            tpu.enqueue_dma source(%dma_start3A_111 : memref<1x128xi32, #tpu.memory_space<hbm>>) target(%arg7 : memref<1x128xi32, #tpu.memory_space<vmem>>) target_semaphore(%arg15 : memref<!tpu.dma_semaphore, #tpu.memory_space<semaphore_mem>>)
          } else {
          }
        } else {
        }
        %eq3A_51 = arith.constant 1 : i32
        %eq3A_52 = arith.cmpi eq, %rem3A_45, %eq3A_51 : i32
        %convert_element_type3A_53 = arith.extui %eq3A_52 : i1 to i32
        %cond3A_54 = arith.constant 0 : i32
        %cond3A_55 = arith.cmpi ne, %convert_element_type3A_53, %cond3A_54 : i32
        scf.if %cond3A_55 {
          %ge3A = arith.constant 2 : i32
          %ge3A_57 = arith.cmpi sge, %scan3A_43, %ge3A : i32
          %convert_element_type3A_58 = arith.extui %ge3A_57 : i1 to i32
          %cond3A_59 = arith.constant 0 : i32
          %cond3A_60 = arith.cmpi ne, %convert_element_type3A_58, %cond3A_59 : i32
          scf.if %cond3A_60 {
            %mul3A_103 = arith.constant 1 : i32
            %mul3A_104 = arith.muli %scan3A_43, %mul3A_103 : i32
            %add3A_105 = arith.addi %mul3A_11, %mul3A_104 : i32
            %mul3A_106 = arith.constant 128 : i32
            %mul3A_107 = arith.muli %add3A_105, %mul3A_106 : i32
            %dma_wait3A_108 = arith.constant 0 : i32
            %dma_wait3A_109 = tpu.memref_slice %arg6[%mul3A_107, %dma_wait3A_108] : memref<327680x128xf32, #tpu.memory_space<hbm>> -> memref<128x128xf32, #tpu.memory_space<hbm>>
            %dma_wait3A_110 = arith.constant 0 : i32
            %dma_wait3A_111 = tpu.memref_slice %arg6[%mul3A_107, %dma_wait3A_110] : memref<327680x128xf32, #tpu.memory_space<hbm>> -> memref<128x128xf32, #tpu.memory_space<hbm>>
            tpu.wait_dma2 semaphore(%arg14 : memref<!tpu.dma_semaphore, #tpu.memory_space<semaphore_mem>>) src(%arg10 : memref<128x128xf32, #tpu.memory_space<vmem>>) dst(%dma_wait3A_111 : memref<128x128xf32, #tpu.memory_space<hbm>>)
          } else {
          }
          %mul3A_61 = arith.constant 1 : i32
          %mul3A_62 = arith.muli %scan3A_43, %mul3A_61 : i32
          %add3A_63 = arith.addi %mul3A_11, %mul3A_62 : i32
          %dma_wait3A_64 = arith.constant 0 : i32
          %dma_wait3A_65 = tpu.memref_slice %arg4[%add3A_63, %dma_wait3A_64] : memref<2560x128xi32, #tpu.memory_space<hbm>> -> memref<1x128xi32, #tpu.memory_space<hbm>>
          %dma_wait3A_66 = arith.constant 0 : i32
          %dma_wait3A_67 = tpu.memref_slice %arg4[%add3A_63, %dma_wait3A_66] : memref<2560x128xi32, #tpu.memory_space<hbm>> -> memref<1x128xi32, #tpu.memory_space<hbm>>
          tpu.wait_dma2 semaphore(%arg16 : memref<!tpu.dma_semaphore, #tpu.memory_space<semaphore_mem>>) src(%dma_wait3A_67 : memref<1x128xi32, #tpu.memory_space<hbm>>) dst(%arg8 : memref<1x128xi32, #tpu.memory_space<vmem>>)
          %dma_start3A_68 = arith.constant 0 : i32
          %dma_start3A_69 = arith.constant 0 : i32
          %dma_start3A_70 = arith.constant 0 : i32
          %dma_start3A_71 = tpu.memref_slice %arg10[%dma_start3A_69, %dma_start3A_70] : memref<128x128xf32, #tpu.memory_space<vmem>> -> memref<128x128xf32, #tpu.memory_space<vmem>>
          %dma_start3A_72 = arith.constant 0 : i32
          %dma_start3A_73 = tpu.memref_slice %arg8[%dma_start3A_68, %dma_start3A_72] : memref<1x128xi32, #tpu.memory_space<vmem>> -> memref<1x128xi32, #tpu.memory_space<vmem>>
          %dma_start3A_74 = tpu.memref_squeeze %dma_start3A_73 : memref<1x128xi32, #tpu.memory_space<vmem>> -> memref<128xi32, #tpu.memory_space<vmem>>
          %dma_start3A_75 = arith.constant 0 : i32
          %dma_start3A_76 = arith.constant 0 : i32
          %dma_start3A_77 = tpu.memref_slice %arg11[%dma_start3A_75, %dma_start3A_76] : memref<10240x128xf32, #tpu.memory_space<vmem_shared>> -> memref<10240x128xf32, #tpu.memory_space<vmem_shared>>
          tpu.enqueue_indirect_dma source(%dma_start3A_77 : memref<10240x128xf32, #tpu.memory_space<vmem_shared>>) target(%dma_start3A_71 : memref<128x128xf32, #tpu.memory_space<vmem>>) offsets(%dma_start3A_74 : memref<128xi32, #tpu.memory_space<vmem>>) semaphore(%arg12 : memref<!tpu.dma_semaphore, #tpu.memory_space<semaphore_mem>>)
          %dma_wait3A_78 = arith.constant 0 : i32
          %dma_wait3A_79 = arith.constant 0 : i32
          %dma_wait3A_80 = arith.constant 0 : i32
          %dma_wait3A_81 = tpu.memref_slice %arg10[%dma_wait3A_79, %dma_wait3A_80] : memref<128x128xf32, #tpu.memory_space<vmem>> -> memref<128x128xf32, #tpu.memory_space<vmem>>
          %dma_wait3A_82 = arith.constant 0 : i32
          %dma_wait3A_83 = tpu.memref_slice %arg8[%dma_wait3A_78, %dma_wait3A_82] : memref<1x128xi32, #tpu.memory_space<vmem>> -> memref<1x128xi32, #tpu.memory_space<vmem>>
          %dma_wait3A_84 = tpu.memref_squeeze %dma_wait3A_83 : memref<1x128xi32, #tpu.memory_space<vmem>> -> memref<128xi32, #tpu.memory_space<vmem>>
          %dma_wait3A_85 = arith.constant 0 : i32
          %dma_wait3A_86 = arith.constant 0 : i32
          %dma_wait3A_87 = tpu.memref_slice %arg11[%dma_wait3A_85, %dma_wait3A_86] : memref<10240x128xf32, #tpu.memory_space<vmem_shared>> -> memref<10240x128xf32, #tpu.memory_space<vmem_shared>>
          tpu.wait_indirect_dma semaphore(%arg12 : memref<!tpu.dma_semaphore, #tpu.memory_space<semaphore_mem>>) src(%dma_wait3A_87 : memref<10240x128xf32, #tpu.memory_space<vmem_shared>>) dst(%dma_wait3A_81 : memref<128x128xf32, #tpu.memory_space<vmem>>)
          %mul3A_88 = arith.constant 1 : i32
          %mul3A_89 = arith.muli %scan3A_43, %mul3A_88 : i32
          %add3A_90 = arith.addi %mul3A_11, %mul3A_89 : i32
          %mul3A_91 = arith.constant 128 : i32
          %mul3A_92 = arith.muli %add3A_90, %mul3A_91 : i32
          %dma_start3A_93 = arith.constant 0 : i32
          %dma_start3A_94 = tpu.memref_slice %arg6[%mul3A_92, %dma_start3A_93] : memref<327680x128xf32, #tpu.memory_space<hbm>> -> memref<128x128xf32, #tpu.memory_space<hbm>>
          %dma_start3A_95 = arith.constant 0 : i32
          %dma_start3A_96 = tpu.memref_slice %arg6[%mul3A_92, %dma_start3A_95] : memref<327680x128xf32, #tpu.memory_space<hbm>> -> memref<128x128xf32, #tpu.memory_space<hbm>>
          tpu.enqueue_dma source(%arg10 : memref<128x128xf32, #tpu.memory_space<vmem>>) target(%dma_start3A_96 : memref<128x128xf32, #tpu.memory_space<hbm>>) target_semaphore(%arg14 : memref<!tpu.dma_semaphore, #tpu.memory_space<semaphore_mem>>)
          %add3A_97 = arith.constant 2 : i32
          %add3A_98 = arith.addi %scan3A_43, %add3A_97 : i32
          %lt3A = arith.constant 160 : i32
          %lt3A_99 = arith.cmpi slt, %add3A_98, %lt3A : i32
          %convert_element_type3A_100 = arith.extui %lt3A_99 : i1 to i32
          %cond3A_101 = arith.constant 0 : i32
          %cond3A_102 = arith.cmpi ne, %convert_element_type3A_100, %cond3A_101 : i32
          scf.if %cond3A_102 {
            %add3A_103 = arith.constant 2 : i32
            %add3A_104 = arith.addi %scan3A_43, %add3A_103 : i32
            %mul3A_105 = arith.constant 1 : i32
            %mul3A_106 = arith.muli %add3A_104, %mul3A_105 : i32
            %add3A_107 = arith.addi %mul3A_11, %mul3A_106 : i32
            %dma_start3A_108 = arith.constant 0 : i32
            %dma_start3A_109 = tpu.memref_slice %arg4[%add3A_107, %dma_start3A_108] : memref<2560x128xi32, #tpu.memory_space<hbm>> -> memref<1x128xi32, #tpu.memory_space<hbm>>
            %dma_start3A_110 = arith.constant 0 : i32
            %dma_start3A_111 = tpu.memref_slice %arg4[%add3A_107, %dma_start3A_110] : memref<2560x128xi32, #tpu.memory_space<hbm>> -> memref<1x128xi32, #tpu.memory_space<hbm>>
            tpu.enqueue_dma source(%dma_start3A_111 : memref<1x128xi32, #tpu.memory_space<hbm>>) target(%arg8 : memref<1x128xi32, #tpu.memory_space<vmem>>) target_semaphore(%arg16 : memref<!tpu.dma_semaphore, #tpu.memory_space<semaphore_mem>>)
          } else {
          }
        } else {
        }
        %scan3A_56 = arith.constant 0 : i32
        scf.yield %scan3A_56 : i32
      }
      %scan3A_27 = arith.constant 160 : i32
      %add3A_28 = arith.constant 158 : i32
      %add3A_29 = arith.addi %mul3A_11, %add3A_28 : i32
      %mul3A_30 = arith.constant 128 : i32
      %mul3A_31 = arith.muli %add3A_29, %mul3A_30 : i32
      %dma_wait3A = arith.constant 0 : i32
      %dma_wait3A_32 = tpu.memref_slice %arg6[%mul3A_31, %dma_wait3A] : memref<327680x128xf32, #tpu.memory_space<hbm>> -> memref<128x128xf32, #tpu.memory_space<hbm>>
      %dma_wait3A_33 = arith.constant 0 : i32
      %dma_wait3A_34 = tpu.memref_slice %arg6[%mul3A_31, %dma_wait3A_33] : memref<327680x128xf32, #tpu.memory_space<hbm>> -> memref<128x128xf32, #tpu.memory_space<hbm>>
      tpu.wait_dma2 semaphore(%arg13 : memref<!tpu.dma_semaphore, #tpu.memory_space<semaphore_mem>>) src(%arg9 : memref<128x128xf32, #tpu.memory_space<vmem>>) dst(%dma_wait3A_34 : memref<128x128xf32, #tpu.memory_space<hbm>>)
      %add3A_35 = arith.constant 159 : i32
      %add3A_36 = arith.addi %mul3A_11, %add3A_35 : i32
      %mul3A_37 = arith.constant 128 : i32
      %mul3A_38 = arith.muli %add3A_36, %mul3A_37 : i32
      %dma_wait3A_39 = arith.constant 0 : i32
      %dma_wait3A_40 = tpu.memref_slice %arg6[%mul3A_38, %dma_wait3A_39] : memref<327680x128xf32, #tpu.memory_space<hbm>> -> memref<128x128xf32, #tpu.memory_space<hbm>>
      %dma_wait3A_41 = arith.constant 0 : i32
      %dma_wait3A_42 = tpu.memref_slice %arg6[%mul3A_38, %dma_wait3A_41] : memref<327680x128xf32, #tpu.memory_space<hbm>> -> memref<128x128xf32, #tpu.memory_space<hbm>>
      tpu.wait_dma2 semaphore(%arg14 : memref<!tpu.dma_semaphore, #tpu.memory_space<semaphore_mem>>) src(%arg10 : memref<128x128xf32, #tpu.memory_space<vmem>>) dst(%dma_wait3A_42 : memref<128x128xf32, #tpu.memory_space<hbm>>)
    } else {
    }
    return
  }
}

#map = affine_map<(d0, d1) -> (0, 0)>
module attributes {stable_mosaic.version = 14 : i64} {
  func.func @_scatter_sc_body(%arg0: i32, %arg1: i32, %arg2: memref<327680x128xf32, #tpu.memory_space<hbm>>, %arg3: memref<2560x128xi32, #tpu.memory_space<hbm>>, %arg4: memref<640x128xf32, #tpu.memory_space<hbm>>, %arg5: memref<10240x128xf32, #tpu.memory_space<hbm>>, %arg6: memref<10240x128xf32, #tpu.memory_space<hbm>>, %arg7: memref<1x128xi32, #tpu.memory_space<vmem>>, %arg8: memref<1x128xi32, #tpu.memory_space<vmem>>, %arg9: memref<128x128xf32, #tpu.memory_space<vmem>>, %arg10: memref<128x128xf32, #tpu.memory_space<vmem>>, %arg11: memref<10240x128xf32, #tpu.memory_space<vmem_shared>>, %arg12: memref<!tpu.dma_semaphore, #tpu.memory_space<semaphore_mem>>, %arg13: memref<!tpu.dma_semaphore, #tpu.memory_space<semaphore_mem>>, %arg14: memref<!tpu.dma_semaphore, #tpu.memory_space<semaphore_mem>>, %arg15: memref<!tpu.dma_semaphore, #tpu.memory_space<semaphore_mem>>) attributes {dimension_semantics = [#tpu.dimension_semantics<core_parallel>, #tpu.dimension_semantics<subcore_parallel>], iteration_bounds = array<i64: 2, 16>, scalar_prefetch = 0 : i64, scratch_operands = 9 : i64, tpu.core_type = #tpu.core_type<sc_vector_subcore>, window_params = [{transform_indices = #map}, {transform_indices = #map}, {transform_indices = #map}, {transform_indices = #map}, {transform_indices = #map}]} {
    %eq3A = arith.constant 0 : i32
    %eq3A_0 = arith.cmpi eq, %arg0, %eq3A : i32
    %convert_element_type3A = arith.extui %eq3A_0 : i1 to i32
    %cond3A = arith.constant 0 : i32
    %cond3A_1 = arith.cmpi ne, %convert_element_type3A, %cond3A : i32
    scf.if %cond3A_1 {
      %mul3A = arith.constant 16 : i32
      %mul3A_7 = arith.muli %arg0, %mul3A : i32
      %add3A = arith.addi %mul3A_7, %arg1 : i32
      %mul3A_8 = arith.constant 80 : i32
      %mul3A_9 = arith.muli %add3A, %mul3A_8 : i32
      %add3A_10 = arith.constant 0 : i32
      %add3A_11 = arith.addi %mul3A_9, %add3A_10 : i32
      %dma_start3A = arith.constant 0 : i32
      %dma_start3A_12 = tpu.memref_slice %arg3[%add3A_11, %dma_start3A] : memref<2560x128xi32, #tpu.memory_space<hbm>> -> memref<1x128xi32, #tpu.memory_space<hbm>>
      %dma_start3A_13 = arith.constant 0 : i32
      %dma_start3A_14 = tpu.memref_slice %arg3[%add3A_11, %dma_start3A_13] : memref<2560x128xi32, #tpu.memory_space<hbm>> -> memref<1x128xi32, #tpu.memory_space<hbm>>
      tpu.enqueue_dma source(%dma_start3A_14 : memref<1x128xi32, #tpu.memory_space<hbm>>) target(%arg7 : memref<1x128xi32, #tpu.memory_space<vmem>>) target_semaphore(%arg12 : memref<!tpu.dma_semaphore, #tpu.memory_space<semaphore_mem>>)
      %add3A_15 = arith.constant 0 : i32
      %add3A_16 = arith.addi %mul3A_9, %add3A_15 : i32
      %mul3A_17 = arith.constant 128 : i32
      %mul3A_18 = arith.muli %add3A_16, %mul3A_17 : i32
      %dma_start3A_19 = arith.constant 0 : i32
      %dma_start3A_20 = tpu.memref_slice %arg2[%mul3A_18, %dma_start3A_19] : memref<327680x128xf32, #tpu.memory_space<hbm>> -> memref<128x128xf32, #tpu.memory_space<hbm>>
      %dma_start3A_21 = arith.constant 0 : i32
      %dma_start3A_22 = tpu.memref_slice %arg2[%mul3A_18, %dma_start3A_21] : memref<327680x128xf32, #tpu.memory_space<hbm>> -> memref<128x128xf32, #tpu.memory_space<hbm>>
      tpu.enqueue_dma source(%dma_start3A_22 : memref<128x128xf32, #tpu.memory_space<hbm>>) target(%arg9 : memref<128x128xf32, #tpu.memory_space<vmem>>) target_semaphore(%arg14 : memref<!tpu.dma_semaphore, #tpu.memory_space<semaphore_mem>>)
      %add3A_23 = arith.constant 1 : i32
      %add3A_24 = arith.addi %mul3A_9, %add3A_23 : i32
      %dma_start3A_25 = arith.constant 0 : i32
      %dma_start3A_26 = tpu.memref_slice %arg3[%add3A_24, %dma_start3A_25] : memref<2560x128xi32, #tpu.memory_space<hbm>> -> memref<1x128xi32, #tpu.memory_space<hbm>>
      %dma_start3A_27 = arith.constant 0 : i32
      %dma_start3A_28 = tpu.memref_slice %arg3[%add3A_24, %dma_start3A_27] : memref<2560x128xi32, #tpu.memory_space<hbm>> -> memref<1x128xi32, #tpu.memory_space<hbm>>
      tpu.enqueue_dma source(%dma_start3A_28 : memref<1x128xi32, #tpu.memory_space<hbm>>) target(%arg8 : memref<1x128xi32, #tpu.memory_space<vmem>>) target_semaphore(%arg13 : memref<!tpu.dma_semaphore, #tpu.memory_space<semaphore_mem>>)
      %add3A_29 = arith.constant 1 : i32
      %add3A_30 = arith.addi %mul3A_9, %add3A_29 : i32
      %mul3A_31 = arith.constant 128 : i32
      %mul3A_32 = arith.muli %add3A_30, %mul3A_31 : i32
      %dma_start3A_33 = arith.constant 0 : i32
      %dma_start3A_34 = tpu.memref_slice %arg2[%mul3A_32, %dma_start3A_33] : memref<327680x128xf32, #tpu.memory_space<hbm>> -> memref<128x128xf32, #tpu.memory_space<hbm>>
      %dma_start3A_35 = arith.constant 0 : i32
      %dma_start3A_36 = tpu.memref_slice %arg2[%mul3A_32, %dma_start3A_35] : memref<327680x128xf32, #tpu.memory_space<hbm>> -> memref<128x128xf32, #tpu.memory_space<hbm>>
      tpu.enqueue_dma source(%dma_start3A_36 : memref<128x128xf32, #tpu.memory_space<hbm>>) target(%arg10 : memref<128x128xf32, #tpu.memory_space<vmem>>) target_semaphore(%arg15 : memref<!tpu.dma_semaphore, #tpu.memory_space<semaphore_mem>>)
      %mul3A_37 = arith.constant 640 : i32
      %mul3A_38 = arith.muli %arg1, %mul3A_37 : i32
      "tpu.region"() ({
        %run_scoped3A = tpu.sem_alloc : memref<!tpu.dma_semaphore, #tpu.memory_space<semaphore_mem>>
        %dma_start3A_50 = arith.constant 0 : i32
        %dma_start3A_51 = tpu.memref_slice %arg11[%mul3A_38, %dma_start3A_50] : memref<10240x128xf32, #tpu.memory_space<vmem_shared>> -> memref<640x128xf32, #tpu.memory_space<vmem_shared>>
        tpu.enqueue_dma source(%arg4 : memref<640x128xf32, #tpu.memory_space<hbm>>) target(%dma_start3A_51 : memref<640x128xf32, #tpu.memory_space<vmem_shared>>) target_semaphore(%run_scoped3A : memref<!tpu.dma_semaphore, #tpu.memory_space<semaphore_mem>>)
        %dma_wait3A = arith.constant 0 : i32
        %dma_wait3A_52 = tpu.memref_slice %arg11[%mul3A_38, %dma_wait3A] : memref<10240x128xf32, #tpu.memory_space<vmem_shared>> -> memref<640x128xf32, #tpu.memory_space<vmem_shared>>
        tpu.wait_dma2 semaphore(%run_scoped3A : memref<!tpu.dma_semaphore, #tpu.memory_space<semaphore_mem>>) src(%arg4 : memref<640x128xf32, #tpu.memory_space<hbm>>) dst(%dma_wait3A_52 : memref<640x128xf32, #tpu.memory_space<vmem_shared>>)
        tpu.yield
      }) : () -> ()
      %barrier3A = arith.constant 0 : index
      tpu.barrier barrier_id(%barrier3A)
      %scan3A = arith.constant 0 : i32
      %scan3A_39 = arith.constant 0 : i32
      %scan3A_40 = arith.constant 80 : i32
      %scan3A_41 = arith.addi %scan3A_39, %scan3A_40 : i32
      %scan3A_42 = arith.constant 1 : i32
      %scan3A_43 = scf.for %scan3A_50 = %scan3A_39 to %scan3A_41 step %scan3A_42 iter_args(%scan3A_51 = %scan3A) -> (i32)  : i32 {
        %rem3A = arith.constant 2 : i32
        %rem3A_52 = arith.remsi %scan3A_50, %rem3A : i32
        %eq3A_53 = arith.constant 0 : i32
        %eq3A_54 = arith.cmpi eq, %rem3A_52, %eq3A_53 : i32
        %convert_element_type3A_55 = arith.extui %eq3A_54 : i1 to i32
        %cond3A_56 = arith.constant 0 : i32
        %cond3A_57 = arith.cmpi ne, %convert_element_type3A_55, %cond3A_56 : i32
        scf.if %cond3A_57 {
          %add3A_64 = arith.addi %mul3A_9, %scan3A_50 : i32
          %dma_wait3A = arith.constant 0 : i32
          %dma_wait3A_65 = tpu.memref_slice %arg3[%add3A_64, %dma_wait3A] : memref<2560x128xi32, #tpu.memory_space<hbm>> -> memref<1x128xi32, #tpu.memory_space<hbm>>
          %dma_wait3A_66 = arith.constant 0 : i32
          %dma_wait3A_67 = tpu.memref_slice %arg3[%add3A_64, %dma_wait3A_66] : memref<2560x128xi32, #tpu.memory_space<hbm>> -> memref<1x128xi32, #tpu.memory_space<hbm>>
          tpu.wait_dma2 semaphore(%arg12 : memref<!tpu.dma_semaphore, #tpu.memory_space<semaphore_mem>>) src(%dma_wait3A_67 : memref<1x128xi32, #tpu.memory_space<hbm>>) dst(%arg7 : memref<1x128xi32, #tpu.memory_space<vmem>>)
          %add3A_68 = arith.addi %mul3A_9, %scan3A_50 : i32
          %mul3A_69 = arith.constant 128 : i32
          %mul3A_70 = arith.muli %add3A_68, %mul3A_69 : i32
          %dma_wait3A_71 = arith.constant 0 : i32
          %dma_wait3A_72 = tpu.memref_slice %arg2[%mul3A_70, %dma_wait3A_71] : memref<327680x128xf32, #tpu.memory_space<hbm>> -> memref<128x128xf32, #tpu.memory_space<hbm>>
          %dma_wait3A_73 = arith.constant 0 : i32
          %dma_wait3A_74 = tpu.memref_slice %arg2[%mul3A_70, %dma_wait3A_73] : memref<327680x128xf32, #tpu.memory_space<hbm>> -> memref<128x128xf32, #tpu.memory_space<hbm>>
          tpu.wait_dma2 semaphore(%arg14 : memref<!tpu.dma_semaphore, #tpu.memory_space<semaphore_mem>>) src(%dma_wait3A_74 : memref<128x128xf32, #tpu.memory_space<hbm>>) dst(%arg9 : memref<128x128xf32, #tpu.memory_space<vmem>>)
          %run_scoped3A = arith.constant 0 : i32
          "tpu.region"() ({
            %run_scoped3A_81 = tpu.sem_alloc : memref<!tpu.dma_semaphore, #tpu.memory_space<semaphore_mem>>
            %dma_start3A_82 = arith.constant 0 : i32
            %dma_start3A_83 = tpu.memref_slice %arg7[%run_scoped3A, %dma_start3A_82] : memref<1x128xi32, #tpu.memory_space<vmem>> -> memref<1x128xi32, #tpu.memory_space<vmem>>
            %dma_start3A_84 = tpu.memref_squeeze %dma_start3A_83 : memref<1x128xi32, #tpu.memory_space<vmem>> -> memref<128xi32, #tpu.memory_space<vmem>>
            %dma_start3A_85 = arith.constant 0 : i32
            %dma_start3A_86 = arith.constant 0 : i32
            %dma_start3A_87 = tpu.memref_slice %arg11[%dma_start3A_85, %dma_start3A_86] : memref<10240x128xf32, #tpu.memory_space<vmem_shared>> -> memref<10240x128xf32, #tpu.memory_space<vmem_shared>>
            tpu.enqueue_indirect_dma source(%arg9 : memref<128x128xf32, #tpu.memory_space<vmem>>) target(%dma_start3A_87 : memref<10240x128xf32, #tpu.memory_space<vmem_shared>>) offsets(%dma_start3A_84 : memref<128xi32, #tpu.memory_space<vmem>>) semaphore(%run_scoped3A_81 : memref<!tpu.dma_semaphore, #tpu.memory_space<semaphore_mem>>) {add = true}
            %dma_wait3A_88 = arith.constant 0 : i32
            %dma_wait3A_89 = tpu.memref_slice %arg7[%run_scoped3A, %dma_wait3A_88] : memref<1x128xi32, #tpu.memory_space<vmem>> -> memref<1x128xi32, #tpu.memory_space<vmem>>
            %dma_wait3A_90 = tpu.memref_squeeze %dma_wait3A_89 : memref<1x128xi32, #tpu.memory_space<vmem>> -> memref<128xi32, #tpu.memory_space<vmem>>
            %dma_wait3A_91 = arith.constant 0 : i32
            %dma_wait3A_92 = arith.constant 0 : i32
            %dma_wait3A_93 = tpu.memref_slice %arg11[%dma_wait3A_91, %dma_wait3A_92] : memref<10240x128xf32, #tpu.memory_space<vmem_shared>> -> memref<10240x128xf32, #tpu.memory_space<vmem_shared>>
            tpu.wait_indirect_dma semaphore(%run_scoped3A_81 : memref<!tpu.dma_semaphore, #tpu.memory_space<semaphore_mem>>) src(%arg9 : memref<128x128xf32, #tpu.memory_space<vmem>>) dst(%dma_wait3A_93 : memref<10240x128xf32, #tpu.memory_space<vmem_shared>>)
            tpu.yield
          }) : () -> ()
          %add3A_75 = arith.constant 2 : i32
          %add3A_76 = arith.addi %scan3A_50, %add3A_75 : i32
          %lt3A = arith.constant 80 : i32
          %lt3A_77 = arith.cmpi slt, %add3A_76, %lt3A : i32
          %convert_element_type3A_78 = arith.extui %lt3A_77 : i1 to i32
          %cond3A_79 = arith.constant 0 : i32
          %cond3A_80 = arith.cmpi ne, %convert_element_type3A_78, %cond3A_79 : i32
          scf.if %cond3A_80 {
            %add3A_81 = arith.constant 2 : i32
            %add3A_82 = arith.addi %scan3A_50, %add3A_81 : i32
            %add3A_83 = arith.addi %mul3A_9, %add3A_82 : i32
            %dma_start3A_84 = arith.constant 0 : i32
            %dma_start3A_85 = tpu.memref_slice %arg3[%add3A_83, %dma_start3A_84] : memref<2560x128xi32, #tpu.memory_space<hbm>> -> memref<1x128xi32, #tpu.memory_space<hbm>>
            %dma_start3A_86 = arith.constant 0 : i32
            %dma_start3A_87 = tpu.memref_slice %arg3[%add3A_83, %dma_start3A_86] : memref<2560x128xi32, #tpu.memory_space<hbm>> -> memref<1x128xi32, #tpu.memory_space<hbm>>
            tpu.enqueue_dma source(%dma_start3A_87 : memref<1x128xi32, #tpu.memory_space<hbm>>) target(%arg7 : memref<1x128xi32, #tpu.memory_space<vmem>>) target_semaphore(%arg12 : memref<!tpu.dma_semaphore, #tpu.memory_space<semaphore_mem>>)
            %add3A_88 = arith.constant 2 : i32
            %add3A_89 = arith.addi %scan3A_50, %add3A_88 : i32
            %add3A_90 = arith.addi %mul3A_9, %add3A_89 : i32
            %mul3A_91 = arith.constant 128 : i32
            %mul3A_92 = arith.muli %add3A_90, %mul3A_91 : i32
            %dma_start3A_93 = arith.constant 0 : i32
            %dma_start3A_94 = tpu.memref_slice %arg2[%mul3A_92, %dma_start3A_93] : memref<327680x128xf32, #tpu.memory_space<hbm>> -> memref<128x128xf32, #tpu.memory_space<hbm>>
            %dma_start3A_95 = arith.constant 0 : i32
            %dma_start3A_96 = tpu.memref_slice %arg2[%mul3A_92, %dma_start3A_95] : memref<327680x128xf32, #tpu.memory_space<hbm>> -> memref<128x128xf32, #tpu.memory_space<hbm>>
            tpu.enqueue_dma source(%dma_start3A_96 : memref<128x128xf32, #tpu.memory_space<hbm>>) target(%arg9 : memref<128x128xf32, #tpu.memory_space<vmem>>) target_semaphore(%arg14 : memref<!tpu.dma_semaphore, #tpu.memory_space<semaphore_mem>>)
          } else {
          }
        } else {
        }
        %eq3A_58 = arith.constant 1 : i32
        %eq3A_59 = arith.cmpi eq, %rem3A_52, %eq3A_58 : i32
        %convert_element_type3A_60 = arith.extui %eq3A_59 : i1 to i32
        %cond3A_61 = arith.constant 0 : i32
        %cond3A_62 = arith.cmpi ne, %convert_element_type3A_60, %cond3A_61 : i32
        scf.if %cond3A_62 {
          %add3A_64 = arith.addi %mul3A_9, %scan3A_50 : i32
          %dma_wait3A = arith.constant 0 : i32
          %dma_wait3A_65 = tpu.memref_slice %arg3[%add3A_64, %dma_wait3A] : memref<2560x128xi32, #tpu.memory_space<hbm>> -> memref<1x128xi32, #tpu.memory_space<hbm>>
          %dma_wait3A_66 = arith.constant 0 : i32
          %dma_wait3A_67 = tpu.memref_slice %arg3[%add3A_64, %dma_wait3A_66] : memref<2560x128xi32, #tpu.memory_space<hbm>> -> memref<1x128xi32, #tpu.memory_space<hbm>>
          tpu.wait_dma2 semaphore(%arg13 : memref<!tpu.dma_semaphore, #tpu.memory_space<semaphore_mem>>) src(%dma_wait3A_67 : memref<1x128xi32, #tpu.memory_space<hbm>>) dst(%arg8 : memref<1x128xi32, #tpu.memory_space<vmem>>)
          %add3A_68 = arith.addi %mul3A_9, %scan3A_50 : i32
          %mul3A_69 = arith.constant 128 : i32
          %mul3A_70 = arith.muli %add3A_68, %mul3A_69 : i32
          %dma_wait3A_71 = arith.constant 0 : i32
          %dma_wait3A_72 = tpu.memref_slice %arg2[%mul3A_70, %dma_wait3A_71] : memref<327680x128xf32, #tpu.memory_space<hbm>> -> memref<128x128xf32, #tpu.memory_space<hbm>>
          %dma_wait3A_73 = arith.constant 0 : i32
          %dma_wait3A_74 = tpu.memref_slice %arg2[%mul3A_70, %dma_wait3A_73] : memref<327680x128xf32, #tpu.memory_space<hbm>> -> memref<128x128xf32, #tpu.memory_space<hbm>>
          tpu.wait_dma2 semaphore(%arg15 : memref<!tpu.dma_semaphore, #tpu.memory_space<semaphore_mem>>) src(%dma_wait3A_74 : memref<128x128xf32, #tpu.memory_space<hbm>>) dst(%arg10 : memref<128x128xf32, #tpu.memory_space<vmem>>)
          %run_scoped3A = arith.constant 0 : i32
          "tpu.region"() ({
            %run_scoped3A_81 = tpu.sem_alloc : memref<!tpu.dma_semaphore, #tpu.memory_space<semaphore_mem>>
            %dma_start3A_82 = arith.constant 0 : i32
            %dma_start3A_83 = tpu.memref_slice %arg8[%run_scoped3A, %dma_start3A_82] : memref<1x128xi32, #tpu.memory_space<vmem>> -> memref<1x128xi32, #tpu.memory_space<vmem>>
            %dma_start3A_84 = tpu.memref_squeeze %dma_start3A_83 : memref<1x128xi32, #tpu.memory_space<vmem>> -> memref<128xi32, #tpu.memory_space<vmem>>
            %dma_start3A_85 = arith.constant 0 : i32
            %dma_start3A_86 = arith.constant 0 : i32
            %dma_start3A_87 = tpu.memref_slice %arg11[%dma_start3A_85, %dma_start3A_86] : memref<10240x128xf32, #tpu.memory_space<vmem_shared>> -> memref<10240x128xf32, #tpu.memory_space<vmem_shared>>
            tpu.enqueue_indirect_dma source(%arg10 : memref<128x128xf32, #tpu.memory_space<vmem>>) target(%dma_start3A_87 : memref<10240x128xf32, #tpu.memory_space<vmem_shared>>) offsets(%dma_start3A_84 : memref<128xi32, #tpu.memory_space<vmem>>) semaphore(%run_scoped3A_81 : memref<!tpu.dma_semaphore, #tpu.memory_space<semaphore_mem>>) {add = true}
            %dma_wait3A_88 = arith.constant 0 : i32
            %dma_wait3A_89 = tpu.memref_slice %arg8[%run_scoped3A, %dma_wait3A_88] : memref<1x128xi32, #tpu.memory_space<vmem>> -> memref<1x128xi32, #tpu.memory_space<vmem>>
            %dma_wait3A_90 = tpu.memref_squeeze %dma_wait3A_89 : memref<1x128xi32, #tpu.memory_space<vmem>> -> memref<128xi32, #tpu.memory_space<vmem>>
            %dma_wait3A_91 = arith.constant 0 : i32
            %dma_wait3A_92 = arith.constant 0 : i32
            %dma_wait3A_93 = tpu.memref_slice %arg11[%dma_wait3A_91, %dma_wait3A_92] : memref<10240x128xf32, #tpu.memory_space<vmem_shared>> -> memref<10240x128xf32, #tpu.memory_space<vmem_shared>>
            tpu.wait_indirect_dma semaphore(%run_scoped3A_81 : memref<!tpu.dma_semaphore, #tpu.memory_space<semaphore_mem>>) src(%arg10 : memref<128x128xf32, #tpu.memory_space<vmem>>) dst(%dma_wait3A_93 : memref<10240x128xf32, #tpu.memory_space<vmem_shared>>)
            tpu.yield
          }) : () -> ()
          %add3A_75 = arith.constant 2 : i32
          %add3A_76 = arith.addi %scan3A_50, %add3A_75 : i32
          %lt3A = arith.constant 80 : i32
          %lt3A_77 = arith.cmpi slt, %add3A_76, %lt3A : i32
          %convert_element_type3A_78 = arith.extui %lt3A_77 : i1 to i32
          %cond3A_79 = arith.constant 0 : i32
          %cond3A_80 = arith.cmpi ne, %convert_element_type3A_78, %cond3A_79 : i32
          scf.if %cond3A_80 {
            %add3A_81 = arith.constant 2 : i32
            %add3A_82 = arith.addi %scan3A_50, %add3A_81 : i32
            %add3A_83 = arith.addi %mul3A_9, %add3A_82 : i32
            %dma_start3A_84 = arith.constant 0 : i32
            %dma_start3A_85 = tpu.memref_slice %arg3[%add3A_83, %dma_start3A_84] : memref<2560x128xi32, #tpu.memory_space<hbm>> -> memref<1x128xi32, #tpu.memory_space<hbm>>
            %dma_start3A_86 = arith.constant 0 : i32
            %dma_start3A_87 = tpu.memref_slice %arg3[%add3A_83, %dma_start3A_86] : memref<2560x128xi32, #tpu.memory_space<hbm>> -> memref<1x128xi32, #tpu.memory_space<hbm>>
            tpu.enqueue_dma source(%dma_start3A_87 : memref<1x128xi32, #tpu.memory_space<hbm>>) target(%arg8 : memref<1x128xi32, #tpu.memory_space<vmem>>) target_semaphore(%arg13 : memref<!tpu.dma_semaphore, #tpu.memory_space<semaphore_mem>>)
            %add3A_88 = arith.constant 2 : i32
            %add3A_89 = arith.addi %scan3A_50, %add3A_88 : i32
            %add3A_90 = arith.addi %mul3A_9, %add3A_89 : i32
            %mul3A_91 = arith.constant 128 : i32
            %mul3A_92 = arith.muli %add3A_90, %mul3A_91 : i32
            %dma_start3A_93 = arith.constant 0 : i32
            %dma_start3A_94 = tpu.memref_slice %arg2[%mul3A_92, %dma_start3A_93] : memref<327680x128xf32, #tpu.memory_space<hbm>> -> memref<128x128xf32, #tpu.memory_space<hbm>>
            %dma_start3A_95 = arith.constant 0 : i32
            %dma_start3A_96 = tpu.memref_slice %arg2[%mul3A_92, %dma_start3A_95] : memref<327680x128xf32, #tpu.memory_space<hbm>> -> memref<128x128xf32, #tpu.memory_space<hbm>>
            tpu.enqueue_dma source(%dma_start3A_96 : memref<128x128xf32, #tpu.memory_space<hbm>>) target(%arg10 : memref<128x128xf32, #tpu.memory_space<vmem>>) target_semaphore(%arg15 : memref<!tpu.dma_semaphore, #tpu.memory_space<semaphore_mem>>)
          } else {
          }
        } else {
        }
        %scan3A_63 = arith.constant 0 : i32
        scf.yield %scan3A_63 : i32
      }
      %scan3A_44 = arith.constant 80 : i32
      %barrier3A_45 = arith.constant 0 : index
      tpu.barrier barrier_id(%barrier3A_45)
      %mul3A_46 = arith.constant 640 : i32
      %mul3A_47 = arith.muli %arg1, %mul3A_46 : i32
      %mul3A_48 = arith.constant 640 : i32
      %mul3A_49 = arith.muli %arg1, %mul3A_48 : i32
      "tpu.region"() ({
        %run_scoped3A = tpu.sem_alloc : memref<!tpu.dma_semaphore, #tpu.memory_space<semaphore_mem>>
        %dma_start3A_50 = arith.constant 0 : i32
        %dma_start3A_51 = tpu.memref_slice %arg5[%mul3A_49, %dma_start3A_50] : memref<10240x128xf32, #tpu.memory_space<hbm>> -> memref<640x128xf32, #tpu.memory_space<hbm>>
        %dma_start3A_52 = arith.constant 0 : i32
        %dma_start3A_53 = tpu.memref_slice %arg11[%mul3A_47, %dma_start3A_52] : memref<10240x128xf32, #tpu.memory_space<vmem_shared>> -> memref<640x128xf32, #tpu.memory_space<vmem_shared>>
        tpu.enqueue_dma source(%dma_start3A_53 : memref<640x128xf32, #tpu.memory_space<vmem_shared>>) target(%dma_start3A_51 : memref<640x128xf32, #tpu.memory_space<hbm>>) target_semaphore(%run_scoped3A : memref<!tpu.dma_semaphore, #tpu.memory_space<semaphore_mem>>)
        %dma_wait3A = arith.constant 0 : i32
        %dma_wait3A_54 = tpu.memref_slice %arg5[%mul3A_49, %dma_wait3A] : memref<10240x128xf32, #tpu.memory_space<hbm>> -> memref<640x128xf32, #tpu.memory_space<hbm>>
        %dma_wait3A_55 = arith.constant 0 : i32
        %dma_wait3A_56 = tpu.memref_slice %arg11[%mul3A_47, %dma_wait3A_55] : memref<10240x128xf32, #tpu.memory_space<vmem_shared>> -> memref<640x128xf32, #tpu.memory_space<vmem_shared>>
        tpu.wait_dma2 semaphore(%run_scoped3A : memref<!tpu.dma_semaphore, #tpu.memory_space<semaphore_mem>>) src(%dma_wait3A_56 : memref<640x128xf32, #tpu.memory_space<vmem_shared>>) dst(%dma_wait3A_54 : memref<640x128xf32, #tpu.memory_space<hbm>>)
        tpu.yield
      }) : () -> ()
    } else {
    }
    %eq3A_2 = arith.constant 1 : i32
    %eq3A_3 = arith.cmpi eq, %arg0, %eq3A_2 : i32
    %convert_element_type3A_4 = arith.extui %eq3A_3 : i1 to i32
    %cond3A_5 = arith.constant 0 : i32
    %cond3A_6 = arith.cmpi ne, %convert_element_type3A_4, %cond3A_5 : i32
    scf.if %cond3A_6 {
      %mul3A = arith.constant 16 : i32
      %mul3A_7 = arith.muli %arg0, %mul3A : i32
      %add3A = arith.addi %mul3A_7, %arg1 : i32
      %mul3A_8 = arith.constant 80 : i32
      %mul3A_9 = arith.muli %add3A, %mul3A_8 : i32
      %add3A_10 = arith.constant 0 : i32
      %add3A_11 = arith.addi %mul3A_9, %add3A_10 : i32
      %dma_start3A = arith.constant 0 : i32
      %dma_start3A_12 = tpu.memref_slice %arg3[%add3A_11, %dma_start3A] : memref<2560x128xi32, #tpu.memory_space<hbm>> -> memref<1x128xi32, #tpu.memory_space<hbm>>
      %dma_start3A_13 = arith.constant 0 : i32
      %dma_start3A_14 = tpu.memref_slice %arg3[%add3A_11, %dma_start3A_13] : memref<2560x128xi32, #tpu.memory_space<hbm>> -> memref<1x128xi32, #tpu.memory_space<hbm>>
      tpu.enqueue_dma source(%dma_start3A_14 : memref<1x128xi32, #tpu.memory_space<hbm>>) target(%arg7 : memref<1x128xi32, #tpu.memory_space<vmem>>) target_semaphore(%arg12 : memref<!tpu.dma_semaphore, #tpu.memory_space<semaphore_mem>>)
      %add3A_15 = arith.constant 0 : i32
      %add3A_16 = arith.addi %mul3A_9, %add3A_15 : i32
      %mul3A_17 = arith.constant 128 : i32
      %mul3A_18 = arith.muli %add3A_16, %mul3A_17 : i32
      %dma_start3A_19 = arith.constant 0 : i32
      %dma_start3A_20 = tpu.memref_slice %arg2[%mul3A_18, %dma_start3A_19] : memref<327680x128xf32, #tpu.memory_space<hbm>> -> memref<128x128xf32, #tpu.memory_space<hbm>>
      %dma_start3A_21 = arith.constant 0 : i32
      %dma_start3A_22 = tpu.memref_slice %arg2[%mul3A_18, %dma_start3A_21] : memref<327680x128xf32, #tpu.memory_space<hbm>> -> memref<128x128xf32, #tpu.memory_space<hbm>>
      tpu.enqueue_dma source(%dma_start3A_22 : memref<128x128xf32, #tpu.memory_space<hbm>>) target(%arg9 : memref<128x128xf32, #tpu.memory_space<vmem>>) target_semaphore(%arg14 : memref<!tpu.dma_semaphore, #tpu.memory_space<semaphore_mem>>)
      %add3A_23 = arith.constant 1 : i32
      %add3A_24 = arith.addi %mul3A_9, %add3A_23 : i32
      %dma_start3A_25 = arith.constant 0 : i32
      %dma_start3A_26 = tpu.memref_slice %arg3[%add3A_24, %dma_start3A_25] : memref<2560x128xi32, #tpu.memory_space<hbm>> -> memref<1x128xi32, #tpu.memory_space<hbm>>
      %dma_start3A_27 = arith.constant 0 : i32
      %dma_start3A_28 = tpu.memref_slice %arg3[%add3A_24, %dma_start3A_27] : memref<2560x128xi32, #tpu.memory_space<hbm>> -> memref<1x128xi32, #tpu.memory_space<hbm>>
      tpu.enqueue_dma source(%dma_start3A_28 : memref<1x128xi32, #tpu.memory_space<hbm>>) target(%arg8 : memref<1x128xi32, #tpu.memory_space<vmem>>) target_semaphore(%arg13 : memref<!tpu.dma_semaphore, #tpu.memory_space<semaphore_mem>>)
      %add3A_29 = arith.constant 1 : i32
      %add3A_30 = arith.addi %mul3A_9, %add3A_29 : i32
      %mul3A_31 = arith.constant 128 : i32
      %mul3A_32 = arith.muli %add3A_30, %mul3A_31 : i32
      %dma_start3A_33 = arith.constant 0 : i32
      %dma_start3A_34 = tpu.memref_slice %arg2[%mul3A_32, %dma_start3A_33] : memref<327680x128xf32, #tpu.memory_space<hbm>> -> memref<128x128xf32, #tpu.memory_space<hbm>>
      %dma_start3A_35 = arith.constant 0 : i32
      %dma_start3A_36 = tpu.memref_slice %arg2[%mul3A_32, %dma_start3A_35] : memref<327680x128xf32, #tpu.memory_space<hbm>> -> memref<128x128xf32, #tpu.memory_space<hbm>>
      tpu.enqueue_dma source(%dma_start3A_36 : memref<128x128xf32, #tpu.memory_space<hbm>>) target(%arg10 : memref<128x128xf32, #tpu.memory_space<vmem>>) target_semaphore(%arg15 : memref<!tpu.dma_semaphore, #tpu.memory_space<semaphore_mem>>)
      %mul3A_37 = arith.constant 640 : i32
      %mul3A_38 = arith.muli %arg1, %mul3A_37 : i32
      "tpu.region"() ({
        %run_scoped3A = tpu.sem_alloc : memref<!tpu.dma_semaphore, #tpu.memory_space<semaphore_mem>>
        %dma_start3A_50 = arith.constant 0 : i32
        %dma_start3A_51 = tpu.memref_slice %arg11[%mul3A_38, %dma_start3A_50] : memref<10240x128xf32, #tpu.memory_space<vmem_shared>> -> memref<640x128xf32, #tpu.memory_space<vmem_shared>>
        tpu.enqueue_dma source(%arg4 : memref<640x128xf32, #tpu.memory_space<hbm>>) target(%dma_start3A_51 : memref<640x128xf32, #tpu.memory_space<vmem_shared>>) target_semaphore(%run_scoped3A : memref<!tpu.dma_semaphore, #tpu.memory_space<semaphore_mem>>)
        %dma_wait3A = arith.constant 0 : i32
        %dma_wait3A_52 = tpu.memref_slice %arg11[%mul3A_38, %dma_wait3A] : memref<10240x128xf32, #tpu.memory_space<vmem_shared>> -> memref<640x128xf32, #tpu.memory_space<vmem_shared>>
        tpu.wait_dma2 semaphore(%run_scoped3A : memref<!tpu.dma_semaphore, #tpu.memory_space<semaphore_mem>>) src(%arg4 : memref<640x128xf32, #tpu.memory_space<hbm>>) dst(%dma_wait3A_52 : memref<640x128xf32, #tpu.memory_space<vmem_shared>>)
        tpu.yield
      }) : () -> ()
      %barrier3A = arith.constant 0 : index
      tpu.barrier barrier_id(%barrier3A)
      %scan3A = arith.constant 0 : i32
      %scan3A_39 = arith.constant 0 : i32
      %scan3A_40 = arith.constant 80 : i32
      %scan3A_41 = arith.addi %scan3A_39, %scan3A_40 : i32
      %scan3A_42 = arith.constant 1 : i32
      %scan3A_43 = scf.for %scan3A_50 = %scan3A_39 to %scan3A_41 step %scan3A_42 iter_args(%scan3A_51 = %scan3A) -> (i32)  : i32 {
        %rem3A = arith.constant 2 : i32
        %rem3A_52 = arith.remsi %scan3A_50, %rem3A : i32
        %eq3A_53 = arith.constant 0 : i32
        %eq3A_54 = arith.cmpi eq, %rem3A_52, %eq3A_53 : i32
        %convert_element_type3A_55 = arith.extui %eq3A_54 : i1 to i32
        %cond3A_56 = arith.constant 0 : i32
        %cond3A_57 = arith.cmpi ne, %convert_element_type3A_55, %cond3A_56 : i32
        scf.if %cond3A_57 {
          %add3A_64 = arith.addi %mul3A_9, %scan3A_50 : i32
          %dma_wait3A = arith.constant 0 : i32
          %dma_wait3A_65 = tpu.memref_slice %arg3[%add3A_64, %dma_wait3A] : memref<2560x128xi32, #tpu.memory_space<hbm>> -> memref<1x128xi32, #tpu.memory_space<hbm>>
          %dma_wait3A_66 = arith.constant 0 : i32
          %dma_wait3A_67 = tpu.memref_slice %arg3[%add3A_64, %dma_wait3A_66] : memref<2560x128xi32, #tpu.memory_space<hbm>> -> memref<1x128xi32, #tpu.memory_space<hbm>>
          tpu.wait_dma2 semaphore(%arg12 : memref<!tpu.dma_semaphore, #tpu.memory_space<semaphore_mem>>) src(%dma_wait3A_67 : memref<1x128xi32, #tpu.memory_space<hbm>>) dst(%arg7 : memref<1x128xi32, #tpu.memory_space<vmem>>)
          %add3A_68 = arith.addi %mul3A_9, %scan3A_50 : i32
          %mul3A_69 = arith.constant 128 : i32
          %mul3A_70 = arith.muli %add3A_68, %mul3A_69 : i32
          %dma_wait3A_71 = arith.constant 0 : i32
          %dma_wait3A_72 = tpu.memref_slice %arg2[%mul3A_70, %dma_wait3A_71] : memref<327680x128xf32, #tpu.memory_space<hbm>> -> memref<128x128xf32, #tpu.memory_space<hbm>>
          %dma_wait3A_73 = arith.constant 0 : i32
          %dma_wait3A_74 = tpu.memref_slice %arg2[%mul3A_70, %dma_wait3A_73] : memref<327680x128xf32, #tpu.memory_space<hbm>> -> memref<128x128xf32, #tpu.memory_space<hbm>>
          tpu.wait_dma2 semaphore(%arg14 : memref<!tpu.dma_semaphore, #tpu.memory_space<semaphore_mem>>) src(%dma_wait3A_74 : memref<128x128xf32, #tpu.memory_space<hbm>>) dst(%arg9 : memref<128x128xf32, #tpu.memory_space<vmem>>)
          %run_scoped3A = arith.constant 0 : i32
          "tpu.region"() ({
            %run_scoped3A_81 = tpu.sem_alloc : memref<!tpu.dma_semaphore, #tpu.memory_space<semaphore_mem>>
            %dma_start3A_82 = arith.constant 0 : i32
            %dma_start3A_83 = tpu.memref_slice %arg7[%run_scoped3A, %dma_start3A_82] : memref<1x128xi32, #tpu.memory_space<vmem>> -> memref<1x128xi32, #tpu.memory_space<vmem>>
            %dma_start3A_84 = tpu.memref_squeeze %dma_start3A_83 : memref<1x128xi32, #tpu.memory_space<vmem>> -> memref<128xi32, #tpu.memory_space<vmem>>
            %dma_start3A_85 = arith.constant 0 : i32
            %dma_start3A_86 = arith.constant 0 : i32
            %dma_start3A_87 = tpu.memref_slice %arg11[%dma_start3A_85, %dma_start3A_86] : memref<10240x128xf32, #tpu.memory_space<vmem_shared>> -> memref<10240x128xf32, #tpu.memory_space<vmem_shared>>
            tpu.enqueue_indirect_dma source(%arg9 : memref<128x128xf32, #tpu.memory_space<vmem>>) target(%dma_start3A_87 : memref<10240x128xf32, #tpu.memory_space<vmem_shared>>) offsets(%dma_start3A_84 : memref<128xi32, #tpu.memory_space<vmem>>) semaphore(%run_scoped3A_81 : memref<!tpu.dma_semaphore, #tpu.memory_space<semaphore_mem>>) {add = true}
            %dma_wait3A_88 = arith.constant 0 : i32
            %dma_wait3A_89 = tpu.memref_slice %arg7[%run_scoped3A, %dma_wait3A_88] : memref<1x128xi32, #tpu.memory_space<vmem>> -> memref<1x128xi32, #tpu.memory_space<vmem>>
            %dma_wait3A_90 = tpu.memref_squeeze %dma_wait3A_89 : memref<1x128xi32, #tpu.memory_space<vmem>> -> memref<128xi32, #tpu.memory_space<vmem>>
            %dma_wait3A_91 = arith.constant 0 : i32
            %dma_wait3A_92 = arith.constant 0 : i32
            %dma_wait3A_93 = tpu.memref_slice %arg11[%dma_wait3A_91, %dma_wait3A_92] : memref<10240x128xf32, #tpu.memory_space<vmem_shared>> -> memref<10240x128xf32, #tpu.memory_space<vmem_shared>>
            tpu.wait_indirect_dma semaphore(%run_scoped3A_81 : memref<!tpu.dma_semaphore, #tpu.memory_space<semaphore_mem>>) src(%arg9 : memref<128x128xf32, #tpu.memory_space<vmem>>) dst(%dma_wait3A_93 : memref<10240x128xf32, #tpu.memory_space<vmem_shared>>)
            tpu.yield
          }) : () -> ()
          %add3A_75 = arith.constant 2 : i32
          %add3A_76 = arith.addi %scan3A_50, %add3A_75 : i32
          %lt3A = arith.constant 80 : i32
          %lt3A_77 = arith.cmpi slt, %add3A_76, %lt3A : i32
          %convert_element_type3A_78 = arith.extui %lt3A_77 : i1 to i32
          %cond3A_79 = arith.constant 0 : i32
          %cond3A_80 = arith.cmpi ne, %convert_element_type3A_78, %cond3A_79 : i32
          scf.if %cond3A_80 {
            %add3A_81 = arith.constant 2 : i32
            %add3A_82 = arith.addi %scan3A_50, %add3A_81 : i32
            %add3A_83 = arith.addi %mul3A_9, %add3A_82 : i32
            %dma_start3A_84 = arith.constant 0 : i32
            %dma_start3A_85 = tpu.memref_slice %arg3[%add3A_83, %dma_start3A_84] : memref<2560x128xi32, #tpu.memory_space<hbm>> -> memref<1x128xi32, #tpu.memory_space<hbm>>
            %dma_start3A_86 = arith.constant 0 : i32
            %dma_start3A_87 = tpu.memref_slice %arg3[%add3A_83, %dma_start3A_86] : memref<2560x128xi32, #tpu.memory_space<hbm>> -> memref<1x128xi32, #tpu.memory_space<hbm>>
            tpu.enqueue_dma source(%dma_start3A_87 : memref<1x128xi32, #tpu.memory_space<hbm>>) target(%arg7 : memref<1x128xi32, #tpu.memory_space<vmem>>) target_semaphore(%arg12 : memref<!tpu.dma_semaphore, #tpu.memory_space<semaphore_mem>>)
            %add3A_88 = arith.constant 2 : i32
            %add3A_89 = arith.addi %scan3A_50, %add3A_88 : i32
            %add3A_90 = arith.addi %mul3A_9, %add3A_89 : i32
            %mul3A_91 = arith.constant 128 : i32
            %mul3A_92 = arith.muli %add3A_90, %mul3A_91 : i32
            %dma_start3A_93 = arith.constant 0 : i32
            %dma_start3A_94 = tpu.memref_slice %arg2[%mul3A_92, %dma_start3A_93] : memref<327680x128xf32, #tpu.memory_space<hbm>> -> memref<128x128xf32, #tpu.memory_space<hbm>>
            %dma_start3A_95 = arith.constant 0 : i32
            %dma_start3A_96 = tpu.memref_slice %arg2[%mul3A_92, %dma_start3A_95] : memref<327680x128xf32, #tpu.memory_space<hbm>> -> memref<128x128xf32, #tpu.memory_space<hbm>>
            tpu.enqueue_dma source(%dma_start3A_96 : memref<128x128xf32, #tpu.memory_space<hbm>>) target(%arg9 : memref<128x128xf32, #tpu.memory_space<vmem>>) target_semaphore(%arg14 : memref<!tpu.dma_semaphore, #tpu.memory_space<semaphore_mem>>)
          } else {
          }
        } else {
        }
        %eq3A_58 = arith.constant 1 : i32
        %eq3A_59 = arith.cmpi eq, %rem3A_52, %eq3A_58 : i32
        %convert_element_type3A_60 = arith.extui %eq3A_59 : i1 to i32
        %cond3A_61 = arith.constant 0 : i32
        %cond3A_62 = arith.cmpi ne, %convert_element_type3A_60, %cond3A_61 : i32
        scf.if %cond3A_62 {
          %add3A_64 = arith.addi %mul3A_9, %scan3A_50 : i32
          %dma_wait3A = arith.constant 0 : i32
          %dma_wait3A_65 = tpu.memref_slice %arg3[%add3A_64, %dma_wait3A] : memref<2560x128xi32, #tpu.memory_space<hbm>> -> memref<1x128xi32, #tpu.memory_space<hbm>>
          %dma_wait3A_66 = arith.constant 0 : i32
          %dma_wait3A_67 = tpu.memref_slice %arg3[%add3A_64, %dma_wait3A_66] : memref<2560x128xi32, #tpu.memory_space<hbm>> -> memref<1x128xi32, #tpu.memory_space<hbm>>
          tpu.wait_dma2 semaphore(%arg13 : memref<!tpu.dma_semaphore, #tpu.memory_space<semaphore_mem>>) src(%dma_wait3A_67 : memref<1x128xi32, #tpu.memory_space<hbm>>) dst(%arg8 : memref<1x128xi32, #tpu.memory_space<vmem>>)
          %add3A_68 = arith.addi %mul3A_9, %scan3A_50 : i32
          %mul3A_69 = arith.constant 128 : i32
          %mul3A_70 = arith.muli %add3A_68, %mul3A_69 : i32
          %dma_wait3A_71 = arith.constant 0 : i32
          %dma_wait3A_72 = tpu.memref_slice %arg2[%mul3A_70, %dma_wait3A_71] : memref<327680x128xf32, #tpu.memory_space<hbm>> -> memref<128x128xf32, #tpu.memory_space<hbm>>
          %dma_wait3A_73 = arith.constant 0 : i32
          %dma_wait3A_74 = tpu.memref_slice %arg2[%mul3A_70, %dma_wait3A_73] : memref<327680x128xf32, #tpu.memory_space<hbm>> -> memref<128x128xf32, #tpu.memory_space<hbm>>
          tpu.wait_dma2 semaphore(%arg15 : memref<!tpu.dma_semaphore, #tpu.memory_space<semaphore_mem>>) src(%dma_wait3A_74 : memref<128x128xf32, #tpu.memory_space<hbm>>) dst(%arg10 : memref<128x128xf32, #tpu.memory_space<vmem>>)
          %run_scoped3A = arith.constant 0 : i32
          "tpu.region"() ({
            %run_scoped3A_81 = tpu.sem_alloc : memref<!tpu.dma_semaphore, #tpu.memory_space<semaphore_mem>>
            %dma_start3A_82 = arith.constant 0 : i32
            %dma_start3A_83 = tpu.memref_slice %arg8[%run_scoped3A, %dma_start3A_82] : memref<1x128xi32, #tpu.memory_space<vmem>> -> memref<1x128xi32, #tpu.memory_space<vmem>>
            %dma_start3A_84 = tpu.memref_squeeze %dma_start3A_83 : memref<1x128xi32, #tpu.memory_space<vmem>> -> memref<128xi32, #tpu.memory_space<vmem>>
            %dma_start3A_85 = arith.constant 0 : i32
            %dma_start3A_86 = arith.constant 0 : i32
            %dma_start3A_87 = tpu.memref_slice %arg11[%dma_start3A_85, %dma_start3A_86] : memref<10240x128xf32, #tpu.memory_space<vmem_shared>> -> memref<10240x128xf32, #tpu.memory_space<vmem_shared>>
            tpu.enqueue_indirect_dma source(%arg10 : memref<128x128xf32, #tpu.memory_space<vmem>>) target(%dma_start3A_87 : memref<10240x128xf32, #tpu.memory_space<vmem_shared>>) offsets(%dma_start3A_84 : memref<128xi32, #tpu.memory_space<vmem>>) semaphore(%run_scoped3A_81 : memref<!tpu.dma_semaphore, #tpu.memory_space<semaphore_mem>>) {add = true}
            %dma_wait3A_88 = arith.constant 0 : i32
            %dma_wait3A_89 = tpu.memref_slice %arg8[%run_scoped3A, %dma_wait3A_88] : memref<1x128xi32, #tpu.memory_space<vmem>> -> memref<1x128xi32, #tpu.memory_space<vmem>>
            %dma_wait3A_90 = tpu.memref_squeeze %dma_wait3A_89 : memref<1x128xi32, #tpu.memory_space<vmem>> -> memref<128xi32, #tpu.memory_space<vmem>>
            %dma_wait3A_91 = arith.constant 0 : i32
            %dma_wait3A_92 = arith.constant 0 : i32
            %dma_wait3A_93 = tpu.memref_slice %arg11[%dma_wait3A_91, %dma_wait3A_92] : memref<10240x128xf32, #tpu.memory_space<vmem_shared>> -> memref<10240x128xf32, #tpu.memory_space<vmem_shared>>
            tpu.wait_indirect_dma semaphore(%run_scoped3A_81 : memref<!tpu.dma_semaphore, #tpu.memory_space<semaphore_mem>>) src(%arg10 : memref<128x128xf32, #tpu.memory_space<vmem>>) dst(%dma_wait3A_93 : memref<10240x128xf32, #tpu.memory_space<vmem_shared>>)
            tpu.yield
          }) : () -> ()
          %add3A_75 = arith.constant 2 : i32
          %add3A_76 = arith.addi %scan3A_50, %add3A_75 : i32
          %lt3A = arith.constant 80 : i32
          %lt3A_77 = arith.cmpi slt, %add3A_76, %lt3A : i32
          %convert_element_type3A_78 = arith.extui %lt3A_77 : i1 to i32
          %cond3A_79 = arith.constant 0 : i32
          %cond3A_80 = arith.cmpi ne, %convert_element_type3A_78, %cond3A_79 : i32
          scf.if %cond3A_80 {
            %add3A_81 = arith.constant 2 : i32
            %add3A_82 = arith.addi %scan3A_50, %add3A_81 : i32
            %add3A_83 = arith.addi %mul3A_9, %add3A_82 : i32
            %dma_start3A_84 = arith.constant 0 : i32
            %dma_start3A_85 = tpu.memref_slice %arg3[%add3A_83, %dma_start3A_84] : memref<2560x128xi32, #tpu.memory_space<hbm>> -> memref<1x128xi32, #tpu.memory_space<hbm>>
            %dma_start3A_86 = arith.constant 0 : i32
            %dma_start3A_87 = tpu.memref_slice %arg3[%add3A_83, %dma_start3A_86] : memref<2560x128xi32, #tpu.memory_space<hbm>> -> memref<1x128xi32, #tpu.memory_space<hbm>>
            tpu.enqueue_dma source(%dma_start3A_87 : memref<1x128xi32, #tpu.memory_space<hbm>>) target(%arg8 : memref<1x128xi32, #tpu.memory_space<vmem>>) target_semaphore(%arg13 : memref<!tpu.dma_semaphore, #tpu.memory_space<semaphore_mem>>)
            %add3A_88 = arith.constant 2 : i32
            %add3A_89 = arith.addi %scan3A_50, %add3A_88 : i32
            %add3A_90 = arith.addi %mul3A_9, %add3A_89 : i32
            %mul3A_91 = arith.constant 128 : i32
            %mul3A_92 = arith.muli %add3A_90, %mul3A_91 : i32
            %dma_start3A_93 = arith.constant 0 : i32
            %dma_start3A_94 = tpu.memref_slice %arg2[%mul3A_92, %dma_start3A_93] : memref<327680x128xf32, #tpu.memory_space<hbm>> -> memref<128x128xf32, #tpu.memory_space<hbm>>
            %dma_start3A_95 = arith.constant 0 : i32
            %dma_start3A_96 = tpu.memref_slice %arg2[%mul3A_92, %dma_start3A_95] : memref<327680x128xf32, #tpu.memory_space<hbm>> -> memref<128x128xf32, #tpu.memory_space<hbm>>
            tpu.enqueue_dma source(%dma_start3A_96 : memref<128x128xf32, #tpu.memory_space<hbm>>) target(%arg10 : memref<128x128xf32, #tpu.memory_space<vmem>>) target_semaphore(%arg15 : memref<!tpu.dma_semaphore, #tpu.memory_space<semaphore_mem>>)
          } else {
          }
        } else {
        }
        %scan3A_63 = arith.constant 0 : i32
        scf.yield %scan3A_63 : i32
      }
      %scan3A_44 = arith.constant 80 : i32
      %barrier3A_45 = arith.constant 0 : index
      tpu.barrier barrier_id(%barrier3A_45)
      %mul3A_46 = arith.constant 640 : i32
      %mul3A_47 = arith.muli %arg1, %mul3A_46 : i32
      %mul3A_48 = arith.constant 640 : i32
      %mul3A_49 = arith.muli %arg1, %mul3A_48 : i32
      "tpu.region"() ({
        %run_scoped3A = tpu.sem_alloc : memref<!tpu.dma_semaphore, #tpu.memory_space<semaphore_mem>>
        %dma_start3A_50 = arith.constant 0 : i32
        %dma_start3A_51 = tpu.memref_slice %arg6[%mul3A_49, %dma_start3A_50] : memref<10240x128xf32, #tpu.memory_space<hbm>> -> memref<640x128xf32, #tpu.memory_space<hbm>>
        %dma_start3A_52 = arith.constant 0 : i32
        %dma_start3A_53 = tpu.memref_slice %arg11[%mul3A_47, %dma_start3A_52] : memref<10240x128xf32, #tpu.memory_space<vmem_shared>> -> memref<640x128xf32, #tpu.memory_space<vmem_shared>>
        tpu.enqueue_dma source(%dma_start3A_53 : memref<640x128xf32, #tpu.memory_space<vmem_shared>>) target(%dma_start3A_51 : memref<640x128xf32, #tpu.memory_space<hbm>>) target_semaphore(%run_scoped3A : memref<!tpu.dma_semaphore, #tpu.memory_space<semaphore_mem>>)
        %dma_wait3A = arith.constant 0 : i32
        %dma_wait3A_54 = tpu.memref_slice %arg6[%mul3A_49, %dma_wait3A] : memref<10240x128xf32, #tpu.memory_space<hbm>> -> memref<640x128xf32, #tpu.memory_space<hbm>>
        %dma_wait3A_55 = arith.constant 0 : i32
        %dma_wait3A_56 = tpu.memref_slice %arg11[%mul3A_47, %dma_wait3A_55] : memref<10240x128xf32, #tpu.memory_space<vmem_shared>> -> memref<640x128xf32, #tpu.memory_space<vmem_shared>>
        tpu.wait_dma2 semaphore(%run_scoped3A : memref<!tpu.dma_semaphore, #tpu.memory_space<semaphore_mem>>) src(%dma_wait3A_56 : memref<640x128xf32, #tpu.memory_space<vmem_shared>>) dst(%dma_wait3A_54 : memref<640x128xf32, #tpu.memory_space<hbm>>)
        tpu.yield
      }) : () -> ()
    } else {
    }
    return
  }
}

#map = affine_map<(d0, d1) -> (0, 0)>
module attributes {stable_mosaic.version = 14 : i64} {
  func.func @_gather_sc_body(%arg0: i32, %arg1: i32, %arg2: memref<10240x128xf32, #tpu.memory_space<hbm>>, %arg3: memref<2560x128xi32, #tpu.memory_space<hbm>>, %arg4: memref<2560x128xi32, #tpu.memory_space<hbm>>, %arg5: memref<327680x128xf32, #tpu.memory_space<hbm>>, %arg6: memref<327680x128xf32, #tpu.memory_space<hbm>>, %arg7: memref<1x128xi32, #tpu.memory_space<vmem>>, %arg8: memref<1x128xi32, #tpu.memory_space<vmem>>, %arg9: memref<128x128xf32, #tpu.memory_space<vmem>>, %arg10: memref<128x128xf32, #tpu.memory_space<vmem>>, %arg11: memref<10240x128xf32, #tpu.memory_space<vmem_shared>>, %arg12: memref<!tpu.dma_semaphore, #tpu.memory_space<semaphore_mem>>, %arg13: memref<!tpu.dma_semaphore, #tpu.memory_space<semaphore_mem>>, %arg14: memref<!tpu.dma_semaphore, #tpu.memory_space<semaphore_mem>>, %arg15: memref<!tpu.dma_semaphore, #tpu.memory_space<semaphore_mem>>, %arg16: memref<!tpu.dma_semaphore, #tpu.memory_space<semaphore_mem>>) attributes {dimension_semantics = [#tpu.dimension_semantics<core_parallel>, #tpu.dimension_semantics<subcore_parallel>], iteration_bounds = array<i64: 2, 16>, scalar_prefetch = 0 : i64, scratch_operands = 10 : i64, tpu.core_type = #tpu.core_type<sc_vector_subcore>, window_params = [{transform_indices = #map}, {transform_indices = #map}, {transform_indices = #map}, {transform_indices = #map}, {transform_indices = #map}]} {
    %mul3A = arith.constant 640 : i32
    %mul3A_0 = arith.muli %arg1, %mul3A : i32
    %mul3A_1 = arith.constant 640 : i32
    %mul3A_2 = arith.muli %arg1, %mul3A_1 : i32
    "tpu.region"() ({
      %run_scoped3A = tpu.sem_alloc : memref<!tpu.dma_semaphore, #tpu.memory_space<semaphore_mem>>
      %dma_start3A = arith.constant 0 : i32
      %dma_start3A_10 = tpu.memref_slice %arg11[%mul3A_2, %dma_start3A] : memref<10240x128xf32, #tpu.memory_space<vmem_shared>> -> memref<640x128xf32, #tpu.memory_space<vmem_shared>>
      %dma_start3A_11 = arith.constant 0 : i32
      %dma_start3A_12 = tpu.memref_slice %arg2[%mul3A_0, %dma_start3A_11] : memref<10240x128xf32, #tpu.memory_space<hbm>> -> memref<640x128xf32, #tpu.memory_space<hbm>>
      tpu.enqueue_dma source(%dma_start3A_12 : memref<640x128xf32, #tpu.memory_space<hbm>>) target(%dma_start3A_10 : memref<640x128xf32, #tpu.memory_space<vmem_shared>>) target_semaphore(%run_scoped3A : memref<!tpu.dma_semaphore, #tpu.memory_space<semaphore_mem>>)
      %dma_wait3A = arith.constant 0 : i32
      %dma_wait3A_13 = tpu.memref_slice %arg11[%mul3A_2, %dma_wait3A] : memref<10240x128xf32, #tpu.memory_space<vmem_shared>> -> memref<640x128xf32, #tpu.memory_space<vmem_shared>>
      %dma_wait3A_14 = arith.constant 0 : i32
      %dma_wait3A_15 = tpu.memref_slice %arg2[%mul3A_0, %dma_wait3A_14] : memref<10240x128xf32, #tpu.memory_space<hbm>> -> memref<640x128xf32, #tpu.memory_space<hbm>>
      tpu.wait_dma2 semaphore(%run_scoped3A : memref<!tpu.dma_semaphore, #tpu.memory_space<semaphore_mem>>) src(%dma_wait3A_15 : memref<640x128xf32, #tpu.memory_space<hbm>>) dst(%dma_wait3A_13 : memref<640x128xf32, #tpu.memory_space<vmem_shared>>)
      tpu.yield
    }) : () -> ()
    %barrier3A = arith.constant 0 : index
    tpu.barrier barrier_id(%barrier3A)
    %eq3A = arith.constant 0 : i32
    %eq3A_3 = arith.cmpi eq, %arg0, %eq3A : i32
    %convert_element_type3A = arith.extui %eq3A_3 : i1 to i32
    %cond3A = arith.constant 0 : i32
    %cond3A_4 = arith.cmpi ne, %convert_element_type3A, %cond3A : i32
    scf.if %cond3A_4 {
      %mul3A_10 = arith.constant 160 : i32
      %mul3A_11 = arith.muli %arg1, %mul3A_10 : i32
      %add3A = arith.constant 0 : i32
      %add3A_12 = arith.addi %mul3A_11, %add3A : i32
      %dma_start3A = arith.constant 0 : i32
      %dma_start3A_13 = tpu.memref_slice %arg3[%add3A_12, %dma_start3A] : memref<2560x128xi32, #tpu.memory_space<hbm>> -> memref<1x128xi32, #tpu.memory_space<hbm>>
      %dma_start3A_14 = arith.constant 0 : i32
      %dma_start3A_15 = tpu.memref_slice %arg3[%add3A_12, %dma_start3A_14] : memref<2560x128xi32, #tpu.memory_space<hbm>> -> memref<1x128xi32, #tpu.memory_space<hbm>>
      tpu.enqueue_dma source(%dma_start3A_15 : memref<1x128xi32, #tpu.memory_space<hbm>>) target(%arg7 : memref<1x128xi32, #tpu.memory_space<vmem>>) target_semaphore(%arg15 : memref<!tpu.dma_semaphore, #tpu.memory_space<semaphore_mem>>)
      %add3A_16 = arith.constant 1 : i32
      %add3A_17 = arith.addi %mul3A_11, %add3A_16 : i32
      %dma_start3A_18 = arith.constant 0 : i32
      %dma_start3A_19 = tpu.memref_slice %arg3[%add3A_17, %dma_start3A_18] : memref<2560x128xi32, #tpu.memory_space<hbm>> -> memref<1x128xi32, #tpu.memory_space<hbm>>
      %dma_start3A_20 = arith.constant 0 : i32
      %dma_start3A_21 = tpu.memref_slice %arg3[%add3A_17, %dma_start3A_20] : memref<2560x128xi32, #tpu.memory_space<hbm>> -> memref<1x128xi32, #tpu.memory_space<hbm>>
      tpu.enqueue_dma source(%dma_start3A_21 : memref<1x128xi32, #tpu.memory_space<hbm>>) target(%arg8 : memref<1x128xi32, #tpu.memory_space<vmem>>) target_semaphore(%arg16 : memref<!tpu.dma_semaphore, #tpu.memory_space<semaphore_mem>>)
      %scan3A = arith.constant 0 : i32
      %scan3A_22 = arith.constant 0 : i32
      %scan3A_23 = arith.constant 160 : i32
      %scan3A_24 = arith.addi %scan3A_22, %scan3A_23 : i32
      %scan3A_25 = arith.constant 1 : i32
      %scan3A_26 = scf.for %scan3A_43 = %scan3A_22 to %scan3A_24 step %scan3A_25 iter_args(%scan3A_44 = %scan3A) -> (i32)  : i32 {
        %rem3A = arith.constant 2 : i32
        %rem3A_45 = arith.remsi %scan3A_43, %rem3A : i32
        %eq3A_46 = arith.constant 0 : i32
        %eq3A_47 = arith.cmpi eq, %rem3A_45, %eq3A_46 : i32
        %convert_element_type3A_48 = arith.extui %eq3A_47 : i1 to i32
        %cond3A_49 = arith.constant 0 : i32
        %cond3A_50 = arith.cmpi ne, %convert_element_type3A_48, %cond3A_49 : i32
        scf.if %cond3A_50 {
          %ge3A = arith.constant 2 : i32
          %ge3A_57 = arith.cmpi sge, %scan3A_43, %ge3A : i32
          %convert_element_type3A_58 = arith.extui %ge3A_57 : i1 to i32
          %cond3A_59 = arith.constant 0 : i32
          %cond3A_60 = arith.cmpi ne, %convert_element_type3A_58, %cond3A_59 : i32
          scf.if %cond3A_60 {
            %mul3A_103 = arith.constant 1 : i32
            %mul3A_104 = arith.muli %scan3A_43, %mul3A_103 : i32
            %add3A_105 = arith.addi %mul3A_11, %mul3A_104 : i32
            %mul3A_106 = arith.constant 128 : i32
            %mul3A_107 = arith.muli %add3A_105, %mul3A_106 : i32
            %dma_wait3A_108 = arith.constant 0 : i32
            %dma_wait3A_109 = tpu.memref_slice %arg5[%mul3A_107, %dma_wait3A_108] : memref<327680x128xf32, #tpu.memory_space<hbm>> -> memref<128x128xf32, #tpu.memory_space<hbm>>
            %dma_wait3A_110 = arith.constant 0 : i32
            %dma_wait3A_111 = tpu.memref_slice %arg5[%mul3A_107, %dma_wait3A_110] : memref<327680x128xf32, #tpu.memory_space<hbm>> -> memref<128x128xf32, #tpu.memory_space<hbm>>
            tpu.wait_dma2 semaphore(%arg13 : memref<!tpu.dma_semaphore, #tpu.memory_space<semaphore_mem>>) src(%arg9 : memref<128x128xf32, #tpu.memory_space<vmem>>) dst(%dma_wait3A_111 : memref<128x128xf32, #tpu.memory_space<hbm>>)
          } else {
          }
          %mul3A_61 = arith.constant 1 : i32
          %mul3A_62 = arith.muli %scan3A_43, %mul3A_61 : i32
          %add3A_63 = arith.addi %mul3A_11, %mul3A_62 : i32
          %dma_wait3A_64 = arith.constant 0 : i32
          %dma_wait3A_65 = tpu.memref_slice %arg3[%add3A_63, %dma_wait3A_64] : memref<2560x128xi32, #tpu.memory_space<hbm>> -> memref<1x128xi32, #tpu.memory_space<hbm>>
          %dma_wait3A_66 = arith.constant 0 : i32
          %dma_wait3A_67 = tpu.memref_slice %arg3[%add3A_63, %dma_wait3A_66] : memref<2560x128xi32, #tpu.memory_space<hbm>> -> memref<1x128xi32, #tpu.memory_space<hbm>>
          tpu.wait_dma2 semaphore(%arg15 : memref<!tpu.dma_semaphore, #tpu.memory_space<semaphore_mem>>) src(%dma_wait3A_67 : memref<1x128xi32, #tpu.memory_space<hbm>>) dst(%arg7 : memref<1x128xi32, #tpu.memory_space<vmem>>)
          %dma_start3A_68 = arith.constant 0 : i32
          %dma_start3A_69 = arith.constant 0 : i32
          %dma_start3A_70 = arith.constant 0 : i32
          %dma_start3A_71 = tpu.memref_slice %arg9[%dma_start3A_69, %dma_start3A_70] : memref<128x128xf32, #tpu.memory_space<vmem>> -> memref<128x128xf32, #tpu.memory_space<vmem>>
          %dma_start3A_72 = arith.constant 0 : i32
          %dma_start3A_73 = tpu.memref_slice %arg7[%dma_start3A_68, %dma_start3A_72] : memref<1x128xi32, #tpu.memory_space<vmem>> -> memref<1x128xi32, #tpu.memory_space<vmem>>
          %dma_start3A_74 = tpu.memref_squeeze %dma_start3A_73 : memref<1x128xi32, #tpu.memory_space<vmem>> -> memref<128xi32, #tpu.memory_space<vmem>>
          %dma_start3A_75 = arith.constant 0 : i32
          %dma_start3A_76 = arith.constant 0 : i32
          %dma_start3A_77 = tpu.memref_slice %arg11[%dma_start3A_75, %dma_start3A_76] : memref<10240x128xf32, #tpu.memory_space<vmem_shared>> -> memref<10240x128xf32, #tpu.memory_space<vmem_shared>>
          tpu.enqueue_indirect_dma source(%dma_start3A_77 : memref<10240x128xf32, #tpu.memory_space<vmem_shared>>) target(%dma_start3A_71 : memref<128x128xf32, #tpu.memory_space<vmem>>) offsets(%dma_start3A_74 : memref<128xi32, #tpu.memory_space<vmem>>) semaphore(%arg12 : memref<!tpu.dma_semaphore, #tpu.memory_space<semaphore_mem>>)
          %dma_wait3A_78 = arith.constant 0 : i32
          %dma_wait3A_79 = arith.constant 0 : i32
          %dma_wait3A_80 = arith.constant 0 : i32
          %dma_wait3A_81 = tpu.memref_slice %arg9[%dma_wait3A_79, %dma_wait3A_80] : memref<128x128xf32, #tpu.memory_space<vmem>> -> memref<128x128xf32, #tpu.memory_space<vmem>>
          %dma_wait3A_82 = arith.constant 0 : i32
          %dma_wait3A_83 = tpu.memref_slice %arg7[%dma_wait3A_78, %dma_wait3A_82] : memref<1x128xi32, #tpu.memory_space<vmem>> -> memref<1x128xi32, #tpu.memory_space<vmem>>
          %dma_wait3A_84 = tpu.memref_squeeze %dma_wait3A_83 : memref<1x128xi32, #tpu.memory_space<vmem>> -> memref<128xi32, #tpu.memory_space<vmem>>
          %dma_wait3A_85 = arith.constant 0 : i32
          %dma_wait3A_86 = arith.constant 0 : i32
          %dma_wait3A_87 = tpu.memref_slice %arg11[%dma_wait3A_85, %dma_wait3A_86] : memref<10240x128xf32, #tpu.memory_space<vmem_shared>> -> memref<10240x128xf32, #tpu.memory_space<vmem_shared>>
          tpu.wait_indirect_dma semaphore(%arg12 : memref<!tpu.dma_semaphore, #tpu.memory_space<semaphore_mem>>) src(%dma_wait3A_87 : memref<10240x128xf32, #tpu.memory_space<vmem_shared>>) dst(%dma_wait3A_81 : memref<128x128xf32, #tpu.memory_space<vmem>>)
          %mul3A_88 = arith.constant 1 : i32
          %mul3A_89 = arith.muli %scan3A_43, %mul3A_88 : i32
          %add3A_90 = arith.addi %mul3A_11, %mul3A_89 : i32
          %mul3A_91 = arith.constant 128 : i32
          %mul3A_92 = arith.muli %add3A_90, %mul3A_91 : i32
          %dma_start3A_93 = arith.constant 0 : i32
          %dma_start3A_94 = tpu.memref_slice %arg5[%mul3A_92, %dma_start3A_93] : memref<327680x128xf32, #tpu.memory_space<hbm>> -> memref<128x128xf32, #tpu.memory_space<hbm>>
          %dma_start3A_95 = arith.constant 0 : i32
          %dma_start3A_96 = tpu.memref_slice %arg5[%mul3A_92, %dma_start3A_95] : memref<327680x128xf32, #tpu.memory_space<hbm>> -> memref<128x128xf32, #tpu.memory_space<hbm>>
          tpu.enqueue_dma source(%arg9 : memref<128x128xf32, #tpu.memory_space<vmem>>) target(%dma_start3A_96 : memref<128x128xf32, #tpu.memory_space<hbm>>) target_semaphore(%arg13 : memref<!tpu.dma_semaphore, #tpu.memory_space<semaphore_mem>>)
          %add3A_97 = arith.constant 2 : i32
          %add3A_98 = arith.addi %scan3A_43, %add3A_97 : i32
          %lt3A = arith.constant 160 : i32
          %lt3A_99 = arith.cmpi slt, %add3A_98, %lt3A : i32
          %convert_element_type3A_100 = arith.extui %lt3A_99 : i1 to i32
          %cond3A_101 = arith.constant 0 : i32
          %cond3A_102 = arith.cmpi ne, %convert_element_type3A_100, %cond3A_101 : i32
          scf.if %cond3A_102 {
            %add3A_103 = arith.constant 2 : i32
            %add3A_104 = arith.addi %scan3A_43, %add3A_103 : i32
            %mul3A_105 = arith.constant 1 : i32
            %mul3A_106 = arith.muli %add3A_104, %mul3A_105 : i32
            %add3A_107 = arith.addi %mul3A_11, %mul3A_106 : i32
            %dma_start3A_108 = arith.constant 0 : i32
            %dma_start3A_109 = tpu.memref_slice %arg3[%add3A_107, %dma_start3A_108] : memref<2560x128xi32, #tpu.memory_space<hbm>> -> memref<1x128xi32, #tpu.memory_space<hbm>>
            %dma_start3A_110 = arith.constant 0 : i32
            %dma_start3A_111 = tpu.memref_slice %arg3[%add3A_107, %dma_start3A_110] : memref<2560x128xi32, #tpu.memory_space<hbm>> -> memref<1x128xi32, #tpu.memory_space<hbm>>
            tpu.enqueue_dma source(%dma_start3A_111 : memref<1x128xi32, #tpu.memory_space<hbm>>) target(%arg7 : memref<1x128xi32, #tpu.memory_space<vmem>>) target_semaphore(%arg15 : memref<!tpu.dma_semaphore, #tpu.memory_space<semaphore_mem>>)
          } else {
          }
        } else {
        }
        %eq3A_51 = arith.constant 1 : i32
        %eq3A_52 = arith.cmpi eq, %rem3A_45, %eq3A_51 : i32
        %convert_element_type3A_53 = arith.extui %eq3A_52 : i1 to i32
        %cond3A_54 = arith.constant 0 : i32
        %cond3A_55 = arith.cmpi ne, %convert_element_type3A_53, %cond3A_54 : i32
        scf.if %cond3A_55 {
          %ge3A = arith.constant 2 : i32
          %ge3A_57 = arith.cmpi sge, %scan3A_43, %ge3A : i32
          %convert_element_type3A_58 = arith.extui %ge3A_57 : i1 to i32
          %cond3A_59 = arith.constant 0 : i32
          %cond3A_60 = arith.cmpi ne, %convert_element_type3A_58, %cond3A_59 : i32
          scf.if %cond3A_60 {
            %mul3A_103 = arith.constant 1 : i32
            %mul3A_104 = arith.muli %scan3A_43, %mul3A_103 : i32
            %add3A_105 = arith.addi %mul3A_11, %mul3A_104 : i32
            %mul3A_106 = arith.constant 128 : i32
            %mul3A_107 = arith.muli %add3A_105, %mul3A_106 : i32
            %dma_wait3A_108 = arith.constant 0 : i32
            %dma_wait3A_109 = tpu.memref_slice %arg5[%mul3A_107, %dma_wait3A_108] : memref<327680x128xf32, #tpu.memory_space<hbm>> -> memref<128x128xf32, #tpu.memory_space<hbm>>
            %dma_wait3A_110 = arith.constant 0 : i32
            %dma_wait3A_111 = tpu.memref_slice %arg5[%mul3A_107, %dma_wait3A_110] : memref<327680x128xf32, #tpu.memory_space<hbm>> -> memref<128x128xf32, #tpu.memory_space<hbm>>
            tpu.wait_dma2 semaphore(%arg14 : memref<!tpu.dma_semaphore, #tpu.memory_space<semaphore_mem>>) src(%arg10 : memref<128x128xf32, #tpu.memory_space<vmem>>) dst(%dma_wait3A_111 : memref<128x128xf32, #tpu.memory_space<hbm>>)
          } else {
          }
          %mul3A_61 = arith.constant 1 : i32
          %mul3A_62 = arith.muli %scan3A_43, %mul3A_61 : i32
          %add3A_63 = arith.addi %mul3A_11, %mul3A_62 : i32
          %dma_wait3A_64 = arith.constant 0 : i32
          %dma_wait3A_65 = tpu.memref_slice %arg3[%add3A_63, %dma_wait3A_64] : memref<2560x128xi32, #tpu.memory_space<hbm>> -> memref<1x128xi32, #tpu.memory_space<hbm>>
          %dma_wait3A_66 = arith.constant 0 : i32
          %dma_wait3A_67 = tpu.memref_slice %arg3[%add3A_63, %dma_wait3A_66] : memref<2560x128xi32, #tpu.memory_space<hbm>> -> memref<1x128xi32, #tpu.memory_space<hbm>>
          tpu.wait_dma2 semaphore(%arg16 : memref<!tpu.dma_semaphore, #tpu.memory_space<semaphore_mem>>) src(%dma_wait3A_67 : memref<1x128xi32, #tpu.memory_space<hbm>>) dst(%arg8 : memref<1x128xi32, #tpu.memory_space<vmem>>)
          %dma_start3A_68 = arith.constant 0 : i32
          %dma_start3A_69 = arith.constant 0 : i32
          %dma_start3A_70 = arith.constant 0 : i32
          %dma_start3A_71 = tpu.memref_slice %arg10[%dma_start3A_69, %dma_start3A_70] : memref<128x128xf32, #tpu.memory_space<vmem>> -> memref<128x128xf32, #tpu.memory_space<vmem>>
          %dma_start3A_72 = arith.constant 0 : i32
          %dma_start3A_73 = tpu.memref_slice %arg8[%dma_start3A_68, %dma_start3A_72] : memref<1x128xi32, #tpu.memory_space<vmem>> -> memref<1x128xi32, #tpu.memory_space<vmem>>
          %dma_start3A_74 = tpu.memref_squeeze %dma_start3A_73 : memref<1x128xi32, #tpu.memory_space<vmem>> -> memref<128xi32, #tpu.memory_space<vmem>>
          %dma_start3A_75 = arith.constant 0 : i32
          %dma_start3A_76 = arith.constant 0 : i32
          %dma_start3A_77 = tpu.memref_slice %arg11[%dma_start3A_75, %dma_start3A_76] : memref<10240x128xf32, #tpu.memory_space<vmem_shared>> -> memref<10240x128xf32, #tpu.memory_space<vmem_shared>>
          tpu.enqueue_indirect_dma source(%dma_start3A_77 : memref<10240x128xf32, #tpu.memory_space<vmem_shared>>) target(%dma_start3A_71 : memref<128x128xf32, #tpu.memory_space<vmem>>) offsets(%dma_start3A_74 : memref<128xi32, #tpu.memory_space<vmem>>) semaphore(%arg12 : memref<!tpu.dma_semaphore, #tpu.memory_space<semaphore_mem>>)
          %dma_wait3A_78 = arith.constant 0 : i32
          %dma_wait3A_79 = arith.constant 0 : i32
          %dma_wait3A_80 = arith.constant 0 : i32
          %dma_wait3A_81 = tpu.memref_slice %arg10[%dma_wait3A_79, %dma_wait3A_80] : memref<128x128xf32, #tpu.memory_space<vmem>> -> memref<128x128xf32, #tpu.memory_space<vmem>>
          %dma_wait3A_82 = arith.constant 0 : i32
          %dma_wait3A_83 = tpu.memref_slice %arg8[%dma_wait3A_78, %dma_wait3A_82] : memref<1x128xi32, #tpu.memory_space<vmem>> -> memref<1x128xi32, #tpu.memory_space<vmem>>
          %dma_wait3A_84 = tpu.memref_squeeze %dma_wait3A_83 : memref<1x128xi32, #tpu.memory_space<vmem>> -> memref<128xi32, #tpu.memory_space<vmem>>
          %dma_wait3A_85 = arith.constant 0 : i32
          %dma_wait3A_86 = arith.constant 0 : i32
          %dma_wait3A_87 = tpu.memref_slice %arg11[%dma_wait3A_85, %dma_wait3A_86] : memref<10240x128xf32, #tpu.memory_space<vmem_shared>> -> memref<10240x128xf32, #tpu.memory_space<vmem_shared>>
          tpu.wait_indirect_dma semaphore(%arg12 : memref<!tpu.dma_semaphore, #tpu.memory_space<semaphore_mem>>) src(%dma_wait3A_87 : memref<10240x128xf32, #tpu.memory_space<vmem_shared>>) dst(%dma_wait3A_81 : memref<128x128xf32, #tpu.memory_space<vmem>>)
          %mul3A_88 = arith.constant 1 : i32
          %mul3A_89 = arith.muli %scan3A_43, %mul3A_88 : i32
          %add3A_90 = arith.addi %mul3A_11, %mul3A_89 : i32
          %mul3A_91 = arith.constant 128 : i32
          %mul3A_92 = arith.muli %add3A_90, %mul3A_91 : i32
          %dma_start3A_93 = arith.constant 0 : i32
          %dma_start3A_94 = tpu.memref_slice %arg5[%mul3A_92, %dma_start3A_93] : memref<327680x128xf32, #tpu.memory_space<hbm>> -> memref<128x128xf32, #tpu.memory_space<hbm>>
          %dma_start3A_95 = arith.constant 0 : i32
          %dma_start3A_96 = tpu.memref_slice %arg5[%mul3A_92, %dma_start3A_95] : memref<327680x128xf32, #tpu.memory_space<hbm>> -> memref<128x128xf32, #tpu.memory_space<hbm>>
          tpu.enqueue_dma source(%arg10 : memref<128x128xf32, #tpu.memory_space<vmem>>) target(%dma_start3A_96 : memref<128x128xf32, #tpu.memory_space<hbm>>) target_semaphore(%arg14 : memref<!tpu.dma_semaphore, #tpu.memory_space<semaphore_mem>>)
          %add3A_97 = arith.constant 2 : i32
          %add3A_98 = arith.addi %scan3A_43, %add3A_97 : i32
          %lt3A = arith.constant 160 : i32
          %lt3A_99 = arith.cmpi slt, %add3A_98, %lt3A : i32
          %convert_element_type3A_100 = arith.extui %lt3A_99 : i1 to i32
          %cond3A_101 = arith.constant 0 : i32
          %cond3A_102 = arith.cmpi ne, %convert_element_type3A_100, %cond3A_101 : i32
          scf.if %cond3A_102 {
            %add3A_103 = arith.constant 2 : i32
            %add3A_104 = arith.addi %scan3A_43, %add3A_103 : i32
            %mul3A_105 = arith.constant 1 : i32
            %mul3A_106 = arith.muli %add3A_104, %mul3A_105 : i32
            %add3A_107 = arith.addi %mul3A_11, %mul3A_106 : i32
            %dma_start3A_108 = arith.constant 0 : i32
            %dma_start3A_109 = tpu.memref_slice %arg3[%add3A_107, %dma_start3A_108] : memref<2560x128xi32, #tpu.memory_space<hbm>> -> memref<1x128xi32, #tpu.memory_space<hbm>>
            %dma_start3A_110 = arith.constant 0 : i32
            %dma_start3A_111 = tpu.memref_slice %arg3[%add3A_107, %dma_start3A_110] : memref<2560x128xi32, #tpu.memory_space<hbm>> -> memref<1x128xi32, #tpu.memory_space<hbm>>
            tpu.enqueue_dma source(%dma_start3A_111 : memref<1x128xi32, #tpu.memory_space<hbm>>) target(%arg8 : memref<1x128xi32, #tpu.memory_space<vmem>>) target_semaphore(%arg16 : memref<!tpu.dma_semaphore, #tpu.memory_space<semaphore_mem>>)
          } else {
          }
        } else {
        }
        %scan3A_56 = arith.constant 0 : i32
        scf.yield %scan3A_56 : i32
      }
      %scan3A_27 = arith.constant 160 : i32
      %add3A_28 = arith.constant 158 : i32
      %add3A_29 = arith.addi %mul3A_11, %add3A_28 : i32
      %mul3A_30 = arith.constant 128 : i32
      %mul3A_31 = arith.muli %add3A_29, %mul3A_30 : i32
      %dma_wait3A = arith.constant 0 : i32
      %dma_wait3A_32 = tpu.memref_slice %arg5[%mul3A_31, %dma_wait3A] : memref<327680x128xf32, #tpu.memory_space<hbm>> -> memref<128x128xf32, #tpu.memory_space<hbm>>
      %dma_wait3A_33 = arith.constant 0 : i32
      %dma_wait3A_34 = tpu.memref_slice %arg5[%mul3A_31, %dma_wait3A_33] : memref<327680x128xf32, #tpu.memory_space<hbm>> -> memref<128x128xf32, #tpu.memory_space<hbm>>
      tpu.wait_dma2 semaphore(%arg13 : memref<!tpu.dma_semaphore, #tpu.memory_space<semaphore_mem>>) src(%arg9 : memref<128x128xf32, #tpu.memory_space<vmem>>) dst(%dma_wait3A_34 : memref<128x128xf32, #tpu.memory_space<hbm>>)
      %add3A_35 = arith.constant 159 : i32
      %add3A_36 = arith.addi %mul3A_11, %add3A_35 : i32
      %mul3A_37 = arith.constant 128 : i32
      %mul3A_38 = arith.muli %add3A_36, %mul3A_37 : i32
      %dma_wait3A_39 = arith.constant 0 : i32
      %dma_wait3A_40 = tpu.memref_slice %arg5[%mul3A_38, %dma_wait3A_39] : memref<327680x128xf32, #tpu.memory_space<hbm>> -> memref<128x128xf32, #tpu.memory_space<hbm>>
      %dma_wait3A_41 = arith.constant 0 : i32
      %dma_wait3A_42 = tpu.memref_slice %arg5[%mul3A_38, %dma_wait3A_41] : memref<327680x128xf32, #tpu.memory_space<hbm>> -> memref<128x128xf32, #tpu.memory_space<hbm>>
      tpu.wait_dma2 semaphore(%arg14 : memref<!tpu.dma_semaphore, #tpu.memory_space<semaphore_mem>>) src(%arg10 : memref<128x128xf32, #tpu.memory_space<vmem>>) dst(%dma_wait3A_42 : memref<128x128xf32, #tpu.memory_space<hbm>>)
    } else {
    }
    %eq3A_5 = arith.constant 1 : i32
    %eq3A_6 = arith.cmpi eq, %arg0, %eq3A_5 : i32
    %convert_element_type3A_7 = arith.extui %eq3A_6 : i1 to i32
    %cond3A_8 = arith.constant 0 : i32
    %cond3A_9 = arith.cmpi ne, %convert_element_type3A_7, %cond3A_8 : i32
    scf.if %cond3A_9 {
      %mul3A_10 = arith.constant 160 : i32
      %mul3A_11 = arith.muli %arg1, %mul3A_10 : i32
      %add3A = arith.constant 0 : i32
      %add3A_12 = arith.addi %mul3A_11, %add3A : i32
      %dma_start3A = arith.constant 0 : i32
      %dma_start3A_13 = tpu.memref_slice %arg4[%add3A_12, %dma_start3A] : memref<2560x128xi32, #tpu.memory_space<hbm>> -> memref<1x128xi32, #tpu.memory_space<hbm>>
      %dma_start3A_14 = arith.constant 0 : i32
      %dma_start3A_15 = tpu.memref_slice %arg4[%add3A_12, %dma_start3A_14] : memref<2560x128xi32, #tpu.memory_space<hbm>> -> memref<1x128xi32, #tpu.memory_space<hbm>>
      tpu.enqueue_dma source(%dma_start3A_15 : memref<1x128xi32, #tpu.memory_space<hbm>>) target(%arg7 : memref<1x128xi32, #tpu.memory_space<vmem>>) target_semaphore(%arg15 : memref<!tpu.dma_semaphore, #tpu.memory_space<semaphore_mem>>)
      %add3A_16 = arith.constant 1 : i32
      %add3A_17 = arith.addi %mul3A_11, %add3A_16 : i32
      %dma_start3A_18 = arith.constant 0 : i32
      %dma_start3A_19 = tpu.memref_slice %arg4[%add3A_17, %dma_start3A_18] : memref<2560x128xi32, #tpu.memory_space<hbm>> -> memref<1x128xi32, #tpu.memory_space<hbm>>
      %dma_start3A_20 = arith.constant 0 : i32
      %dma_start3A_21 = tpu.memref_slice %arg4[%add3A_17, %dma_start3A_20] : memref<2560x128xi32, #tpu.memory_space<hbm>> -> memref<1x128xi32, #tpu.memory_space<hbm>>
      tpu.enqueue_dma source(%dma_start3A_21 : memref<1x128xi32, #tpu.memory_space<hbm>>) target(%arg8 : memref<1x128xi32, #tpu.memory_space<vmem>>) target_semaphore(%arg16 : memref<!tpu.dma_semaphore, #tpu.memory_space<semaphore_mem>>)
      %scan3A = arith.constant 0 : i32
      %scan3A_22 = arith.constant 0 : i32
      %scan3A_23 = arith.constant 160 : i32
      %scan3A_24 = arith.addi %scan3A_22, %scan3A_23 : i32
      %scan3A_25 = arith.constant 1 : i32
      %scan3A_26 = scf.for %scan3A_43 = %scan3A_22 to %scan3A_24 step %scan3A_25 iter_args(%scan3A_44 = %scan3A) -> (i32)  : i32 {
        %rem3A = arith.constant 2 : i32
        %rem3A_45 = arith.remsi %scan3A_43, %rem3A : i32
        %eq3A_46 = arith.constant 0 : i32
        %eq3A_47 = arith.cmpi eq, %rem3A_45, %eq3A_46 : i32
        %convert_element_type3A_48 = arith.extui %eq3A_47 : i1 to i32
        %cond3A_49 = arith.constant 0 : i32
        %cond3A_50 = arith.cmpi ne, %convert_element_type3A_48, %cond3A_49 : i32
        scf.if %cond3A_50 {
          %ge3A = arith.constant 2 : i32
          %ge3A_57 = arith.cmpi sge, %scan3A_43, %ge3A : i32
          %convert_element_type3A_58 = arith.extui %ge3A_57 : i1 to i32
          %cond3A_59 = arith.constant 0 : i32
          %cond3A_60 = arith.cmpi ne, %convert_element_type3A_58, %cond3A_59 : i32
          scf.if %cond3A_60 {
            %mul3A_103 = arith.constant 1 : i32
            %mul3A_104 = arith.muli %scan3A_43, %mul3A_103 : i32
            %add3A_105 = arith.addi %mul3A_11, %mul3A_104 : i32
            %mul3A_106 = arith.constant 128 : i32
            %mul3A_107 = arith.muli %add3A_105, %mul3A_106 : i32
            %dma_wait3A_108 = arith.constant 0 : i32
            %dma_wait3A_109 = tpu.memref_slice %arg6[%mul3A_107, %dma_wait3A_108] : memref<327680x128xf32, #tpu.memory_space<hbm>> -> memref<128x128xf32, #tpu.memory_space<hbm>>
            %dma_wait3A_110 = arith.constant 0 : i32
            %dma_wait3A_111 = tpu.memref_slice %arg6[%mul3A_107, %dma_wait3A_110] : memref<327680x128xf32, #tpu.memory_space<hbm>> -> memref<128x128xf32, #tpu.memory_space<hbm>>
            tpu.wait_dma2 semaphore(%arg13 : memref<!tpu.dma_semaphore, #tpu.memory_space<semaphore_mem>>) src(%arg9 : memref<128x128xf32, #tpu.memory_space<vmem>>) dst(%dma_wait3A_111 : memref<128x128xf32, #tpu.memory_space<hbm>>)
          } else {
          }
          %mul3A_61 = arith.constant 1 : i32
          %mul3A_62 = arith.muli %scan3A_43, %mul3A_61 : i32
          %add3A_63 = arith.addi %mul3A_11, %mul3A_62 : i32
          %dma_wait3A_64 = arith.constant 0 : i32
          %dma_wait3A_65 = tpu.memref_slice %arg4[%add3A_63, %dma_wait3A_64] : memref<2560x128xi32, #tpu.memory_space<hbm>> -> memref<1x128xi32, #tpu.memory_space<hbm>>
          %dma_wait3A_66 = arith.constant 0 : i32
          %dma_wait3A_67 = tpu.memref_slice %arg4[%add3A_63, %dma_wait3A_66] : memref<2560x128xi32, #tpu.memory_space<hbm>> -> memref<1x128xi32, #tpu.memory_space<hbm>>
          tpu.wait_dma2 semaphore(%arg15 : memref<!tpu.dma_semaphore, #tpu.memory_space<semaphore_mem>>) src(%dma_wait3A_67 : memref<1x128xi32, #tpu.memory_space<hbm>>) dst(%arg7 : memref<1x128xi32, #tpu.memory_space<vmem>>)
          %dma_start3A_68 = arith.constant 0 : i32
          %dma_start3A_69 = arith.constant 0 : i32
          %dma_start3A_70 = arith.constant 0 : i32
          %dma_start3A_71 = tpu.memref_slice %arg9[%dma_start3A_69, %dma_start3A_70] : memref<128x128xf32, #tpu.memory_space<vmem>> -> memref<128x128xf32, #tpu.memory_space<vmem>>
          %dma_start3A_72 = arith.constant 0 : i32
          %dma_start3A_73 = tpu.memref_slice %arg7[%dma_start3A_68, %dma_start3A_72] : memref<1x128xi32, #tpu.memory_space<vmem>> -> memref<1x128xi32, #tpu.memory_space<vmem>>
          %dma_start3A_74 = tpu.memref_squeeze %dma_start3A_73 : memref<1x128xi32, #tpu.memory_space<vmem>> -> memref<128xi32, #tpu.memory_space<vmem>>
          %dma_start3A_75 = arith.constant 0 : i32
          %dma_start3A_76 = arith.constant 0 : i32
          %dma_start3A_77 = tpu.memref_slice %arg11[%dma_start3A_75, %dma_start3A_76] : memref<10240x128xf32, #tpu.memory_space<vmem_shared>> -> memref<10240x128xf32, #tpu.memory_space<vmem_shared>>
          tpu.enqueue_indirect_dma source(%dma_start3A_77 : memref<10240x128xf32, #tpu.memory_space<vmem_shared>>) target(%dma_start3A_71 : memref<128x128xf32, #tpu.memory_space<vmem>>) offsets(%dma_start3A_74 : memref<128xi32, #tpu.memory_space<vmem>>) semaphore(%arg12 : memref<!tpu.dma_semaphore, #tpu.memory_space<semaphore_mem>>)
          %dma_wait3A_78 = arith.constant 0 : i32
          %dma_wait3A_79 = arith.constant 0 : i32
          %dma_wait3A_80 = arith.constant 0 : i32
          %dma_wait3A_81 = tpu.memref_slice %arg9[%dma_wait3A_79, %dma_wait3A_80] : memref<128x128xf32, #tpu.memory_space<vmem>> -> memref<128x128xf32, #tpu.memory_space<vmem>>
          %dma_wait3A_82 = arith.constant 0 : i32
          %dma_wait3A_83 = tpu.memref_slice %arg7[%dma_wait3A_78, %dma_wait3A_82] : memref<1x128xi32, #tpu.memory_space<vmem>> -> memref<1x128xi32, #tpu.memory_space<vmem>>
          %dma_wait3A_84 = tpu.memref_squeeze %dma_wait3A_83 : memref<1x128xi32, #tpu.memory_space<vmem>> -> memref<128xi32, #tpu.memory_space<vmem>>
          %dma_wait3A_85 = arith.constant 0 : i32
          %dma_wait3A_86 = arith.constant 0 : i32
          %dma_wait3A_87 = tpu.memref_slice %arg11[%dma_wait3A_85, %dma_wait3A_86] : memref<10240x128xf32, #tpu.memory_space<vmem_shared>> -> memref<10240x128xf32, #tpu.memory_space<vmem_shared>>
          tpu.wait_indirect_dma semaphore(%arg12 : memref<!tpu.dma_semaphore, #tpu.memory_space<semaphore_mem>>) src(%dma_wait3A_87 : memref<10240x128xf32, #tpu.memory_space<vmem_shared>>) dst(%dma_wait3A_81 : memref<128x128xf32, #tpu.memory_space<vmem>>)
          %mul3A_88 = arith.constant 1 : i32
          %mul3A_89 = arith.muli %scan3A_43, %mul3A_88 : i32
          %add3A_90 = arith.addi %mul3A_11, %mul3A_89 : i32
          %mul3A_91 = arith.constant 128 : i32
          %mul3A_92 = arith.muli %add3A_90, %mul3A_91 : i32
          %dma_start3A_93 = arith.constant 0 : i32
          %dma_start3A_94 = tpu.memref_slice %arg6[%mul3A_92, %dma_start3A_93] : memref<327680x128xf32, #tpu.memory_space<hbm>> -> memref<128x128xf32, #tpu.memory_space<hbm>>
          %dma_start3A_95 = arith.constant 0 : i32
          %dma_start3A_96 = tpu.memref_slice %arg6[%mul3A_92, %dma_start3A_95] : memref<327680x128xf32, #tpu.memory_space<hbm>> -> memref<128x128xf32, #tpu.memory_space<hbm>>
          tpu.enqueue_dma source(%arg9 : memref<128x128xf32, #tpu.memory_space<vmem>>) target(%dma_start3A_96 : memref<128x128xf32, #tpu.memory_space<hbm>>) target_semaphore(%arg13 : memref<!tpu.dma_semaphore, #tpu.memory_space<semaphore_mem>>)
          %add3A_97 = arith.constant 2 : i32
          %add3A_98 = arith.addi %scan3A_43, %add3A_97 : i32
          %lt3A = arith.constant 160 : i32
          %lt3A_99 = arith.cmpi slt, %add3A_98, %lt3A : i32
          %convert_element_type3A_100 = arith.extui %lt3A_99 : i1 to i32
          %cond3A_101 = arith.constant 0 : i32
          %cond3A_102 = arith.cmpi ne, %convert_element_type3A_100, %cond3A_101 : i32
          scf.if %cond3A_102 {
            %add3A_103 = arith.constant 2 : i32
            %add3A_104 = arith.addi %scan3A_43, %add3A_103 : i32
            %mul3A_105 = arith.constant 1 : i32
            %mul3A_106 = arith.muli %add3A_104, %mul3A_105 : i32
            %add3A_107 = arith.addi %mul3A_11, %mul3A_106 : i32
            %dma_start3A_108 = arith.constant 0 : i32
            %dma_start3A_109 = tpu.memref_slice %arg4[%add3A_107, %dma_start3A_108] : memref<2560x128xi32, #tpu.memory_space<hbm>> -> memref<1x128xi32, #tpu.memory_space<hbm>>
            %dma_start3A_110 = arith.constant 0 : i32
            %dma_start3A_111 = tpu.memref_slice %arg4[%add3A_107, %dma_start3A_110] : memref<2560x128xi32, #tpu.memory_space<hbm>> -> memref<1x128xi32, #tpu.memory_space<hbm>>
            tpu.enqueue_dma source(%dma_start3A_111 : memref<1x128xi32, #tpu.memory_space<hbm>>) target(%arg7 : memref<1x128xi32, #tpu.memory_space<vmem>>) target_semaphore(%arg15 : memref<!tpu.dma_semaphore, #tpu.memory_space<semaphore_mem>>)
          } else {
          }
        } else {
        }
        %eq3A_51 = arith.constant 1 : i32
        %eq3A_52 = arith.cmpi eq, %rem3A_45, %eq3A_51 : i32
        %convert_element_type3A_53 = arith.extui %eq3A_52 : i1 to i32
        %cond3A_54 = arith.constant 0 : i32
        %cond3A_55 = arith.cmpi ne, %convert_element_type3A_53, %cond3A_54 : i32
        scf.if %cond3A_55 {
          %ge3A = arith.constant 2 : i32
          %ge3A_57 = arith.cmpi sge, %scan3A_43, %ge3A : i32
          %convert_element_type3A_58 = arith.extui %ge3A_57 : i1 to i32
          %cond3A_59 = arith.constant 0 : i32
          %cond3A_60 = arith.cmpi ne, %convert_element_type3A_58, %cond3A_59 : i32
          scf.if %cond3A_60 {
            %mul3A_103 = arith.constant 1 : i32
            %mul3A_104 = arith.muli %scan3A_43, %mul3A_103 : i32
            %add3A_105 = arith.addi %mul3A_11, %mul3A_104 : i32
            %mul3A_106 = arith.constant 128 : i32
            %mul3A_107 = arith.muli %add3A_105, %mul3A_106 : i32
            %dma_wait3A_108 = arith.constant 0 : i32
            %dma_wait3A_109 = tpu.memref_slice %arg6[%mul3A_107, %dma_wait3A_108] : memref<327680x128xf32, #tpu.memory_space<hbm>> -> memref<128x128xf32, #tpu.memory_space<hbm>>
            %dma_wait3A_110 = arith.constant 0 : i32
            %dma_wait3A_111 = tpu.memref_slice %arg6[%mul3A_107, %dma_wait3A_110] : memref<327680x128xf32, #tpu.memory_space<hbm>> -> memref<128x128xf32, #tpu.memory_space<hbm>>
            tpu.wait_dma2 semaphore(%arg14 : memref<!tpu.dma_semaphore, #tpu.memory_space<semaphore_mem>>) src(%arg10 : memref<128x128xf32, #tpu.memory_space<vmem>>) dst(%dma_wait3A_111 : memref<128x128xf32, #tpu.memory_space<hbm>>)
          } else {
          }
          %mul3A_61 = arith.constant 1 : i32
          %mul3A_62 = arith.muli %scan3A_43, %mul3A_61 : i32
          %add3A_63 = arith.addi %mul3A_11, %mul3A_62 : i32
          %dma_wait3A_64 = arith.constant 0 : i32
          %dma_wait3A_65 = tpu.memref_slice %arg4[%add3A_63, %dma_wait3A_64] : memref<2560x128xi32, #tpu.memory_space<hbm>> -> memref<1x128xi32, #tpu.memory_space<hbm>>
          %dma_wait3A_66 = arith.constant 0 : i32
          %dma_wait3A_67 = tpu.memref_slice %arg4[%add3A_63, %dma_wait3A_66] : memref<2560x128xi32, #tpu.memory_space<hbm>> -> memref<1x128xi32, #tpu.memory_space<hbm>>
          tpu.wait_dma2 semaphore(%arg16 : memref<!tpu.dma_semaphore, #tpu.memory_space<semaphore_mem>>) src(%dma_wait3A_67 : memref<1x128xi32, #tpu.memory_space<hbm>>) dst(%arg8 : memref<1x128xi32, #tpu.memory_space<vmem>>)
          %dma_start3A_68 = arith.constant 0 : i32
          %dma_start3A_69 = arith.constant 0 : i32
          %dma_start3A_70 = arith.constant 0 : i32
          %dma_start3A_71 = tpu.memref_slice %arg10[%dma_start3A_69, %dma_start3A_70] : memref<128x128xf32, #tpu.memory_space<vmem>> -> memref<128x128xf32, #tpu.memory_space<vmem>>
          %dma_start3A_72 = arith.constant 0 : i32
          %dma_start3A_73 = tpu.memref_slice %arg8[%dma_start3A_68, %dma_start3A_72] : memref<1x128xi32, #tpu.memory_space<vmem>> -> memref<1x128xi32, #tpu.memory_space<vmem>>
          %dma_start3A_74 = tpu.memref_squeeze %dma_start3A_73 : memref<1x128xi32, #tpu.memory_space<vmem>> -> memref<128xi32, #tpu.memory_space<vmem>>
          %dma_start3A_75 = arith.constant 0 : i32
          %dma_start3A_76 = arith.constant 0 : i32
          %dma_start3A_77 = tpu.memref_slice %arg11[%dma_start3A_75, %dma_start3A_76] : memref<10240x128xf32, #tpu.memory_space<vmem_shared>> -> memref<10240x128xf32, #tpu.memory_space<vmem_shared>>
          tpu.enqueue_indirect_dma source(%dma_start3A_77 : memref<10240x128xf32, #tpu.memory_space<vmem_shared>>) target(%dma_start3A_71 : memref<128x128xf32, #tpu.memory_space<vmem>>) offsets(%dma_start3A_74 : memref<128xi32, #tpu.memory_space<vmem>>) semaphore(%arg12 : memref<!tpu.dma_semaphore, #tpu.memory_space<semaphore_mem>>)
          %dma_wait3A_78 = arith.constant 0 : i32
          %dma_wait3A_79 = arith.constant 0 : i32
          %dma_wait3A_80 = arith.constant 0 : i32
          %dma_wait3A_81 = tpu.memref_slice %arg10[%dma_wait3A_79, %dma_wait3A_80] : memref<128x128xf32, #tpu.memory_space<vmem>> -> memref<128x128xf32, #tpu.memory_space<vmem>>
          %dma_wait3A_82 = arith.constant 0 : i32
          %dma_wait3A_83 = tpu.memref_slice %arg8[%dma_wait3A_78, %dma_wait3A_82] : memref<1x128xi32, #tpu.memory_space<vmem>> -> memref<1x128xi32, #tpu.memory_space<vmem>>
          %dma_wait3A_84 = tpu.memref_squeeze %dma_wait3A_83 : memref<1x128xi32, #tpu.memory_space<vmem>> -> memref<128xi32, #tpu.memory_space<vmem>>
          %dma_wait3A_85 = arith.constant 0 : i32
          %dma_wait3A_86 = arith.constant 0 : i32
          %dma_wait3A_87 = tpu.memref_slice %arg11[%dma_wait3A_85, %dma_wait3A_86] : memref<10240x128xf32, #tpu.memory_space<vmem_shared>> -> memref<10240x128xf32, #tpu.memory_space<vmem_shared>>
          tpu.wait_indirect_dma semaphore(%arg12 : memref<!tpu.dma_semaphore, #tpu.memory_space<semaphore_mem>>) src(%dma_wait3A_87 : memref<10240x128xf32, #tpu.memory_space<vmem_shared>>) dst(%dma_wait3A_81 : memref<128x128xf32, #tpu.memory_space<vmem>>)
          %mul3A_88 = arith.constant 1 : i32
          %mul3A_89 = arith.muli %scan3A_43, %mul3A_88 : i32
          %add3A_90 = arith.addi %mul3A_11, %mul3A_89 : i32
          %mul3A_91 = arith.constant 128 : i32
          %mul3A_92 = arith.muli %add3A_90, %mul3A_91 : i32
          %dma_start3A_93 = arith.constant 0 : i32
          %dma_start3A_94 = tpu.memref_slice %arg6[%mul3A_92, %dma_start3A_93] : memref<327680x128xf32, #tpu.memory_space<hbm>> -> memref<128x128xf32, #tpu.memory_space<hbm>>
          %dma_start3A_95 = arith.constant 0 : i32
          %dma_start3A_96 = tpu.memref_slice %arg6[%mul3A_92, %dma_start3A_95] : memref<327680x128xf32, #tpu.memory_space<hbm>> -> memref<128x128xf32, #tpu.memory_space<hbm>>
          tpu.enqueue_dma source(%arg10 : memref<128x128xf32, #tpu.memory_space<vmem>>) target(%dma_start3A_96 : memref<128x128xf32, #tpu.memory_space<hbm>>) target_semaphore(%arg14 : memref<!tpu.dma_semaphore, #tpu.memory_space<semaphore_mem>>)
          %add3A_97 = arith.constant 2 : i32
          %add3A_98 = arith.addi %scan3A_43, %add3A_97 : i32
          %lt3A = arith.constant 160 : i32
          %lt3A_99 = arith.cmpi slt, %add3A_98, %lt3A : i32
          %convert_element_type3A_100 = arith.extui %lt3A_99 : i1 to i32
          %cond3A_101 = arith.constant 0 : i32
          %cond3A_102 = arith.cmpi ne, %convert_element_type3A_100, %cond3A_101 : i32
          scf.if %cond3A_102 {
            %add3A_103 = arith.constant 2 : i32
            %add3A_104 = arith.addi %scan3A_43, %add3A_103 : i32
            %mul3A_105 = arith.constant 1 : i32
            %mul3A_106 = arith.muli %add3A_104, %mul3A_105 : i32
            %add3A_107 = arith.addi %mul3A_11, %mul3A_106 : i32
            %dma_start3A_108 = arith.constant 0 : i32
            %dma_start3A_109 = tpu.memref_slice %arg4[%add3A_107, %dma_start3A_108] : memref<2560x128xi32, #tpu.memory_space<hbm>> -> memref<1x128xi32, #tpu.memory_space<hbm>>
            %dma_start3A_110 = arith.constant 0 : i32
            %dma_start3A_111 = tpu.memref_slice %arg4[%add3A_107, %dma_start3A_110] : memref<2560x128xi32, #tpu.memory_space<hbm>> -> memref<1x128xi32, #tpu.memory_space<hbm>>
            tpu.enqueue_dma source(%dma_start3A_111 : memref<1x128xi32, #tpu.memory_space<hbm>>) target(%arg8 : memref<1x128xi32, #tpu.memory_space<vmem>>) target_semaphore(%arg16 : memref<!tpu.dma_semaphore, #tpu.memory_space<semaphore_mem>>)
          } else {
          }
        } else {
        }
        %scan3A_56 = arith.constant 0 : i32
        scf.yield %scan3A_56 : i32
      }
      %scan3A_27 = arith.constant 160 : i32
      %add3A_28 = arith.constant 158 : i32
      %add3A_29 = arith.addi %mul3A_11, %add3A_28 : i32
      %mul3A_30 = arith.constant 128 : i32
      %mul3A_31 = arith.muli %add3A_29, %mul3A_30 : i32
      %dma_wait3A = arith.constant 0 : i32
      %dma_wait3A_32 = tpu.memref_slice %arg6[%mul3A_31, %dma_wait3A] : memref<327680x128xf32, #tpu.memory_space<hbm>> -> memref<128x128xf32, #tpu.memory_space<hbm>>
      %dma_wait3A_33 = arith.constant 0 : i32
      %dma_wait3A_34 = tpu.memref_slice %arg6[%mul3A_31, %dma_wait3A_33] : memref<327680x128xf32, #tpu.memory_space<hbm>> -> memref<128x128xf32, #tpu.memory_space<hbm>>
      tpu.wait_dma2 semaphore(%arg13 : memref<!tpu.dma_semaphore, #tpu.memory_space<semaphore_mem>>) src(%arg9 : memref<128x128xf32, #tpu.memory_space<vmem>>) dst(%dma_wait3A_34 : memref<128x128xf32, #tpu.memory_space<hbm>>)
      %add3A_35 = arith.constant 159 : i32
      %add3A_36 = arith.addi %mul3A_11, %add3A_35 : i32
      %mul3A_37 = arith.constant 128 : i32
      %mul3A_38 = arith.muli %add3A_36, %mul3A_37 : i32
      %dma_wait3A_39 = arith.constant 0 : i32
      %dma_wait3A_40 = tpu.memref_slice %arg6[%mul3A_38, %dma_wait3A_39] : memref<327680x128xf32, #tpu.memory_space<hbm>> -> memref<128x128xf32, #tpu.memory_space<hbm>>
      %dma_wait3A_41 = arith.constant 0 : i32
      %dma_wait3A_42 = tpu.memref_slice %arg6[%mul3A_38, %dma_wait3A_41] : memref<327680x128xf32, #tpu.memory_space<hbm>> -> memref<128x128xf32, #tpu.memory_space<hbm>>
      tpu.wait_dma2 semaphore(%arg14 : memref<!tpu.dma_semaphore, #tpu.memory_space<semaphore_mem>>) src(%arg10 : memref<128x128xf32, #tpu.memory_space<vmem>>) dst(%dma_wait3A_42 : memref<128x128xf32, #tpu.memory_space<hbm>>)
    } else {
    }
    return
  }
}

#map = affine_map<(d0, d1) -> (0, 0)>
module attributes {stable_mosaic.version = 14 : i64} {
  func.func @_scatter_sc_body(%arg0: i32, %arg1: i32, %arg2: memref<327680x128xf32, #tpu.memory_space<hbm>>, %arg3: memref<2560x128xi32, #tpu.memory_space<hbm>>, %arg4: memref<640x128xf32, #tpu.memory_space<hbm>>, %arg5: memref<10240x128xf32, #tpu.memory_space<hbm>>, %arg6: memref<10240x128xf32, #tpu.memory_space<hbm>>, %arg7: memref<1x128xi32, #tpu.memory_space<vmem>>, %arg8: memref<1x128xi32, #tpu.memory_space<vmem>>, %arg9: memref<128x128xf32, #tpu.memory_space<vmem>>, %arg10: memref<128x128xf32, #tpu.memory_space<vmem>>, %arg11: memref<10240x128xf32, #tpu.memory_space<vmem_shared>>, %arg12: memref<!tpu.dma_semaphore, #tpu.memory_space<semaphore_mem>>, %arg13: memref<!tpu.dma_semaphore, #tpu.memory_space<semaphore_mem>>, %arg14: memref<!tpu.dma_semaphore, #tpu.memory_space<semaphore_mem>>, %arg15: memref<!tpu.dma_semaphore, #tpu.memory_space<semaphore_mem>>) attributes {dimension_semantics = [#tpu.dimension_semantics<core_parallel>, #tpu.dimension_semantics<subcore_parallel>], iteration_bounds = array<i64: 2, 16>, scalar_prefetch = 0 : i64, scratch_operands = 9 : i64, tpu.core_type = #tpu.core_type<sc_vector_subcore>, window_params = [{transform_indices = #map}, {transform_indices = #map}, {transform_indices = #map}, {transform_indices = #map}, {transform_indices = #map}]} {
    %eq3A = arith.constant 0 : i32
    %eq3A_0 = arith.cmpi eq, %arg0, %eq3A : i32
    %convert_element_type3A = arith.extui %eq3A_0 : i1 to i32
    %cond3A = arith.constant 0 : i32
    %cond3A_1 = arith.cmpi ne, %convert_element_type3A, %cond3A : i32
    scf.if %cond3A_1 {
      %mul3A = arith.constant 16 : i32
      %mul3A_7 = arith.muli %arg0, %mul3A : i32
      %add3A = arith.addi %mul3A_7, %arg1 : i32
      %mul3A_8 = arith.constant 80 : i32
      %mul3A_9 = arith.muli %add3A, %mul3A_8 : i32
      %add3A_10 = arith.constant 0 : i32
      %add3A_11 = arith.addi %mul3A_9, %add3A_10 : i32
      %dma_start3A = arith.constant 0 : i32
      %dma_start3A_12 = tpu.memref_slice %arg3[%add3A_11, %dma_start3A] : memref<2560x128xi32, #tpu.memory_space<hbm>> -> memref<1x128xi32, #tpu.memory_space<hbm>>
      %dma_start3A_13 = arith.constant 0 : i32
      %dma_start3A_14 = tpu.memref_slice %arg3[%add3A_11, %dma_start3A_13] : memref<2560x128xi32, #tpu.memory_space<hbm>> -> memref<1x128xi32, #tpu.memory_space<hbm>>
      tpu.enqueue_dma source(%dma_start3A_14 : memref<1x128xi32, #tpu.memory_space<hbm>>) target(%arg7 : memref<1x128xi32, #tpu.memory_space<vmem>>) target_semaphore(%arg12 : memref<!tpu.dma_semaphore, #tpu.memory_space<semaphore_mem>>)
      %add3A_15 = arith.constant 0 : i32
      %add3A_16 = arith.addi %mul3A_9, %add3A_15 : i32
      %mul3A_17 = arith.constant 128 : i32
      %mul3A_18 = arith.muli %add3A_16, %mul3A_17 : i32
      %dma_start3A_19 = arith.constant 0 : i32
      %dma_start3A_20 = tpu.memref_slice %arg2[%mul3A_18, %dma_start3A_19] : memref<327680x128xf32, #tpu.memory_space<hbm>> -> memref<128x128xf32, #tpu.memory_space<hbm>>
      %dma_start3A_21 = arith.constant 0 : i32
      %dma_start3A_22 = tpu.memref_slice %arg2[%mul3A_18, %dma_start3A_21] : memref<327680x128xf32, #tpu.memory_space<hbm>> -> memref<128x128xf32, #tpu.memory_space<hbm>>
      tpu.enqueue_dma source(%dma_start3A_22 : memref<128x128xf32, #tpu.memory_space<hbm>>) target(%arg9 : memref<128x128xf32, #tpu.memory_space<vmem>>) target_semaphore(%arg14 : memref<!tpu.dma_semaphore, #tpu.memory_space<semaphore_mem>>)
      %add3A_23 = arith.constant 1 : i32
      %add3A_24 = arith.addi %mul3A_9, %add3A_23 : i32
      %dma_start3A_25 = arith.constant 0 : i32
      %dma_start3A_26 = tpu.memref_slice %arg3[%add3A_24, %dma_start3A_25] : memref<2560x128xi32, #tpu.memory_space<hbm>> -> memref<1x128xi32, #tpu.memory_space<hbm>>
      %dma_start3A_27 = arith.constant 0 : i32
      %dma_start3A_28 = tpu.memref_slice %arg3[%add3A_24, %dma_start3A_27] : memref<2560x128xi32, #tpu.memory_space<hbm>> -> memref<1x128xi32, #tpu.memory_space<hbm>>
      tpu.enqueue_dma source(%dma_start3A_28 : memref<1x128xi32, #tpu.memory_space<hbm>>) target(%arg8 : memref<1x128xi32, #tpu.memory_space<vmem>>) target_semaphore(%arg13 : memref<!tpu.dma_semaphore, #tpu.memory_space<semaphore_mem>>)
      %add3A_29 = arith.constant 1 : i32
      %add3A_30 = arith.addi %mul3A_9, %add3A_29 : i32
      %mul3A_31 = arith.constant 128 : i32
      %mul3A_32 = arith.muli %add3A_30, %mul3A_31 : i32
      %dma_start3A_33 = arith.constant 0 : i32
      %dma_start3A_34 = tpu.memref_slice %arg2[%mul3A_32, %dma_start3A_33] : memref<327680x128xf32, #tpu.memory_space<hbm>> -> memref<128x128xf32, #tpu.memory_space<hbm>>
      %dma_start3A_35 = arith.constant 0 : i32
      %dma_start3A_36 = tpu.memref_slice %arg2[%mul3A_32, %dma_start3A_35] : memref<327680x128xf32, #tpu.memory_space<hbm>> -> memref<128x128xf32, #tpu.memory_space<hbm>>
      tpu.enqueue_dma source(%dma_start3A_36 : memref<128x128xf32, #tpu.memory_space<hbm>>) target(%arg10 : memref<128x128xf32, #tpu.memory_space<vmem>>) target_semaphore(%arg15 : memref<!tpu.dma_semaphore, #tpu.memory_space<semaphore_mem>>)
      %mul3A_37 = arith.constant 640 : i32
      %mul3A_38 = arith.muli %arg1, %mul3A_37 : i32
      "tpu.region"() ({
        %run_scoped3A = tpu.sem_alloc : memref<!tpu.dma_semaphore, #tpu.memory_space<semaphore_mem>>
        %dma_start3A_50 = arith.constant 0 : i32
        %dma_start3A_51 = tpu.memref_slice %arg11[%mul3A_38, %dma_start3A_50] : memref<10240x128xf32, #tpu.memory_space<vmem_shared>> -> memref<640x128xf32, #tpu.memory_space<vmem_shared>>
        tpu.enqueue_dma source(%arg4 : memref<640x128xf32, #tpu.memory_space<hbm>>) target(%dma_start3A_51 : memref<640x128xf32, #tpu.memory_space<vmem_shared>>) target_semaphore(%run_scoped3A : memref<!tpu.dma_semaphore, #tpu.memory_space<semaphore_mem>>)
        %dma_wait3A = arith.constant 0 : i32
        %dma_wait3A_52 = tpu.memref_slice %arg11[%mul3A_38, %dma_wait3A] : memref<10240x128xf32, #tpu.memory_space<vmem_shared>> -> memref<640x128xf32, #tpu.memory_space<vmem_shared>>
        tpu.wait_dma2 semaphore(%run_scoped3A : memref<!tpu.dma_semaphore, #tpu.memory_space<semaphore_mem>>) src(%arg4 : memref<640x128xf32, #tpu.memory_space<hbm>>) dst(%dma_wait3A_52 : memref<640x128xf32, #tpu.memory_space<vmem_shared>>)
        tpu.yield
      }) : () -> ()
      %barrier3A = arith.constant 0 : index
      tpu.barrier barrier_id(%barrier3A)
      %scan3A = arith.constant 0 : i32
      %scan3A_39 = arith.constant 0 : i32
      %scan3A_40 = arith.constant 80 : i32
      %scan3A_41 = arith.addi %scan3A_39, %scan3A_40 : i32
      %scan3A_42 = arith.constant 1 : i32
      %scan3A_43 = scf.for %scan3A_50 = %scan3A_39 to %scan3A_41 step %scan3A_42 iter_args(%scan3A_51 = %scan3A) -> (i32)  : i32 {
        %rem3A = arith.constant 2 : i32
        %rem3A_52 = arith.remsi %scan3A_50, %rem3A : i32
        %eq3A_53 = arith.constant 0 : i32
        %eq3A_54 = arith.cmpi eq, %rem3A_52, %eq3A_53 : i32
        %convert_element_type3A_55 = arith.extui %eq3A_54 : i1 to i32
        %cond3A_56 = arith.constant 0 : i32
        %cond3A_57 = arith.cmpi ne, %convert_element_type3A_55, %cond3A_56 : i32
        scf.if %cond3A_57 {
          %add3A_64 = arith.addi %mul3A_9, %scan3A_50 : i32
          %dma_wait3A = arith.constant 0 : i32
          %dma_wait3A_65 = tpu.memref_slice %arg3[%add3A_64, %dma_wait3A] : memref<2560x128xi32, #tpu.memory_space<hbm>> -> memref<1x128xi32, #tpu.memory_space<hbm>>
          %dma_wait3A_66 = arith.constant 0 : i32
          %dma_wait3A_67 = tpu.memref_slice %arg3[%add3A_64, %dma_wait3A_66] : memref<2560x128xi32, #tpu.memory_space<hbm>> -> memref<1x128xi32, #tpu.memory_space<hbm>>
          tpu.wait_dma2 semaphore(%arg12 : memref<!tpu.dma_semaphore, #tpu.memory_space<semaphore_mem>>) src(%dma_wait3A_67 : memref<1x128xi32, #tpu.memory_space<hbm>>) dst(%arg7 : memref<1x128xi32, #tpu.memory_space<vmem>>)
          %add3A_68 = arith.addi %mul3A_9, %scan3A_50 : i32
          %mul3A_69 = arith.constant 128 : i32
          %mul3A_70 = arith.muli %add3A_68, %mul3A_69 : i32
          %dma_wait3A_71 = arith.constant 0 : i32
          %dma_wait3A_72 = tpu.memref_slice %arg2[%mul3A_70, %dma_wait3A_71] : memref<327680x128xf32, #tpu.memory_space<hbm>> -> memref<128x128xf32, #tpu.memory_space<hbm>>
          %dma_wait3A_73 = arith.constant 0 : i32
          %dma_wait3A_74 = tpu.memref_slice %arg2[%mul3A_70, %dma_wait3A_73] : memref<327680x128xf32, #tpu.memory_space<hbm>> -> memref<128x128xf32, #tpu.memory_space<hbm>>
          tpu.wait_dma2 semaphore(%arg14 : memref<!tpu.dma_semaphore, #tpu.memory_space<semaphore_mem>>) src(%dma_wait3A_74 : memref<128x128xf32, #tpu.memory_space<hbm>>) dst(%arg9 : memref<128x128xf32, #tpu.memory_space<vmem>>)
          %run_scoped3A = arith.constant 0 : i32
          "tpu.region"() ({
            %run_scoped3A_81 = tpu.sem_alloc : memref<!tpu.dma_semaphore, #tpu.memory_space<semaphore_mem>>
            %dma_start3A_82 = arith.constant 0 : i32
            %dma_start3A_83 = tpu.memref_slice %arg7[%run_scoped3A, %dma_start3A_82] : memref<1x128xi32, #tpu.memory_space<vmem>> -> memref<1x128xi32, #tpu.memory_space<vmem>>
            %dma_start3A_84 = tpu.memref_squeeze %dma_start3A_83 : memref<1x128xi32, #tpu.memory_space<vmem>> -> memref<128xi32, #tpu.memory_space<vmem>>
            %dma_start3A_85 = arith.constant 0 : i32
            %dma_start3A_86 = arith.constant 0 : i32
            %dma_start3A_87 = tpu.memref_slice %arg11[%dma_start3A_85, %dma_start3A_86] : memref<10240x128xf32, #tpu.memory_space<vmem_shared>> -> memref<10240x128xf32, #tpu.memory_space<vmem_shared>>
            tpu.enqueue_indirect_dma source(%arg9 : memref<128x128xf32, #tpu.memory_space<vmem>>) target(%dma_start3A_87 : memref<10240x128xf32, #tpu.memory_space<vmem_shared>>) offsets(%dma_start3A_84 : memref<128xi32, #tpu.memory_space<vmem>>) semaphore(%run_scoped3A_81 : memref<!tpu.dma_semaphore, #tpu.memory_space<semaphore_mem>>) {add = true}
            %dma_wait3A_88 = arith.constant 0 : i32
            %dma_wait3A_89 = tpu.memref_slice %arg7[%run_scoped3A, %dma_wait3A_88] : memref<1x128xi32, #tpu.memory_space<vmem>> -> memref<1x128xi32, #tpu.memory_space<vmem>>
            %dma_wait3A_90 = tpu.memref_squeeze %dma_wait3A_89 : memref<1x128xi32, #tpu.memory_space<vmem>> -> memref<128xi32, #tpu.memory_space<vmem>>
            %dma_wait3A_91 = arith.constant 0 : i32
            %dma_wait3A_92 = arith.constant 0 : i32
            %dma_wait3A_93 = tpu.memref_slice %arg11[%dma_wait3A_91, %dma_wait3A_92] : memref<10240x128xf32, #tpu.memory_space<vmem_shared>> -> memref<10240x128xf32, #tpu.memory_space<vmem_shared>>
            tpu.wait_indirect_dma semaphore(%run_scoped3A_81 : memref<!tpu.dma_semaphore, #tpu.memory_space<semaphore_mem>>) src(%arg9 : memref<128x128xf32, #tpu.memory_space<vmem>>) dst(%dma_wait3A_93 : memref<10240x128xf32, #tpu.memory_space<vmem_shared>>)
            tpu.yield
          }) : () -> ()
          %add3A_75 = arith.constant 2 : i32
          %add3A_76 = arith.addi %scan3A_50, %add3A_75 : i32
          %lt3A = arith.constant 80 : i32
          %lt3A_77 = arith.cmpi slt, %add3A_76, %lt3A : i32
          %convert_element_type3A_78 = arith.extui %lt3A_77 : i1 to i32
          %cond3A_79 = arith.constant 0 : i32
          %cond3A_80 = arith.cmpi ne, %convert_element_type3A_78, %cond3A_79 : i32
          scf.if %cond3A_80 {
            %add3A_81 = arith.constant 2 : i32
            %add3A_82 = arith.addi %scan3A_50, %add3A_81 : i32
            %add3A_83 = arith.addi %mul3A_9, %add3A_82 : i32
            %dma_start3A_84 = arith.constant 0 : i32
            %dma_start3A_85 = tpu.memref_slice %arg3[%add3A_83, %dma_start3A_84] : memref<2560x128xi32, #tpu.memory_space<hbm>> -> memref<1x128xi32, #tpu.memory_space<hbm>>
            %dma_start3A_86 = arith.constant 0 : i32
            %dma_start3A_87 = tpu.memref_slice %arg3[%add3A_83, %dma_start3A_86] : memref<2560x128xi32, #tpu.memory_space<hbm>> -> memref<1x128xi32, #tpu.memory_space<hbm>>
            tpu.enqueue_dma source(%dma_start3A_87 : memref<1x128xi32, #tpu.memory_space<hbm>>) target(%arg7 : memref<1x128xi32, #tpu.memory_space<vmem>>) target_semaphore(%arg12 : memref<!tpu.dma_semaphore, #tpu.memory_space<semaphore_mem>>)
            %add3A_88 = arith.constant 2 : i32
            %add3A_89 = arith.addi %scan3A_50, %add3A_88 : i32
            %add3A_90 = arith.addi %mul3A_9, %add3A_89 : i32
            %mul3A_91 = arith.constant 128 : i32
            %mul3A_92 = arith.muli %add3A_90, %mul3A_91 : i32
            %dma_start3A_93 = arith.constant 0 : i32
            %dma_start3A_94 = tpu.memref_slice %arg2[%mul3A_92, %dma_start3A_93] : memref<327680x128xf32, #tpu.memory_space<hbm>> -> memref<128x128xf32, #tpu.memory_space<hbm>>
            %dma_start3A_95 = arith.constant 0 : i32
            %dma_start3A_96 = tpu.memref_slice %arg2[%mul3A_92, %dma_start3A_95] : memref<327680x128xf32, #tpu.memory_space<hbm>> -> memref<128x128xf32, #tpu.memory_space<hbm>>
            tpu.enqueue_dma source(%dma_start3A_96 : memref<128x128xf32, #tpu.memory_space<hbm>>) target(%arg9 : memref<128x128xf32, #tpu.memory_space<vmem>>) target_semaphore(%arg14 : memref<!tpu.dma_semaphore, #tpu.memory_space<semaphore_mem>>)
          } else {
          }
        } else {
        }
        %eq3A_58 = arith.constant 1 : i32
        %eq3A_59 = arith.cmpi eq, %rem3A_52, %eq3A_58 : i32
        %convert_element_type3A_60 = arith.extui %eq3A_59 : i1 to i32
        %cond3A_61 = arith.constant 0 : i32
        %cond3A_62 = arith.cmpi ne, %convert_element_type3A_60, %cond3A_61 : i32
        scf.if %cond3A_62 {
          %add3A_64 = arith.addi %mul3A_9, %scan3A_50 : i32
          %dma_wait3A = arith.constant 0 : i32
          %dma_wait3A_65 = tpu.memref_slice %arg3[%add3A_64, %dma_wait3A] : memref<2560x128xi32, #tpu.memory_space<hbm>> -> memref<1x128xi32, #tpu.memory_space<hbm>>
          %dma_wait3A_66 = arith.constant 0 : i32
          %dma_wait3A_67 = tpu.memref_slice %arg3[%add3A_64, %dma_wait3A_66] : memref<2560x128xi32, #tpu.memory_space<hbm>> -> memref<1x128xi32, #tpu.memory_space<hbm>>
          tpu.wait_dma2 semaphore(%arg13 : memref<!tpu.dma_semaphore, #tpu.memory_space<semaphore_mem>>) src(%dma_wait3A_67 : memref<1x128xi32, #tpu.memory_space<hbm>>) dst(%arg8 : memref<1x128xi32, #tpu.memory_space<vmem>>)
          %add3A_68 = arith.addi %mul3A_9, %scan3A_50 : i32
          %mul3A_69 = arith.constant 128 : i32
          %mul3A_70 = arith.muli %add3A_68, %mul3A_69 : i32
          %dma_wait3A_71 = arith.constant 0 : i32
          %dma_wait3A_72 = tpu.memref_slice %arg2[%mul3A_70, %dma_wait3A_71] : memref<327680x128xf32, #tpu.memory_space<hbm>> -> memref<128x128xf32, #tpu.memory_space<hbm>>
          %dma_wait3A_73 = arith.constant 0 : i32
          %dma_wait3A_74 = tpu.memref_slice %arg2[%mul3A_70, %dma_wait3A_73] : memref<327680x128xf32, #tpu.memory_space<hbm>> -> memref<128x128xf32, #tpu.memory_space<hbm>>
          tpu.wait_dma2 semaphore(%arg15 : memref<!tpu.dma_semaphore, #tpu.memory_space<semaphore_mem>>) src(%dma_wait3A_74 : memref<128x128xf32, #tpu.memory_space<hbm>>) dst(%arg10 : memref<128x128xf32, #tpu.memory_space<vmem>>)
          %run_scoped3A = arith.constant 0 : i32
          "tpu.region"() ({
            %run_scoped3A_81 = tpu.sem_alloc : memref<!tpu.dma_semaphore, #tpu.memory_space<semaphore_mem>>
            %dma_start3A_82 = arith.constant 0 : i32
            %dma_start3A_83 = tpu.memref_slice %arg8[%run_scoped3A, %dma_start3A_82] : memref<1x128xi32, #tpu.memory_space<vmem>> -> memref<1x128xi32, #tpu.memory_space<vmem>>
            %dma_start3A_84 = tpu.memref_squeeze %dma_start3A_83 : memref<1x128xi32, #tpu.memory_space<vmem>> -> memref<128xi32, #tpu.memory_space<vmem>>
            %dma_start3A_85 = arith.constant 0 : i32
            %dma_start3A_86 = arith.constant 0 : i32
            %dma_start3A_87 = tpu.memref_slice %arg11[%dma_start3A_85, %dma_start3A_86] : memref<10240x128xf32, #tpu.memory_space<vmem_shared>> -> memref<10240x128xf32, #tpu.memory_space<vmem_shared>>
            tpu.enqueue_indirect_dma source(%arg10 : memref<128x128xf32, #tpu.memory_space<vmem>>) target(%dma_start3A_87 : memref<10240x128xf32, #tpu.memory_space<vmem_shared>>) offsets(%dma_start3A_84 : memref<128xi32, #tpu.memory_space<vmem>>) semaphore(%run_scoped3A_81 : memref<!tpu.dma_semaphore, #tpu.memory_space<semaphore_mem>>) {add = true}
            %dma_wait3A_88 = arith.constant 0 : i32
            %dma_wait3A_89 = tpu.memref_slice %arg8[%run_scoped3A, %dma_wait3A_88] : memref<1x128xi32, #tpu.memory_space<vmem>> -> memref<1x128xi32, #tpu.memory_space<vmem>>
            %dma_wait3A_90 = tpu.memref_squeeze %dma_wait3A_89 : memref<1x128xi32, #tpu.memory_space<vmem>> -> memref<128xi32, #tpu.memory_space<vmem>>
            %dma_wait3A_91 = arith.constant 0 : i32
            %dma_wait3A_92 = arith.constant 0 : i32
            %dma_wait3A_93 = tpu.memref_slice %arg11[%dma_wait3A_91, %dma_wait3A_92] : memref<10240x128xf32, #tpu.memory_space<vmem_shared>> -> memref<10240x128xf32, #tpu.memory_space<vmem_shared>>
            tpu.wait_indirect_dma semaphore(%run_scoped3A_81 : memref<!tpu.dma_semaphore, #tpu.memory_space<semaphore_mem>>) src(%arg10 : memref<128x128xf32, #tpu.memory_space<vmem>>) dst(%dma_wait3A_93 : memref<10240x128xf32, #tpu.memory_space<vmem_shared>>)
            tpu.yield
          }) : () -> ()
          %add3A_75 = arith.constant 2 : i32
          %add3A_76 = arith.addi %scan3A_50, %add3A_75 : i32
          %lt3A = arith.constant 80 : i32
          %lt3A_77 = arith.cmpi slt, %add3A_76, %lt3A : i32
          %convert_element_type3A_78 = arith.extui %lt3A_77 : i1 to i32
          %cond3A_79 = arith.constant 0 : i32
          %cond3A_80 = arith.cmpi ne, %convert_element_type3A_78, %cond3A_79 : i32
          scf.if %cond3A_80 {
            %add3A_81 = arith.constant 2 : i32
            %add3A_82 = arith.addi %scan3A_50, %add3A_81 : i32
            %add3A_83 = arith.addi %mul3A_9, %add3A_82 : i32
            %dma_start3A_84 = arith.constant 0 : i32
            %dma_start3A_85 = tpu.memref_slice %arg3[%add3A_83, %dma_start3A_84] : memref<2560x128xi32, #tpu.memory_space<hbm>> -> memref<1x128xi32, #tpu.memory_space<hbm>>
            %dma_start3A_86 = arith.constant 0 : i32
            %dma_start3A_87 = tpu.memref_slice %arg3[%add3A_83, %dma_start3A_86] : memref<2560x128xi32, #tpu.memory_space<hbm>> -> memref<1x128xi32, #tpu.memory_space<hbm>>
            tpu.enqueue_dma source(%dma_start3A_87 : memref<1x128xi32, #tpu.memory_space<hbm>>) target(%arg8 : memref<1x128xi32, #tpu.memory_space<vmem>>) target_semaphore(%arg13 : memref<!tpu.dma_semaphore, #tpu.memory_space<semaphore_mem>>)
            %add3A_88 = arith.constant 2 : i32
            %add3A_89 = arith.addi %scan3A_50, %add3A_88 : i32
            %add3A_90 = arith.addi %mul3A_9, %add3A_89 : i32
            %mul3A_91 = arith.constant 128 : i32
            %mul3A_92 = arith.muli %add3A_90, %mul3A_91 : i32
            %dma_start3A_93 = arith.constant 0 : i32
            %dma_start3A_94 = tpu.memref_slice %arg2[%mul3A_92, %dma_start3A_93] : memref<327680x128xf32, #tpu.memory_space<hbm>> -> memref<128x128xf32, #tpu.memory_space<hbm>>
            %dma_start3A_95 = arith.constant 0 : i32
            %dma_start3A_96 = tpu.memref_slice %arg2[%mul3A_92, %dma_start3A_95] : memref<327680x128xf32, #tpu.memory_space<hbm>> -> memref<128x128xf32, #tpu.memory_space<hbm>>
            tpu.enqueue_dma source(%dma_start3A_96 : memref<128x128xf32, #tpu.memory_space<hbm>>) target(%arg10 : memref<128x128xf32, #tpu.memory_space<vmem>>) target_semaphore(%arg15 : memref<!tpu.dma_semaphore, #tpu.memory_space<semaphore_mem>>)
          } else {
          }
        } else {
        }
        %scan3A_63 = arith.constant 0 : i32
        scf.yield %scan3A_63 : i32
      }
      %scan3A_44 = arith.constant 80 : i32
      %barrier3A_45 = arith.constant 0 : index
      tpu.barrier barrier_id(%barrier3A_45)
      %mul3A_46 = arith.constant 640 : i32
      %mul3A_47 = arith.muli %arg1, %mul3A_46 : i32
      %mul3A_48 = arith.constant 640 : i32
      %mul3A_49 = arith.muli %arg1, %mul3A_48 : i32
      "tpu.region"() ({
        %run_scoped3A = tpu.sem_alloc : memref<!tpu.dma_semaphore, #tpu.memory_space<semaphore_mem>>
        %dma_start3A_50 = arith.constant 0 : i32
        %dma_start3A_51 = tpu.memref_slice %arg5[%mul3A_49, %dma_start3A_50] : memref<10240x128xf32, #tpu.memory_space<hbm>> -> memref<640x128xf32, #tpu.memory_space<hbm>>
        %dma_start3A_52 = arith.constant 0 : i32
        %dma_start3A_53 = tpu.memref_slice %arg11[%mul3A_47, %dma_start3A_52] : memref<10240x128xf32, #tpu.memory_space<vmem_shared>> -> memref<640x128xf32, #tpu.memory_space<vmem_shared>>
        tpu.enqueue_dma source(%dma_start3A_53 : memref<640x128xf32, #tpu.memory_space<vmem_shared>>) target(%dma_start3A_51 : memref<640x128xf32, #tpu.memory_space<hbm>>) target_semaphore(%run_scoped3A : memref<!tpu.dma_semaphore, #tpu.memory_space<semaphore_mem>>)
        %dma_wait3A = arith.constant 0 : i32
        %dma_wait3A_54 = tpu.memref_slice %arg5[%mul3A_49, %dma_wait3A] : memref<10240x128xf32, #tpu.memory_space<hbm>> -> memref<640x128xf32, #tpu.memory_space<hbm>>
        %dma_wait3A_55 = arith.constant 0 : i32
        %dma_wait3A_56 = tpu.memref_slice %arg11[%mul3A_47, %dma_wait3A_55] : memref<10240x128xf32, #tpu.memory_space<vmem_shared>> -> memref<640x128xf32, #tpu.memory_space<vmem_shared>>
        tpu.wait_dma2 semaphore(%run_scoped3A : memref<!tpu.dma_semaphore, #tpu.memory_space<semaphore_mem>>) src(%dma_wait3A_56 : memref<640x128xf32, #tpu.memory_space<vmem_shared>>) dst(%dma_wait3A_54 : memref<640x128xf32, #tpu.memory_space<hbm>>)
        tpu.yield
      }) : () -> ()
    } else {
    }
    %eq3A_2 = arith.constant 1 : i32
    %eq3A_3 = arith.cmpi eq, %arg0, %eq3A_2 : i32
    %convert_element_type3A_4 = arith.extui %eq3A_3 : i1 to i32
    %cond3A_5 = arith.constant 0 : i32
    %cond3A_6 = arith.cmpi ne, %convert_element_type3A_4, %cond3A_5 : i32
    scf.if %cond3A_6 {
      %mul3A = arith.constant 16 : i32
      %mul3A_7 = arith.muli %arg0, %mul3A : i32
      %add3A = arith.addi %mul3A_7, %arg1 : i32
      %mul3A_8 = arith.constant 80 : i32
      %mul3A_9 = arith.muli %add3A, %mul3A_8 : i32
      %add3A_10 = arith.constant 0 : i32
      %add3A_11 = arith.addi %mul3A_9, %add3A_10 : i32
      %dma_start3A = arith.constant 0 : i32
      %dma_start3A_12 = tpu.memref_slice %arg3[%add3A_11, %dma_start3A] : memref<2560x128xi32, #tpu.memory_space<hbm>> -> memref<1x128xi32, #tpu.memory_space<hbm>>
      %dma_start3A_13 = arith.constant 0 : i32
      %dma_start3A_14 = tpu.memref_slice %arg3[%add3A_11, %dma_start3A_13] : memref<2560x128xi32, #tpu.memory_space<hbm>> -> memref<1x128xi32, #tpu.memory_space<hbm>>
      tpu.enqueue_dma source(%dma_start3A_14 : memref<1x128xi32, #tpu.memory_space<hbm>>) target(%arg7 : memref<1x128xi32, #tpu.memory_space<vmem>>) target_semaphore(%arg12 : memref<!tpu.dma_semaphore, #tpu.memory_space<semaphore_mem>>)
      %add3A_15 = arith.constant 0 : i32
      %add3A_16 = arith.addi %mul3A_9, %add3A_15 : i32
      %mul3A_17 = arith.constant 128 : i32
      %mul3A_18 = arith.muli %add3A_16, %mul3A_17 : i32
      %dma_start3A_19 = arith.constant 0 : i32
      %dma_start3A_20 = tpu.memref_slice %arg2[%mul3A_18, %dma_start3A_19] : memref<327680x128xf32, #tpu.memory_space<hbm>> -> memref<128x128xf32, #tpu.memory_space<hbm>>
      %dma_start3A_21 = arith.constant 0 : i32
      %dma_start3A_22 = tpu.memref_slice %arg2[%mul3A_18, %dma_start3A_21] : memref<327680x128xf32, #tpu.memory_space<hbm>> -> memref<128x128xf32, #tpu.memory_space<hbm>>
      tpu.enqueue_dma source(%dma_start3A_22 : memref<128x128xf32, #tpu.memory_space<hbm>>) target(%arg9 : memref<128x128xf32, #tpu.memory_space<vmem>>) target_semaphore(%arg14 : memref<!tpu.dma_semaphore, #tpu.memory_space<semaphore_mem>>)
      %add3A_23 = arith.constant 1 : i32
      %add3A_24 = arith.addi %mul3A_9, %add3A_23 : i32
      %dma_start3A_25 = arith.constant 0 : i32
      %dma_start3A_26 = tpu.memref_slice %arg3[%add3A_24, %dma_start3A_25] : memref<2560x128xi32, #tpu.memory_space<hbm>> -> memref<1x128xi32, #tpu.memory_space<hbm>>
      %dma_start3A_27 = arith.constant 0 : i32
      %dma_start3A_28 = tpu.memref_slice %arg3[%add3A_24, %dma_start3A_27] : memref<2560x128xi32, #tpu.memory_space<hbm>> -> memref<1x128xi32, #tpu.memory_space<hbm>>
      tpu.enqueue_dma source(%dma_start3A_28 : memref<1x128xi32, #tpu.memory_space<hbm>>) target(%arg8 : memref<1x128xi32, #tpu.memory_space<vmem>>) target_semaphore(%arg13 : memref<!tpu.dma_semaphore, #tpu.memory_space<semaphore_mem>>)
      %add3A_29 = arith.constant 1 : i32
      %add3A_30 = arith.addi %mul3A_9, %add3A_29 : i32
      %mul3A_31 = arith.constant 128 : i32
      %mul3A_32 = arith.muli %add3A_30, %mul3A_31 : i32
      %dma_start3A_33 = arith.constant 0 : i32
      %dma_start3A_34 = tpu.memref_slice %arg2[%mul3A_32, %dma_start3A_33] : memref<327680x128xf32, #tpu.memory_space<hbm>> -> memref<128x128xf32, #tpu.memory_space<hbm>>
      %dma_start3A_35 = arith.constant 0 : i32
      %dma_start3A_36 = tpu.memref_slice %arg2[%mul3A_32, %dma_start3A_35] : memref<327680x128xf32, #tpu.memory_space<hbm>> -> memref<128x128xf32, #tpu.memory_space<hbm>>
      tpu.enqueue_dma source(%dma_start3A_36 : memref<128x128xf32, #tpu.memory_space<hbm>>) target(%arg10 : memref<128x128xf32, #tpu.memory_space<vmem>>) target_semaphore(%arg15 : memref<!tpu.dma_semaphore, #tpu.memory_space<semaphore_mem>>)
      %mul3A_37 = arith.constant 640 : i32
      %mul3A_38 = arith.muli %arg1, %mul3A_37 : i32
      "tpu.region"() ({
        %run_scoped3A = tpu.sem_alloc : memref<!tpu.dma_semaphore, #tpu.memory_space<semaphore_mem>>
        %dma_start3A_50 = arith.constant 0 : i32
        %dma_start3A_51 = tpu.memref_slice %arg11[%mul3A_38, %dma_start3A_50] : memref<10240x128xf32, #tpu.memory_space<vmem_shared>> -> memref<640x128xf32, #tpu.memory_space<vmem_shared>>
        tpu.enqueue_dma source(%arg4 : memref<640x128xf32, #tpu.memory_space<hbm>>) target(%dma_start3A_51 : memref<640x128xf32, #tpu.memory_space<vmem_shared>>) target_semaphore(%run_scoped3A : memref<!tpu.dma_semaphore, #tpu.memory_space<semaphore_mem>>)
        %dma_wait3A = arith.constant 0 : i32
        %dma_wait3A_52 = tpu.memref_slice %arg11[%mul3A_38, %dma_wait3A] : memref<10240x128xf32, #tpu.memory_space<vmem_shared>> -> memref<640x128xf32, #tpu.memory_space<vmem_shared>>
        tpu.wait_dma2 semaphore(%run_scoped3A : memref<!tpu.dma_semaphore, #tpu.memory_space<semaphore_mem>>) src(%arg4 : memref<640x128xf32, #tpu.memory_space<hbm>>) dst(%dma_wait3A_52 : memref<640x128xf32, #tpu.memory_space<vmem_shared>>)
        tpu.yield
      }) : () -> ()
      %barrier3A = arith.constant 0 : index
      tpu.barrier barrier_id(%barrier3A)
      %scan3A = arith.constant 0 : i32
      %scan3A_39 = arith.constant 0 : i32
      %scan3A_40 = arith.constant 80 : i32
      %scan3A_41 = arith.addi %scan3A_39, %scan3A_40 : i32
      %scan3A_42 = arith.constant 1 : i32
      %scan3A_43 = scf.for %scan3A_50 = %scan3A_39 to %scan3A_41 step %scan3A_42 iter_args(%scan3A_51 = %scan3A) -> (i32)  : i32 {
        %rem3A = arith.constant 2 : i32
        %rem3A_52 = arith.remsi %scan3A_50, %rem3A : i32
        %eq3A_53 = arith.constant 0 : i32
        %eq3A_54 = arith.cmpi eq, %rem3A_52, %eq3A_53 : i32
        %convert_element_type3A_55 = arith.extui %eq3A_54 : i1 to i32
        %cond3A_56 = arith.constant 0 : i32
        %cond3A_57 = arith.cmpi ne, %convert_element_type3A_55, %cond3A_56 : i32
        scf.if %cond3A_57 {
          %add3A_64 = arith.addi %mul3A_9, %scan3A_50 : i32
          %dma_wait3A = arith.constant 0 : i32
          %dma_wait3A_65 = tpu.memref_slice %arg3[%add3A_64, %dma_wait3A] : memref<2560x128xi32, #tpu.memory_space<hbm>> -> memref<1x128xi32, #tpu.memory_space<hbm>>
          %dma_wait3A_66 = arith.constant 0 : i32
          %dma_wait3A_67 = tpu.memref_slice %arg3[%add3A_64, %dma_wait3A_66] : memref<2560x128xi32, #tpu.memory_space<hbm>> -> memref<1x128xi32, #tpu.memory_space<hbm>>
          tpu.wait_dma2 semaphore(%arg12 : memref<!tpu.dma_semaphore, #tpu.memory_space<semaphore_mem>>) src(%dma_wait3A_67 : memref<1x128xi32, #tpu.memory_space<hbm>>) dst(%arg7 : memref<1x128xi32, #tpu.memory_space<vmem>>)
          %add3A_68 = arith.addi %mul3A_9, %scan3A_50 : i32
          %mul3A_69 = arith.constant 128 : i32
          %mul3A_70 = arith.muli %add3A_68, %mul3A_69 : i32
          %dma_wait3A_71 = arith.constant 0 : i32
          %dma_wait3A_72 = tpu.memref_slice %arg2[%mul3A_70, %dma_wait3A_71] : memref<327680x128xf32, #tpu.memory_space<hbm>> -> memref<128x128xf32, #tpu.memory_space<hbm>>
          %dma_wait3A_73 = arith.constant 0 : i32
          %dma_wait3A_74 = tpu.memref_slice %arg2[%mul3A_70, %dma_wait3A_73] : memref<327680x128xf32, #tpu.memory_space<hbm>> -> memref<128x128xf32, #tpu.memory_space<hbm>>
          tpu.wait_dma2 semaphore(%arg14 : memref<!tpu.dma_semaphore, #tpu.memory_space<semaphore_mem>>) src(%dma_wait3A_74 : memref<128x128xf32, #tpu.memory_space<hbm>>) dst(%arg9 : memref<128x128xf32, #tpu.memory_space<vmem>>)
          %run_scoped3A = arith.constant 0 : i32
          "tpu.region"() ({
            %run_scoped3A_81 = tpu.sem_alloc : memref<!tpu.dma_semaphore, #tpu.memory_space<semaphore_mem>>
            %dma_start3A_82 = arith.constant 0 : i32
            %dma_start3A_83 = tpu.memref_slice %arg7[%run_scoped3A, %dma_start3A_82] : memref<1x128xi32, #tpu.memory_space<vmem>> -> memref<1x128xi32, #tpu.memory_space<vmem>>
            %dma_start3A_84 = tpu.memref_squeeze %dma_start3A_83 : memref<1x128xi32, #tpu.memory_space<vmem>> -> memref<128xi32, #tpu.memory_space<vmem>>
            %dma_start3A_85 = arith.constant 0 : i32
            %dma_start3A_86 = arith.constant 0 : i32
            %dma_start3A_87 = tpu.memref_slice %arg11[%dma_start3A_85, %dma_start3A_86] : memref<10240x128xf32, #tpu.memory_space<vmem_shared>> -> memref<10240x128xf32, #tpu.memory_space<vmem_shared>>
            tpu.enqueue_indirect_dma source(%arg9 : memref<128x128xf32, #tpu.memory_space<vmem>>) target(%dma_start3A_87 : memref<10240x128xf32, #tpu.memory_space<vmem_shared>>) offsets(%dma_start3A_84 : memref<128xi32, #tpu.memory_space<vmem>>) semaphore(%run_scoped3A_81 : memref<!tpu.dma_semaphore, #tpu.memory_space<semaphore_mem>>) {add = true}
            %dma_wait3A_88 = arith.constant 0 : i32
            %dma_wait3A_89 = tpu.memref_slice %arg7[%run_scoped3A, %dma_wait3A_88] : memref<1x128xi32, #tpu.memory_space<vmem>> -> memref<1x128xi32, #tpu.memory_space<vmem>>
            %dma_wait3A_90 = tpu.memref_squeeze %dma_wait3A_89 : memref<1x128xi32, #tpu.memory_space<vmem>> -> memref<128xi32, #tpu.memory_space<vmem>>
            %dma_wait3A_91 = arith.constant 0 : i32
            %dma_wait3A_92 = arith.constant 0 : i32
            %dma_wait3A_93 = tpu.memref_slice %arg11[%dma_wait3A_91, %dma_wait3A_92] : memref<10240x128xf32, #tpu.memory_space<vmem_shared>> -> memref<10240x128xf32, #tpu.memory_space<vmem_shared>>
            tpu.wait_indirect_dma semaphore(%run_scoped3A_81 : memref<!tpu.dma_semaphore, #tpu.memory_space<semaphore_mem>>) src(%arg9 : memref<128x128xf32, #tpu.memory_space<vmem>>) dst(%dma_wait3A_93 : memref<10240x128xf32, #tpu.memory_space<vmem_shared>>)
            tpu.yield
          }) : () -> ()
          %add3A_75 = arith.constant 2 : i32
          %add3A_76 = arith.addi %scan3A_50, %add3A_75 : i32
          %lt3A = arith.constant 80 : i32
          %lt3A_77 = arith.cmpi slt, %add3A_76, %lt3A : i32
          %convert_element_type3A_78 = arith.extui %lt3A_77 : i1 to i32
          %cond3A_79 = arith.constant 0 : i32
          %cond3A_80 = arith.cmpi ne, %convert_element_type3A_78, %cond3A_79 : i32
          scf.if %cond3A_80 {
            %add3A_81 = arith.constant 2 : i32
            %add3A_82 = arith.addi %scan3A_50, %add3A_81 : i32
            %add3A_83 = arith.addi %mul3A_9, %add3A_82 : i32
            %dma_start3A_84 = arith.constant 0 : i32
            %dma_start3A_85 = tpu.memref_slice %arg3[%add3A_83, %dma_start3A_84] : memref<2560x128xi32, #tpu.memory_space<hbm>> -> memref<1x128xi32, #tpu.memory_space<hbm>>
            %dma_start3A_86 = arith.constant 0 : i32
            %dma_start3A_87 = tpu.memref_slice %arg3[%add3A_83, %dma_start3A_86] : memref<2560x128xi32, #tpu.memory_space<hbm>> -> memref<1x128xi32, #tpu.memory_space<hbm>>
            tpu.enqueue_dma source(%dma_start3A_87 : memref<1x128xi32, #tpu.memory_space<hbm>>) target(%arg7 : memref<1x128xi32, #tpu.memory_space<vmem>>) target_semaphore(%arg12 : memref<!tpu.dma_semaphore, #tpu.memory_space<semaphore_mem>>)
            %add3A_88 = arith.constant 2 : i32
            %add3A_89 = arith.addi %scan3A_50, %add3A_88 : i32
            %add3A_90 = arith.addi %mul3A_9, %add3A_89 : i32
            %mul3A_91 = arith.constant 128 : i32
            %mul3A_92 = arith.muli %add3A_90, %mul3A_91 : i32
            %dma_start3A_93 = arith.constant 0 : i32
            %dma_start3A_94 = tpu.memref_slice %arg2[%mul3A_92, %dma_start3A_93] : memref<327680x128xf32, #tpu.memory_space<hbm>> -> memref<128x128xf32, #tpu.memory_space<hbm>>
            %dma_start3A_95 = arith.constant 0 : i32
            %dma_start3A_96 = tpu.memref_slice %arg2[%mul3A_92, %dma_start3A_95] : memref<327680x128xf32, #tpu.memory_space<hbm>> -> memref<128x128xf32, #tpu.memory_space<hbm>>
            tpu.enqueue_dma source(%dma_start3A_96 : memref<128x128xf32, #tpu.memory_space<hbm>>) target(%arg9 : memref<128x128xf32, #tpu.memory_space<vmem>>) target_semaphore(%arg14 : memref<!tpu.dma_semaphore, #tpu.memory_space<semaphore_mem>>)
          } else {
          }
        } else {
        }
        %eq3A_58 = arith.constant 1 : i32
        %eq3A_59 = arith.cmpi eq, %rem3A_52, %eq3A_58 : i32
        %convert_element_type3A_60 = arith.extui %eq3A_59 : i1 to i32
        %cond3A_61 = arith.constant 0 : i32
        %cond3A_62 = arith.cmpi ne, %convert_element_type3A_60, %cond3A_61 : i32
        scf.if %cond3A_62 {
          %add3A_64 = arith.addi %mul3A_9, %scan3A_50 : i32
          %dma_wait3A = arith.constant 0 : i32
          %dma_wait3A_65 = tpu.memref_slice %arg3[%add3A_64, %dma_wait3A] : memref<2560x128xi32, #tpu.memory_space<hbm>> -> memref<1x128xi32, #tpu.memory_space<hbm>>
          %dma_wait3A_66 = arith.constant 0 : i32
          %dma_wait3A_67 = tpu.memref_slice %arg3[%add3A_64, %dma_wait3A_66] : memref<2560x128xi32, #tpu.memory_space<hbm>> -> memref<1x128xi32, #tpu.memory_space<hbm>>
          tpu.wait_dma2 semaphore(%arg13 : memref<!tpu.dma_semaphore, #tpu.memory_space<semaphore_mem>>) src(%dma_wait3A_67 : memref<1x128xi32, #tpu.memory_space<hbm>>) dst(%arg8 : memref<1x128xi32, #tpu.memory_space<vmem>>)
          %add3A_68 = arith.addi %mul3A_9, %scan3A_50 : i32
          %mul3A_69 = arith.constant 128 : i32
          %mul3A_70 = arith.muli %add3A_68, %mul3A_69 : i32
          %dma_wait3A_71 = arith.constant 0 : i32
          %dma_wait3A_72 = tpu.memref_slice %arg2[%mul3A_70, %dma_wait3A_71] : memref<327680x128xf32, #tpu.memory_space<hbm>> -> memref<128x128xf32, #tpu.memory_space<hbm>>
          %dma_wait3A_73 = arith.constant 0 : i32
          %dma_wait3A_74 = tpu.memref_slice %arg2[%mul3A_70, %dma_wait3A_73] : memref<327680x128xf32, #tpu.memory_space<hbm>> -> memref<128x128xf32, #tpu.memory_space<hbm>>
          tpu.wait_dma2 semaphore(%arg15 : memref<!tpu.dma_semaphore, #tpu.memory_space<semaphore_mem>>) src(%dma_wait3A_74 : memref<128x128xf32, #tpu.memory_space<hbm>>) dst(%arg10 : memref<128x128xf32, #tpu.memory_space<vmem>>)
          %run_scoped3A = arith.constant 0 : i32
          "tpu.region"() ({
            %run_scoped3A_81 = tpu.sem_alloc : memref<!tpu.dma_semaphore, #tpu.memory_space<semaphore_mem>>
            %dma_start3A_82 = arith.constant 0 : i32
            %dma_start3A_83 = tpu.memref_slice %arg8[%run_scoped3A, %dma_start3A_82] : memref<1x128xi32, #tpu.memory_space<vmem>> -> memref<1x128xi32, #tpu.memory_space<vmem>>
            %dma_start3A_84 = tpu.memref_squeeze %dma_start3A_83 : memref<1x128xi32, #tpu.memory_space<vmem>> -> memref<128xi32, #tpu.memory_space<vmem>>
            %dma_start3A_85 = arith.constant 0 : i32
            %dma_start3A_86 = arith.constant 0 : i32
            %dma_start3A_87 = tpu.memref_slice %arg11[%dma_start3A_85, %dma_start3A_86] : memref<10240x128xf32, #tpu.memory_space<vmem_shared>> -> memref<10240x128xf32, #tpu.memory_space<vmem_shared>>
            tpu.enqueue_indirect_dma source(%arg10 : memref<128x128xf32, #tpu.memory_space<vmem>>) target(%dma_start3A_87 : memref<10240x128xf32, #tpu.memory_space<vmem_shared>>) offsets(%dma_start3A_84 : memref<128xi32, #tpu.memory_space<vmem>>) semaphore(%run_scoped3A_81 : memref<!tpu.dma_semaphore, #tpu.memory_space<semaphore_mem>>) {add = true}
            %dma_wait3A_88 = arith.constant 0 : i32
            %dma_wait3A_89 = tpu.memref_slice %arg8[%run_scoped3A, %dma_wait3A_88] : memref<1x128xi32, #tpu.memory_space<vmem>> -> memref<1x128xi32, #tpu.memory_space<vmem>>
            %dma_wait3A_90 = tpu.memref_squeeze %dma_wait3A_89 : memref<1x128xi32, #tpu.memory_space<vmem>> -> memref<128xi32, #tpu.memory_space<vmem>>
            %dma_wait3A_91 = arith.constant 0 : i32
            %dma_wait3A_92 = arith.constant 0 : i32
            %dma_wait3A_93 = tpu.memref_slice %arg11[%dma_wait3A_91, %dma_wait3A_92] : memref<10240x128xf32, #tpu.memory_space<vmem_shared>> -> memref<10240x128xf32, #tpu.memory_space<vmem_shared>>
            tpu.wait_indirect_dma semaphore(%run_scoped3A_81 : memref<!tpu.dma_semaphore, #tpu.memory_space<semaphore_mem>>) src(%arg10 : memref<128x128xf32, #tpu.memory_space<vmem>>) dst(%dma_wait3A_93 : memref<10240x128xf32, #tpu.memory_space<vmem_shared>>)
            tpu.yield
          }) : () -> ()
          %add3A_75 = arith.constant 2 : i32
          %add3A_76 = arith.addi %scan3A_50, %add3A_75 : i32
          %lt3A = arith.constant 80 : i32
          %lt3A_77 = arith.cmpi slt, %add3A_76, %lt3A : i32
          %convert_element_type3A_78 = arith.extui %lt3A_77 : i1 to i32
          %cond3A_79 = arith.constant 0 : i32
          %cond3A_80 = arith.cmpi ne, %convert_element_type3A_78, %cond3A_79 : i32
          scf.if %cond3A_80 {
            %add3A_81 = arith.constant 2 : i32
            %add3A_82 = arith.addi %scan3A_50, %add3A_81 : i32
            %add3A_83 = arith.addi %mul3A_9, %add3A_82 : i32
            %dma_start3A_84 = arith.constant 0 : i32
            %dma_start3A_85 = tpu.memref_slice %arg3[%add3A_83, %dma_start3A_84] : memref<2560x128xi32, #tpu.memory_space<hbm>> -> memref<1x128xi32, #tpu.memory_space<hbm>>
            %dma_start3A_86 = arith.constant 0 : i32
            %dma_start3A_87 = tpu.memref_slice %arg3[%add3A_83, %dma_start3A_86] : memref<2560x128xi32, #tpu.memory_space<hbm>> -> memref<1x128xi32, #tpu.memory_space<hbm>>
            tpu.enqueue_dma source(%dma_start3A_87 : memref<1x128xi32, #tpu.memory_space<hbm>>) target(%arg8 : memref<1x128xi32, #tpu.memory_space<vmem>>) target_semaphore(%arg13 : memref<!tpu.dma_semaphore, #tpu.memory_space<semaphore_mem>>)
            %add3A_88 = arith.constant 2 : i32
            %add3A_89 = arith.addi %scan3A_50, %add3A_88 : i32
            %add3A_90 = arith.addi %mul3A_9, %add3A_89 : i32
            %mul3A_91 = arith.constant 128 : i32
            %mul3A_92 = arith.muli %add3A_90, %mul3A_91 : i32
            %dma_start3A_93 = arith.constant 0 : i32
            %dma_start3A_94 = tpu.memref_slice %arg2[%mul3A_92, %dma_start3A_93] : memref<327680x128xf32, #tpu.memory_space<hbm>> -> memref<128x128xf32, #tpu.memory_space<hbm>>
            %dma_start3A_95 = arith.constant 0 : i32
            %dma_start3A_96 = tpu.memref_slice %arg2[%mul3A_92, %dma_start3A_95] : memref<327680x128xf32, #tpu.memory_space<hbm>> -> memref<128x128xf32, #tpu.memory_space<hbm>>
            tpu.enqueue_dma source(%dma_start3A_96 : memref<128x128xf32, #tpu.memory_space<hbm>>) target(%arg10 : memref<128x128xf32, #tpu.memory_space<vmem>>) target_semaphore(%arg15 : memref<!tpu.dma_semaphore, #tpu.memory_space<semaphore_mem>>)
          } else {
          }
        } else {
        }
        %scan3A_63 = arith.constant 0 : i32
        scf.yield %scan3A_63 : i32
      }
      %scan3A_44 = arith.constant 80 : i32
      %barrier3A_45 = arith.constant 0 : index
      tpu.barrier barrier_id(%barrier3A_45)
      %mul3A_46 = arith.constant 640 : i32
      %mul3A_47 = arith.muli %arg1, %mul3A_46 : i32
      %mul3A_48 = arith.constant 640 : i32
      %mul3A_49 = arith.muli %arg1, %mul3A_48 : i32
      "tpu.region"() ({
        %run_scoped3A = tpu.sem_alloc : memref<!tpu.dma_semaphore, #tpu.memory_space<semaphore_mem>>
        %dma_start3A_50 = arith.constant 0 : i32
        %dma_start3A_51 = tpu.memref_slice %arg6[%mul3A_49, %dma_start3A_50] : memref<10240x128xf32, #tpu.memory_space<hbm>> -> memref<640x128xf32, #tpu.memory_space<hbm>>
        %dma_start3A_52 = arith.constant 0 : i32
        %dma_start3A_53 = tpu.memref_slice %arg11[%mul3A_47, %dma_start3A_52] : memref<10240x128xf32, #tpu.memory_space<vmem_shared>> -> memref<640x128xf32, #tpu.memory_space<vmem_shared>>
        tpu.enqueue_dma source(%dma_start3A_53 : memref<640x128xf32, #tpu.memory_space<vmem_shared>>) target(%dma_start3A_51 : memref<640x128xf32, #tpu.memory_space<hbm>>) target_semaphore(%run_scoped3A : memref<!tpu.dma_semaphore, #tpu.memory_space<semaphore_mem>>)
        %dma_wait3A = arith.constant 0 : i32
        %dma_wait3A_54 = tpu.memref_slice %arg6[%mul3A_49, %dma_wait3A] : memref<10240x128xf32, #tpu.memory_space<hbm>> -> memref<640x128xf32, #tpu.memory_space<hbm>>
        %dma_wait3A_55 = arith.constant 0 : i32
        %dma_wait3A_56 = tpu.memref_slice %arg11[%mul3A_47, %dma_wait3A_55] : memref<10240x128xf32, #tpu.memory_space<vmem_shared>> -> memref<640x128xf32, #tpu.memory_space<vmem_shared>>
        tpu.wait_dma2 semaphore(%run_scoped3A : memref<!tpu.dma_semaphore, #tpu.memory_space<semaphore_mem>>) src(%dma_wait3A_56 : memref<640x128xf32, #tpu.memory_space<vmem_shared>>) dst(%dma_wait3A_54 : memref<640x128xf32, #tpu.memory_space<hbm>>)
        tpu.yield
      }) : () -> ()
    } else {
    }
    return
  }
}

module attributes {stable_mosaic.version = 14 : i64} {
  func.func @_proj_body(%arg0: i32, %arg1: memref<2048x128xf32, #tpu.memory_space<vmem>>, %arg2: memref<2048x128xf32, #tpu.memory_space<vmem>>, %arg3: memref<128x128xf32, #tpu.memory_space<vmem>>, %arg4: memref<2048x128xf32, #tpu.memory_space<vmem>>) attributes {dimension_semantics = [#tpu.dimension_semantics<arbitrary>], iteration_bounds = array<i64: 5>, scalar_prefetch = 0 : i64, scratch_operands = 0 : i64, tpu.core_type = #tpu.core_type<tc>, window_params = [{transform_indices = @transform_0, window_bounds = array<i64: 2048, 128>}, {transform_indices = @transform_1, window_bounds = array<i64: 2048, 128>}, {pipeline_mode = #tpu.pipeline_mode<synchronous>, transform_indices = @transform_2, window_bounds = array<i64: 128, 128>}, {transform_indices = @transform_3, window_bounds = array<i64: 2048, 128>}]} {
    %get3A = arith.constant 0 : index
    %get3A_0 = arith.constant 0 : index
    %get3A_1 = vector.load %arg1[%get3A, %get3A_0] : memref<2048x128xf32, #tpu.memory_space<vmem>>, vector<2048x128xf32>
    %get3A_2 = arith.constant 0 : index
    %get3A_3 = arith.constant 0 : index
    %get3A_4 = vector.load %arg2[%get3A_2, %get3A_3] : memref<2048x128xf32, #tpu.memory_space<vmem>>, vector<2048x128xf32>
    %add3A = arith.addf %get3A_1, %get3A_4 : vector<2048x128xf32>
    %get3A_5 = arith.constant 0 : index
    %get3A_6 = arith.constant 0 : index
    %get3A_7 = vector.load %arg3[%get3A_5, %get3A_6] : memref<128x128xf32, #tpu.memory_space<vmem>>, vector<128x128xf32>
    %dot_general3A = arith.constant dense<0.000000e+00> : vector<2048x128xf32>
    %dot_general3A_8 = tpu.matmul %add3A, %get3A_7, %dot_general3A {dimension_numbers = #tpu.dot_dimension_numbers<[1], [0], [0], [1], [0, 0, 1, 1], [], []>, transpose_lhs_hint = false} : vector<2048x128xf32>, vector<128x128xf32>, vector<2048x128xf32> -> vector<2048x128xf32>
    %swap3A = arith.constant 0 : index
    %swap3A_9 = arith.constant 0 : index
    %swap3A_10 = vector.load %arg4[%swap3A, %swap3A_9] : memref<2048x128xf32, #tpu.memory_space<vmem>>, vector<2048x128xf32>
    tpu.vector_store %arg4[%swap3A, %swap3A_9], %dot_general3A_8 {strides = array<i32>} : memref<2048x128xf32, #tpu.memory_space<vmem>>, vector<2048x128xf32>,
    return
  }
  func.func @transform_0(%arg0: i32) -> (i32, i32) {
    %c0_i32 = arith.constant 0 : i32
    %c0_i32_0 = arith.constant 0 : i32
    return %arg0, %c0_i32 : i32, i32
  }
  func.func @transform_1(%arg0: i32) -> (i32, i32) {
    %c0_i32 = arith.constant 0 : i32
    %c0_i32_0 = arith.constant 0 : i32
    return %arg0, %c0_i32 : i32, i32
  }
  func.func @transform_2(%arg0: i32) -> (i32, i32) {
    %c0_i32 = arith.constant 0 : i32
    %c0_i32_0 = arith.constant 0 : i32
    %c0_i32_1 = arith.constant 0 : i32
    return %c0_i32, %c0_i32_0 : i32, i32
  }
  func.func @transform_3(%arg0: i32) -> (i32, i32) {
    %c0_i32 = arith.constant 0 : i32
    %c0_i32_0 = arith.constant 0 : i32
    return %arg0, %c0_i32 : i32, i32
  }
}

module attributes {stable_mosaic.version = 14 : i64} {
  func.func @_mlp_body(%arg0: i32, %arg1: memref<8192x128xf32, #tpu.memory_space<vmem>>, %arg2: memref<8192x128xf32, #tpu.memory_space<vmem>>, %arg3: memref<1x64xf32, #tpu.memory_space<vmem>>, %arg4: memref<64x64xf32, #tpu.memory_space<vmem>>, %arg5: memref<1x64xf32, #tpu.memory_space<vmem>>, %arg6: memref<64x128xf32, #tpu.memory_space<vmem>>, %arg7: memref<1x128xf32, #tpu.memory_space<vmem>>, %arg8: memref<8192x128xf32, #tpu.memory_space<vmem>>) attributes {dimension_semantics = [#tpu.dimension_semantics<arbitrary>], iteration_bounds = array<i64: 40>, scalar_prefetch = 0 : i64, scratch_operands = 0 : i64, tpu.core_type = #tpu.core_type<tc>, window_params = [{transform_indices = @transform_0, window_bounds = array<i64: 8192, 128>}, {transform_indices = @transform_1, window_bounds = array<i64: 8192, 128>}, {pipeline_mode = #tpu.pipeline_mode<synchronous>, transform_indices = @transform_2, window_bounds = array<i64: 1, 64>}, {pipeline_mode = #tpu.pipeline_mode<synchronous>, transform_indices = @transform_3, window_bounds = array<i64: 64, 64>}, {pipeline_mode = #tpu.pipeline_mode<synchronous>, transform_indices = @transform_4, window_bounds = array<i64: 1, 64>}, {pipeline_mode = #tpu.pipeline_mode<synchronous>, transform_indices = @transform_5, window_bounds = array<i64: 64, 128>}, {pipeline_mode = #tpu.pipeline_mode<synchronous>, transform_indices = @transform_6, window_bounds = array<i64: 1, 128>}, {transform_indices = @transform_7, window_bounds = array<i64: 8192, 128>}]} {
    %get3A = arith.constant 0 : index
    %get3A_0 = arith.constant 0 : index
    %get3A_1 = vector.load %arg1[%get3A, %get3A_0] : memref<8192x128xf32, #tpu.memory_space<vmem>>, vector<8192x64xf32>
    %get3A_2 = arith.constant 0 : index
    %get3A_3 = arith.constant 64 : index
    %get3A_4 = vector.load %arg2[%get3A_2, %get3A_3] : memref<8192x128xf32, #tpu.memory_space<vmem>>, vector<8192x64xf32>
    %add3A = arith.addf %get3A_1, %get3A_4 : vector<8192x64xf32>
    %get3A_5 = arith.constant 0 : index
    %get3A_6 = arith.constant 0 : index
    %get3A_7 = vector.load %arg3[%get3A_5, %get3A_6] : memref<1x64xf32, #tpu.memory_space<vmem>>, vector<1x64xf32>
    %add3A_8 = vector.broadcast %get3A_7 : vector<1x64xf32> to vector<8192x64xf32>
    %add3A_9 = arith.addf %add3A, %add3A_8 : vector<8192x64xf32>
    %max3A = arith.constant 0.000000e+00 : f32
    %max3A_10 = vector.broadcast %max3A : f32 to vector<8192x64xf32>
    %max3A_11 = arith.maximumf %add3A_9, %max3A_10 : vector<8192x64xf32>
    %get3A_12 = arith.constant 0 : index
    %get3A_13 = arith.constant 0 : index
    %get3A_14 = vector.load %arg4[%get3A_12, %get3A_13] : memref<64x64xf32, #tpu.memory_space<vmem>>, vector<64x64xf32>
    %dot_general3A = arith.constant dense<0.000000e+00> : vector<8192x64xf32>
    %dot_general3A_15 = tpu.matmul %max3A_11, %get3A_14, %dot_general3A {dimension_numbers = #tpu.dot_dimension_numbers<[1], [0], [0], [1], [0, 0, 1, 1], [], []>, transpose_lhs_hint = false} : vector<8192x64xf32>, vector<64x64xf32>, vector<8192x64xf32> -> vector<8192x64xf32>
    %get3A_16 = arith.constant 0 : index
    %get3A_17 = arith.constant 0 : index
    %get3A_18 = vector.load %arg5[%get3A_16, %get3A_17] : memref<1x64xf32, #tpu.memory_space<vmem>>, vector<1x64xf32>
    %add3A_19 = vector.broadcast %get3A_18 : vector<1x64xf32> to vector<8192x64xf32>
    %add3A_20 = arith.addf %dot_general3A_15, %add3A_19 : vector<8192x64xf32>
    %max3A_21 = arith.constant 0.000000e+00 : f32
    %max3A_22 = vector.broadcast %max3A_21 : f32 to vector<8192x64xf32>
    %max3A_23 = arith.maximumf %add3A_20, %max3A_22 : vector<8192x64xf32>
    %get3A_24 = arith.constant 0 : index
    %get3A_25 = arith.constant 0 : index
    %get3A_26 = vector.load %arg6[%get3A_24, %get3A_25] : memref<64x128xf32, #tpu.memory_space<vmem>>, vector<64x128xf32>
    %dot_general3A_27 = arith.constant dense<0.000000e+00> : vector<8192x128xf32>
    %dot_general3A_28 = tpu.matmul %max3A_23, %get3A_26, %dot_general3A_27 {dimension_numbers = #tpu.dot_dimension_numbers<[1], [0], [0], [1], [0, 0, 1, 1], [], []>, transpose_lhs_hint = false} : vector<8192x64xf32>, vector<64x128xf32>, vector<8192x128xf32> -> vector<8192x128xf32>
    %get3A_29 = arith.constant 0 : index
    %get3A_30 = arith.constant 0 : index
    %get3A_31 = vector.load %arg7[%get3A_29, %get3A_30] : memref<1x128xf32, #tpu.memory_space<vmem>>, vector<1x128xf32>
    %add3A_32 = vector.broadcast %get3A_31 : vector<1x128xf32> to vector<8192x128xf32>
    %add3A_33 = arith.addf %dot_general3A_28, %add3A_32 : vector<8192x128xf32>
    %max3A_34 = arith.constant 0.000000e+00 : f32
    %max3A_35 = vector.broadcast %max3A_34 : f32 to vector<8192x128xf32>
    %max3A_36 = arith.maximumf %add3A_33, %max3A_35 : vector<8192x128xf32>
    %swap3A = arith.constant 0 : index
    %swap3A_37 = arith.constant 0 : index
    %swap3A_38 = vector.load %arg8[%swap3A, %swap3A_37] : memref<8192x128xf32, #tpu.memory_space<vmem>>, vector<8192x128xf32>
    tpu.vector_store %arg8[%swap3A, %swap3A_37], %max3A_36 {strides = array<i32>} : memref<8192x128xf32, #tpu.memory_space<vmem>>, vector<8192x128xf32>,
    return
  }
  func.func @transform_0(%arg0: i32) -> (i32, i32) {
    %c0_i32 = arith.constant 0 : i32
    %c0_i32_0 = arith.constant 0 : i32
    return %arg0, %c0_i32 : i32, i32
  }
  func.func @transform_1(%arg0: i32) -> (i32, i32) {
    %c0_i32 = arith.constant 0 : i32
    %c0_i32_0 = arith.constant 0 : i32
    return %arg0, %c0_i32 : i32, i32
  }
  func.func @transform_2(%arg0: i32) -> (i32, i32) {
    %c0_i32 = arith.constant 0 : i32
    %c0_i32_0 = arith.constant 0 : i32
    %c0_i32_1 = arith.constant 0 : i32
    return %c0_i32, %c0_i32_0 : i32, i32
  }
  func.func @transform_3(%arg0: i32) -> (i32, i32) {
    %c0_i32 = arith.constant 0 : i32
    %c0_i32_0 = arith.constant 0 : i32
    %c0_i32_1 = arith.constant 0 : i32
    return %c0_i32, %c0_i32_0 : i32, i32
  }
  func.func @transform_4(%arg0: i32) -> (i32, i32) {
    %c0_i32 = arith.constant 0 : i32
    %c0_i32_0 = arith.constant 0 : i32
    %c0_i32_1 = arith.constant 0 : i32
    return %c0_i32, %c0_i32_0 : i32, i32
  }
  func.func @transform_5(%arg0: i32) -> (i32, i32) {
    %c0_i32 = arith.constant 0 : i32
    %c0_i32_0 = arith.constant 0 : i32
    %c0_i32_1 = arith.constant 0 : i32
    return %c0_i32, %c0_i32_0 : i32, i32
  }
  func.func @transform_6(%arg0: i32) -> (i32, i32) {
    %c0_i32 = arith.constant 0 : i32
    %c0_i32_0 = arith.constant 0 : i32
    %c0_i32_1 = arith.constant 0 : i32
    return %c0_i32, %c0_i32_0 : i32, i32
  }
  func.func @transform_7(%arg0: i32) -> (i32, i32) {
    %c0_i32 = arith.constant 0 : i32
    %c0_i32_0 = arith.constant 0 : i32
    return %arg0, %c0_i32 : i32, i32
  }
}

module attributes {stable_mosaic.version = 14 : i64} {
  func.func @_readout_body(%arg0: memref<10240x128xf32, #tpu.memory_space<vmem>>, %arg1: memref<10240x128xf32, #tpu.memory_space<vmem>>, %arg2: memref<1x10240xf32, #tpu.memory_space<vmem>>, %arg3: memref<128x64xf32, #tpu.memory_space<vmem>>, %arg4: memref<1x64xf32, #tpu.memory_space<vmem>>, %arg5: memref<64x64xf32, #tpu.memory_space<vmem>>, %arg6: memref<1x64xf32, #tpu.memory_space<vmem>>, %arg7: memref<64x128xf32, #tpu.memory_space<vmem>>, %arg8: memref<1x128xf32, #tpu.memory_space<vmem>>, %arg9: memref<64x128xf32, #tpu.memory_space<vmem>>) attributes {dimension_semantics = [], scalar_prefetch = 0 : i64, scratch_operands = 0 : i64, tpu.core_type = #tpu.core_type<tc>} {
    %iota3A = tpu.iota {dimensions = array<i32: 0>} : vector<64x10240xi32>
    %convert_element_type3A = arith.sitofp %iota3A : vector<64x10240xi32> to vector<64x10240xf32>
    %get3A = arith.constant 0 : index
    %get3A_0 = arith.constant 0 : index
    %get3A_1 = vector.load %arg2[%get3A, %get3A_0] : memref<1x10240xf32, #tpu.memory_space<vmem>>, vector<1x10240xf32>
    %eq3A = vector.broadcast %get3A_1 : vector<1x10240xf32> to vector<64x10240xf32>
    %eq3A_2 = arith.cmpf oeq, %eq3A, %convert_element_type3A : vector<64x10240xf32>
    %jit3A = arith.constant 1.000000e+00 : f32
    %jit3A_3 = arith.constant 0.000000e+00 : f32
    %broadcast_in_dim3A = vector.broadcast %jit3A : f32 to vector<64x10240xf32>
    %broadcast_in_dim3A_4 = vector.broadcast %jit3A_3 : f32 to vector<64x10240xf32>
    %select_n3A = arith.select %eq3A_2, %broadcast_in_dim3A, %broadcast_in_dim3A_4 : vector<64x10240xi1>, vector<64x10240xf32>
    %get3A_5 = arith.constant 0 : index
    %get3A_6 = arith.constant 0 : index
    %get3A_7 = vector.load %arg0[%get3A_5, %get3A_6] : memref<10240x128xf32, #tpu.memory_space<vmem>>, vector<10240x128xf32>
    %get3A_8 = arith.constant 0 : index
    %get3A_9 = arith.constant 0 : index
    %get3A_10 = vector.load %arg1[%get3A_8, %get3A_9] : memref<10240x128xf32, #tpu.memory_space<vmem>>, vector<10240x128xf32>
    %add3A = arith.addf %get3A_7, %get3A_10 : vector<10240x128xf32>
    %dot_general3A = arith.constant dense<0.000000e+00> : vector<64x128xf32>
    %dot_general3A_11 = tpu.matmul %select_n3A, %add3A, %dot_general3A {dimension_numbers = #tpu.dot_dimension_numbers<[1], [0], [0], [1], [0, 0, 1, 1], [], []>, transpose_lhs_hint = false} : vector<64x10240xf32>, vector<10240x128xf32>, vector<64x128xf32> -> vector<64x128xf32>
    %get3A_12 = arith.constant 0 : index
    %get3A_13 = arith.constant 0 : index
    %get3A_14 = vector.load %arg3[%get3A_12, %get3A_13] : memref<128x64xf32, #tpu.memory_space<vmem>>, vector<128x64xf32>
    %dot_general3A_15 = arith.constant dense<0.000000e+00> : vector<64x64xf32>
    %dot_general3A_16 = tpu.matmul %dot_general3A_11, %get3A_14, %dot_general3A_15 {dimension_numbers = #tpu.dot_dimension_numbers<[1], [0], [0], [1], [0, 0, 1, 1], [], []>, transpose_lhs_hint = false} : vector<64x128xf32>, vector<128x64xf32>, vector<64x64xf32> -> vector<64x64xf32>
    %get3A_17 = arith.constant 0 : index
    %get3A_18 = arith.constant 0 : index
    %get3A_19 = vector.load %arg4[%get3A_17, %get3A_18] : memref<1x64xf32, #tpu.memory_space<vmem>>, vector<1x64xf32>
    %add3A_20 = vector.broadcast %get3A_19 : vector<1x64xf32> to vector<64x64xf32>
    %add3A_21 = arith.addf %dot_general3A_16, %add3A_20 : vector<64x64xf32>
    %max3A = arith.constant 0.000000e+00 : f32
    %max3A_22 = vector.broadcast %max3A : f32 to vector<64x64xf32>
    %max3A_23 = arith.maximumf %add3A_21, %max3A_22 : vector<64x64xf32>
    %get3A_24 = arith.constant 0 : index
    %get3A_25 = arith.constant 0 : index
    %get3A_26 = vector.load %arg5[%get3A_24, %get3A_25] : memref<64x64xf32, #tpu.memory_space<vmem>>, vector<64x64xf32>
    %dot_general3A_27 = arith.constant dense<0.000000e+00> : vector<64x64xf32>
    %dot_general3A_28 = tpu.matmul %max3A_23, %get3A_26, %dot_general3A_27 {dimension_numbers = #tpu.dot_dimension_numbers<[1], [0], [0], [1], [0, 0, 1, 1], [], []>, transpose_lhs_hint = false} : vector<64x64xf32>, vector<64x64xf32>, vector<64x64xf32> -> vector<64x64xf32>
    %get3A_29 = arith.constant 0 : index
    %get3A_30 = arith.constant 0 : index
    %get3A_31 = vector.load %arg6[%get3A_29, %get3A_30] : memref<1x64xf32, #tpu.memory_space<vmem>>, vector<1x64xf32>
    %add3A_32 = vector.broadcast %get3A_31 : vector<1x64xf32> to vector<64x64xf32>
    %add3A_33 = arith.addf %dot_general3A_28, %add3A_32 : vector<64x64xf32>
    %max3A_34 = arith.constant 0.000000e+00 : f32
    %max3A_35 = vector.broadcast %max3A_34 : f32 to vector<64x64xf32>
    %max3A_36 = arith.maximumf %add3A_33, %max3A_35 : vector<64x64xf32>
    %get3A_37 = arith.constant 0 : index
    %get3A_38 = arith.constant 0 : index
    %get3A_39 = vector.load %arg7[%get3A_37, %get3A_38] : memref<64x128xf32, #tpu.memory_space<vmem>>, vector<64x128xf32>
    %dot_general3A_40 = arith.constant dense<0.000000e+00> : vector<64x128xf32>
    %dot_general3A_41 = tpu.matmul %max3A_36, %get3A_39, %dot_general3A_40 {dimension_numbers = #tpu.dot_dimension_numbers<[1], [0], [0], [1], [0, 0, 1, 1], [], []>, transpose_lhs_hint = false} : vector<64x64xf32>, vector<64x128xf32>, vector<64x128xf32> -> vector<64x128xf32>
    %get3A_42 = arith.constant 0 : index
    %get3A_43 = arith.constant 0 : index
    %get3A_44 = vector.load %arg8[%get3A_42, %get3A_43] : memref<1x128xf32, #tpu.memory_space<vmem>>, vector<1x128xf32>
    %add3A_45 = vector.broadcast %get3A_44 : vector<1x128xf32> to vector<64x128xf32>
    %add3A_46 = arith.addf %dot_general3A_41, %add3A_45 : vector<64x128xf32>
    %swap3A = arith.constant 0 : index
    %swap3A_47 = arith.constant 0 : index
    %swap3A_48 = vector.load %arg9[%swap3A, %swap3A_47] : memref<64x128xf32, #tpu.memory_space<vmem>>, vector<64x128xf32>
    tpu.vector_store %arg9[%swap3A, %swap3A_47], %add3A_46 {strides = array<i32>} : memref<64x128xf32, #tpu.memory_space<vmem>>, vector<64x128xf32>,
    return
  }
}

</mosaic_0001>

<sc_bundles>
// kernel: kernel.15.cloned.1.call-start
scs
__scs_entry_jumppad:
0x0: {  	(pc) =	sbr.rel $0x88, $3  }
0x1: {  	(tag) =	ssettag $0x0;
	lr =	simm.s32 $0x1  }
0x2: {  	[smem:$0x3F92] =	sst lr;
	_ =	strace $0xD0000000  }
0x3: {  	_ = 	snop  }
0x4: {  	_ = 	snop  }
0x5: {  	_ = 	snop  }
0x6: {  	_ = 	snop  }
0x7: {  	_ = 	snop  }
__scs_overlays_trampoline_lowered:
0x8: {  	[smem:$0x3FA1] =	sst s0  }
0x9: {  	[smem:$0x3FA2] =	sst s1  }
0xa: {  	[smem:$0x3FA3] =	sst s2  }
0xb: {  	[smem:$0x3FA4] =	sst s3  }
0xc: {  	[smem:$0x3FA5] =	sst s4  }
0xd: {  	[smem:$0x3FA6] =	sst s5  }
0xe: {  	[smem:$0x3FA7] =	sst s6  }
0xf: {  	[smem:$0x3FA8] =	sst s7  }
0x10: {  	[smem:$0x3FA9] =	sst s8  }
0x11: {  	[smem:$0x3FAA] =	sst s9;
	s0 =	simm.s32 @!p0 $0x0  }
0x12: {  	s1 =	sld [smem:$0x3F90];
	s0 =	simm.s32 @p0 $0x1  }
0x13: {  	[smem:$0x3FAB] =	sst s0;
	s0 =	simm.s32 @!p1 $0x0  }
0x14: {  	s2 =	sld [smem:$0x3F8F];
	s0 =	simm.s32 @p1 $0x1  }
0x15: {  	[smem:$0x3FAC] =	sst s0;
	s0 =	simm.s32 @!p2 $0x0  }
0x16: {  	s3 =	sld [smem:$0x3FDB];
	s0 =	simm.s32 @p2 $0x1  }
0x17: {  	s4 =	simm.s32 $0x1BF5;
	[smem:$0x3FAE] =	sst s0  }
0x18: {  	s0 =	sld [smem:$0x3F91];
	_ =	swait.ge [sflag:s4], $0x0  }
0x19: {  	s7 =	sld [smem:$0x3F92]  }
0x1a: {  	s8 =	sadd.s32 $0xFFFFE003, lr  }
0x1b: {  	s9 =	sadd.s32 $0xFFFFFEF7, lr;
	s5 =	simm.s32 $0xFFFFFFFF;
	p2 =	slt.u32 s8, $0xFFFFF086  }
0x1c: {  	p1 =	slt.u32 s9, $0xF7A;
	s5 =	simm.s32 @!p2 $0x0  }
0x1d: {  	s5 =	simm.s32 @p1 $0x1;
	p0 =	seq.s32 s7, s2  }
0x1e: {  	s7 =	smul.u32 @!p0 $0xF7A, s2;
	p2 =	seq.s32 @!p0 s5, $0x0  }
0x1f: {  	s9 =	smul.u32 $0xF7A, s1;
	s8 =	simm.s32 @!p0 $0x1BF5;
	p2 =	por !p2, p0  }
0x20: {  	[sflag:s8] =	ssyncset.s32 @!p0 $0xFFFFF086;
	s6 =	sadd.s32 @!p0 s3, s7;
	s7 =	simm.s32 @!p0 $0x108  }
0x21: {  	s3 =	sadd.s32 s3, s9;
	s6 =	sadd.s32 @!p0 $0x88, s6;
	s7 =	simm.s32 @p2 $0x1082  }
0x22: {  	[simem:s7], [sflag:s8] =	dma.local @!p0 [hbm:s6], $0xF7A  }
0x23: {  	s9 =	sor.u32 $0xD0000000, s2;
	s6 =	simm.s32 $0x108;
	_ =	swait.ge @!p0 [sflag:s8], $0x0  }
0x24: {  	s3 =	sadd.s32 $0x88, s3;
	s6 =	simm.s32 @!p1 $0x1082;
	[sflag:s4] =	ssyncset.s32 $0xFFFFF086  }
0x25: {  	[simem:s6], [sflag:s4] =	dma.local [hbm:s3], $0xF7A  }
0x26: {  	[smem:$0x3F92] =	sst s1;
	(tag) =	ssettag s2;
	_ =	strace s9  }
0x27: {  	s1 =	sld [smem:$0x3FA2]  }
0x28: {  	s2 =	sld [smem:$0x3FA3]  }
0x29: {  	s4 =	sld [smem:$0x3FA5]  }
0x2a: {  	p0 =	seq.s32 s5, $0x0;
	s5 =	sld [smem:$0x3FA6]  }
0x2b: {  	s6 =	sld [smem:$0x3FA7]  }
0x2c: {  	s7 =	sld [smem:$0x3FA8]  }
0x2d: {  	s3 =	simm.s32 $0x108;
	s8 =	sld [smem:$0x3FA9]  }
0x2e: {  	s3 =	simm.s32 @!p0 $0x1082;
	s9 =	sld [smem:$0x3FAA]  }
0x2f: {  	lr =	sadd.s32 s0, s3;
	s0 =	sld [smem:$0x3FA1]  }
0x30: {  	s3 =	sld [smem:$0x3FA4]  }
0x31: {  	[smem:$0x3FAD] =	sst s10  }
0x32: {  	s10 =	sld [smem:$0x3FAB];
	_ =	sdelay $0x3  }
0x33: {  	p0 =	seq.s32 s10, $0x1;
	s10 =	sld [smem:$0x3FAD];
	_ =	sdelay $0x3  }
0x34: {  	[smem:$0x3FAD] =	sst s10  }
0x35: {  	s10 =	sld [smem:$0x3FAC];
	_ =	sdelay $0x3  }
0x36: {  	p1 =	seq.s32 s10, $0x1;
	s10 =	sld [smem:$0x3FAD];
	_ =	sdelay $0x3  }
0x37: {  	[smem:$0x3FAD] =	sst s10  }
0x38: {  	s10 =	sld [smem:$0x3FAE]  }
0x39: {  	_ = 	snop;
	(pc) =	sbr.ind lr, $3  }
0x3a: {  	_ = 	snop  }
0x3b: {  	_ = 	snop  }
0x3c: {  	p2 =	seq.s32 s10, $0x1;
	s10 =	sld [smem:$0x3FAD]  }
0x3d: {  	_ =	shalt  }
0x3e: {  	_ =	shalt  }
0x3f: {  	_ =	shalt  }
0x40: {  	_ =	shalt  }
0x41: {  	_ =	shalt  }
0x42: {  	_ =	shalt  }
0x43: {  	_ =	shalt  }
0x44: {  	_ =	shalt  }
0x45: {  	_ =	shalt  }
0x46: {  	_ =	shalt  }
0x47: {  	_ =	shalt  }
0x48: {  	_ =	shalt  }
0x49: {  	_ =	shalt  }
0x4a: {  	_ =	shalt  }
0x4b: {  	_ =	shalt  }
0x4c: {  	_ =	shalt  }
0x4d: {  	_ =	shalt  }
0x4e: {  	_ =	shalt  }
0x4f: {  	_ =	shalt  }
0x50: {  	_ =	shalt  }
0x51: {  	_ =	shalt  }
0x52: {  	_ =	shalt  }
0x53: {  	_ =	shalt  }
0x54: {  	_ =	shalt  }
0x55: {  	_ =	shalt  }
0x56: {  	_ =	shalt  }
0x57: {  	_ =	shalt  }
0x58: {  	_ =	shalt  }
0x59: {  	_ =	shalt  }
0x5a: {  	_ =	shalt  }
0x5b: {  	_ =	shalt  }
0x5c: {  	_ =	shalt  }
0x5d: {  	_ =	shalt  }
0x5e: {  	_ =	shalt  }
0x5f: {  	_ =	shalt  }
0x60: {  	_ =	shalt  }
0x61: {  	_ =	shalt  }
0x62: {  	_ =	shalt  }
0x63: {  	_ =	shalt  }
0x64: {  	_ =	shalt  }
0x65: {  	_ =	shalt  }
0x66: {  	_ =	shalt  }
0x67: {  	_ =	shalt  }
0x68: {  	_ =	shalt  }
0x69: {  	_ =	shalt  }
0x6a: {  	_ =	shalt  }
0x6b: {  	_ =	shalt  }
0x6c: {  	_ =	shalt  }
0x6d: {  	_ =	shalt  }
0x6e: {  	_ =	shalt  }
0x6f: {  	_ =	shalt  }
0x70: {  	_ =	shalt  }
0x71: {  	_ =	shalt  }
0x72: {  	_ =	shalt  }
0x73: {  	_ =	shalt  }
0x74: {  	_ =	shalt  }
0x75: {  	_ =	shalt  }
0x76: {  	_ =	shalt  }
0x77: {  	_ =	shalt  }
0x78: {  	_ =	shalt  }
0x79: {  	_ =	shalt  }
0x7a: {  	_ =	shalt  }
0x7b: {  	_ =	shalt  }
0x7c: {  	_ =	shalt  }
0x7d: {  	_ =	shalt  }
0x7e: {  	_ =	shalt  }
0x7f: {  	_ =	shalt  }
0x80: {  	_ =	shalt  }
0x81: {  	_ =	shalt  }
0x82: {  	_ =	shalt  }
0x83: {  	_ =	shalt  }
0x84: {  	_ =	shalt  }
0x85: {  	_ =	shalt  }
0x86: {  	_ =	shalt  }
0x87: {  	_ =	shalt  }
.Lfunc_end0:
.L_simem_size_0:
called_computation_lowered:
.L_overlay_start_0:
0x88: {  	s2 =	sld [smem:$0x3FD9]  }
0x89: {  	s3 =	sld [smem:$0x3FFE];
	_ =	sdelay $0x1  }
0x8a: {  	s1 =	srdreg.scid  }
0x8b: {  	s0 =	sand.u32 $0x1, s1  }
0x8c: {  	s16 =	sshll.u32 s0, $0xA;
	s2 =	sadd.s32 s3, s2  }
0x8d: {  	s2 =	sadd.s32 s2, s16  }
0x8e: {  	[smem:$0x3FB9] =	sst s2  }
0x8f: {  	_ = 	snop  }
0x90: {  	(tm) =	ssettm $0x1  }
0x91: {  	s17 =	sld [smem:$0x3FFB];
	_ =	sdelay $0x3  }
0x92: {  	_ =	strace s17  }
0x93: {  	s2 =	sld [smem:$0x3FFC];
	_ =	sdelay $0x3  }
0x94: {  	_ =	strace s2  }
0x95: {  	s2 =	sld [smem:$0x3FFD];
	_ =	sdelay $0x3  }
0x96: {  	_ =	strace s2  }
0x97: {  	_ =	strace $0x8FFFFFFF  }
0x98: {  	s18 =	sld [smem:$0x3FDB];
	_ =	sdelay $0x1  }
0x99: {  	s19 =	simm.s32 $_scs_section_size  }
0x9a: {  	s4 =	simm.s32 $_size__tile_overlayer_lowered;
	s5 =	simm.s32 $_tile_overlayer_lowered  }
0x9b: {  	s22 =	simm.s32 $0x1BFF;
	s21 =	sshll.u32 s5, $0x1;
	s2 =	sadd.s32 s19, s18  }
0x9c: {  	s6 =	simm.s32 $0x0;
	s20 =	sshll.u32 s4, $0x1;
	s4 =	sadd.s32 s21, s2  }
0x9d: {  	[timem:s6], [sflag:s22] =	dma.local [hbm:s4], s20  }
0x9e: {  	_ =	swait.ge [sflag:s22], s20  }
0x9f: {  	s3 =	ssub.s32 $0x0, s20;
	[sflag:s22] =	ssyncset.done $0x0  }
0xa0: {  	[sflag:s22] =	ssyncadd.s32 s3;
	_ =	sdelay $0x1  }
0xa1: {  	s23 =	simm.s32 $0x1B8B  }
0xa2: {  	_ =	swait.ge [sflag:s23], $0x1  }
0xa3: {  	[sflag:s23] =	ssyncset.done $0x0  }
0xa4: {  	s25 =	simm.s32 $0x1B8E;
	s24 =	sld [smem:$0x3FFE];
	[sflag:s23] =	ssyncadd.s32 $0xFFFFFFFF  }
0xa5: {  	s26 =	simm.s32 $execute0_lowered;
	[smem:$0x3FD2] =	sst s25  }
0xa6: {  	s4 =	sshll.u32 s26, $0x1;
	_ =	strace $0x80000046;
	[dreg:$0x1] =	wrdreg $0xFFFFFFFF  }
0xa7: {  	s28 =	simm.s32 $_size_execute0_lowered;
	s2 =	sadd.s32 s2, s4;
	[dreg:$0x0] =	wrdreg $0x0  }
0xa8: {  	s4 =	sshll.u32 s28, $0x1;
	[dreg:$0x2] =	wrdreg s2  }
0xa9: {  	[dreg:$0x3] =	wrdreg s4  }
0xaa: {  	[dreg:$0x4] =	wrdreg $0xC0  }
0xab: {  	_ =	task [dreg:s6], $0x5FFFF  }
0xac: {  	[dreg:$0x1] =	wrdreg $0xFFFFFFFF  }
0xad: {  	[dreg:$0x0] =	wrdreg $0x60  }
0xae: {  	[dreg:$0x2] =	wrdreg s24  }
0xaf: {  	[dreg:$0x3] =	wrdreg $0x81000  }
0xb0: {  	[dreg:$0x4] =	wrdreg $0x9  }
0xb1: {  	_ =	task.clear_ibuf [dreg:s6], $0x5FFFF;
	_ =	strace $0x90000046  }
0xb2: {  	s29 =	simm.s32 $0x9;
	_ =	strace $0x80000048  }
0xb3: {  	_ =	swait.ge [sflag:s29], $0x1  }
0xb4: {  	[sflag:s29] =	ssyncadd.s32 $0xFFFFFFFF  }
0xb5: {  	_ =	strace $0x90000048  }
0xb6: {  	_ =	sfence  }
0xb7: {  	s30 =	sld [smem:$0x0];
	_ =	sdelay $0x2  }
0xb8: {  	s31 =	sshll.u32 s1, $0xD;
	s1 =	sshrl.u32 s1, $0x2  }
0xb9: {  	s3 =	sand.u32 $0x4000, s31;
	s1 =	sadd.s32 s1, s30  }
0xba: {  	s0 =	sor.u32 s3, s0;
	s1 =	sshll.u32 s1, $0x11  }
0xbb: {  	s0 =	sor.u32 s1, s0  }
0xbc: {  	s0 =	sadd.s32 $0x8F2B, s0  }
0xbd: {  	[sflag:s0] =	ssyncadd.remote.s32 $0x1  }
0xbe: {  	_ =	sfence.sel $0xFFFF  }
0xbf: {  	[dreg:$0x0] =	wrdreg $0xFFFFFFFF;
	(pc) =	sbr.abs _section_cstart, $3  }
0xc0: {  	[dreg:$0x1] =	wrdreg $0xFFFFFFFF  }
0xc1: {  	_ =	task.clear_ibuf [dreg:s6], $0x2FFFF;
	_ =	strace $0x9FFFFFFF  }
0xc2: {  	(tm) =	ssettm $0x7FFFFFFF  }
0xc3: {  	_ =	shalt  }
tec
execute0_lowered:
.L_overlay_start_1:
0x0: {  	(tag) =	ssettag $0x1  }
0x1: {  	s6 =	rddreg [dreg:$0x0]  }
0x2: {  	s2 =	rddreg [dreg:$0x1];
	s3 =	simm.s32 $0x0;
	s1 =	stileid.u32  }
0x3: {  	s5 =	srdreg.scid;
	s17 =	simm.s32 $0x6;
	s18 =	simm.s32 $0x80  }
0x4: {  	s19 =	simm.s32 $0x2;
	s20 =	simm.s32 $0x3;
	s4 =	smul.u32 $0x2800, s1  }
0x5: {  	[smem:$0x7FF] =	sst s3;
	s7 =	smul.u32 $0x50000, s1;
	s10 =	sand.u32 $0x1, s5  }
0x6: {  	s5 =	sadd.s32 $0x13200, s6;
	s31 =	sshll.u32 s1, $0x6;
	_ =	strace $0x80000047  }
0x7: {  	s9 =	ssub.s32 $0x2, s10;
	p0 =	seq.s32 s10, $0x1;
	s8 =	sadd.s32 s4, s6  }
0x8: {  	s4 =	sadd.s32 $0x9200, s6;
	s15 =	sadd.s32 s7, s6;
	s6 =	smul.u32 $0xA00, s1  }
.Ltmp0:
0x9: {  	s11 =	sshrl.u32 s9, $0x1;
	s7 =	sshrl.u32 s7, $0x2;
	(pc) =	sbr.rel .LBB2_1-.Ltmp0, $4  }
0xa: {  	s13 =	ssub.s32 s9, s11;
	s16 =	sadd.s32 s7, s2;
	s7 =	sadd.s32 $0x1D200, s8  }
0xb: {  	s8 =	sor.u32 $0x1C06, s31;
	s14 =	sadd.s32 $0x45200, s15;
	s15 =	sadd.s32 $0x545200, s15  }
0xc: {  	s9 =	sadd.s32 s4, s6;
	s11 =	sadd.s32 s5, s6;
	s13 =	smax.u32 s13, $0x1  }
0xd: {  	s16 =	sshrl.u32 s16, $0x3;
	s10 =	sadd.s32 $0x10, s9;
	s12 =	sadd.s32 $0x10, s11  }
.LBB2_7:
0xe: {  	p4 =	por p6, !p2;
	[sflag:s26] =	ssyncadd.s32 @!p5 $0xFFFFC000  }
0xf: {  	[hbm4b:s28+s29] =	stream.linear.scatter @!p5 [tilespmem:s30], [sflag:$0x2], $0x4000, $0x38;
	[tilespmem:$0x1C100] =	vst v63  }
0x10: {  	s24 =	simm.s32 @!p1 $0x0;
	s0 =	simm.s32 @!p4 $0x3  }
0x11: {  	[tilespmem:s24], [sflag:$0x4] =	stream.linear.gather @!p1 [hbm4b:s25+s24], $0x80, $0x38;
	[tilespmem:$0x1C100] =	vst v63  }
0x12: {  	_ =	swait.ge @!p4 [sflag:s0], $0x4000  }
0x13: {  	[sflag:s0] =	ssyncset.done @!p4 $0x0  }
0x14: {  	[sflag:s0] =	ssyncadd.s32 @!p4 $0xFFFFC000;
	s0 =	simm.s32 @p2 $0x5  }
0x15: {  	_ =	swait.ge @p2 [sflag:s0], $0x80  }
0x16: {  	p1 =	slt.u32 @!p2 s22, $0x2;
	s24 =	simm.s32 @p2 $0x1;
	[sflag:s0] =	ssyncset.done @p2 $0x0  }
0x17: {  	s25 =	simm.s32 @p2 $0x4100;
	[sflag:s0] =	ssyncadd.s32 @p2 $0xFFFFFF80;
	s0 =	simm.s32 @p2 $0x80  }
0x18: {  	[tilespmem:s25], [sflag:$0x1] =	stream.indirect.gather @p2 [spmem:s2], $0x80, s0, s0, $0xb8;
	[tilespmem:$0x1C100] =	vst v63  }
0x19: {  	p4 =	por p1, p2;
	p1 =	por p3, !p2;
	_ =	swait.ge @p2 [sflag:s24], $0x4000  }
0x1a: {  	s26 =	sand.u32 @!p1 $0x70, s23;
	[sflag:s24] =	ssyncset.done @p2 $0x0  }
0x1b: {  	s28 =	simm.s32 @!p1 $0x80;
	[sflag:s24] =	ssyncadd.s32 @p2 $0xFFFFC000;
	s24 =	sadd.s32 @!p1 s23, s6  }
0x1c: {  	s26 =	sadd.s32 @!p1 s5, s26;
	s0 =	simm.s32 @p2 $0x0;
	s24 =	sand.u32 @!p1 $0x1FF80, s24  }
0x1d: {  	[hbm4b:s21+s0] =	stream.linear.scatter @p2 [tilespmem:s25], [sflag:$0x3], $0x4000, $0x38;
	[tilespmem:$0x1C100] =	vst v63  }
0x1e: {  	s25 =	simm.s32 @!p4 $0x2;
	s0 =	sadd.s32 @!p1 s24, s26;
	s24 =	simm.s32 @!p1 $0x0  }
0x1f: {  	[tilespmem:s28], [sflag:$0x5] =	stream.linear.gather @!p1 [hbm4b:s0+s24], $0x80, $0x38;
	[tilespmem:$0x1C100] =	vst v63  }
0x20: {  	_ =	swait.ge @!p4 [sflag:s25], $0x4000  }
0x21: {  	p1 =	por p2, p2;
	[sflag:s25] =	ssyncset.done @!p4 $0x0  }
0x22: {  	s0 =	simm.s32 @!p1 $0x4;
	[sflag:s25] =	ssyncadd.s32 @!p4 $0xFFFFC000  }
0x23: {  	p3 =	sgt.u32 @!p2 s22, $0x9D;
	_ =	swait.ge @!p1 [sflag:s0], $0x80  }
0x24: {  	s22 =	simm.s32 @!p1 $0x1;
	s24 =	simm.s32 @!p1 $0x0;
	[sflag:s0] =	ssyncset.done @!p1 $0x0  }
0x25: {  	s25 =	simm.s32 @!p1 $0x100;
	[sflag:s0] =	ssyncadd.s32 @!p1 $0xFFFFFF80;
	s0 =	simm.s32 @!p1 $0x80  }
0x26: {  	[tilespmem:s25], [sflag:$0x1] =	stream.indirect.gather @!p1 [spmem:s2], $0x80, s24, s0, $0xb8;
	[tilespmem:$0x1C100] =	vst v63  }
0x27: {  	p2 =	por p3, p2;
	_ =	swait.ge @!p1 [sflag:s22], $0x4000  }
0x28: {  	s0 =	sadd.s32 @!p2 s23, s6;
	s23 =	sand.u32 @!p2 $0x60, s23;
	[sflag:s22] =	ssyncset.done @!p1 $0x0  }
0x29: {  	s0 =	sand.u32 @!p2 $0x1FF80, s0;
	s23 =	sadd.s32 @!p2 s5, s23;
	[sflag:s22] =	ssyncadd.s32 @!p1 $0xFFFFC000  }
0x2a: {  	[hbm4b:s21+s24] =	stream.linear.scatter @!p1 [tilespmem:s25], [sflag:$0x2], $0x4000, $0x38;
	[tilespmem:$0x1C100] =	vst v63  }
0x2b: {  	s0 =	sadd.s32 @!p2 s0, s23;
	s21 =	simm.s32 @!p2 $0x0  }
0x2c: {  	[tilespmem:s21], [sflag:$0x4] =	stream.linear.gather @!p2 [hbm4b:s0+s21], $0x80, $0x38;
	[tilespmem:$0x1C100] =	vst v63  }
.LBB2_8:
0x2d: {  	s3 =	sadd.s32 $0x1, s3  }
0x2e: {  	_ =	swait.ge [sflag:s19], $0x4000;
	p1 =	sne.s32 s3, s13  }
.Ltmp1:
0x2f: {  	[sflag:s19] =	ssyncset.done $0x0;
	(pc) =	sbr.rel @!p1 .LBB2_9-.Ltmp1, $4  }
0x30: {  	[sflag:s19] =	ssyncadd.s32 $0xFFFFC000  }
0x31: {  	_ =	swait.ge [sflag:s20], $0x4000  }
0x32: {  	[sflag:s20] =	ssyncset.done $0x0  }
0x33: {  	[sflag:s20] =	ssyncadd.s32 $0xFFFFC000  }
.LBB2_1:
0x34: {  	[spmem:s16], [sflag:s8] =	dma.local [hbm:s7], $0x2800  }
.Ltmp2:
0x35: {  	_ =	swait.ge [sflag:s17], $0x2800;
	(pc) =	sbr.rel @!p0 .LBB2_2-.Ltmp2, $3  }
0x36: {  	[sflag:s17] =	ssyncset.done $0x0  }
0x37: {  	[sflag:s17] =	ssyncadd.s32 $0xFFFFD800  }
0x38: {  	[bflag:$0x0] =	sbarrier.arrive $0xFFFF;
	_ =	sdelay $0x1  }
0x39: {  	s0 =	simm.s32 $0x0  }
0x3a: {  	[tilespmem:s0], [sflag:$0x4] =	stream.linear.gather [hbm4b:s11+s0], $0x80, $0x38;
	[tilespmem:$0x1C100] =	vst v63  }
0x3b: {  	_ = 	snop  }
0x3c: {  	[tilespmem:s18], [sflag:$0x5] =	stream.linear.gather [hbm4b:s12+s0], $0x80, $0x38;
	[tilespmem:$0x1C100] =	vst v63  }
0x3d: {  	s0 =	sand.u32 $0x1, s0  }
0x3e: {  	p2 =	seq.s32 s0, $0x1  }
0x3f: {  	p1 =	por @p2 $0x1, $0x1  }
0x40: {  	p1 =	por p1, !p2  }
0x41: {  	s0 =	simm.s32 @!p1 $0x3  }
0x42: {  	s21 =	simm.s32 $0x20;
	s22 =	simm.s32 $0x1;
	_ =	swait.ge @!p1 [sflag:s0], $0x4000  }
0x43: {  	s24 =	simm.s32 $0x2;
	s31 =	sand.u32 $0x1, s22;
	[sflag:s0] =	ssyncset.done @!p1 $0x0  }
0x44: {  	p4 =	por @p2 $0x0, $0x0;
	[sflag:s0] =	ssyncadd.s32 @!p1 $0xFFFFC000;
	s0 =	simm.s32 @p2 $0x5  }
0x45: {  	p3 =	por @!p2 $0x1, $0x1;
	s23 =	simm.s32 @p2 $0x1;
	_ =	swait.ge @p2 [sflag:s0], $0x80  }
0x46: {  	s25 =	simm.s32 @p2 $0x4100;
	s26 =	simm.s32 @p2 $0x0;
	[sflag:s0] =	ssyncset.done @p2 $0x0  }
0x47: {  	p5 =	por p2, p2;
	[sflag:s0] =	ssyncadd.s32 @p2 $0xFFFFFF80;
	s0 =	simm.s32 @p2 $0x80  }
0x48: {  	[tilespmem:s25], [sflag:$0x1] =	stream.indirect.gather @p2 [spmem:s2], $0x80, s0, s0, $0xb8;
	[tilespmem:$0x1C100] =	vst v63  }
0x49: {  	p3 =	por p3, p2;
	p4 =	por p4, !p2;
	_ =	swait.ge @p2 [sflag:s23], $0x4000  }
0x4a: {  	s28 =	sand.u32 @!p4 $0x70, s21;
	s29 =	simm.s32 @!p4 $0x80;
	[sflag:s23] =	ssyncset.done @p2 $0x0  }
0x4b: {  	p1 =	por @!p2 $0x0, $0x0;
	[sflag:s23] =	ssyncadd.s32 @p2 $0xFFFFC000;
	s23 =	sadd.s32 @!p4 $0x20, s6  }
0x4c: {  	s28 =	sadd.s32 @!p4 s5, s28;
	p1 =	por p1, p2;
	s23 =	sand.u32 @!p4 $0x1FF80, s23  }
0x4d: {  	[hbm4b:s15+s26] =	stream.linear.scatter @p2 [tilespmem:s25], [sflag:$0x3], $0x4000, $0x38;
	[tilespmem:$0x1C100] =	vst v63  }
0x4e: {  	s25 =	simm.s32 @!p4 $0x0;
	s26 =	simm.s32 @!p3 $0x2;
	s23 =	sadd.s32 @!p4 s23, s28  }
0x4f: {  	[tilespmem:s29], [sflag:$0x5] =	stream.linear.gather @!p4 [hbm4b:s23+s25], $0x80, $0x38;
	[tilespmem:$0x1C100] =	vst v63  }
0x50: {  	s21 =	sand.u32 @!p1 $0x60, s21;
	s0 =	sadd.s32 @!p1 $0x20, s6;
	_ =	swait.ge @!p3 [sflag:s26], $0x4000  }
0x51: {  	s21 =	sadd.s32 @!p1 s5, s21;
	s0 =	sand.u32 @!p1 $0x1FF80, s0;
	[sflag:s26] =	ssyncset.done @!p3 $0x0  }
0x52: {  	s25 =	sadd.s32 @!p1 s0, s21;
	s0 =	simm.s32 @!p5 $0x4;
	[sflag:s26] =	ssyncadd.s32 @!p3 $0xFFFFC000  }
0x53: {  	s30 =	simm.s32 @!p5 $0x100;
	p2 =	seq.s32 s31, $0x1;
	_ =	swait.ge @!p5 [sflag:s0], $0x80  }
0x54: {  	p6 =	por @p2 $0x1, $0x1;
	s29 =	simm.s32 @!p5 $0x0;
	[sflag:s0] =	ssyncset.done @!p5 $0x0  }
0x55: {  	s26 =	simm.s32 @!p5 $0x1;
	[sflag:s0] =	ssyncadd.s32 @!p5 $0xFFFFFF80;
	s0 =	simm.s32 @!p5 $0x80  }
0x56: {  	[tilespmem:s30], [sflag:$0x1] =	stream.indirect.gather @!p5 [spmem:s2], $0x80, s29, s0, $0xb8;
	[tilespmem:$0x1C100] =	vst v63  }
0x57: {  	s28 =	smov.u32 s15;
	s21 =	sadd.s32 $0x800, s15;
	_ =	swait.ge @!p5 [sflag:s26], $0x4000  }
0x58: {  	s23 =	simm.s32 $0x30;
	p3 =	por @p2 $0x0, $0x0;
	[sflag:s26] =	ssyncset.done @!p5 $0x0  }
.LBB2_6:
0x59: {  	p4 =	por p6, !p2  }
0x5a: {  	p6 =	slt.u32 @!p2 s22, $0x2;
	[sflag:s26] =	ssyncadd.s32 @!p5 $0xFFFFC000;
	s0 =	smov.u32 s24  }
0x5b: {  	[hbm4b:s28+s29] =	stream.linear.scatter @!p5 [tilespmem:s30], [sflag:$0x2], $0x4000, $0x38;
	[tilespmem:$0x1C100] =	vst v63  }
0x5c: {  	s26 =	simm.s32 @!p4 $0x3;
	p5 =	sgt.u32 @!p2 s22, $0x9D;
	s22 =	simm.s32 @!p1 $0x0  }
0x5d: {  	[tilespmem:s22], [sflag:$0x4] =	stream.linear.gather @!p1 [hbm4b:s25+s22], $0x80, $0x38;
	[tilespmem:$0x1C100] =	vst v63  }
0x5e: {  	s24 =	sadd.s32 $0x1, s24;
	p1 =	por p5, p2;
	_ =	swait.ge @!p4 [sflag:s26], $0x4000  }
0x5f: {  	s22 =	sadd.s32 @!p1 s23, s6;
	s25 =	sand.u32 @!p1 $0x60, s23;
	[sflag:s26] =	ssyncset.done @!p4 $0x0  }
0x60: {  	s22 =	sand.u32 @!p1 $0x1FF80, s22;
	[sflag:s26] =	ssyncadd.s32 @!p4 $0xFFFFC000;
	s26 =	simm.s32 @p2 $0x5  }
0x61: {  	s25 =	sadd.s32 @!p1 s5, s25;
	p4 =	sne.s32 s24, $0xA0;
	_ =	swait.ge @p2 [sflag:s26], $0x80  }
0x62: {  	s28 =	simm.s32 @p2 $0x1;
	s25 =	sadd.s32 @!p1 s22, s25;
	[sflag:s26] =	ssyncset.done @p2 $0x0  }
0x63: {  	s22 =	simm.s32 @p2 $0x80;
	[sflag:s26] =	ssyncadd.s32 @p2 $0xFFFFFF80;
	s26 =	simm.s32 @p2 $0x4100  }
0x64: {  	[tilespmem:s26], [sflag:$0x1] =	stream.indirect.gather @p2 [spmem:s2], $0x80, s22, s22, $0xb8;
	[tilespmem:$0x1C100] =	vst v63  }
0x65: {  	p6 =	por p6, p2;
	s22 =	smov.u32 s0;
	_ =	swait.ge @p2 [sflag:s28], $0x4000  }
0x66: {  	p3 =	por p3, !p2;
	s0 =	simm.s32 @p2 $0x0;
	[sflag:s28] =	ssyncset.done @p2 $0x0  }
0x67: {  	s29 =	sand.u32 @!p3 $0x70, s23;
	[sflag:s28] =	ssyncadd.s32 @p2 $0xFFFFC000;
	s28 =	sadd.s32 @!p3 s23, s6  }
0x68: {  	s30 =	simm.s32 @!p3 $0x80;
	s29 =	sadd.s32 @!p3 s5, s29;
	s28 =	sand.u32 @!p3 $0x1FF80, s28  }
0x69: {  	[hbm4b:s21+s0] =	stream.linear.scatter @p2 [tilespmem:s26], [sflag:$0x3], $0x4000, $0x38;
	[tilespmem:$0x1C100] =	vst v63  }
0x6a: {  	s0 =	sadd.s32 @!p3 s28, s29;
	s26 =	simm.s32 @!p3 $0x0;
	s29 =	simm.s32 @!p6 $0x2  }
0x6b: {  	[tilespmem:s30], [sflag:$0x5] =	stream.linear.gather @!p3 [hbm4b:s0+s26], $0x80, $0x38;
	[tilespmem:$0x1C100] =	vst v63  }
0x6c: {  	p5 =	por p2, p2;
	s28 =	smov.u32 s21;
	_ =	swait.ge @!p6 [sflag:s29], $0x4000  }
0x6d: {  	[sflag:s29] =	ssyncset.done @!p6 $0x0  }
0x6e: {  	s21 =	sadd.s32 $0x800, s21;
	s0 =	simm.s32 @!p5 $0x4;
	[sflag:s29] =	ssyncadd.s32 @!p6 $0xFFFFC000  }
0x6f: {  	s26 =	simm.s32 @!p5 $0x1;
	s30 =	simm.s32 @!p5 $0x100;
	_ =	swait.ge @!p5 [sflag:s0], $0x80  }
.Ltmp3:
0x70: {  	s29 =	simm.s32 @!p5 $0x0;
	[sflag:s0] =	ssyncset.done @!p5 $0x0;
	(pc) =	sbr.rel @p4 .LBB2_6-.Ltmp3, $4  }
0x71: {  	s31 =	sand.u32 $0x1, s22;
	[sflag:s0] =	ssyncadd.s32 @!p5 $0xFFFFFF80;
	s0 =	simm.s32 @!p5 $0x80  }
0x72: {  	[tilespmem:s30], [sflag:$0x1] =	stream.indirect.gather @!p5 [spmem:s2], $0x80, s29, s0, $0xb8;
	[tilespmem:$0x1C100] =	vst v63  }
0x73: {  	s23 =	sadd.s32 $0x10, s23;
	p2 =	seq.s32 s31, $0x1;
	_ =	swait.ge @!p5 [sflag:s26], $0x4000  }
0x74: {  	p3 =	sgt.u32 @p2 s22, $0x9D;
	p6 =	slt.u32 @p2 s22, $0x2;
	[sflag:s26] =	ssyncset.done @!p5 $0x0  }
.Ltmp4:
0x75: {  	_ = 	snop;
	(pc) =	sbr.rel .LBB2_7-.Ltmp4, $1  }
0x76: {  	_ =	sdelay $0x3  }
.LBB2_2:
0x77: {  	s21 =	simm.s32 $0x0  }
0x78: {  	[tilespmem:s21], [sflag:$0x4] =	stream.linear.gather [hbm4b:s9+s21], $0x80, $0x38;
	[tilespmem:$0x1C100] =	vst v63  }
0x79: {  	_ = 	snop  }
0x7a: {  	[tilespmem:s18], [sflag:$0x5] =	stream.linear.gather [hbm4b:s10+s21], $0x80, $0x38;
	[tilespmem:$0x1C100] =	vst v63  }
0x7b: {  	s21 =	sand.u32 $0x1, s21  }
0x7c: {  	p2 =	seq.s32 s21, $0x1  }
0x7d: {  	p1 =	por @p2 $0x1, $0x1  }
0x7e: {  	p1 =	por p1, !p2  }
0x7f: {  	s21 =	simm.s32 @!p1 $0x3  }
0x80: {  	s23 =	simm.s32 $0x20;
	s22 =	simm.s32 $0x1;
	_ =	swait.ge @!p1 [sflag:s21], $0x4000  }
0x81: {  	s24 =	simm.s32 $0x2;
	p4 =	por @p2 $0x0, $0x0;
	[sflag:s21] =	ssyncset.done @!p1 $0x0  }
0x82: {  	p3 =	por @!p2 $0x1, $0x1;
	[sflag:s21] =	ssyncadd.s32 @!p1 $0xFFFFC000;
	s21 =	simm.s32 @p2 $0x5  }
0x83: {  	s25 =	simm.s32 @p2 $0x1;
	s26 =	simm.s32 @p2 $0x4100;
	_ =	swait.ge @p2 [sflag:s21], $0x80  }
0x84: {  	s28 =	simm.s32 @p2 $0x0;
	p5 =	por p2, p2;
	[sflag:s21] =	ssyncset.done @p2 $0x0  }
0x85: {  	p4 =	por p4, !p2;
	[sflag:s21] =	ssyncadd.s32 @p2 $0xFFFFFF80;
	s21 =	simm.s32 @p2 $0x80  }
0x86: {  	[tilespmem:s26], [sflag:$0x1] =	stream.indirect.gather @p2 [spmem:s2], $0x80, s21, s21, $0xb8;
	[tilespmem:$0x1C100] =	vst v63  }
0x87: {  	p3 =	por p3, p2;
	s29 =	sand.u32 @!p4 $0x70, s23;
	_ =	swait.ge @p2 [sflag:s25], $0x4000  }
0x88: {  	s30 =	simm.s32 @!p4 $0x80;
	p1 =	por @!p2 $0x0, $0x0;
	[sflag:s25] =	ssyncset.done @p2 $0x0  }
0x89: {  	p1 =	por p1, p2;
	[sflag:s25] =	ssyncadd.s32 @p2 $0xFFFFC000;
	s25 =	sadd.s32 @!p4 $0x20, s6  }
0x8a: {  	s29 =	sadd.s32 @!p4 s4, s29;
	s23 =	sand.u32 @!p1 $0x60, s23;
	s25 =	sand.u32 @!p4 $0x1FF80, s25  }
0x8b: {  	[hbm4b:s14+s28] =	stream.linear.scatter @p2 [tilespmem:s26], [sflag:$0x3], $0x4000, $0x38;
	[tilespmem:$0x1C100] =	vst v63  }
0x8c: {  	s26 =	simm.s32 @!p4 $0x0;
	s28 =	simm.s32 @!p3 $0x2;
	s25 =	sadd.s32 @!p4 s25, s29  }
0x8d: {  	[tilespmem:s30], [sflag:$0x5] =	stream.linear.gather @!p4 [hbm4b:s25+s26], $0x80, $0x38;
	[tilespmem:$0x1C100] =	vst v63  }
0x8e: {  	s23 =	sadd.s32 @!p1 s4, s23;
	s21 =	sadd.s32 @!p1 $0x20, s6;
	_ =	swait.ge @!p3 [sflag:s28], $0x4000  }
0x8f: {  	s21 =	sand.u32 @!p1 $0x1FF80, s21;
	s29 =	simm.s32 @!p5 $0x0;
	[sflag:s28] =	ssyncset.done @!p3 $0x0  }
0x90: {  	s25 =	sadd.s32 @!p1 s21, s23;
	s23 =	simm.s32 @!p5 $0x4;
	[sflag:s28] =	ssyncadd.s32 @!p3 $0xFFFFC000  }
0x91: {  	s26 =	simm.s32 @!p5 $0x1;
	s21 =	sadd.s32 $0x800, s14;
	_ =	swait.ge @!p5 [sflag:s23], $0x80  }
0x92: {  	s30 =	simm.s32 @!p5 $0x100;
	s28 =	sand.u32 $0x1, s22;
	[sflag:s23] =	ssyncset.done @!p5 $0x0  }
0x93: {  	p2 =	seq.s32 s28, $0x1;
	[sflag:s23] =	ssyncadd.s32 @!p5 $0xFFFFFF80;
	s23 =	simm.s32 @!p5 $0x80  }
0x94: {  	[tilespmem:s30], [sflag:$0x1] =	stream.indirect.gather @!p5 [spmem:s2], $0x80, s29, s23, $0xb8;
	[tilespmem:$0x1C100] =	vst v63  }
0x95: {  	s28 =	smov.u32 s14;
	p6 =	por @p2 $0x1, $0x1;
	_ =	swait.ge @!p5 [sflag:s26], $0x4000  }
0x96: {  	p3 =	por @p2 $0x0, $0x0;
	s23 =	simm.s32 $0x30;
	[sflag:s26] =	ssyncset.done @!p5 $0x0  }
.LBB2_3:
0x97: {  	p4 =	por p6, !p2  }
0x98: {  	p6 =	slt.u32 @!p2 s22, $0x2;
	[sflag:s26] =	ssyncadd.s32 @!p5 $0xFFFFC000;
	s26 =	smov.u32 s24  }
0x99: {  	[hbm4b:s28+s29] =	stream.linear.scatter @!p5 [tilespmem:s30], [sflag:$0x2], $0x4000, $0x38;
	[tilespmem:$0x1C100] =	vst v63  }
0x9a: {  	s28 =	simm.s32 @!p4 $0x3;
	p5 =	sgt.u32 @!p2 s22, $0x9D;
	s22 =	simm.s32 @!p1 $0x0  }
0x9b: {  	[tilespmem:s22], [sflag:$0x4] =	stream.linear.gather @!p1 [hbm4b:s25+s22], $0x80, $0x38;
	[tilespmem:$0x1C100] =	vst v63  }
0x9c: {  	s24 =	sadd.s32 $0x1, s24;
	p1 =	por p5, p2;
	_ =	swait.ge @!p4 [sflag:s28], $0x4000  }
0x9d: {  	s22 =	sadd.s32 @!p1 s23, s6;
	s25 =	sand.u32 @!p1 $0x60, s23;
	[sflag:s28] =	ssyncset.done @!p4 $0x0  }
0x9e: {  	s22 =	sand.u32 @!p1 $0x1FF80, s22;
	[sflag:s28] =	ssyncadd.s32 @!p4 $0xFFFFC000;
	s28 =	simm.s32 @p2 $0x5  }
0x9f: {  	s25 =	sadd.s32 @!p1 s4, s25;
	p4 =	seq.s32 s24, $0xA0;
	_ =	swait.ge @p2 [sflag:s28], $0x80  }
0xa0: {  	s29 =	simm.s32 @p2 $0x1;
	s25 =	sadd.s32 @!p1 s22, s25;
	[sflag:s28] =	ssyncset.done @p2 $0x0  }
0xa1: {  	s22 =	simm.s32 @p2 $0x80;
	[sflag:s28] =	ssyncadd.s32 @p2 $0xFFFFFF80;
	s28 =	simm.s32 @p2 $0x4100  }
0xa2: {  	[tilespmem:s28], [sflag:$0x1] =	stream.indirect.gather @p2 [spmem:s2], $0x80, s22, s22, $0xb8;
	[tilespmem:$0x1C100] =	vst v63  }
0xa3: {  	p6 =	por p6, p2;
	s22 =	smov.u32 s26;
	_ =	swait.ge @p2 [sflag:s29], $0x4000  }
0xa4: {  	p3 =	por p3, !p2;
	s26 =	simm.s32 @p2 $0x0;
	[sflag:s29] =	ssyncset.done @p2 $0x0  }
0xa5: {  	s30 =	sand.u32 @!p3 $0x70, s23;
	[sflag:s29] =	ssyncadd.s32 @p2 $0xFFFFC000;
	s29 =	sadd.s32 @!p3 s23, s6  }
0xa6: {  	s31 =	simm.s32 @!p3 $0x80;
	s30 =	sadd.s32 @!p3 s4, s30;
	s29 =	sand.u32 @!p3 $0x1FF80, s29  }
0xa7: {  	[hbm4b:s21+s26] =	stream.linear.scatter @p2 [tilespmem:s28], [sflag:$0x3], $0x4000, $0x38;
	[tilespmem:$0x1C100] =	vst v63  }
0xa8: {  	s26 =	sadd.s32 @!p3 s29, s30;
	s28 =	simm.s32 @!p3 $0x0;
	s29 =	simm.s32 @!p6 $0x2  }
0xa9: {  	[tilespmem:s31], [sflag:$0x5] =	stream.linear.gather @!p3 [hbm4b:s26+s28], $0x80, $0x38;
	[tilespmem:$0x1C100] =	vst v63  }
0xaa: {  	p5 =	por p2, p2;
	s28 =	smov.u32 s21;
	_ =	swait.ge @!p6 [sflag:s29], $0x4000  }
0xab: {  	[sflag:s29] =	ssyncset.done @!p6 $0x0  }
0xac: {  	s30 =	simm.s32 @!p5 $0x100;
	s31 =	simm.s32 @!p5 $0x4;
	[sflag:s29] =	ssyncadd.s32 @!p6 $0xFFFFC000  }
0xad: {  	s26 =	simm.s32 @!p5 $0x1;
	s21 =	sadd.s32 $0x800, s21;
	_ =	swait.ge @!p5 [sflag:s31], $0x80  }
.Ltmp5:
0xae: {  	s29 =	simm.s32 @!p5 $0x0;
	[sflag:s31] =	ssyncset.done @!p5 $0x0;
	(pc) =	sbr.rel @!p4 .LBB2_3-.Ltmp5, $4  }
0xaf: {  	s0 =	sand.u32 $0x1, s22;
	[sflag:s31] =	ssyncadd.s32 @!p5 $0xFFFFFF80;
	s31 =	simm.s32 @!p5 $0x80  }
0xb0: {  	[tilespmem:s30], [sflag:$0x1] =	stream.indirect.gather @!p5 [spmem:s2], $0x80, s29, s31, $0xb8;
	[tilespmem:$0x1C100] =	vst v63  }
0xb1: {  	s23 =	sadd.s32 $0x10, s23;
	p2 =	seq.s32 s0, $0x1;
	_ =	swait.ge @!p5 [sflag:s26], $0x4000  }
0xb2: {  	p3 =	sgt.u32 @p2 s22, $0x9D;
	p6 =	slt.u32 @p2 s22, $0x2;
	[sflag:s26] =	ssyncset.done @!p5 $0x0  }
0xb3: {  	p4 =	por p6, !p2;
	[sflag:s26] =	ssyncadd.s32 @!p5 $0xFFFFC000  }
0xb4: {  	[hbm4b:s28+s29] =	stream.linear.scatter @!p5 [tilespmem:s30], [sflag:$0x2], $0x4000, $0x38;
	[tilespmem:$0x1C100] =	vst v63  }
0xb5: {  	s24 =	simm.s32 @!p1 $0x0;
	s0 =	simm.s32 @!p4 $0x3  }
0xb6: {  	[tilespmem:s24], [sflag:$0x4] =	stream.linear.gather @!p1 [hbm4b:s25+s24], $0x80, $0x38;
	[tilespmem:$0x1C100] =	vst v63  }
0xb7: {  	_ =	swait.ge @!p4 [sflag:s0], $0x4000  }
0xb8: {  	[sflag:s0] =	ssyncset.done @!p4 $0x0  }
0xb9: {  	[sflag:s0] =	ssyncadd.s32 @!p4 $0xFFFFC000;
	s0 =	simm.s32 @p2 $0x5  }
0xba: {  	_ =	swait.ge @p2 [sflag:s0], $0x80  }
0xbb: {  	p1 =	slt.u32 @!p2 s22, $0x2;
	s24 =	simm.s32 @p2 $0x1;
	[sflag:s0] =	ssyncset.done @p2 $0x0  }
0xbc: {  	s25 =	simm.s32 @p2 $0x4100;
	[sflag:s0] =	ssyncadd.s32 @p2 $0xFFFFFF80;
	s0 =	simm.s32 @p2 $0x80  }
0xbd: {  	[tilespmem:s25], [sflag:$0x1] =	stream.indirect.gather @p2 [spmem:s2], $0x80, s0, s0, $0xb8;
	[tilespmem:$0x1C100] =	vst v63  }
0xbe: {  	p4 =	por p1, p2;
	p1 =	por p3, !p2;
	_ =	swait.ge @p2 [sflag:s24], $0x4000  }
0xbf: {  	s26 =	sand.u32 @!p1 $0x70, s23;
	[sflag:s24] =	ssyncset.done @p2 $0x0  }
0xc0: {  	s28 =	simm.s32 @!p1 $0x80;
	[sflag:s24] =	ssyncadd.s32 @p2 $0xFFFFC000;
	s24 =	sadd.s32 @!p1 s23, s6  }
0xc1: {  	s26 =	sadd.s32 @!p1 s4, s26;
	s0 =	simm.s32 @p2 $0x0;
	s24 =	sand.u32 @!p1 $0x1FF80, s24  }
0xc2: {  	[hbm4b:s21+s0] =	stream.linear.scatter @p2 [tilespmem:s25], [sflag:$0x3], $0x4000, $0x38;
	[tilespmem:$0x1C100] =	vst v63  }
0xc3: {  	s25 =	simm.s32 @!p4 $0x2;
	s0 =	sadd.s32 @!p1 s24, s26;
	s24 =	simm.s32 @!p1 $0x0  }
0xc4: {  	[tilespmem:s28], [sflag:$0x5] =	stream.linear.gather @!p1 [hbm4b:s0+s24], $0x80, $0x38;
	[tilespmem:$0x1C100] =	vst v63  }
0xc5: {  	_ =	swait.ge @!p4 [sflag:s25], $0x4000  }
0xc6: {  	p1 =	por p2, p2;
	[sflag:s25] =	ssyncset.done @!p4 $0x0  }
0xc7: {  	p3 =	sgt.u32 @!p2 s22, $0x9D;
	s0 =	simm.s32 @!p1 $0x4;
	[sflag:s25] =	ssyncadd.s32 @!p4 $0xFFFFC000  }
0xc8: {  	p2 =	por p3, p2;
	_ =	swait.ge @!p1 [sflag:s0], $0x80  }
0xc9: {  	s22 =	simm.s32 @!p1 $0x1;
	s24 =	simm.s32 @!p1 $0x0;
	[sflag:s0] =	ssyncset.done @!p1 $0x0  }
0xca: {  	s25 =	simm.s32 @!p1 $0x100;
	[sflag:s0] =	ssyncadd.s32 @!p1 $0xFFFFFF80;
	s0 =	simm.s32 @!p1 $0x80  }
0xcb: {  	[tilespmem:s25], [sflag:$0x1] =	stream.indirect.gather @!p1 [spmem:s2], $0x80, s24, s0, $0xb8;
	[tilespmem:$0x1C100] =	vst v63  }
0xcc: {  	s0 =	sadd.s32 @!p2 s23, s6;
	_ =	swait.ge @!p1 [sflag:s22], $0x4000  }
.Ltmp6:
0xcd: {  	s23 =	sand.u32 @!p2 $0x60, s23;
	[sflag:s22] =	ssyncset.done @!p1 $0x0;
	(pc) =	sbr.rel .LBB2_8-.Ltmp6, $4  }
0xce: {  	s0 =	sand.u32 @!p2 $0x1FF80, s0;
	s23 =	sadd.s32 @!p2 s4, s23;
	[sflag:s22] =	ssyncadd.s32 @!p1 $0xFFFFC000  }
0xcf: {  	[hbm4b:s21+s24] =	stream.linear.scatter @!p1 [tilespmem:s25], [sflag:$0x2], $0x4000, $0x38;
	[tilespmem:$0x1C100] =	vst v63  }
0xd0: {  	s0 =	sadd.s32 @!p2 s0, s23;
	s21 =	simm.s32 @!p2 $0x0  }
0xd1: {  	[tilespmem:s21], [sflag:$0x4] =	stream.linear.gather @!p2 [hbm4b:s0+s21], $0x80, $0x38;
	[tilespmem:$0x1C100] =	vst v63  }
.LBB2_9:
0xd2: {  	_ =	sfence.sel $0x180000  }
0xd3: {  	[bflag:$0x0] =	sbarrier.arrive $0xFFFF  }
0xd4: {  	_ =	strace $0x90000047  }
0xd5: {  	[bflag:$0x2] =	sbarrier.arrive $0xFFFF  }
0xd6: {  	p0 =	sne.s32 s1, $0x0;
	s0 =	rddreg [dreg:$0x2]  }
0xd7: {  	s0 =	sadd.s32 @!p0 $0x100000, s0  }
0xd8: {  	[sflag:s0] =	ssyncadd.tile.s32 @!p0 $0x1;
	_ =	shalt  }
.Lfunc_end2:
_tile_overlayer_lowered:
.L_overlay_start_2:
0xd9: {  	(tag) =	ssettag $0x2  }
0xda: {  	s0 =	rddreg [dreg:$0x0];
	s2 =	stileid.u32  }
0xdb: {  	s1 =	rddreg [dreg:$0x1];
	p0 =	sne.s32 s2, $0x0  }
0xdc: {  	s3 =	rddreg [dreg:$0x2];
	[bflag:$0x3] =	sbarrier.arrive $0xFFFF;
	s2 =	simm.s32 @!p0 $0x1C06  }
0xdd: {  	[timem:s3], [sflag:s2] =	dma.local @!p0 [hbm:s0], s1  }
0xde: {  	s0 =	simm.s32 @!p0 $0x6  }
0xdf: {  	_ =	swait.ge @!p0 [sflag:s0], s1  }
0xe0: {  	s1 =	ssub.s32 @!p0 $0x0, s1;
	[sflag:s0] =	ssyncset.done @!p0 $0x0  }
0xe1: {  	[sflag:s0] =	ssyncadd.s32 @!p0 s1  }
0xe2: {  	[bflag:$0x3] =	sbarrier.arrive $0xFFFF  }
0xe3: {  	_ =	shalt  }

// kernel: kernel.18.cloned.1.call-start
scs
__scs_entry_jumppad:
0x0: {  	(pc) =	sbr.rel $0x88, $3  }
0x1: {  	(tag) =	ssettag $0x0;
	lr =	simm.s32 $0x1  }
0x2: {  	[smem:$0x3F92] =	sst lr;
	_ =	strace $0xD0000000  }
0x3: {  	_ = 	snop  }
0x4: {  	_ = 	snop  }
0x5: {  	_ = 	snop  }
0x6: {  	_ = 	snop  }
0x7: {  	_ = 	snop  }
__scs_overlays_trampoline_lowered:
0x8: {  	[smem:$0x3FA1] =	sst s0  }
0x9: {  	[smem:$0x3FA2] =	sst s1  }
0xa: {  	[smem:$0x3FA3] =	sst s2  }
0xb: {  	[smem:$0x3FA4] =	sst s3  }
0xc: {  	[smem:$0x3FA5] =	sst s4  }
0xd: {  	[smem:$0x3FA6] =	sst s5  }
0xe: {  	[smem:$0x3FA7] =	sst s6  }
0xf: {  	[smem:$0x3FA8] =	sst s7  }
0x10: {  	[smem:$0x3FA9] =	sst s8  }
0x11: {  	[smem:$0x3FAA] =	sst s9;
	s0 =	simm.s32 @!p0 $0x0  }
0x12: {  	s1 =	sld [smem:$0x3F90];
	s0 =	simm.s32 @p0 $0x1  }
0x13: {  	[smem:$0x3FAB] =	sst s0;
	s0 =	simm.s32 @!p1 $0x0  }
0x14: {  	s2 =	sld [smem:$0x3F8F];
	s0 =	simm.s32 @p1 $0x1  }
0x15: {  	[smem:$0x3FAC] =	sst s0;
	s0 =	simm.s32 @!p2 $0x0  }
0x16: {  	s3 =	sld [smem:$0x3FDB];
	s0 =	simm.s32 @p2 $0x1  }
0x17: {  	s4 =	simm.s32 $0x1BF5;
	[smem:$0x3FAE] =	sst s0  }
0x18: {  	s0 =	sld [smem:$0x3F91];
	_ =	swait.ge [sflag:s4], $0x0  }
0x19: {  	s7 =	sld [smem:$0x3F92]  }
0x1a: {  	s8 =	sadd.s32 $0xFFFFE003, lr  }
0x1b: {  	s9 =	sadd.s32 $0xFFFFFEF7, lr;
	s5 =	simm.s32 $0xFFFFFFFF;
	p2 =	slt.u32 s8, $0xFFFFF086  }
0x1c: {  	p1 =	slt.u32 s9, $0xF7A;
	s5 =	simm.s32 @!p2 $0x0  }
0x1d: {  	s5 =	simm.s32 @p1 $0x1;
	p0 =	seq.s32 s7, s2  }
0x1e: {  	s7 =	smul.u32 @!p0 $0xF7A, s2;
	p2 =	seq.s32 @!p0 s5, $0x0  }
0x1f: {  	s9 =	smul.u32 $0xF7A, s1;
	s8 =	simm.s32 @!p0 $0x1BF5;
	p2 =	por !p2, p0  }
0x20: {  	[sflag:s8] =	ssyncset.s32 @!p0 $0xFFFFF086;
	s6 =	sadd.s32 @!p0 s3, s7;
	s7 =	simm.s32 @!p0 $0x108  }
0x21: {  	s3 =	sadd.s32 s3, s9;
	s6 =	sadd.s32 @!p0 $0x88, s6;
	s7 =	simm.s32 @p2 $0x1082  }
0x22: {  	[simem:s7], [sflag:s8] =	dma.local @!p0 [hbm:s6], $0xF7A  }
0x23: {  	s9 =	sor.u32 $0xD0000000, s2;
	s6 =	simm.s32 $0x108;
	_ =	swait.ge @!p0 [sflag:s8], $0x0  }
0x24: {  	s3 =	sadd.s32 $0x88, s3;
	s6 =	simm.s32 @!p1 $0x1082;
	[sflag:s4] =	ssyncset.s32 $0xFFFFF086  }
0x25: {  	[simem:s6], [sflag:s4] =	dma.local [hbm:s3], $0xF7A  }
0x26: {  	[smem:$0x3F92] =	sst s1;
	(tag) =	ssettag s2;
	_ =	strace s9  }
0x27: {  	s1 =	sld [smem:$0x3FA2]  }
0x28: {  	s2 =	sld [smem:$0x3FA3]  }
0x29: {  	s4 =	sld [smem:$0x3FA5]  }
0x2a: {  	p0 =	seq.s32 s5, $0x0;
	s5 =	sld [smem:$0x3FA6]  }
0x2b: {  	s6 =	sld [smem:$0x3FA7]  }
0x2c: {  	s7 =	sld [smem:$0x3FA8]  }
0x2d: {  	s3 =	simm.s32 $0x108;
	s8 =	sld [smem:$0x3FA9]  }
0x2e: {  	s3 =	simm.s32 @!p0 $0x1082;
	s9 =	sld [smem:$0x3FAA]  }
0x2f: {  	lr =	sadd.s32 s0, s3;
	s0 =	sld [smem:$0x3FA1]  }
0x30: {  	s3 =	sld [smem:$0x3FA4]  }
0x31: {  	[smem:$0x3FAD] =	sst s10  }
0x32: {  	s10 =	sld [smem:$0x3FAB];
	_ =	sdelay $0x3  }
0x33: {  	p0 =	seq.s32 s10, $0x1;
	s10 =	sld [smem:$0x3FAD];
	_ =	sdelay $0x3  }
0x34: {  	[smem:$0x3FAD] =	sst s10  }
0x35: {  	s10 =	sld [smem:$0x3FAC];
	_ =	sdelay $0x3  }
0x36: {  	p1 =	seq.s32 s10, $0x1;
	s10 =	sld [smem:$0x3FAD];
	_ =	sdelay $0x3  }
0x37: {  	[smem:$0x3FAD] =	sst s10  }
0x38: {  	s10 =	sld [smem:$0x3FAE]  }
0x39: {  	_ = 	snop;
	(pc) =	sbr.ind lr, $3  }
0x3a: {  	_ = 	snop  }
0x3b: {  	_ = 	snop  }
0x3c: {  	p2 =	seq.s32 s10, $0x1;
	s10 =	sld [smem:$0x3FAD]  }
0x3d: {  	_ =	shalt  }
0x3e: {  	_ =	shalt  }
0x3f: {  	_ =	shalt  }
0x40: {  	_ =	shalt  }
0x41: {  	_ =	shalt  }
0x42: {  	_ =	shalt  }
0x43: {  	_ =	shalt  }
0x44: {  	_ =	shalt  }
0x45: {  	_ =	shalt  }
0x46: {  	_ =	shalt  }
0x47: {  	_ =	shalt  }
0x48: {  	_ =	shalt  }
0x49: {  	_ =	shalt  }
0x4a: {  	_ =	shalt  }
0x4b: {  	_ =	shalt  }
0x4c: {  	_ =	shalt  }
0x4d: {  	_ =	shalt  }
0x4e: {  	_ =	shalt  }
0x4f: {  	_ =	shalt  }
0x50: {  	_ =	shalt  }
0x51: {  	_ =	shalt  }
0x52: {  	_ =	shalt  }
0x53: {  	_ =	shalt  }
0x54: {  	_ =	shalt  }
0x55: {  	_ =	shalt  }
0x56: {  	_ =	shalt  }
0x57: {  	_ =	shalt  }
0x58: {  	_ =	shalt  }
0x59: {  	_ =	shalt  }
0x5a: {  	_ =	shalt  }
0x5b: {  	_ =	shalt  }
0x5c: {  	_ =	shalt  }
0x5d: {  	_ =	shalt  }
0x5e: {  	_ =	shalt  }
0x5f: {  	_ =	shalt  }
0x60: {  	_ =	shalt  }
0x61: {  	_ =	shalt  }
0x62: {  	_ =	shalt  }
0x63: {  	_ =	shalt  }
0x64: {  	_ =	shalt  }
0x65: {  	_ =	shalt  }
0x66: {  	_ =	shalt  }
0x67: {  	_ =	shalt  }
0x68: {  	_ =	shalt  }
0x69: {  	_ =	shalt  }
0x6a: {  	_ =	shalt  }
0x6b: {  	_ =	shalt  }
0x6c: {  	_ =	shalt  }
0x6d: {  	_ =	shalt  }
0x6e: {  	_ =	shalt  }
0x6f: {  	_ =	shalt  }
0x70: {  	_ =	shalt  }
0x71: {  	_ =	shalt  }
0x72: {  	_ =	shalt  }
0x73: {  	_ =	shalt  }
0x74: {  	_ =	shalt  }
0x75: {  	_ =	shalt  }
0x76: {  	_ =	shalt  }
0x77: {  	_ =	shalt  }
0x78: {  	_ =	shalt  }
0x79: {  	_ =	shalt  }
0x7a: {  	_ =	shalt  }
0x7b: {  	_ =	shalt  }
0x7c: {  	_ =	shalt  }
0x7d: {  	_ =	shalt  }
0x7e: {  	_ =	shalt  }
0x7f: {  	_ =	shalt  }
0x80: {  	_ =	shalt  }
0x81: {  	_ =	shalt  }
0x82: {  	_ =	shalt  }
0x83: {  	_ =	shalt  }
0x84: {  	_ =	shalt  }
0x85: {  	_ =	shalt  }
0x86: {  	_ =	shalt  }
0x87: {  	_ =	shalt  }
.Lfunc_end0:
.L_simem_size_0:
called_computation.1_lowered:
.L_overlay_start_0:
0x88: {  	s2 =	sld [smem:$0x3FD9]  }
0x89: {  	s3 =	sld [smem:$0x3FFE];
	_ =	sdelay $0x1  }
0x8a: {  	s1 =	srdreg.scid  }
0x8b: {  	s0 =	sand.u32 $0x1, s1  }
0x8c: {  	s16 =	sshll.u32 s0, $0xA;
	s2 =	sadd.s32 s3, s2  }
0x8d: {  	s2 =	sadd.s32 s2, s16  }
0x8e: {  	[smem:$0x3FB9] =	sst s2  }
0x8f: {  	_ = 	snop  }
0x90: {  	(tm) =	ssettm $0x1  }
0x91: {  	s17 =	sld [smem:$0x3FFB];
	_ =	sdelay $0x3  }
0x92: {  	_ =	strace s17  }
0x93: {  	s2 =	sld [smem:$0x3FFC];
	_ =	sdelay $0x3  }
0x94: {  	_ =	strace s2  }
0x95: {  	s2 =	sld [smem:$0x3FFD];
	_ =	sdelay $0x3  }
0x96: {  	_ =	strace s2  }
0x97: {  	_ =	strace $0x8FFFFFFF  }
0x98: {  	s18 =	sld [smem:$0x3FDB];
	_ =	sdelay $0x1  }
0x99: {  	s19 =	simm.s32 $_scs_section_size  }
0x9a: {  	s4 =	simm.s32 $_size__tile_overlayer_lowered;
	s5 =	simm.s32 $_tile_overlayer_lowered  }
0x9b: {  	s22 =	simm.s32 $0x1BFF;
	s21 =	sshll.u32 s5, $0x1;
	s2 =	sadd.s32 s19, s18  }
0x9c: {  	s6 =	simm.s32 $0x0;
	s20 =	sshll.u32 s4, $0x1;
	s4 =	sadd.s32 s21, s2  }
0x9d: {  	[timem:s6], [sflag:s22] =	dma.local [hbm:s4], s20  }
0x9e: {  	_ =	swait.ge [sflag:s22], s20  }
0x9f: {  	s3 =	ssub.s32 $0x0, s20;
	[sflag:s22] =	ssyncset.done $0x0  }
0xa0: {  	[sflag:s22] =	ssyncadd.s32 s3;
	_ =	sdelay $0x1  }
0xa1: {  	s23 =	simm.s32 $0x1B8B  }
0xa2: {  	_ =	swait.ge [sflag:s23], $0x1  }
0xa3: {  	[sflag:s23] =	ssyncset.done $0x0  }
0xa4: {  	s25 =	simm.s32 $0x1B8E;
	s24 =	sld [smem:$0x3FFE];
	[sflag:s23] =	ssyncadd.s32 $0xFFFFFFFF  }
0xa5: {  	s26 =	simm.s32 $execute0_lowered;
	[smem:$0x3FD2] =	sst s25  }
0xa6: {  	s4 =	sshll.u32 s26, $0x1;
	_ =	strace $0x80000049;
	[dreg:$0x1] =	wrdreg $0xFFFFFFFF  }
0xa7: {  	s28 =	simm.s32 $_size_execute0_lowered;
	s2 =	sadd.s32 s2, s4;
	[dreg:$0x0] =	wrdreg $0x0  }
0xa8: {  	s4 =	sshll.u32 s28, $0x1;
	[dreg:$0x2] =	wrdreg s2  }
0xa9: {  	[dreg:$0x3] =	wrdreg s4  }
0xaa: {  	[dreg:$0x4] =	wrdreg $0xC0  }
0xab: {  	_ =	task [dreg:s6], $0x5FFFF  }
0xac: {  	[dreg:$0x1] =	wrdreg $0xFFFFFFFF  }
0xad: {  	[dreg:$0x0] =	wrdreg $0x60  }
0xae: {  	[dreg:$0x2] =	wrdreg s24  }
0xaf: {  	[dreg:$0x3] =	wrdreg $0x81000  }
0xb0: {  	[dreg:$0x4] =	wrdreg $0x9  }
0xb1: {  	_ =	task.clear_ibuf [dreg:s6], $0x5FFFF;
	_ =	strace $0x90000049  }
0xb2: {  	s29 =	simm.s32 $0x9;
	_ =	strace $0x8000004B  }
0xb3: {  	_ =	swait.ge [sflag:s29], $0x1  }
0xb4: {  	[sflag:s29] =	ssyncadd.s32 $0xFFFFFFFF  }
0xb5: {  	_ =	strace $0x9000004B  }
0xb6: {  	_ =	sfence  }
0xb7: {  	s30 =	sld [smem:$0x0];
	_ =	sdelay $0x2  }
0xb8: {  	s31 =	sshll.u32 s1, $0xD;
	s1 =	sshrl.u32 s1, $0x2  }
0xb9: {  	s3 =	sand.u32 $0x4000, s31;
	s1 =	sadd.s32 s1, s30  }
0xba: {  	s0 =	sor.u32 s3, s0;
	s1 =	sshll.u32 s1, $0x11  }
0xbb: {  	s0 =	sor.u32 s1, s0  }
0xbc: {  	s0 =	sadd.s32 $0x8F2B, s0  }
0xbd: {  	[sflag:s0] =	ssyncadd.remote.s32 $0x1  }
0xbe: {  	_ =	sfence.sel $0xFFFF  }
0xbf: {  	[dreg:$0x0] =	wrdreg $0xFFFFFFFF;
	(pc) =	sbr.abs _section_cstart, $3  }
0xc0: {  	[dreg:$0x1] =	wrdreg $0xFFFFFFFF  }
0xc1: {  	_ =	task.clear_ibuf [dreg:s6], $0x2FFFF;
	_ =	strace $0x9FFFFFFF  }
0xc2: {  	(tm) =	ssettm $0x7FFFFFFF  }
0xc3: {  	_ =	shalt  }
tec
execute0_lowered:
.L_overlay_start_1:
0x0: {  	(tag) =	ssettag $0x1  }
0x1: {  	s0 =	rddreg [dreg:$0x0]  }
0x2: {  	s1 =	rddreg [dreg:$0x1];
	s2 =	simm.s32 $0x0;
	s3 =	srdreg.scid  }
0x3: {  	s15 =	simm.s32 $0x100;
	s16 =	simm.s32 $0x80;
	[smem:$0x7FF] =	sst s2  }
0x4: {  	s7 =	sadd.s32 $0xA46E00, s0;
	s8 =	sand.u32 $0x1, s3;
	s4 =	sadd.s32 $0x13200, s0  }
0x5: {  	s3 =	stileid.u32;
	s5 =	sadd.s32 $0x1D200, s0;
	s11 =	sadd.s32 $0x1FA00, s0  }
0x6: {  	s26 =	sadd.s32 $0x47A00, s0;
	s30 =	sadd.s32 $0x13210, s0;
	s0 =	sadd.s32 $0xA47600, s0  }
0x7: {  	s25 =	simm.s32 $0x4100;
	_ =	strace $0x8000004A;
	s6 =	smul.u32 $0x500, s3  }
0x8: {  	s9 =	ssub.s32 $0x2, s8;
	[dreg:$0x3] =	wrdreg s11;
	s29 =	smul.u32 $0x28000, s3  }
0x9: {  	[dreg:$0x4] =	wrdreg s26;
	s12 =	smul.u32 $0x50000, s3;
	s13 =	sor.u32 $0x10, s3  }
0xa: {  	p0 =	seq.s32 s8, $0x1;
	s10 =	sshrl.u32 s9, $0x1;
	s17 =	smul.u32 $0x500, s13  }
0xb: {  	s26 =	simm.s32 $0x5;
	s18 =	smul.u32 $0x28000, s13;
	s9 =	ssub.s32 s9, s10  }
0xc: {  	s28 =	sadd.s32 s4, s6;
	s10 =	sadd.s32 s7, s29;
	s14 =	sadd.s32 s6, s30  }
0xd: {  	s12 =	sshrl.u32 s12, $0x2;
	s8 =	sadd.s32 s29, s0;
	[dreg:$0x5] =	wrdreg s28  }
.Ltmp0:
0xe: {  	s22 =	sadd.s32 $0x5020, s6;
	[dreg:$0x6] =	wrdreg s14;
	(pc) =	sbr.rel .LBB2_1-.Ltmp0, $4  }
0xf: {  	[dreg:$0x7] =	wrdreg s8;
	s13 =	sadd.s32 s12, s1;
	s14 =	smul.u32 $0x2800, s3  }
0x10: {  	s31 =	sadd.s32 s4, s17;
	s7 =	sadd.s32 s7, s18;
	s17 =	sadd.s32 s17, s30  }
0x11: {  	s18 =	sadd.s32 s18, s0;
	s19 =	smax.u32 s9, $0x1;
	[dreg:$0x8] =	wrdreg s31  }
0x12: {  	s20 =	sadd.s32 $0x1000, s10;
	s9 =	sadd.s32 $0x281000, s10;
	[dreg:$0x9] =	wrdreg s7  }
.LBB2_7:
0x13: {  	_ =	swait.ge @!p1 [sflag:s11], $0x4000;
	s0 =	sand.u32 @!p3 $0x60, s7  }
0x14: {  	s7 =	sand.u32 @!p3 $0x1FF80, s12;
	[sflag:s11] =	ssyncset.done @!p1 $0x0;
	s0 =	sadd.s32 @!p3 s4, s0  }
0x15: {  	p2 =	seq.s32 s25, $0x1;
	s0 =	sadd.s32 @!p3 s7, s0;
	[sflag:s11] =	ssyncadd.s32 @!p1 $0xFFFFC000  }
0x16: {  	[tilespmem:s23], [sflag:$0x1] =	stream.linear.gather @!p3 [hbm4b:s0+s23], $0x80, $0x38;
	[tilespmem:$0x1C100] =	vst v63  }
0x17: {  	p1 =	por p2, p2;
	s0 =	simm.s32 @p2 $0x2  }
0x18: {  	[tilespmem:s24], [sflag:$0x3] =	stream.linear.gather @!p3 [hbm4b:s21+s23], $0x4000, $0x38;
	[tilespmem:$0x1C100] =	vst v63  }
0x19: {  	_ =	swait.ge @p1 [sflag:s0], $0x80  }
0x1a: {  	[sflag:s0] =	ssyncset.done @p1 $0x0  }
0x1b: {  	p2 =	sgt.u32 @p2 s31, $0x4D;
	s7 =	simm.s32 @p1 $0x4;
	[sflag:s0] =	ssyncadd.s32 @p1 $0xFFFFFF80  }
0x1c: {  	s8 =	simm.s32 @p1 $0x5;
	p2 =	por p2, !p1;
	_ =	swait.ge @p1 [sflag:s7], $0x4000  }
0x1d: {  	s11 =	simm.s32 @p1 $0x4100;
	s12 =	sadd.s32 @!p2 $0x20, s30;
	[sflag:s7] =	ssyncset.done @p1 $0x0  }
0x1e: {  	s12 =	sand.u32 @!p2 $0x70, s12;
	s0 =	simm.s32 @p1 $0x80;
	[sflag:s7] =	ssyncadd.s32 @p1 $0xFFFFC000  }
0x1f: {  	[spmem:s1] =	stream.indirect.scatter.add.f32 @p1 [tilespmem:s11], [sflag:$0x5], $0x80, s0, s0, $0xb8;
	[tilespmem:$0x1C100] =	vst v63  }
0x20: {  	s15 =	sadd.s32 @!p2 s30, s22;
	s7 =	sadd.s32 @!p2 s4, s12;
	_ =	swait.ge @p1 [sflag:s8], $0x4000  }
0x21: {  	s0 =	sand.u32 @!p2 $0x1FF80, s15;
	s11 =	simm.s32 @!p2 $0x80;
	[sflag:s8] =	ssyncset.done @p1 $0x0  }
0x22: {  	s0 =	sadd.s32 @!p2 s0, s7;
	s7 =	simm.s32 @!p2 $0x0;
	[sflag:s8] =	ssyncadd.s32 @p1 $0xFFFFC000  }
0x23: {  	[tilespmem:s11], [sflag:$0x2] =	stream.linear.gather @!p2 [hbm4b:s0+s7], $0x80, $0x38;
	[tilespmem:$0x1C100] =	vst v63  }
0x24: {  	s8 =	simm.s32 @!p1 $0x1;
	s0 =	simm.s32 @!p2 $0x4100  }
0x25: {  	[tilespmem:s0], [sflag:$0x4] =	stream.linear.gather @!p2 [hbm4b:s29+s7], $0x4000, $0x38;
	[tilespmem:$0x1C100] =	vst v63  }
0x26: {  	_ =	swait.ge @!p1 [sflag:s8], $0x80  }
0x27: {  	[sflag:s8] =	ssyncset.done @!p1 $0x0  }
0x28: {  	s12 =	simm.s32 @!p1 $0x80;
	s0 =	simm.s32 @!p1 $0x3;
	[sflag:s8] =	ssyncadd.s32 @!p1 $0xFFFFFF80  }
0x29: {  	s11 =	simm.s32 @!p1 $0x0;
	p2 =	sgt.u32 @!p1 s31, $0x4D;
	_ =	swait.ge @!p1 [sflag:s0], $0x4000  }
0x2a: {  	s7 =	simm.s32 @!p1 $0x100;
	p2 =	por p2, p1;
	[sflag:s0] =	ssyncset.done @!p1 $0x0  }
0x2b: {  	s8 =	simm.s32 @!p1 $0x5;
	[sflag:s0] =	ssyncadd.s32 @!p1 $0xFFFFC000;
	s0 =	sadd.s32 @!p2 $0x20, s30  }
0x2c: {  	[spmem:s1] =	stream.indirect.scatter.add.f32 @!p1 [tilespmem:s7], [sflag:$0x5], $0x80, s11, s12, $0xb8;
	[tilespmem:$0x1C100] =	vst v63  }
0x2d: {  	s7 =	sadd.s32 @!p2 s30, s22;
	s0 =	sand.u32 @!p2 $0x60, s0;
	_ =	swait.ge @!p1 [sflag:s8], $0x4000  }
0x2e: {  	s7 =	sand.u32 @!p2 $0x1FF80, s7;
	s0 =	sadd.s32 @!p2 s4, s0;
	[sflag:s8] =	ssyncset.done @!p1 $0x0  }
0x2f: {  	s11 =	simm.s32 @!p2 $0x0;
	s0 =	sadd.s32 @!p2 s7, s0;
	[sflag:s8] =	ssyncadd.s32 @!p1 $0xFFFFC000  }
0x30: {  	[tilespmem:s11], [sflag:$0x1] =	stream.linear.gather @!p2 [hbm4b:s0+s11], $0x80, $0x38;
	[tilespmem:$0x1C100] =	vst v63  }
0x31: {  	s16 =	simm.s32 $0x80;
	s0 =	simm.s32 @!p2 $0x100  }
0x32: {  	[tilespmem:s0], [sflag:$0x3] =	stream.linear.gather @!p2 [hbm4b:s29+s11], $0x4000, $0x38;
	[tilespmem:$0x1C100] =	vst v63  }
0x33: {  	s25 =	simm.s32 $0x4100;
	s15 =	simm.s32 $0x100;
	s0 =	rddreg [dreg:$0x4]  }
.LBB2_8:
0x34: {  	s2 =	sadd.s32 $0x1, s2  }
0x35: {  	s0 =	sadd.s32 s0, s14;
	p1 =	sne.s32 s2, s19  }
.Ltmp1:
0x36: {  	[bflag:$0x0] =	sbarrier.arrive $0xFFFF;
	s7 =	sshrl.u32 s13, $0x3;
	(pc) =	sbr.rel @!p1 .LBB2_9-.Ltmp1, $4  }
0x37: {  	[hbm:s0], [sflag:s28] =	dma.local [spmem:s7], $0x2800  }
0x38: {  	_ =	swait.ge [sflag:s26], $0x2800  }
0x39: {  	[sflag:s26] =	ssyncset.done $0x0  }
0x3a: {  	[sflag:s26] =	ssyncadd.s32 $0xFFFFD800  }
.LBB2_1:
.Ltmp2:
0x3b: {  	(pc) =	sbr.rel @!p0 .LBB2_2-.Ltmp2, $2  }
0x3c: {  	_ =	sdelay $0x2  }
0x3d: {  	s0 =	simm.s32 $0x0  }
0x3e: {  	s7 =	rddreg [dreg:$0x8]  }
0x3f: {  	[tilespmem:s0], [sflag:$0x1] =	stream.linear.gather [hbm4b:s7+s0], $0x80, $0x38;
	[tilespmem:$0x1C100] =	vst v63  }
0x40: {  	s21 =	rddreg [dreg:$0x9]  }
0x41: {  	[tilespmem:s15], [sflag:$0x3] =	stream.linear.gather [hbm4b:s21+s0], $0x4000, $0x38;
	[tilespmem:$0x1C100] =	vst v63  }
0x42: {  	s23 =	sshll.u32 s3, $0x6  }
0x43: {  	[tilespmem:s16], [sflag:$0x2] =	stream.linear.gather [hbm4b:s17+s0], $0x80, $0x38;
	[tilespmem:$0x1C100] =	vst v63  }
0x44: {  	s24 =	sshrl.u32 s13, $0x3;
	s28 =	sor.u32 $0x1C05, s23  }
0x45: {  	[tilespmem:s25], [sflag:$0x4] =	stream.linear.gather [hbm4b:s18+s0], $0x4000, $0x38;
	[tilespmem:$0x1C100] =	vst v63  }
0x46: {  	[spmem:s24], [sflag:s28] =	dma.local [hbm:s5], $0x2800  }
0x47: {  	_ =	swait.ge [sflag:s26], $0x2800  }
0x48: {  	s25 =	sand.u32 $0x1, s0;
	[sflag:s26] =	ssyncset.done $0x0  }
0x49: {  	p2 =	seq.s32 s25, $0x1;
	[sflag:s26] =	ssyncadd.s32 $0xFFFFD800  }
0x4a: {  	s0 =	simm.s32 @p2 $0x2;
	p1 =	por p2, p2;
	[bflag:$0x0] =	sbarrier.arrive $0xFFFF  }
0x4b: {  	_ =	swait.ge @p1 [sflag:s0], $0x80  }
0x4c: {  	s30 =	simm.s32 $0x10;
	[sflag:s0] =	ssyncset.done @p1 $0x0  }
0x4d: {  	p2 =	por @p2 $0x0, $0x0;
	s7 =	simm.s32 @p1 $0x4;
	[sflag:s0] =	ssyncadd.s32 @p1 $0xFFFFFF80  }
0x4e: {  	s8 =	simm.s32 @p1 $0x5;
	p2 =	por p2, !p1;
	_ =	swait.ge @p1 [sflag:s7], $0x4000  }
0x4f: {  	s11 =	simm.s32 @p1 $0x4100;
	s12 =	simm.s32 @!p2 $0x20;
	[sflag:s7] =	ssyncset.done @p1 $0x0  }
0x50: {  	s12 =	sand.u32 @!p2 $0x70, s12;
	s0 =	simm.s32 @p1 $0x80;
	[sflag:s7] =	ssyncadd.s32 @p1 $0xFFFFC000  }
0x51: {  	[spmem:s1] =	stream.indirect.scatter.add.f32 @p1 [tilespmem:s11], [sflag:$0x5], $0x80, s0, s0, $0xb8;
	[tilespmem:$0x1C100] =	vst v63  }
0x52: {  	s21 =	sadd.s32 @!p2 $0x0, s22;
	s7 =	sadd.s32 @!p2 s4, s12;
	_ =	swait.ge @p1 [sflag:s8], $0x4000  }
0x53: {  	s0 =	sand.u32 @!p2 $0x1FF80, s21;
	s11 =	simm.s32 @!p2 $0x80;
	[sflag:s8] =	ssyncset.done @p1 $0x0  }
0x54: {  	s0 =	sadd.s32 @!p2 s0, s7;
	s7 =	simm.s32 @!p2 $0x0;
	[sflag:s8] =	ssyncadd.s32 @p1 $0xFFFFC000  }
0x55: {  	[tilespmem:s11], [sflag:$0x2] =	stream.linear.gather @!p2 [hbm4b:s0+s7], $0x80, $0x38;
	[tilespmem:$0x1C100] =	vst v63  }
0x56: {  	s31 =	simm.s32 $0x1;
	s8 =	simm.s32 @!p1 $0x1;
	s0 =	simm.s32 @!p2 $0x4100  }
0x57: {  	[tilespmem:s0], [sflag:$0x4] =	stream.linear.gather @!p2 [hbm4b:s9+s7], $0x4000, $0x38;
	[tilespmem:$0x1C100] =	vst v63  }
0x58: {  	s29 =	sadd.s32 $0x800, s9;
	s25 =	sand.u32 $0x1, s31;
	_ =	swait.ge @!p1 [sflag:s8], $0x80  }
0x59: {  	s12 =	simm.s32 @!p1 $0x80;
	s21 =	smov.u32 s9;
	[sflag:s8] =	ssyncset.done @!p1 $0x0  }
0x5a: {  	s7 =	simm.s32 @!p1 $0x3;
	p2 =	por @!p1 $0x0, $0x0;
	[sflag:s8] =	ssyncadd.s32 @!p1 $0xFFFFFF80  }
0x5b: {  	s11 =	simm.s32 @!p1 $0x0;
	p3 =	por p2, p1;
	_ =	swait.ge @!p1 [sflag:s7], $0x4000  }
0x5c: {  	s0 =	simm.s32 $0x20;
	s23 =	simm.s32 @!p3 $0x0;
	[sflag:s7] =	ssyncset.done @!p1 $0x0  }
0x5d: {  	s24 =	simm.s32 @!p3 $0x100;
	s8 =	simm.s32 @!p1 $0x100;
	[sflag:s7] =	ssyncadd.s32 @!p1 $0xFFFFC000  }
0x5e: {  	[spmem:s1] =	stream.indirect.scatter.add.f32 @!p1 [tilespmem:s8], [sflag:$0x5], $0x80, s11, s12, $0xb8;
	[tilespmem:$0x1C100] =	vst v63  }
0x5f: {  	s7 =	simm.s32 @!p3 $0x20;
	s11 =	simm.s32 @!p1 $0x5;
	s12 =	sadd.s32 @!p3 $0x0, s22  }
.LBB2_6:
0x60: {  	p2 =	seq.s32 s25, $0x1;
	_ =	swait.ge @!p1 [sflag:s11], $0x4000;
	s25 =	sand.u32 @!p3 $0x60, s7  }
0x61: {  	s7 =	smov.u32 s30;
	s30 =	smov.u32 s0;
	s8 =	smov.u32 s31  }
0x62: {  	s12 =	sand.u32 @!p3 $0x1FF80, s12;
	[sflag:s11] =	ssyncset.done @!p1 $0x0;
	s25 =	sadd.s32 @!p3 s4, s25  }
0x63: {  	p4 =	sgt.u32 @p2 s31, $0x4D;
	s15 =	simm.s32 @p2 $0x2;
	s12 =	sadd.s32 @!p3 s12, s25  }
0x64: {  	s0 =	sadd.s32 $0x10, s0;
	[sflag:s11] =	ssyncadd.s32 @!p1 $0xFFFFC000;
	p1 =	por p2, p2  }
0x65: {  	[tilespmem:s23], [sflag:$0x1] =	stream.linear.gather @!p3 [hbm4b:s12+s23], $0x80, $0x38;
	[tilespmem:$0x1C100] =	vst v63  }
0x66: {  	p2 =	sne.s32 s0, $0x500  }
0x67: {  	[tilespmem:s24], [sflag:$0x3] =	stream.linear.gather @!p3 [hbm4b:s21+s23], $0x4000, $0x38;
	[tilespmem:$0x1C100] =	vst v63  }
0x68: {  	s11 =	simm.s32 @p1 $0x4;
	s21 =	smov.u32 s29;
	_ =	swait.ge @p1 [sflag:s15], $0x80  }
0x69: {  	s12 =	simm.s32 @p1 $0x5;
	p3 =	por p4, !p1;
	[sflag:s15] =	ssyncset.done @p1 $0x0  }
0x6a: {  	s23 =	simm.s32 @p1 $0x4100;
	[sflag:s15] =	ssyncadd.s32 @p1 $0xFFFFFF80;
	s15 =	simm.s32 @p1 $0x80  }
0x6b: {  	s24 =	sadd.s32 @!p3 s7, s22;
	s25 =	sadd.s32 @!p3 $0x20, s7;
	_ =	swait.ge @p1 [sflag:s11], $0x4000  }
0x6c: {  	s24 =	sand.u32 @!p3 $0x1FF80, s24;
	s25 =	sand.u32 @!p3 $0x70, s25;
	[sflag:s11] =	ssyncset.done @p1 $0x0  }
0x6d: {  	[sflag:s11] =	ssyncadd.s32 @p1 $0xFFFFC000;
	s11 =	sadd.s32 @!p3 s4, s25  }
0x6e: {  	[spmem:s1] =	stream.indirect.scatter.add.f32 @p1 [tilespmem:s23], [sflag:$0x5], $0x80, s15, s15, $0xb8;
	[tilespmem:$0x1C100] =	vst v63  }
0x6f: {  	s11 =	sadd.s32 @!p3 s24, s11;
	s15 =	simm.s32 @!p3 $0x0;
	_ =	swait.ge @p1 [sflag:s12], $0x4000  }
0x70: {  	s31 =	sadd.s32 $0x1, s31;
	s23 =	simm.s32 @!p3 $0x80;
	[sflag:s12] =	ssyncset.done @p1 $0x0  }
0x71: {  	s24 =	simm.s32 @!p1 $0x1;
	[sflag:s12] =	ssyncadd.s32 @p1 $0xFFFFC000;
	s12 =	simm.s32 @!p3 $0x4100  }
0x72: {  	[tilespmem:s23], [sflag:$0x2] =	stream.linear.gather @!p3 [hbm4b:s11+s15], $0x80, $0x38;
	[tilespmem:$0x1C100] =	vst v63  }
0x73: {  	s29 =	sadd.s32 $0x800, s29;
	s25 =	sand.u32 $0x1, s31  }
0x74: {  	[tilespmem:s12], [sflag:$0x4] =	stream.linear.gather @!p3 [hbm4b:s21+s15], $0x4000, $0x38;
	[tilespmem:$0x1C100] =	vst v63  }
0x75: {  	s11 =	simm.s32 @!p1 $0x5;
	s12 =	simm.s32 @!p1 $0x3;
	_ =	swait.ge @!p1 [sflag:s24], $0x80  }
0x76: {  	s15 =	simm.s32 @!p1 $0x100;
	p3 =	sgt.u32 @!p1 s8, $0x4D;
	[sflag:s24] =	ssyncset.done @!p1 $0x0  }
.Ltmp3:
0x77: {  	s8 =	simm.s32 @!p1 $0x0;
	[sflag:s24] =	ssyncadd.s32 @!p1 $0xFFFFFF80;
	(pc) =	sbr.rel @p2 .LBB2_6-.Ltmp3, $4  }
0x78: {  	s16 =	simm.s32 @!p1 $0x80;
	p3 =	por p3, p1;
	_ =	swait.ge @!p1 [sflag:s12], $0x4000  }
0x79: {  	s23 =	simm.s32 @!p3 $0x0;
	s24 =	simm.s32 @!p3 $0x100;
	[sflag:s12] =	ssyncset.done @!p1 $0x0  }
0x7a: {  	[sflag:s12] =	ssyncadd.s32 @!p1 $0xFFFFC000;
	s12 =	sadd.s32 @!p3 s7, s22;
	s7 =	sadd.s32 @!p3 $0x20, s7  }
0x7b: {  	[spmem:s1] =	stream.indirect.scatter.add.f32 @!p1 [tilespmem:s15], [sflag:$0x5], $0x80, s8, s16, $0xb8;
	[tilespmem:$0x1C100] =	vst v63  }
.Ltmp4:
0x7c: {  	_ = 	snop;
	(pc) =	sbr.rel .LBB2_7-.Ltmp4, $1  }
0x7d: {  	_ =	sdelay $0x3  }
.LBB2_2:
0x7e: {  	s7 =	rddreg [dreg:$0x5]  }
0x7f: {  	[tilespmem:s0], [sflag:$0x1] =	stream.linear.gather [hbm4b:s7+s0], $0x80, $0x38;
	[tilespmem:$0x1C100] =	vst v63  }
0x80: {  	_ = 	snop  }
0x81: {  	[tilespmem:s15], [sflag:$0x3] =	stream.linear.gather [hbm4b:s10+s0], $0x4000, $0x38;
	[tilespmem:$0x1C100] =	vst v63  }
0x82: {  	s11 =	rddreg [dreg:$0x6];
	s21 =	sshll.u32 s3, $0x6  }
0x83: {  	[tilespmem:s16], [sflag:$0x2] =	stream.linear.gather [hbm4b:s11+s0], $0x80, $0x38;
	[tilespmem:$0x1C100] =	vst v63  }
0x84: {  	s12 =	rddreg [dreg:$0x7];
	s23 =	sshrl.u32 s13, $0x3;
	s28 =	sor.u32 $0x1C05, s21  }
0x85: {  	[tilespmem:s25], [sflag:$0x4] =	stream.linear.gather [hbm4b:s12+s0], $0x4000, $0x38;
	[tilespmem:$0x1C100] =	vst v63  }
0x86: {  	[spmem:s23], [sflag:s28] =	dma.local [hbm:s5], $0x2800  }
0x87: {  	_ =	swait.ge [sflag:s26], $0x2800  }
0x88: {  	s24 =	sand.u32 $0x1, s0;
	[sflag:s26] =	ssyncset.done $0x0  }
0x89: {  	p1 =	seq.s32 s24, $0x1;
	[sflag:s26] =	ssyncadd.s32 $0xFFFFD800  }
0x8a: {  	s0 =	simm.s32 @p1 $0x2;
	[bflag:$0x0] =	sbarrier.arrive $0xFFFF  }
0x8b: {  	_ =	swait.ge @p1 [sflag:s0], $0x80  }
0x8c: {  	[sflag:s0] =	ssyncset.done @p1 $0x0  }
0x8d: {  	s7 =	simm.s32 $0x20;
	[sflag:s0] =	ssyncadd.s32 @p1 $0xFFFFFF80;
	s0 =	simm.s32 @p1 $0x4  }
0x8e: {  	p2 =	por @p1 $0x0, $0x0;
	s8 =	simm.s32 @p1 $0x4100;
	_ =	swait.ge @p1 [sflag:s0], $0x4000  }
0x8f: {  	p2 =	por p2, !p1;
	s11 =	simm.s32 @p1 $0x5;
	[sflag:s0] =	ssyncset.done @p1 $0x0  }
0x90: {  	s12 =	simm.s32 @!p2 $0x80;
	[sflag:s0] =	ssyncadd.s32 @p1 $0xFFFFC000;
	s0 =	simm.s32 @p1 $0x80  }
0x91: {  	[spmem:s1] =	stream.indirect.scatter.add.f32 @p1 [tilespmem:s8], [sflag:$0x5], $0x80, s0, s0, $0xb8;
	[tilespmem:$0x1C100] =	vst v63  }
0x92: {  	s0 =	sadd.s32 @!p2 $0x20, s6;
	s8 =	sand.u32 @!p2 $0x70, s7;
	_ =	swait.ge @p1 [sflag:s11], $0x4000  }
0x93: {  	s0 =	sand.u32 @!p2 $0xFF80, s0;
	s8 =	sadd.s32 @!p2 s4, s8;
	[sflag:s11] =	ssyncset.done @p1 $0x0  }
0x94: {  	s0 =	sadd.s32 @!p2 s0, s8;
	s8 =	simm.s32 @!p2 $0x0;
	[sflag:s11] =	ssyncadd.s32 @p1 $0xFFFFC000  }
0x95: {  	[tilespmem:s12], [sflag:$0x2] =	stream.linear.gather @!p2 [hbm4b:s0+s8], $0x80, $0x38;
	[tilespmem:$0x1C100] =	vst v63  }
0x96: {  	s11 =	simm.s32 @!p1 $0x1;
	s0 =	simm.s32 @!p2 $0x4100  }
0x97: {  	[tilespmem:s0], [sflag:$0x4] =	stream.linear.gather @!p2 [hbm4b:s20+s8], $0x4000, $0x38;
	[tilespmem:$0x1C100] =	vst v63  }
0x98: {  	_ =	swait.ge @!p1 [sflag:s11], $0x80  }
0x99: {  	s30 =	simm.s32 $0x30;
	s31 =	simm.s32 $0x1;
	[sflag:s11] =	ssyncset.done @!p1 $0x0  }
0x9a: {  	s29 =	sadd.s32 $0x800, s20;
	s0 =	simm.s32 @!p1 $0x3;
	[sflag:s11] =	ssyncadd.s32 @!p1 $0xFFFFFF80  }
0x9b: {  	s12 =	simm.s32 @!p1 $0x0;
	p2 =	por @!p1 $0x0, $0x0;
	_ =	swait.ge @!p1 [sflag:s0], $0x4000  }
0x9c: {  	s8 =	simm.s32 @!p1 $0x100;
	p3 =	por p2, p1;
	[sflag:s0] =	ssyncset.done @!p1 $0x0  }
0x9d: {  	s11 =	simm.s32 @!p1 $0x5;
	[sflag:s0] =	ssyncadd.s32 @!p1 $0xFFFFC000;
	s0 =	simm.s32 @!p1 $0x80  }
0x9e: {  	[spmem:s1] =	stream.indirect.scatter.add.f32 @!p1 [tilespmem:s8], [sflag:$0x5], $0x80, s12, s0, $0xb8;
	[tilespmem:$0x1C100] =	vst v63  }
0x9f: {  	s7 =	sand.u32 @!p3 $0x60, s7;
	s0 =	sadd.s32 @!p3 $0x20, s6;
	_ =	swait.ge @!p1 [sflag:s11], $0x4000  }
0xa0: {  	s7 =	sadd.s32 @!p3 s4, s7;
	s0 =	sand.u32 @!p3 $0xFF80, s0;
	[sflag:s11] =	ssyncset.done @!p1 $0x0  }
0xa1: {  	s0 =	sadd.s32 @!p3 s0, s7;
	[sflag:s11] =	ssyncadd.s32 @!p1 $0xFFFFC000;
	s11 =	simm.s32 @!p3 $0x0  }
0xa2: {  	[tilespmem:s11], [sflag:$0x1] =	stream.linear.gather @!p3 [hbm4b:s0+s11], $0x80, $0x38;
	[tilespmem:$0x1C100] =	vst v63  }
0xa3: {  	s21 =	smov.u32 s20;
	s8 =	sand.u32 $0x1, s31;
	s0 =	simm.s32 $0x40  }
.LBB2_3:
0xa4: {  	p1 =	seq.s32 s8, $0x1;
	s8 =	simm.s32 @!p3 $0x100  }
0xa5: {  	s7 =	smov.u32 s30;
	s30 =	smov.u32 s0;
	s0 =	sadd.s32 $0x10, s0  }
0xa6: {  	p5 =	sgt.u32 @p1 s31, $0x4D;
	s12 =	simm.s32 @p1 $0x2;
	p4 =	sgt.u32 @!p1 s31, $0x4D  }
0xa7: {  	[tilespmem:s8], [sflag:$0x3] =	stream.linear.gather @!p3 [hbm4b:s21+s11], $0x4000, $0x38;
	[tilespmem:$0x1C100] =	vst v63  }
0xa8: {  	p2 =	seq.s32 s0, $0x520;
	s21 =	smov.u32 s29;
	_ =	swait.ge @p1 [sflag:s12], $0x80  }
0xa9: {  	[sflag:s12] =	ssyncset.done @p1 $0x0  }
0xaa: {  	s8 =	simm.s32 @p1 $0x4;
	[sflag:s12] =	ssyncadd.s32 @p1 $0xFFFFFF80  }
0xab: {  	s11 =	simm.s32 @p1 $0x4100;
	_ =	swait.ge @p1 [sflag:s8], $0x4000  }
0xac: {  	p3 =	por p5, !p1;
	s12 =	simm.s32 @p1 $0x5;
	[sflag:s8] =	ssyncset.done @p1 $0x0  }
0xad: {  	s23 =	simm.s32 @!p3 $0x80;
	[sflag:s8] =	ssyncadd.s32 @p1 $0xFFFFC000;
	s8 =	simm.s32 @p1 $0x80  }
0xae: {  	[spmem:s1] =	stream.indirect.scatter.add.f32 @p1 [tilespmem:s11], [sflag:$0x5], $0x80, s8, s8, $0xb8;
	[tilespmem:$0x1C100] =	vst v63  }
0xaf: {  	s8 =	sadd.s32 @!p3 s7, s6;
	s11 =	sand.u32 @!p3 $0x70, s7;
	_ =	swait.ge @p1 [sflag:s12], $0x4000  }
0xb0: {  	s8 =	sand.u32 @!p3 $0xFF80, s8;
	s11 =	sadd.s32 @!p3 s4, s11;
	[sflag:s12] =	ssyncset.done @p1 $0x0  }
0xb1: {  	s8 =	sadd.s32 @!p3 s8, s11;
	s11 =	simm.s32 @!p3 $0x0;
	[sflag:s12] =	ssyncadd.s32 @p1 $0xFFFFC000  }
0xb2: {  	[tilespmem:s23], [sflag:$0x2] =	stream.linear.gather @!p3 [hbm4b:s8+s11], $0x80, $0x38;
	[tilespmem:$0x1C100] =	vst v63  }
0xb3: {  	s12 =	simm.s32 @!p1 $0x1;
	s8 =	simm.s32 @!p3 $0x4100  }
0xb4: {  	[tilespmem:s8], [sflag:$0x4] =	stream.linear.gather @!p3 [hbm4b:s29+s11], $0x4000, $0x38;
	[tilespmem:$0x1C100] =	vst v63  }
0xb5: {  	_ =	swait.ge @!p1 [sflag:s12], $0x80  }
0xb6: {  	s29 =	sadd.s32 $0x800, s29;
	[sflag:s12] =	ssyncset.done @!p1 $0x0  }
0xb7: {  	s31 =	sadd.s32 $0x1, s31;
	s11 =	simm.s32 @!p1 $0x3;
	[sflag:s12] =	ssyncadd.s32 @!p1 $0xFFFFFF80  }
0xb8: {  	s8 =	sand.u32 $0x1, s31;
	p3 =	por p4, p1;
	_ =	swait.ge @!p1 [sflag:s11], $0x4000  }
0xb9: {  	s23 =	simm.s32 @!p1 $0x5;
	s12 =	simm.s32 @!p1 $0x100;
	[sflag:s11] =	ssyncset.done @!p1 $0x0  }
0xba: {  	s24 =	simm.s32 @!p1 $0x0;
	[sflag:s11] =	ssyncadd.s32 @!p1 $0xFFFFC000;
	s11 =	simm.s32 @!p1 $0x80  }
0xbb: {  	[spmem:s1] =	stream.indirect.scatter.add.f32 @!p1 [tilespmem:s12], [sflag:$0x5], $0x80, s24, s11, $0xb8;
	[tilespmem:$0x1C100] =	vst v63  }
.Ltmp5:
0xbc: {  	_ = 	snop;
	(pc) =	sbr.rel @!p2 .LBB2_3-.Ltmp5, $4  }
0xbd: {  	s11 =	sadd.s32 @!p3 s7, s6;
	s7 =	sand.u32 @!p3 $0x60, s7;
	_ =	swait.ge @!p1 [sflag:s23], $0x4000  }
0xbe: {  	s11 =	sand.u32 @!p3 $0xFF80, s11;
	s7 =	sadd.s32 @!p3 s4, s7;
	[sflag:s23] =	ssyncset.done @!p1 $0x0  }
0xbf: {  	s7 =	sadd.s32 @!p3 s11, s7;
	s11 =	simm.s32 @!p3 $0x0;
	[sflag:s23] =	ssyncadd.s32 @!p1 $0xFFFFC000  }
0xc0: {  	[tilespmem:s11], [sflag:$0x1] =	stream.linear.gather @!p3 [hbm4b:s7+s11], $0x80, $0x38;
	[tilespmem:$0x1C100] =	vst v63  }
0xc1: {  	p1 =	seq.s32 s8, $0x1  }
0xc2: {  	s0 =	simm.s32 @!p3 $0x100;
	s7 =	simm.s32 @p1 $0x2  }
0xc3: {  	[tilespmem:s0], [sflag:$0x3] =	stream.linear.gather @!p3 [hbm4b:s21+s11], $0x4000, $0x38;
	[tilespmem:$0x1C100] =	vst v63  }
0xc4: {  	_ =	swait.ge @p1 [sflag:s7], $0x80  }
0xc5: {  	[sflag:s7] =	ssyncset.done @p1 $0x0  }
0xc6: {  	s0 =	simm.s32 @p1 $0x4;
	p2 =	sgt.u32 @p1 s31, $0x4D;
	[sflag:s7] =	ssyncadd.s32 @p1 $0xFFFFFF80  }
0xc7: {  	p2 =	por p2, !p1;
	_ =	swait.ge @p1 [sflag:s0], $0x4000  }
0xc8: {  	s8 =	simm.s32 @p1 $0x5;
	s11 =	simm.s32 @!p2 $0x80;
	[sflag:s0] =	ssyncset.done @p1 $0x0  }
0xc9: {  	s7 =	simm.s32 @p1 $0x4100;
	[sflag:s0] =	ssyncadd.s32 @p1 $0xFFFFC000;
	s0 =	simm.s32 @p1 $0x80  }
0xca: {  	[spmem:s1] =	stream.indirect.scatter.add.f32 @p1 [tilespmem:s7], [sflag:$0x5], $0x80, s0, s0, $0xb8;
	[tilespmem:$0x1C100] =	vst v63  }
0xcb: {  	s0 =	sadd.s32 @!p2 s30, s6;
	s7 =	sand.u32 @!p2 $0x70, s30;
	_ =	swait.ge @p1 [sflag:s8], $0x4000  }
0xcc: {  	s0 =	sand.u32 @!p2 $0xFF80, s0;
	s7 =	sadd.s32 @!p2 s4, s7;
	[sflag:s8] =	ssyncset.done @p1 $0x0  }
0xcd: {  	s0 =	sadd.s32 @!p2 s0, s7;
	s7 =	simm.s32 @!p2 $0x0;
	[sflag:s8] =	ssyncadd.s32 @p1 $0xFFFFC000  }
0xce: {  	[tilespmem:s11], [sflag:$0x2] =	stream.linear.gather @!p2 [hbm4b:s0+s7], $0x80, $0x38;
	[tilespmem:$0x1C100] =	vst v63  }
0xcf: {  	s8 =	simm.s32 @!p1 $0x1;
	s0 =	simm.s32 @!p2 $0x4100  }
0xd0: {  	[tilespmem:s0], [sflag:$0x4] =	stream.linear.gather @!p2 [hbm4b:s29+s7], $0x4000, $0x38;
	[tilespmem:$0x1C100] =	vst v63  }
0xd1: {  	_ =	swait.ge @!p1 [sflag:s8], $0x80  }
0xd2: {  	[sflag:s8] =	ssyncset.done @!p1 $0x0  }
0xd3: {  	s0 =	simm.s32 @!p1 $0x3;
	[sflag:s8] =	ssyncadd.s32 @!p1 $0xFFFFFF80  }
0xd4: {  	s11 =	simm.s32 @!p1 $0x0;
	_ =	swait.ge @!p1 [sflag:s0], $0x4000  }
0xd5: {  	p2 =	sgt.u32 @!p1 s31, $0x4D;
	s7 =	simm.s32 @!p1 $0x100;
	[sflag:s0] =	ssyncset.done @!p1 $0x0  }
0xd6: {  	p2 =	por p2, p1;
	[sflag:s0] =	ssyncadd.s32 @!p1 $0xFFFFC000;
	s0 =	simm.s32 @!p1 $0x80  }
0xd7: {  	[spmem:s1] =	stream.indirect.scatter.add.f32 @!p1 [tilespmem:s7], [sflag:$0x5], $0x80, s11, s0, $0xb8;
	[tilespmem:$0x1C100] =	vst v63  }
0xd8: {  	s8 =	simm.s32 @!p1 $0x5;
	s0 =	sadd.s32 @!p2 s30, s6;
	s7 =	sand.u32 @!p2 $0x60, s30  }
0xd9: {  	_ =	swait.ge @!p1 [sflag:s8], $0x4000;
	s0 =	sand.u32 @!p2 $0xFF80, s0;
	s7 =	sadd.s32 @!p2 s4, s7  }
0xda: {  	[sflag:s8] =	ssyncset.done @!p1 $0x0;
	s0 =	sadd.s32 @!p2 s0, s7  }
.Ltmp6:
0xdb: {  	s7 =	simm.s32 @!p2 $0x0;
	[sflag:s8] =	ssyncadd.s32 @!p1 $0xFFFFC000;
	(pc) =	sbr.rel .LBB2_8-.Ltmp6, $4  }
0xdc: {  	[tilespmem:s7], [sflag:$0x1] =	stream.linear.gather @!p2 [hbm4b:s0+s7], $0x80, $0x38;
	[tilespmem:$0x1C100] =	vst v63  }
0xdd: {  	s0 =	simm.s32 @!p2 $0x100  }
0xde: {  	[tilespmem:s0], [sflag:$0x3] =	stream.linear.gather @!p2 [hbm4b:s29+s7], $0x4000, $0x38;
	[tilespmem:$0x1C100] =	vst v63  }
0xdf: {  	s0 =	rddreg [dreg:$0x3]  }
.LBB2_9:
0xe0: {  	_ =	sfence.sel $0x180000  }
0xe1: {  	[bflag:$0x0] =	sbarrier.arrive $0xFFFF  }
0xe2: {  	_ =	strace $0x9000004A  }
0xe3: {  	[bflag:$0x2] =	sbarrier.arrive $0xFFFF  }
0xe4: {  	p0 =	sne.s32 s3, $0x0;
	s0 =	rddreg [dreg:$0x2]  }
0xe5: {  	s0 =	sadd.s32 @!p0 $0x100000, s0  }
0xe6: {  	[sflag:s0] =	ssyncadd.tile.s32 @!p0 $0x1;
	_ =	shalt  }
.Lfunc_end2:
_tile_overlayer_lowered:
.L_overlay_start_2:
0xe7: {  	(tag) =	ssettag $0x2  }
0xe8: {  	s0 =	rddreg [dreg:$0x0];
	s2 =	stileid.u32  }
0xe9: {  	s1 =	rddreg [dreg:$0x1];
	p0 =	sne.s32 s2, $0x0  }
0xea: {  	s3 =	rddreg [dreg:$0x2];
	[bflag:$0x3] =	sbarrier.arrive $0xFFFF;
	s2 =	simm.s32 @!p0 $0x1C05  }
0xeb: {  	[timem:s3], [sflag:s2] =	dma.local @!p0 [hbm:s0], s1  }
0xec: {  	s0 =	simm.s32 @!p0 $0x5  }
0xed: {  	_ =	swait.ge @!p0 [sflag:s0], s1  }
0xee: {  	s1 =	ssub.s32 @!p0 $0x0, s1;
	[sflag:s0] =	ssyncset.done @!p0 $0x0  }
0xef: {  	[sflag:s0] =	ssyncadd.s32 @!p0 s1  }
0xf0: {  	[bflag:$0x3] =	sbarrier.arrive $0xFFFF  }
0xf1: {  	_ =	shalt  }

// kernel: kernel.21.cloned.1.call-start
scs
__scs_entry_jumppad:
0x0: {  	(pc) =	sbr.rel $0x88, $3  }
0x1: {  	(tag) =	ssettag $0x0;
	lr =	simm.s32 $0x1  }
0x2: {  	[smem:$0x3F92] =	sst lr;
	_ =	strace $0xD0000000  }
0x3: {  	_ = 	snop  }
0x4: {  	_ = 	snop  }
0x5: {  	_ = 	snop  }
0x6: {  	_ = 	snop  }
0x7: {  	_ = 	snop  }
__scs_overlays_trampoline_lowered:
0x8: {  	[smem:$0x3FA1] =	sst s0  }
0x9: {  	[smem:$0x3FA2] =	sst s1  }
0xa: {  	[smem:$0x3FA3] =	sst s2  }
0xb: {  	[smem:$0x3FA4] =	sst s3  }
0xc: {  	[smem:$0x3FA5] =	sst s4  }
0xd: {  	[smem:$0x3FA6] =	sst s5  }
0xe: {  	[smem:$0x3FA7] =	sst s6  }
0xf: {  	[smem:$0x3FA8] =	sst s7  }
0x10: {  	[smem:$0x3FA9] =	sst s8  }
0x11: {  	[smem:$0x3FAA] =	sst s9;
	s0 =	simm.s32 @!p0 $0x0  }
0x12: {  	s1 =	sld [smem:$0x3F90];
	s0 =	simm.s32 @p0 $0x1  }
0x13: {  	[smem:$0x3FAB] =	sst s0;
	s0 =	simm.s32 @!p1 $0x0  }
0x14: {  	s2 =	sld [smem:$0x3F8F];
	s0 =	simm.s32 @p1 $0x1  }
0x15: {  	[smem:$0x3FAC] =	sst s0;
	s0 =	simm.s32 @!p2 $0x0  }
0x16: {  	s3 =	sld [smem:$0x3FDB];
	s0 =	simm.s32 @p2 $0x1  }
0x17: {  	s4 =	simm.s32 $0x1BF5;
	[smem:$0x3FAE] =	sst s0  }
0x18: {  	s0 =	sld [smem:$0x3F91];
	_ =	swait.ge [sflag:s4], $0x0  }
0x19: {  	s7 =	sld [smem:$0x3F92]  }
0x1a: {  	s8 =	sadd.s32 $0xFFFFE003, lr  }
0x1b: {  	s9 =	sadd.s32 $0xFFFFFEF7, lr;
	s5 =	simm.s32 $0xFFFFFFFF;
	p2 =	slt.u32 s8, $0xFFFFF086  }
0x1c: {  	p1 =	slt.u32 s9, $0xF7A;
	s5 =	simm.s32 @!p2 $0x0  }
0x1d: {  	s5 =	simm.s32 @p1 $0x1;
	p0 =	seq.s32 s7, s2  }
0x1e: {  	s7 =	smul.u32 @!p0 $0xF7A, s2;
	p2 =	seq.s32 @!p0 s5, $0x0  }
0x1f: {  	s9 =	smul.u32 $0xF7A, s1;
	s8 =	simm.s32 @!p0 $0x1BF5;
	p2 =	por !p2, p0  }
0x20: {  	[sflag:s8] =	ssyncset.s32 @!p0 $0xFFFFF086;
	s6 =	sadd.s32 @!p0 s3, s7;
	s7 =	simm.s32 @!p0 $0x108  }
0x21: {  	s3 =	sadd.s32 s3, s9;
	s6 =	sadd.s32 @!p0 $0x88, s6;
	s7 =	simm.s32 @p2 $0x1082  }
0x22: {  	[simem:s7], [sflag:s8] =	dma.local @!p0 [hbm:s6], $0xF7A  }
0x23: {  	s9 =	sor.u32 $0xD0000000, s2;
	s6 =	simm.s32 $0x108;
	_ =	swait.ge @!p0 [sflag:s8], $0x0  }
0x24: {  	s3 =	sadd.s32 $0x88, s3;
	s6 =	simm.s32 @!p1 $0x1082;
	[sflag:s4] =	ssyncset.s32 $0xFFFFF086  }
0x25: {  	[simem:s6], [sflag:s4] =	dma.local [hbm:s3], $0xF7A  }
0x26: {  	[smem:$0x3F92] =	sst s1;
	(tag) =	ssettag s2;
	_ =	strace s9  }
0x27: {  	s1 =	sld [smem:$0x3FA2]  }
0x28: {  	s2 =	sld [smem:$0x3FA3]  }
0x29: {  	s4 =	sld [smem:$0x3FA5]  }
0x2a: {  	p0 =	seq.s32 s5, $0x0;
	s5 =	sld [smem:$0x3FA6]  }
0x2b: {  	s6 =	sld [smem:$0x3FA7]  }
0x2c: {  	s7 =	sld [smem:$0x3FA8]  }
0x2d: {  	s3 =	simm.s32 $0x108;
	s8 =	sld [smem:$0x3FA9]  }
0x2e: {  	s3 =	simm.s32 @!p0 $0x1082;
	s9 =	sld [smem:$0x3FAA]  }
0x2f: {  	lr =	sadd.s32 s0, s3;
	s0 =	sld [smem:$0x3FA1]  }
0x30: {  	s3 =	sld [smem:$0x3FA4]  }
0x31: {  	[smem:$0x3FAD] =	sst s10  }
0x32: {  	s10 =	sld [smem:$0x3FAB];
	_ =	sdelay $0x3  }
0x33: {  	p0 =	seq.s32 s10, $0x1;
	s10 =	sld [smem:$0x3FAD];
	_ =	sdelay $0x3  }
0x34: {  	[smem:$0x3FAD] =	sst s10  }
0x35: {  	s10 =	sld [smem:$0x3FAC];
	_ =	sdelay $0x3  }
0x36: {  	p1 =	seq.s32 s10, $0x1;
	s10 =	sld [smem:$0x3FAD];
	_ =	sdelay $0x3  }
0x37: {  	[smem:$0x3FAD] =	sst s10  }
0x38: {  	s10 =	sld [smem:$0x3FAE]  }
0x39: {  	_ = 	snop;
	(pc) =	sbr.ind lr, $3  }
0x3a: {  	_ = 	snop  }
0x3b: {  	_ = 	snop  }
0x3c: {  	p2 =	seq.s32 s10, $0x1;
	s10 =	sld [smem:$0x3FAD]  }
0x3d: {  	_ =	shalt  }
0x3e: {  	_ =	shalt  }
0x3f: {  	_ =	shalt  }
0x40: {  	_ =	shalt  }
0x41: {  	_ =	shalt  }
0x42: {  	_ =	shalt  }
0x43: {  	_ =	shalt  }
0x44: {  	_ =	shalt  }
0x45: {  	_ =	shalt  }
0x46: {  	_ =	shalt  }
0x47: {  	_ =	shalt  }
0x48: {  	_ =	shalt  }
0x49: {  	_ =	shalt  }
0x4a: {  	_ =	shalt  }
0x4b: {  	_ =	shalt  }
0x4c: {  	_ =	shalt  }
0x4d: {  	_ =	shalt  }
0x4e: {  	_ =	shalt  }
0x4f: {  	_ =	shalt  }
0x50: {  	_ =	shalt  }
0x51: {  	_ =	shalt  }
0x52: {  	_ =	shalt  }
0x53: {  	_ =	shalt  }
0x54: {  	_ =	shalt  }
0x55: {  	_ =	shalt  }
0x56: {  	_ =	shalt  }
0x57: {  	_ =	shalt  }
0x58: {  	_ =	shalt  }
0x59: {  	_ =	shalt  }
0x5a: {  	_ =	shalt  }
0x5b: {  	_ =	shalt  }
0x5c: {  	_ =	shalt  }
0x5d: {  	_ =	shalt  }
0x5e: {  	_ =	shalt  }
0x5f: {  	_ =	shalt  }
0x60: {  	_ =	shalt  }
0x61: {  	_ =	shalt  }
0x62: {  	_ =	shalt  }
0x63: {  	_ =	shalt  }
0x64: {  	_ =	shalt  }
0x65: {  	_ =	shalt  }
0x66: {  	_ =	shalt  }
0x67: {  	_ =	shalt  }
0x68: {  	_ =	shalt  }
0x69: {  	_ =	shalt  }
0x6a: {  	_ =	shalt  }
0x6b: {  	_ =	shalt  }
0x6c: {  	_ =	shalt  }
0x6d: {  	_ =	shalt  }
0x6e: {  	_ =	shalt  }
0x6f: {  	_ =	shalt  }
0x70: {  	_ =	shalt  }
0x71: {  	_ =	shalt  }
0x72: {  	_ =	shalt  }
0x73: {  	_ =	shalt  }
0x74: {  	_ =	shalt  }
0x75: {  	_ =	shalt  }
0x76: {  	_ =	shalt  }
0x77: {  	_ =	shalt  }
0x78: {  	_ =	shalt  }
0x79: {  	_ =	shalt  }
0x7a: {  	_ =	shalt  }
0x7b: {  	_ =	shalt  }
0x7c: {  	_ =	shalt  }
0x7d: {  	_ =	shalt  }
0x7e: {  	_ =	shalt  }
0x7f: {  	_ =	shalt  }
0x80: {  	_ =	shalt  }
0x81: {  	_ =	shalt  }
0x82: {  	_ =	shalt  }
0x83: {  	_ =	shalt  }
0x84: {  	_ =	shalt  }
0x85: {  	_ =	shalt  }
0x86: {  	_ =	shalt  }
0x87: {  	_ =	shalt  }
.Lfunc_end0:
.L_simem_size_0:
called_computation.2_lowered:
.L_overlay_start_0:
0x88: {  	s2 =	sld [smem:$0x3FD9]  }
0x89: {  	s3 =	sld [smem:$0x3FFE];
	_ =	sdelay $0x1  }
0x8a: {  	s1 =	srdreg.scid  }
0x8b: {  	s0 =	sand.u32 $0x1, s1  }
0x8c: {  	s16 =	sshll.u32 s0, $0xA;
	s2 =	sadd.s32 s3, s2  }
0x8d: {  	s2 =	sadd.s32 s2, s16  }
0x8e: {  	[smem:$0x3FB9] =	sst s2  }
0x8f: {  	_ = 	snop  }
0x90: {  	(tm) =	ssettm $0x1  }
0x91: {  	s17 =	sld [smem:$0x3FFB];
	_ =	sdelay $0x3  }
0x92: {  	_ =	strace s17  }
0x93: {  	s2 =	sld [smem:$0x3FFC];
	_ =	sdelay $0x3  }
0x94: {  	_ =	strace s2  }
0x95: {  	s2 =	sld [smem:$0x3FFD];
	_ =	sdelay $0x3  }
0x96: {  	_ =	strace s2  }
0x97: {  	_ =	strace $0x8FFFFFFF  }
0x98: {  	s18 =	sld [smem:$0x3FDB];
	_ =	sdelay $0x1  }
0x99: {  	s19 =	simm.s32 $_scs_section_size  }
0x9a: {  	s4 =	simm.s32 $_size__tile_overlayer_lowered;
	s5 =	simm.s32 $_tile_overlayer_lowered  }
0x9b: {  	s22 =	simm.s32 $0x1BFF;
	s21 =	sshll.u32 s5, $0x1;
	s2 =	sadd.s32 s19, s18  }
0x9c: {  	s6 =	simm.s32 $0x0;
	s20 =	sshll.u32 s4, $0x1;
	s4 =	sadd.s32 s21, s2  }
0x9d: {  	[timem:s6], [sflag:s22] =	dma.local [hbm:s4], s20  }
0x9e: {  	_ =	swait.ge [sflag:s22], s20  }
0x9f: {  	s3 =	ssub.s32 $0x0, s20;
	[sflag:s22] =	ssyncset.done $0x0  }
0xa0: {  	[sflag:s22] =	ssyncadd.s32 s3;
	_ =	sdelay $0x1  }
0xa1: {  	s23 =	simm.s32 $0x1B8B  }
0xa2: {  	_ =	swait.ge [sflag:s23], $0x1  }
0xa3: {  	[sflag:s23] =	ssyncset.done $0x0  }
0xa4: {  	s25 =	simm.s32 $0x1B8E;
	s24 =	sld [smem:$0x3FFE];
	[sflag:s23] =	ssyncadd.s32 $0xFFFFFFFF  }
0xa5: {  	s26 =	simm.s32 $execute0_lowered;
	[smem:$0x3FD2] =	sst s25  }
0xa6: {  	s4 =	sshll.u32 s26, $0x1;
	_ =	strace $0x8000004C;
	[dreg:$0x1] =	wrdreg $0xFFFFFFFF  }
0xa7: {  	s28 =	simm.s32 $_size_execute0_lowered;
	s2 =	sadd.s32 s2, s4;
	[dreg:$0x0] =	wrdreg $0x0  }
0xa8: {  	s4 =	sshll.u32 s28, $0x1;
	[dreg:$0x2] =	wrdreg s2  }
0xa9: {  	[dreg:$0x3] =	wrdreg s4  }
0xaa: {  	[dreg:$0x4] =	wrdreg $0xC0  }
0xab: {  	_ =	task [dreg:s6], $0x5FFFF  }
0xac: {  	[dreg:$0x1] =	wrdreg $0xFFFFFFFF  }
0xad: {  	[dreg:$0x0] =	wrdreg $0x60  }
0xae: {  	[dreg:$0x2] =	wrdreg s24  }
0xaf: {  	[dreg:$0x3] =	wrdreg $0x81000  }
0xb0: {  	[dreg:$0x4] =	wrdreg $0x9  }
0xb1: {  	_ =	task.clear_ibuf [dreg:s6], $0x5FFFF;
	_ =	strace $0x9000004C  }
0xb2: {  	s29 =	simm.s32 $0x9;
	_ =	strace $0x8000004E  }
0xb3: {  	_ =	swait.ge [sflag:s29], $0x1  }
0xb4: {  	[sflag:s29] =	ssyncadd.s32 $0xFFFFFFFF  }
0xb5: {  	_ =	strace $0x9000004E  }
0xb6: {  	_ =	sfence  }
0xb7: {  	s30 =	sld [smem:$0x0];
	_ =	sdelay $0x2  }
0xb8: {  	s31 =	sshll.u32 s1, $0xD;
	s1 =	sshrl.u32 s1, $0x2  }
0xb9: {  	s3 =	sand.u32 $0x4000, s31;
	s1 =	sadd.s32 s1, s30  }
0xba: {  	s0 =	sor.u32 s3, s0;
	s1 =	sshll.u32 s1, $0x11  }
0xbb: {  	s0 =	sor.u32 s1, s0  }
0xbc: {  	s0 =	sadd.s32 $0x8F2B, s0  }
0xbd: {  	[sflag:s0] =	ssyncadd.remote.s32 $0x1  }
0xbe: {  	_ =	sfence.sel $0xFFFF  }
0xbf: {  	[dreg:$0x0] =	wrdreg $0xFFFFFFFF;
	(pc) =	sbr.abs _section_cstart, $3  }
0xc0: {  	[dreg:$0x1] =	wrdreg $0xFFFFFFFF  }
0xc1: {  	_ =	task.clear_ibuf [dreg:s6], $0x2FFFF;
	_ =	strace $0x9FFFFFFF  }
0xc2: {  	(tm) =	ssettm $0x7FFFFFFF  }
0xc3: {  	_ =	shalt  }
tec
execute0_lowered:
.L_overlay_start_1:
0x0: {  	(tag) =	ssettag $0x1  }
0x1: {  	s6 =	rddreg [dreg:$0x0]  }
0x2: {  	s2 =	rddreg [dreg:$0x1];
	s3 =	simm.s32 $0x0;
	s1 =	stileid.u32  }
0x3: {  	s5 =	srdreg.scid;
	s17 =	simm.s32 $0x6;
	s18 =	simm.s32 $0x80  }
0x4: {  	s19 =	simm.s32 $0x2;
	s20 =	simm.s32 $0x3;
	s4 =	smul.u32 $0x2800, s1  }
0x5: {  	[smem:$0x7FF] =	sst s3;
	s7 =	smul.u32 $0x50000, s1;
	s10 =	sand.u32 $0x1, s5  }
0x6: {  	s5 =	sadd.s32 $0x13200, s6;
	s31 =	sshll.u32 s1, $0x6;
	_ =	strace $0x8000004D  }
0x7: {  	s9 =	ssub.s32 $0x2, s10;
	p0 =	seq.s32 s10, $0x1;
	s8 =	sadd.s32 s4, s6  }
0x8: {  	s4 =	sadd.s32 $0x9200, s6;
	s15 =	sadd.s32 s7, s6;
	s6 =	smul.u32 $0xA00, s1  }
.Ltmp0:
0x9: {  	s11 =	sshrl.u32 s9, $0x1;
	s7 =	sshrl.u32 s7, $0x2;
	(pc) =	sbr.rel .LBB2_1-.Ltmp0, $4  }
0xa: {  	s13 =	ssub.s32 s9, s11;
	s16 =	sadd.s32 s7, s2;
	s7 =	sadd.s32 $0x1FA00, s8  }
0xb: {  	s8 =	sor.u32 $0x1C06, s31;
	s14 =	sadd.s32 $0x47A00, s15;
	s15 =	sadd.s32 $0xA46E00, s15  }
0xc: {  	s9 =	sadd.s32 s4, s6;
	s11 =	sadd.s32 s5, s6;
	s13 =	smax.u32 s13, $0x1  }
0xd: {  	s16 =	sshrl.u32 s16, $0x3;
	s10 =	sadd.s32 $0x10, s9;
	s12 =	sadd.s32 $0x10, s11  }
.LBB2_7:
0xe: {  	p4 =	por p6, !p2;
	[sflag:s26] =	ssyncadd.s32 @!p5 $0xFFFFC000  }
0xf: {  	[hbm4b:s28+s29] =	stream.linear.scatter @!p5 [tilespmem:s30], [sflag:$0x2], $0x4000, $0x38;
	[tilespmem:$0x1C100] =	vst v63  }
0x10: {  	s24 =	simm.s32 @!p1 $0x0;
	s0 =	simm.s32 @!p4 $0x3  }
0x11: {  	[tilespmem:s24], [sflag:$0x4] =	stream.linear.gather @!p1 [hbm4b:s25+s24], $0x80, $0x38;
	[tilespmem:$0x1C100] =	vst v63  }
0x12: {  	_ =	swait.ge @!p4 [sflag:s0], $0x4000  }
0x13: {  	[sflag:s0] =	ssyncset.done @!p4 $0x0  }
0x14: {  	[sflag:s0] =	ssyncadd.s32 @!p4 $0xFFFFC000;
	s0 =	simm.s32 @p2 $0x5  }
0x15: {  	_ =	swait.ge @p2 [sflag:s0], $0x80  }
0x16: {  	p1 =	slt.u32 @!p2 s22, $0x2;
	s24 =	simm.s32 @p2 $0x1;
	[sflag:s0] =	ssyncset.done @p2 $0x0  }
0x17: {  	s25 =	simm.s32 @p2 $0x4100;
	[sflag:s0] =	ssyncadd.s32 @p2 $0xFFFFFF80;
	s0 =	simm.s32 @p2 $0x80  }
0x18: {  	[tilespmem:s25], [sflag:$0x1] =	stream.indirect.gather @p2 [spmem:s2], $0x80, s0, s0, $0xb8;
	[tilespmem:$0x1C100] =	vst v63  }
0x19: {  	p4 =	por p1, p2;
	p1 =	por p3, !p2;
	_ =	swait.ge @p2 [sflag:s24], $0x4000  }
0x1a: {  	s26 =	sand.u32 @!p1 $0x70, s23;
	[sflag:s24] =	ssyncset.done @p2 $0x0  }
0x1b: {  	s28 =	simm.s32 @!p1 $0x80;
	[sflag:s24] =	ssyncadd.s32 @p2 $0xFFFFC000;
	s24 =	sadd.s32 @!p1 s23, s6  }
0x1c: {  	s26 =	sadd.s32 @!p1 s5, s26;
	s0 =	simm.s32 @p2 $0x0;
	s24 =	sand.u32 @!p1 $0x1FF80, s24  }
0x1d: {  	[hbm4b:s21+s0] =	stream.linear.scatter @p2 [tilespmem:s25], [sflag:$0x3], $0x4000, $0x38;
	[tilespmem:$0x1C100] =	vst v63  }
0x1e: {  	s25 =	simm.s32 @!p4 $0x2;
	s0 =	sadd.s32 @!p1 s24, s26;
	s24 =	simm.s32 @!p1 $0x0  }
0x1f: {  	[tilespmem:s28], [sflag:$0x5] =	stream.linear.gather @!p1 [hbm4b:s0+s24], $0x80, $0x38;
	[tilespmem:$0x1C100] =	vst v63  }
0x20: {  	_ =	swait.ge @!p4 [sflag:s25], $0x4000  }
0x21: {  	p1 =	por p2, p2;
	[sflag:s25] =	ssyncset.done @!p4 $0x0  }
0x22: {  	s0 =	simm.s32 @!p1 $0x4;
	[sflag:s25] =	ssyncadd.s32 @!p4 $0xFFFFC000  }
0x23: {  	p3 =	sgt.u32 @!p2 s22, $0x9D;
	_ =	swait.ge @!p1 [sflag:s0], $0x80  }
0x24: {  	s22 =	simm.s32 @!p1 $0x1;
	s24 =	simm.s32 @!p1 $0x0;
	[sflag:s0] =	ssyncset.done @!p1 $0x0  }
0x25: {  	s25 =	simm.s32 @!p1 $0x100;
	[sflag:s0] =	ssyncadd.s32 @!p1 $0xFFFFFF80;
	s0 =	simm.s32 @!p1 $0x80  }
0x26: {  	[tilespmem:s25], [sflag:$0x1] =	stream.indirect.gather @!p1 [spmem:s2], $0x80, s24, s0, $0xb8;
	[tilespmem:$0x1C100] =	vst v63  }
0x27: {  	p2 =	por p3, p2;
	_ =	swait.ge @!p1 [sflag:s22], $0x4000  }
0x28: {  	s0 =	sadd.s32 @!p2 s23, s6;
	s23 =	sand.u32 @!p2 $0x60, s23;
	[sflag:s22] =	ssyncset.done @!p1 $0x0  }
0x29: {  	s0 =	sand.u32 @!p2 $0x1FF80, s0;
	s23 =	sadd.s32 @!p2 s5, s23;
	[sflag:s22] =	ssyncadd.s32 @!p1 $0xFFFFC000  }
0x2a: {  	[hbm4b:s21+s24] =	stream.linear.scatter @!p1 [tilespmem:s25], [sflag:$0x2], $0x4000, $0x38;
	[tilespmem:$0x1C100] =	vst v63  }
0x2b: {  	s0 =	sadd.s32 @!p2 s0, s23;
	s21 =	simm.s32 @!p2 $0x0  }
0x2c: {  	[tilespmem:s21], [sflag:$0x4] =	stream.linear.gather @!p2 [hbm4b:s0+s21], $0x80, $0x38;
	[tilespmem:$0x1C100] =	vst v63  }
.LBB2_8:
0x2d: {  	s3 =	sadd.s32 $0x1, s3  }
0x2e: {  	_ =	swait.ge [sflag:s19], $0x4000;
	p1 =	sne.s32 s3, s13  }
.Ltmp1:
0x2f: {  	[sflag:s19] =	ssyncset.done $0x0;
	(pc) =	sbr.rel @!p1 .LBB2_9-.Ltmp1, $4  }
0x30: {  	[sflag:s19] =	ssyncadd.s32 $0xFFFFC000  }
0x31: {  	_ =	swait.ge [sflag:s20], $0x4000  }
0x32: {  	[sflag:s20] =	ssyncset.done $0x0  }
0x33: {  	[sflag:s20] =	ssyncadd.s32 $0xFFFFC000  }
.LBB2_1:
0x34: {  	[spmem:s16], [sflag:s8] =	dma.local [hbm:s7], $0x2800  }
.Ltmp2:
0x35: {  	_ =	swait.ge [sflag:s17], $0x2800;
	(pc) =	sbr.rel @!p0 .LBB2_2-.Ltmp2, $3  }
0x36: {  	[sflag:s17] =	ssyncset.done $0x0  }
0x37: {  	[sflag:s17] =	ssyncadd.s32 $0xFFFFD800  }
0x38: {  	[bflag:$0x0] =	sbarrier.arrive $0xFFFF;
	_ =	sdelay $0x1  }
0x39: {  	s0 =	simm.s32 $0x0  }
0x3a: {  	[tilespmem:s0], [sflag:$0x4] =	stream.linear.gather [hbm4b:s11+s0], $0x80, $0x38;
	[tilespmem:$0x1C100] =	vst v63  }
0x3b: {  	_ = 	snop  }
0x3c: {  	[tilespmem:s18], [sflag:$0x5] =	stream.linear.gather [hbm4b:s12+s0], $0x80, $0x38;
	[tilespmem:$0x1C100] =	vst v63  }
0x3d: {  	s0 =	sand.u32 $0x1, s0  }
0x3e: {  	p2 =	seq.s32 s0, $0x1  }
0x3f: {  	p1 =	por @p2 $0x1, $0x1  }
0x40: {  	p1 =	por p1, !p2  }
0x41: {  	s0 =	simm.s32 @!p1 $0x3  }
0x42: {  	s21 =	simm.s32 $0x20;
	s22 =	simm.s32 $0x1;
	_ =	swait.ge @!p1 [sflag:s0], $0x4000  }
0x43: {  	s24 =	simm.s32 $0x2;
	s31 =	sand.u32 $0x1, s22;
	[sflag:s0] =	ssyncset.done @!p1 $0x0  }
0x44: {  	p4 =	por @p2 $0x0, $0x0;
	[sflag:s0] =	ssyncadd.s32 @!p1 $0xFFFFC000;
	s0 =	simm.s32 @p2 $0x5  }
0x45: {  	p3 =	por @!p2 $0x1, $0x1;
	s23 =	simm.s32 @p2 $0x1;
	_ =	swait.ge @p2 [sflag:s0], $0x80  }
0x46: {  	s25 =	simm.s32 @p2 $0x4100;
	s26 =	simm.s32 @p2 $0x0;
	[sflag:s0] =	ssyncset.done @p2 $0x0  }
0x47: {  	p5 =	por p2, p2;
	[sflag:s0] =	ssyncadd.s32 @p2 $0xFFFFFF80;
	s0 =	simm.s32 @p2 $0x80  }
0x48: {  	[tilespmem:s25], [sflag:$0x1] =	stream.indirect.gather @p2 [spmem:s2], $0x80, s0, s0, $0xb8;
	[tilespmem:$0x1C100] =	vst v63  }
0x49: {  	p3 =	por p3, p2;
	p4 =	por p4, !p2;
	_ =	swait.ge @p2 [sflag:s23], $0x4000  }
0x4a: {  	s28 =	sand.u32 @!p4 $0x70, s21;
	s29 =	simm.s32 @!p4 $0x80;
	[sflag:s23] =	ssyncset.done @p2 $0x0  }
0x4b: {  	p1 =	por @!p2 $0x0, $0x0;
	[sflag:s23] =	ssyncadd.s32 @p2 $0xFFFFC000;
	s23 =	sadd.s32 @!p4 $0x20, s6  }
0x4c: {  	s28 =	sadd.s32 @!p4 s5, s28;
	p1 =	por p1, p2;
	s23 =	sand.u32 @!p4 $0x1FF80, s23  }
0x4d: {  	[hbm4b:s15+s26] =	stream.linear.scatter @p2 [tilespmem:s25], [sflag:$0x3], $0x4000, $0x38;
	[tilespmem:$0x1C100] =	vst v63  }
0x4e: {  	s25 =	simm.s32 @!p4 $0x0;
	s26 =	simm.s32 @!p3 $0x2;
	s23 =	sadd.s32 @!p4 s23, s28  }
0x4f: {  	[tilespmem:s29], [sflag:$0x5] =	stream.linear.gather @!p4 [hbm4b:s23+s25], $0x80, $0x38;
	[tilespmem:$0x1C100] =	vst v63  }
0x50: {  	s21 =	sand.u32 @!p1 $0x60, s21;
	s0 =	sadd.s32 @!p1 $0x20, s6;
	_ =	swait.ge @!p3 [sflag:s26], $0x4000  }
0x51: {  	s21 =	sadd.s32 @!p1 s5, s21;
	s0 =	sand.u32 @!p1 $0x1FF80, s0;
	[sflag:s26] =	ssyncset.done @!p3 $0x0  }
0x52: {  	s25 =	sadd.s32 @!p1 s0, s21;
	s0 =	simm.s32 @!p5 $0x4;
	[sflag:s26] =	ssyncadd.s32 @!p3 $0xFFFFC000  }
0x53: {  	s30 =	simm.s32 @!p5 $0x100;
	p2 =	seq.s32 s31, $0x1;
	_ =	swait.ge @!p5 [sflag:s0], $0x80  }
0x54: {  	p6 =	por @p2 $0x1, $0x1;
	s29 =	simm.s32 @!p5 $0x0;
	[sflag:s0] =	ssyncset.done @!p5 $0x0  }
0x55: {  	s26 =	simm.s32 @!p5 $0x1;
	[sflag:s0] =	ssyncadd.s32 @!p5 $0xFFFFFF80;
	s0 =	simm.s32 @!p5 $0x80  }
0x56: {  	[tilespmem:s30], [sflag:$0x1] =	stream.indirect.gather @!p5 [spmem:s2], $0x80, s29, s0, $0xb8;
	[tilespmem:$0x1C100] =	vst v63  }
0x57: {  	s28 =	smov.u32 s15;
	s21 =	sadd.s32 $0x800, s15;
	_ =	swait.ge @!p5 [sflag:s26], $0x4000  }
0x58: {  	s23 =	simm.s32 $0x30;
	p3 =	por @p2 $0x0, $0x0;
	[sflag:s26] =	ssyncset.done @!p5 $0x0  }
.LBB2_6:
0x59: {  	p4 =	por p6, !p2  }
0x5a: {  	p6 =	slt.u32 @!p2 s22, $0x2;
	[sflag:s26] =	ssyncadd.s32 @!p5 $0xFFFFC000;
	s0 =	smov.u32 s24  }
0x5b: {  	[hbm4b:s28+s29] =	stream.linear.scatter @!p5 [tilespmem:s30], [sflag:$0x2], $0x4000, $0x38;
	[tilespmem:$0x1C100] =	vst v63  }
0x5c: {  	s26 =	simm.s32 @!p4 $0x3;
	p5 =	sgt.u32 @!p2 s22, $0x9D;
	s22 =	simm.s32 @!p1 $0x0  }
0x5d: {  	[tilespmem:s22], [sflag:$0x4] =	stream.linear.gather @!p1 [hbm4b:s25+s22], $0x80, $0x38;
	[tilespmem:$0x1C100] =	vst v63  }
0x5e: {  	s24 =	sadd.s32 $0x1, s24;
	p1 =	por p5, p2;
	_ =	swait.ge @!p4 [sflag:s26], $0x4000  }
0x5f: {  	s22 =	sadd.s32 @!p1 s23, s6;
	s25 =	sand.u32 @!p1 $0x60, s23;
	[sflag:s26] =	ssyncset.done @!p4 $0x0  }
0x60: {  	s22 =	sand.u32 @!p1 $0x1FF80, s22;
	[sflag:s26] =	ssyncadd.s32 @!p4 $0xFFFFC000;
	s26 =	simm.s32 @p2 $0x5  }
0x61: {  	s25 =	sadd.s32 @!p1 s5, s25;
	p4 =	sne.s32 s24, $0xA0;
	_ =	swait.ge @p2 [sflag:s26], $0x80  }
0x62: {  	s28 =	simm.s32 @p2 $0x1;
	s25 =	sadd.s32 @!p1 s22, s25;
	[sflag:s26] =	ssyncset.done @p2 $0x0  }
0x63: {  	s22 =	simm.s32 @p2 $0x80;
	[sflag:s26] =	ssyncadd.s32 @p2 $0xFFFFFF80;
	s26 =	simm.s32 @p2 $0x4100  }
0x64: {  	[tilespmem:s26], [sflag:$0x1] =	stream.indirect.gather @p2 [spmem:s2], $0x80, s22, s22, $0xb8;
	[tilespmem:$0x1C100] =	vst v63  }
0x65: {  	p6 =	por p6, p2;
	s22 =	smov.u32 s0;
	_ =	swait.ge @p2 [sflag:s28], $0x4000  }
0x66: {  	p3 =	por p3, !p2;
	s0 =	simm.s32 @p2 $0x0;
	[sflag:s28] =	ssyncset.done @p2 $0x0  }
0x67: {  	s29 =	sand.u32 @!p3 $0x70, s23;
	[sflag:s28] =	ssyncadd.s32 @p2 $0xFFFFC000;
	s28 =	sadd.s32 @!p3 s23, s6  }
0x68: {  	s30 =	simm.s32 @!p3 $0x80;
	s29 =	sadd.s32 @!p3 s5, s29;
	s28 =	sand.u32 @!p3 $0x1FF80, s28  }
0x69: {  	[hbm4b:s21+s0] =	stream.linear.scatter @p2 [tilespmem:s26], [sflag:$0x3], $0x4000, $0x38;
	[tilespmem:$0x1C100] =	vst v63  }
0x6a: {  	s0 =	sadd.s32 @!p3 s28, s29;
	s26 =	simm.s32 @!p3 $0x0;
	s29 =	simm.s32 @!p6 $0x2  }
0x6b: {  	[tilespmem:s30], [sflag:$0x5] =	stream.linear.gather @!p3 [hbm4b:s0+s26], $0x80, $0x38;
	[tilespmem:$0x1C100] =	vst v63  }
0x6c: {  	p5 =	por p2, p2;
	s28 =	smov.u32 s21;
	_ =	swait.ge @!p6 [sflag:s29], $0x4000  }
0x6d: {  	[sflag:s29] =	ssyncset.done @!p6 $0x0  }
0x6e: {  	s21 =	sadd.s32 $0x800, s21;
	s0 =	simm.s32 @!p5 $0x4;
	[sflag:s29] =	ssyncadd.s32 @!p6 $0xFFFFC000  }
0x6f: {  	s26 =	simm.s32 @!p5 $0x1;
	s30 =	simm.s32 @!p5 $0x100;
	_ =	swait.ge @!p5 [sflag:s0], $0x80  }
.Ltmp3:
0x70: {  	s29 =	simm.s32 @!p5 $0x0;
	[sflag:s0] =	ssyncset.done @!p5 $0x0;
	(pc) =	sbr.rel @p4 .LBB2_6-.Ltmp3, $4  }
0x71: {  	s31 =	sand.u32 $0x1, s22;
	[sflag:s0] =	ssyncadd.s32 @!p5 $0xFFFFFF80;
	s0 =	simm.s32 @!p5 $0x80  }
0x72: {  	[tilespmem:s30], [sflag:$0x1] =	stream.indirect.gather @!p5 [spmem:s2], $0x80, s29, s0, $0xb8;
	[tilespmem:$0x1C100] =	vst v63  }
0x73: {  	s23 =	sadd.s32 $0x10, s23;
	p2 =	seq.s32 s31, $0x1;
	_ =	swait.ge @!p5 [sflag:s26], $0x4000  }
0x74: {  	p3 =	sgt.u32 @p2 s22, $0x9D;
	p6 =	slt.u32 @p2 s22, $0x2;
	[sflag:s26] =	ssyncset.done @!p5 $0x0  }
.Ltmp4:
0x75: {  	_ = 	snop;
	(pc) =	sbr.rel .LBB2_7-.Ltmp4, $1  }
0x76: {  	_ =	sdelay $0x3  }
.LBB2_2:
0x77: {  	s21 =	simm.s32 $0x0  }
0x78: {  	[tilespmem:s21], [sflag:$0x4] =	stream.linear.gather [hbm4b:s9+s21], $0x80, $0x38;
	[tilespmem:$0x1C100] =	vst v63  }
0x79: {  	_ = 	snop  }
0x7a: {  	[tilespmem:s18], [sflag:$0x5] =	stream.linear.gather [hbm4b:s10+s21], $0x80, $0x38;
	[tilespmem:$0x1C100] =	vst v63  }
0x7b: {  	s21 =	sand.u32 $0x1, s21  }
0x7c: {  	p2 =	seq.s32 s21, $0x1  }
0x7d: {  	p1 =	por @p2 $0x1, $0x1  }
0x7e: {  	p1 =	por p1, !p2  }
0x7f: {  	s21 =	simm.s32 @!p1 $0x3  }
0x80: {  	s23 =	simm.s32 $0x20;
	s22 =	simm.s32 $0x1;
	_ =	swait.ge @!p1 [sflag:s21], $0x4000  }
0x81: {  	s24 =	simm.s32 $0x2;
	p4 =	por @p2 $0x0, $0x0;
	[sflag:s21] =	ssyncset.done @!p1 $0x0  }
0x82: {  	p3 =	por @!p2 $0x1, $0x1;
	[sflag:s21] =	ssyncadd.s32 @!p1 $0xFFFFC000;
	s21 =	simm.s32 @p2 $0x5  }
0x83: {  	s25 =	simm.s32 @p2 $0x1;
	s26 =	simm.s32 @p2 $0x4100;
	_ =	swait.ge @p2 [sflag:s21], $0x80  }
0x84: {  	s28 =	simm.s32 @p2 $0x0;
	p5 =	por p2, p2;
	[sflag:s21] =	ssyncset.done @p2 $0x0  }
0x85: {  	p4 =	por p4, !p2;
	[sflag:s21] =	ssyncadd.s32 @p2 $0xFFFFFF80;
	s21 =	simm.s32 @p2 $0x80  }
0x86: {  	[tilespmem:s26], [sflag:$0x1] =	stream.indirect.gather @p2 [spmem:s2], $0x80, s21, s21, $0xb8;
	[tilespmem:$0x1C100] =	vst v63  }
0x87: {  	p3 =	por p3, p2;
	s29 =	sand.u32 @!p4 $0x70, s23;
	_ =	swait.ge @p2 [sflag:s25], $0x4000  }
0x88: {  	s30 =	simm.s32 @!p4 $0x80;
	p1 =	por @!p2 $0x0, $0x0;
	[sflag:s25] =	ssyncset.done @p2 $0x0  }
0x89: {  	p1 =	por p1, p2;
	[sflag:s25] =	ssyncadd.s32 @p2 $0xFFFFC000;
	s25 =	sadd.s32 @!p4 $0x20, s6  }
0x8a: {  	s29 =	sadd.s32 @!p4 s4, s29;
	s23 =	sand.u32 @!p1 $0x60, s23;
	s25 =	sand.u32 @!p4 $0x1FF80, s25  }
0x8b: {  	[hbm4b:s14+s28] =	stream.linear.scatter @p2 [tilespmem:s26], [sflag:$0x3], $0x4000, $0x38;
	[tilespmem:$0x1C100] =	vst v63  }
0x8c: {  	s26 =	simm.s32 @!p4 $0x0;
	s28 =	simm.s32 @!p3 $0x2;
	s25 =	sadd.s32 @!p4 s25, s29  }
0x8d: {  	[tilespmem:s30], [sflag:$0x5] =	stream.linear.gather @!p4 [hbm4b:s25+s26], $0x80, $0x38;
	[tilespmem:$0x1C100] =	vst v63  }
0x8e: {  	s23 =	sadd.s32 @!p1 s4, s23;
	s21 =	sadd.s32 @!p1 $0x20, s6;
	_ =	swait.ge @!p3 [sflag:s28], $0x4000  }
0x8f: {  	s21 =	sand.u32 @!p1 $0x1FF80, s21;
	s29 =	simm.s32 @!p5 $0x0;
	[sflag:s28] =	ssyncset.done @!p3 $0x0  }
0x90: {  	s25 =	sadd.s32 @!p1 s21, s23;
	s23 =	simm.s32 @!p5 $0x4;
	[sflag:s28] =	ssyncadd.s32 @!p3 $0xFFFFC000  }
0x91: {  	s26 =	simm.s32 @!p5 $0x1;
	s21 =	sadd.s32 $0x800, s14;
	_ =	swait.ge @!p5 [sflag:s23], $0x80  }
0x92: {  	s30 =	simm.s32 @!p5 $0x100;
	s28 =	sand.u32 $0x1, s22;
	[sflag:s23] =	ssyncset.done @!p5 $0x0  }
0x93: {  	p2 =	seq.s32 s28, $0x1;
	[sflag:s23] =	ssyncadd.s32 @!p5 $0xFFFFFF80;
	s23 =	simm.s32 @!p5 $0x80  }
0x94: {  	[tilespmem:s30], [sflag:$0x1] =	stream.indirect.gather @!p5 [spmem:s2], $0x80, s29, s23, $0xb8;
	[tilespmem:$0x1C100] =	vst v63  }
0x95: {  	s28 =	smov.u32 s14;
	p6 =	por @p2 $0x1, $0x1;
	_ =	swait.ge @!p5 [sflag:s26], $0x4000  }
0x96: {  	p3 =	por @p2 $0x0, $0x0;
	s23 =	simm.s32 $0x30;
	[sflag:s26] =	ssyncset.done @!p5 $0x0  }
.LBB2_3:
0x97: {  	p4 =	por p6, !p2  }
0x98: {  	p6 =	slt.u32 @!p2 s22, $0x2;
	[sflag:s26] =	ssyncadd.s32 @!p5 $0xFFFFC000;
	s26 =	smov.u32 s24  }
0x99: {  	[hbm4b:s28+s29] =	stream.linear.scatter @!p5 [tilespmem:s30], [sflag:$0x2], $0x4000, $0x38;
	[tilespmem:$0x1C100] =	vst v63  }
0x9a: {  	s28 =	simm.s32 @!p4 $0x3;
	p5 =	sgt.u32 @!p2 s22, $0x9D;
	s22 =	simm.s32 @!p1 $0x0  }
0x9b: {  	[tilespmem:s22], [sflag:$0x4] =	stream.linear.gather @!p1 [hbm4b:s25+s22], $0x80, $0x38;
	[tilespmem:$0x1C100] =	vst v63  }
0x9c: {  	s24 =	sadd.s32 $0x1, s24;
	p1 =	por p5, p2;
	_ =	swait.ge @!p4 [sflag:s28], $0x4000  }
0x9d: {  	s22 =	sadd.s32 @!p1 s23, s6;
	s25 =	sand.u32 @!p1 $0x60, s23;
	[sflag:s28] =	ssyncset.done @!p4 $0x0  }
0x9e: {  	s22 =	sand.u32 @!p1 $0x1FF80, s22;
	[sflag:s28] =	ssyncadd.s32 @!p4 $0xFFFFC000;
	s28 =	simm.s32 @p2 $0x5  }
0x9f: {  	s25 =	sadd.s32 @!p1 s4, s25;
	p4 =	seq.s32 s24, $0xA0;
	_ =	swait.ge @p2 [sflag:s28], $0x80  }
0xa0: {  	s29 =	simm.s32 @p2 $0x1;
	s25 =	sadd.s32 @!p1 s22, s25;
	[sflag:s28] =	ssyncset.done @p2 $0x0  }
0xa1: {  	s22 =	simm.s32 @p2 $0x80;
	[sflag:s28] =	ssyncadd.s32 @p2 $0xFFFFFF80;
	s28 =	simm.s32 @p2 $0x4100  }
0xa2: {  	[tilespmem:s28], [sflag:$0x1] =	stream.indirect.gather @p2 [spmem:s2], $0x80, s22, s22, $0xb8;
	[tilespmem:$0x1C100] =	vst v63  }
0xa3: {  	p6 =	por p6, p2;
	s22 =	smov.u32 s26;
	_ =	swait.ge @p2 [sflag:s29], $0x4000  }
0xa4: {  	p3 =	por p3, !p2;
	s26 =	simm.s32 @p2 $0x0;
	[sflag:s29] =	ssyncset.done @p2 $0x0  }
0xa5: {  	s30 =	sand.u32 @!p3 $0x70, s23;
	[sflag:s29] =	ssyncadd.s32 @p2 $0xFFFFC000;
	s29 =	sadd.s32 @!p3 s23, s6  }
0xa6: {  	s31 =	simm.s32 @!p3 $0x80;
	s30 =	sadd.s32 @!p3 s4, s30;
	s29 =	sand.u32 @!p3 $0x1FF80, s29  }
0xa7: {  	[hbm4b:s21+s26] =	stream.linear.scatter @p2 [tilespmem:s28], [sflag:$0x3], $0x4000, $0x38;
	[tilespmem:$0x1C100] =	vst v63  }
0xa8: {  	s26 =	sadd.s32 @!p3 s29, s30;
	s28 =	simm.s32 @!p3 $0x0;
	s29 =	simm.s32 @!p6 $0x2  }
0xa9: {  	[tilespmem:s31], [sflag:$0x5] =	stream.linear.gather @!p3 [hbm4b:s26+s28], $0x80, $0x38;
	[tilespmem:$0x1C100] =	vst v63  }
0xaa: {  	p5 =	por p2, p2;
	s28 =	smov.u32 s21;
	_ =	swait.ge @!p6 [sflag:s29], $0x4000  }
0xab: {  	[sflag:s29] =	ssyncset.done @!p6 $0x0  }
0xac: {  	s30 =	simm.s32 @!p5 $0x100;
	s31 =	simm.s32 @!p5 $0x4;
	[sflag:s29] =	ssyncadd.s32 @!p6 $0xFFFFC000  }
0xad: {  	s26 =	simm.s32 @!p5 $0x1;
	s21 =	sadd.s32 $0x800, s21;
	_ =	swait.ge @!p5 [sflag:s31], $0x80  }
.Ltmp5:
0xae: {  	s29 =	simm.s32 @!p5 $0x0;
	[sflag:s31] =	ssyncset.done @!p5 $0x0;
	(pc) =	sbr.rel @!p4 .LBB2_3-.Ltmp5, $4  }
0xaf: {  	s0 =	sand.u32 $0x1, s22;
	[sflag:s31] =	ssyncadd.s32 @!p5 $0xFFFFFF80;
	s31 =	simm.s32 @!p5 $0x80  }
0xb0: {  	[tilespmem:s30], [sflag:$0x1] =	stream.indirect.gather @!p5 [spmem:s2], $0x80, s29, s31, $0xb8;
	[tilespmem:$0x1C100] =	vst v63  }
0xb1: {  	s23 =	sadd.s32 $0x10, s23;
	p2 =	seq.s32 s0, $0x1;
	_ =	swait.ge @!p5 [sflag:s26], $0x4000  }
0xb2: {  	p3 =	sgt.u32 @p2 s22, $0x9D;
	p6 =	slt.u32 @p2 s22, $0x2;
	[sflag:s26] =	ssyncset.done @!p5 $0x0  }
0xb3: {  	p4 =	por p6, !p2;
	[sflag:s26] =	ssyncadd.s32 @!p5 $0xFFFFC000  }
0xb4: {  	[hbm4b:s28+s29] =	stream.linear.scatter @!p5 [tilespmem:s30], [sflag:$0x2], $0x4000, $0x38;
	[tilespmem:$0x1C100] =	vst v63  }
0xb5: {  	s24 =	simm.s32 @!p1 $0x0;
	s0 =	simm.s32 @!p4 $0x3  }
0xb6: {  	[tilespmem:s24], [sflag:$0x4] =	stream.linear.gather @!p1 [hbm4b:s25+s24], $0x80, $0x38;
	[tilespmem:$0x1C100] =	vst v63  }
0xb7: {  	_ =	swait.ge @!p4 [sflag:s0], $0x4000  }
0xb8: {  	[sflag:s0] =	ssyncset.done @!p4 $0x0  }
0xb9: {  	[sflag:s0] =	ssyncadd.s32 @!p4 $0xFFFFC000;
	s0 =	simm.s32 @p2 $0x5  }
0xba: {  	_ =	swait.ge @p2 [sflag:s0], $0x80  }
0xbb: {  	p1 =	slt.u32 @!p2 s22, $0x2;
	s24 =	simm.s32 @p2 $0x1;
	[sflag:s0] =	ssyncset.done @p2 $0x0  }
0xbc: {  	s25 =	simm.s32 @p2 $0x4100;
	[sflag:s0] =	ssyncadd.s32 @p2 $0xFFFFFF80;
	s0 =	simm.s32 @p2 $0x80  }
0xbd: {  	[tilespmem:s25], [sflag:$0x1] =	stream.indirect.gather @p2 [spmem:s2], $0x80, s0, s0, $0xb8;
	[tilespmem:$0x1C100] =	vst v63  }
0xbe: {  	p4 =	por p1, p2;
	p1 =	por p3, !p2;
	_ =	swait.ge @p2 [sflag:s24], $0x4000  }
0xbf: {  	s26 =	sand.u32 @!p1 $0x70, s23;
	[sflag:s24] =	ssyncset.done @p2 $0x0  }
0xc0: {  	s28 =	simm.s32 @!p1 $0x80;
	[sflag:s24] =	ssyncadd.s32 @p2 $0xFFFFC000;
	s24 =	sadd.s32 @!p1 s23, s6  }
0xc1: {  	s26 =	sadd.s32 @!p1 s4, s26;
	s0 =	simm.s32 @p2 $0x0;
	s24 =	sand.u32 @!p1 $0x1FF80, s24  }
0xc2: {  	[hbm4b:s21+s0] =	stream.linear.scatter @p2 [tilespmem:s25], [sflag:$0x3], $0x4000, $0x38;
	[tilespmem:$0x1C100] =	vst v63  }
0xc3: {  	s25 =	simm.s32 @!p4 $0x2;
	s0 =	sadd.s32 @!p1 s24, s26;
	s24 =	simm.s32 @!p1 $0x0  }
0xc4: {  	[tilespmem:s28], [sflag:$0x5] =	stream.linear.gather @!p1 [hbm4b:s0+s24], $0x80, $0x38;
	[tilespmem:$0x1C100] =	vst v63  }
0xc5: {  	_ =	swait.ge @!p4 [sflag:s25], $0x4000  }
0xc6: {  	p1 =	por p2, p2;
	[sflag:s25] =	ssyncset.done @!p4 $0x0  }
0xc7: {  	p3 =	sgt.u32 @!p2 s22, $0x9D;
	s0 =	simm.s32 @!p1 $0x4;
	[sflag:s25] =	ssyncadd.s32 @!p4 $0xFFFFC000  }
0xc8: {  	p2 =	por p3, p2;
	_ =	swait.ge @!p1 [sflag:s0], $0x80  }
0xc9: {  	s22 =	simm.s32 @!p1 $0x1;
	s24 =	simm.s32 @!p1 $0x0;
	[sflag:s0] =	ssyncset.done @!p1 $0x0  }
0xca: {  	s25 =	simm.s32 @!p1 $0x100;
	[sflag:s0] =	ssyncadd.s32 @!p1 $0xFFFFFF80;
	s0 =	simm.s32 @!p1 $0x80  }
0xcb: {  	[tilespmem:s25], [sflag:$0x1] =	stream.indirect.gather @!p1 [spmem:s2], $0x80, s24, s0, $0xb8;
	[tilespmem:$0x1C100] =	vst v63  }
0xcc: {  	s0 =	sadd.s32 @!p2 s23, s6;
	_ =	swait.ge @!p1 [sflag:s22], $0x4000  }
.Ltmp6:
0xcd: {  	s23 =	sand.u32 @!p2 $0x60, s23;
	[sflag:s22] =	ssyncset.done @!p1 $0x0;
	(pc) =	sbr.rel .LBB2_8-.Ltmp6, $4  }
0xce: {  	s0 =	sand.u32 @!p2 $0x1FF80, s0;
	s23 =	sadd.s32 @!p2 s4, s23;
	[sflag:s22] =	ssyncadd.s32 @!p1 $0xFFFFC000  }
0xcf: {  	[hbm4b:s21+s24] =	stream.linear.scatter @!p1 [tilespmem:s25], [sflag:$0x2], $0x4000, $0x38;
	[tilespmem:$0x1C100] =	vst v63  }
0xd0: {  	s0 =	sadd.s32 @!p2 s0, s23;
	s21 =	simm.s32 @!p2 $0x0  }
0xd1: {  	[tilespmem:s21], [sflag:$0x4] =	stream.linear.gather @!p2 [hbm4b:s0+s21], $0x80, $0x38;
	[tilespmem:$0x1C100] =	vst v63  }
.LBB2_9:
0xd2: {  	_ =	sfence.sel $0x180000  }
0xd3: {  	[bflag:$0x0] =	sbarrier.arrive $0xFFFF  }
0xd4: {  	_ =	strace $0x9000004D  }
0xd5: {  	[bflag:$0x2] =	sbarrier.arrive $0xFFFF  }
0xd6: {  	p0 =	sne.s32 s1, $0x0;
	s0 =	rddreg [dreg:$0x2]  }
0xd7: {  	s0 =	sadd.s32 @!p0 $0x100000, s0  }
0xd8: {  	[sflag:s0] =	ssyncadd.tile.s32 @!p0 $0x1;
	_ =	shalt  }
.Lfunc_end2:
_tile_overlayer_lowered:
.L_overlay_start_2:
0xd9: {  	(tag) =	ssettag $0x2  }
0xda: {  	s0 =	rddreg [dreg:$0x0];
	s2 =	stileid.u32  }
0xdb: {  	s1 =	rddreg [dreg:$0x1];
	p0 =	sne.s32 s2, $0x0  }
0xdc: {  	s3 =	rddreg [dreg:$0x2];
	[bflag:$0x3] =	sbarrier.arrive $0xFFFF;
	s2 =	simm.s32 @!p0 $0x1C06  }
0xdd: {  	[timem:s3], [sflag:s2] =	dma.local @!p0 [hbm:s0], s1  }
0xde: {  	s0 =	simm.s32 @!p0 $0x6  }
0xdf: {  	_ =	swait.ge @!p0 [sflag:s0], s1  }
0xe0: {  	s1 =	ssub.s32 @!p0 $0x0, s1;
	[sflag:s0] =	ssyncset.done @!p0 $0x0  }
0xe1: {  	[sflag:s0] =	ssyncadd.s32 @!p0 s1  }
0xe2: {  	[bflag:$0x3] =	sbarrier.arrive $0xFFFF  }
0xe3: {  	_ =	shalt  }

// kernel: kernel.24.cloned.1.call-start
scs
__scs_entry_jumppad:
0x0: {  	(pc) =	sbr.rel $0x88, $3  }
0x1: {  	(tag) =	ssettag $0x0;
	lr =	simm.s32 $0x1  }
0x2: {  	[smem:$0x3F92] =	sst lr;
	_ =	strace $0xD0000000  }
0x3: {  	_ = 	snop  }
0x4: {  	_ = 	snop  }
0x5: {  	_ = 	snop  }
0x6: {  	_ = 	snop  }
0x7: {  	_ = 	snop  }
__scs_overlays_trampoline_lowered:
0x8: {  	[smem:$0x3FA1] =	sst s0  }
0x9: {  	[smem:$0x3FA2] =	sst s1  }
0xa: {  	[smem:$0x3FA3] =	sst s2  }
0xb: {  	[smem:$0x3FA4] =	sst s3  }
0xc: {  	[smem:$0x3FA5] =	sst s4  }
0xd: {  	[smem:$0x3FA6] =	sst s5  }
0xe: {  	[smem:$0x3FA7] =	sst s6  }
0xf: {  	[smem:$0x3FA8] =	sst s7  }
0x10: {  	[smem:$0x3FA9] =	sst s8  }
0x11: {  	[smem:$0x3FAA] =	sst s9;
	s0 =	simm.s32 @!p0 $0x0  }
0x12: {  	s1 =	sld [smem:$0x3F90];
	s0 =	simm.s32 @p0 $0x1  }
0x13: {  	[smem:$0x3FAB] =	sst s0;
	s0 =	simm.s32 @!p1 $0x0  }
0x14: {  	s2 =	sld [smem:$0x3F8F];
	s0 =	simm.s32 @p1 $0x1  }
0x15: {  	[smem:$0x3FAC] =	sst s0;
	s0 =	simm.s32 @!p2 $0x0  }
0x16: {  	s3 =	sld [smem:$0x3FDB];
	s0 =	simm.s32 @p2 $0x1  }
0x17: {  	s4 =	simm.s32 $0x1BF5;
	[smem:$0x3FAE] =	sst s0  }
0x18: {  	s0 =	sld [smem:$0x3F91];
	_ =	swait.ge [sflag:s4], $0x0  }
0x19: {  	s7 =	sld [smem:$0x3F92]  }
0x1a: {  	s8 =	sadd.s32 $0xFFFFE003, lr  }
0x1b: {  	s9 =	sadd.s32 $0xFFFFFEF7, lr;
	s5 =	simm.s32 $0xFFFFFFFF;
	p2 =	slt.u32 s8, $0xFFFFF086  }
0x1c: {  	p1 =	slt.u32 s9, $0xF7A;
	s5 =	simm.s32 @!p2 $0x0  }
0x1d: {  	s5 =	simm.s32 @p1 $0x1;
	p0 =	seq.s32 s7, s2  }
0x1e: {  	s7 =	smul.u32 @!p0 $0xF7A, s2;
	p2 =	seq.s32 @!p0 s5, $0x0  }
0x1f: {  	s9 =	smul.u32 $0xF7A, s1;
	s8 =	simm.s32 @!p0 $0x1BF5;
	p2 =	por !p2, p0  }
0x20: {  	[sflag:s8] =	ssyncset.s32 @!p0 $0xFFFFF086;
	s6 =	sadd.s32 @!p0 s3, s7;
	s7 =	simm.s32 @!p0 $0x108  }
0x21: {  	s3 =	sadd.s32 s3, s9;
	s6 =	sadd.s32 @!p0 $0x88, s6;
	s7 =	simm.s32 @p2 $0x1082  }
0x22: {  	[simem:s7], [sflag:s8] =	dma.local @!p0 [hbm:s6], $0xF7A  }
0x23: {  	s9 =	sor.u32 $0xD0000000, s2;
	s6 =	simm.s32 $0x108;
	_ =	swait.ge @!p0 [sflag:s8], $0x0  }
0x24: {  	s3 =	sadd.s32 $0x88, s3;
	s6 =	simm.s32 @!p1 $0x1082;
	[sflag:s4] =	ssyncset.s32 $0xFFFFF086  }
0x25: {  	[simem:s6], [sflag:s4] =	dma.local [hbm:s3], $0xF7A  }
0x26: {  	[smem:$0x3F92] =	sst s1;
	(tag) =	ssettag s2;
	_ =	strace s9  }
0x27: {  	s1 =	sld [smem:$0x3FA2]  }
0x28: {  	s2 =	sld [smem:$0x3FA3]  }
0x29: {  	s4 =	sld [smem:$0x3FA5]  }
0x2a: {  	p0 =	seq.s32 s5, $0x0;
	s5 =	sld [smem:$0x3FA6]  }
0x2b: {  	s6 =	sld [smem:$0x3FA7]  }
0x2c: {  	s7 =	sld [smem:$0x3FA8]  }
0x2d: {  	s3 =	simm.s32 $0x108;
	s8 =	sld [smem:$0x3FA9]  }
0x2e: {  	s3 =	simm.s32 @!p0 $0x1082;
	s9 =	sld [smem:$0x3FAA]  }
0x2f: {  	lr =	sadd.s32 s0, s3;
	s0 =	sld [smem:$0x3FA1]  }
0x30: {  	s3 =	sld [smem:$0x3FA4]  }
0x31: {  	[smem:$0x3FAD] =	sst s10  }
0x32: {  	s10 =	sld [smem:$0x3FAB];
	_ =	sdelay $0x3  }
0x33: {  	p0 =	seq.s32 s10, $0x1;
	s10 =	sld [smem:$0x3FAD];
	_ =	sdelay $0x3  }
0x34: {  	[smem:$0x3FAD] =	sst s10  }
0x35: {  	s10 =	sld [smem:$0x3FAC];
	_ =	sdelay $0x3  }
0x36: {  	p1 =	seq.s32 s10, $0x1;
	s10 =	sld [smem:$0x3FAD];
	_ =	sdelay $0x3  }
0x37: {  	[smem:$0x3FAD] =	sst s10  }
0x38: {  	s10 =	sld [smem:$0x3FAE]  }
0x39: {  	_ = 	snop;
	(pc) =	sbr.ind lr, $3  }
0x3a: {  	_ = 	snop  }
0x3b: {  	_ = 	snop  }
0x3c: {  	p2 =	seq.s32 s10, $0x1;
	s10 =	sld [smem:$0x3FAD]  }
0x3d: {  	_ =	shalt  }
0x3e: {  	_ =	shalt  }
0x3f: {  	_ =	shalt  }
0x40: {  	_ =	shalt  }
0x41: {  	_ =	shalt  }
0x42: {  	_ =	shalt  }
0x43: {  	_ =	shalt  }
0x44: {  	_ =	shalt  }
0x45: {  	_ =	shalt  }
0x46: {  	_ =	shalt  }
0x47: {  	_ =	shalt  }
0x48: {  	_ =	shalt  }
0x49: {  	_ =	shalt  }
0x4a: {  	_ =	shalt  }
0x4b: {  	_ =	shalt  }
0x4c: {  	_ =	shalt  }
0x4d: {  	_ =	shalt  }
0x4e: {  	_ =	shalt  }
0x4f: {  	_ =	shalt  }
0x50: {  	_ =	shalt  }
0x51: {  	_ =	shalt  }
0x52: {  	_ =	shalt  }
0x53: {  	_ =	shalt  }
0x54: {  	_ =	shalt  }
0x55: {  	_ =	shalt  }
0x56: {  	_ =	shalt  }
0x57: {  	_ =	shalt  }
0x58: {  	_ =	shalt  }
0x59: {  	_ =	shalt  }
0x5a: {  	_ =	shalt  }
0x5b: {  	_ =	shalt  }
0x5c: {  	_ =	shalt  }
0x5d: {  	_ =	shalt  }
0x5e: {  	_ =	shalt  }
0x5f: {  	_ =	shalt  }
0x60: {  	_ =	shalt  }
0x61: {  	_ =	shalt  }
0x62: {  	_ =	shalt  }
0x63: {  	_ =	shalt  }
0x64: {  	_ =	shalt  }
0x65: {  	_ =	shalt  }
0x66: {  	_ =	shalt  }
0x67: {  	_ =	shalt  }
0x68: {  	_ =	shalt  }
0x69: {  	_ =	shalt  }
0x6a: {  	_ =	shalt  }
0x6b: {  	_ =	shalt  }
0x6c: {  	_ =	shalt  }
0x6d: {  	_ =	shalt  }
0x6e: {  	_ =	shalt  }
0x6f: {  	_ =	shalt  }
0x70: {  	_ =	shalt  }
0x71: {  	_ =	shalt  }
0x72: {  	_ =	shalt  }
0x73: {  	_ =	shalt  }
0x74: {  	_ =	shalt  }
0x75: {  	_ =	shalt  }
0x76: {  	_ =	shalt  }
0x77: {  	_ =	shalt  }
0x78: {  	_ =	shalt  }
0x79: {  	_ =	shalt  }
0x7a: {  	_ =	shalt  }
0x7b: {  	_ =	shalt  }
0x7c: {  	_ =	shalt  }
0x7d: {  	_ =	shalt  }
0x7e: {  	_ =	shalt  }
0x7f: {  	_ =	shalt  }
0x80: {  	_ =	shalt  }
0x81: {  	_ =	shalt  }
0x82: {  	_ =	shalt  }
0x83: {  	_ =	shalt  }
0x84: {  	_ =	shalt  }
0x85: {  	_ =	shalt  }
0x86: {  	_ =	shalt  }
0x87: {  	_ =	shalt  }
.Lfunc_end0:
.L_simem_size_0:
called_computation.3_lowered:
.L_overlay_start_0:
0x88: {  	s2 =	sld [smem:$0x3FD9]  }
0x89: {  	s3 =	sld [smem:$0x3FFE];
	_ =	sdelay $0x1  }
0x8a: {  	s1 =	srdreg.scid  }
0x8b: {  	s0 =	sand.u32 $0x1, s1  }
0x8c: {  	s16 =	sshll.u32 s0, $0xA;
	s2 =	sadd.s32 s3, s2  }
0x8d: {  	s2 =	sadd.s32 s2, s16  }
0x8e: {  	[smem:$0x3FB9] =	sst s2  }
0x8f: {  	_ = 	snop  }
0x90: {  	(tm) =	ssettm $0x1  }
0x91: {  	s17 =	sld [smem:$0x3FFB];
	_ =	sdelay $0x3  }
0x92: {  	_ =	strace s17  }
0x93: {  	s2 =	sld [smem:$0x3FFC];
	_ =	sdelay $0x3  }
0x94: {  	_ =	strace s2  }
0x95: {  	s2 =	sld [smem:$0x3FFD];
	_ =	sdelay $0x3  }
0x96: {  	_ =	strace s2  }
0x97: {  	_ =	strace $0x8FFFFFFF  }
0x98: {  	s18 =	sld [smem:$0x3FDB];
	_ =	sdelay $0x1  }
0x99: {  	s19 =	simm.s32 $_scs_section_size  }
0x9a: {  	s4 =	simm.s32 $_size__tile_overlayer_lowered;
	s5 =	simm.s32 $_tile_overlayer_lowered  }
0x9b: {  	s22 =	simm.s32 $0x1BFF;
	s21 =	sshll.u32 s5, $0x1;
	s2 =	sadd.s32 s19, s18  }
0x9c: {  	s6 =	simm.s32 $0x0;
	s20 =	sshll.u32 s4, $0x1;
	s4 =	sadd.s32 s21, s2  }
0x9d: {  	[timem:s6], [sflag:s22] =	dma.local [hbm:s4], s20  }
0x9e: {  	_ =	swait.ge [sflag:s22], s20  }
0x9f: {  	s3 =	ssub.s32 $0x0, s20;
	[sflag:s22] =	ssyncset.done $0x0  }
0xa0: {  	[sflag:s22] =	ssyncadd.s32 s3;
	_ =	sdelay $0x1  }
0xa1: {  	s23 =	simm.s32 $0x1B8B  }
0xa2: {  	_ =	swait.ge [sflag:s23], $0x1  }
0xa3: {  	[sflag:s23] =	ssyncset.done $0x0  }
0xa4: {  	s25 =	simm.s32 $0x1B8E;
	s24 =	sld [smem:$0x3FFE];
	[sflag:s23] =	ssyncadd.s32 $0xFFFFFFFF  }
0xa5: {  	s26 =	simm.s32 $execute0_lowered;
	[smem:$0x3FD2] =	sst s25  }
0xa6: {  	s4 =	sshll.u32 s26, $0x1;
	_ =	strace $0x8000004F;
	[dreg:$0x1] =	wrdreg $0xFFFFFFFF  }
0xa7: {  	s28 =	simm.s32 $_size_execute0_lowered;
	s2 =	sadd.s32 s2, s4;
	[dreg:$0x0] =	wrdreg $0x0  }
0xa8: {  	s4 =	sshll.u32 s28, $0x1;
	[dreg:$0x2] =	wrdreg s2  }
0xa9: {  	[dreg:$0x3] =	wrdreg s4  }
0xaa: {  	[dreg:$0x4] =	wrdreg $0xC0  }
0xab: {  	_ =	task [dreg:s6], $0x5FFFF  }
0xac: {  	[dreg:$0x1] =	wrdreg $0xFFFFFFFF  }
0xad: {  	[dreg:$0x0] =	wrdreg $0x60  }
0xae: {  	[dreg:$0x2] =	wrdreg s24  }
0xaf: {  	[dreg:$0x3] =	wrdreg $0x81000  }
0xb0: {  	[dreg:$0x4] =	wrdreg $0x9  }
0xb1: {  	_ =	task.clear_ibuf [dreg:s6], $0x5FFFF;
	_ =	strace $0x9000004F  }
0xb2: {  	s29 =	simm.s32 $0x9;
	_ =	strace $0x80000051  }
0xb3: {  	_ =	swait.ge [sflag:s29], $0x1  }
0xb4: {  	[sflag:s29] =	ssyncadd.s32 $0xFFFFFFFF  }
0xb5: {  	_ =	strace $0x90000051  }
0xb6: {  	_ =	sfence  }
0xb7: {  	s30 =	sld [smem:$0x0];
	_ =	sdelay $0x2  }
0xb8: {  	s31 =	sshll.u32 s1, $0xD;
	s1 =	sshrl.u32 s1, $0x2  }
0xb9: {  	s3 =	sand.u32 $0x4000, s31;
	s1 =	sadd.s32 s1, s30  }
0xba: {  	s0 =	sor.u32 s3, s0;
	s1 =	sshll.u32 s1, $0x11  }
0xbb: {  	s0 =	sor.u32 s1, s0  }
0xbc: {  	s0 =	sadd.s32 $0x8F2B, s0  }
0xbd: {  	[sflag:s0] =	ssyncadd.remote.s32 $0x1  }
0xbe: {  	_ =	sfence.sel $0xFFFF  }
0xbf: {  	[dreg:$0x0] =	wrdreg $0xFFFFFFFF;
	(pc) =	sbr.abs _section_cstart, $3  }
0xc0: {  	[dreg:$0x1] =	wrdreg $0xFFFFFFFF  }
0xc1: {  	_ =	task.clear_ibuf [dreg:s6], $0x2FFFF;
	_ =	strace $0x9FFFFFFF  }
0xc2: {  	(tm) =	ssettm $0x7FFFFFFF  }
0xc3: {  	_ =	shalt  }
tec
execute0_lowered:
.L_overlay_start_1:
0x0: {  	(tag) =	ssettag $0x1  }
0x1: {  	s0 =	rddreg [dreg:$0x0]  }
0x2: {  	s1 =	rddreg [dreg:$0x1];
	s2 =	simm.s32 $0x0;
	s3 =	srdreg.scid  }
0x3: {  	s15 =	simm.s32 $0x100;
	s16 =	simm.s32 $0x80;
	[smem:$0x7FF] =	sst s2  }
0x4: {  	s7 =	sadd.s32 $0xF46E00, s0;
	s8 =	sand.u32 $0x1, s3;
	s4 =	sadd.s32 $0x13200, s0  }
0x5: {  	s3 =	stileid.u32;
	s11 =	sadd.s32 $0xA46E00, s0;
	s26 =	sadd.s32 $0xA6EE00, s0  }
0x6: {  	s5 =	sadd.s32 $0x1D200, s0;
	s30 =	sadd.s32 $0x13210, s0;
	s0 =	sadd.s32 $0xF47600, s0  }
0x7: {  	s25 =	simm.s32 $0x4100;
	_ =	strace $0x80000050;
	s6 =	smul.u32 $0x500, s3  }
0x8: {  	s9 =	ssub.s32 $0x2, s8;
	[dreg:$0x3] =	wrdreg s11;
	s29 =	smul.u32 $0x28000, s3  }
0x9: {  	[dreg:$0x4] =	wrdreg s26;
	s12 =	smul.u32 $0x50000, s3;
	s13 =	sor.u32 $0x10, s3  }
0xa: {  	p0 =	seq.s32 s8, $0x1;
	s10 =	sshrl.u32 s9, $0x1;
	s17 =	smul.u32 $0x500, s13  }
0xb: {  	s26 =	simm.s32 $0x5;
	s18 =	smul.u32 $0x28000, s13;
	s9 =	ssub.s32 s9, s10  }
0xc: {  	s28 =	sadd.s32 s4, s6;
	s10 =	sadd.s32 s7, s29;
	s14 =	sadd.s32 s6, s30  }
0xd: {  	s12 =	sshrl.u32 s12, $0x2;
	s8 =	sadd.s32 s29, s0;
	[dreg:$0x5] =	wrdreg s28  }
.Ltmp0:
0xe: {  	s22 =	sadd.s32 $0x5020, s6;
	[dreg:$0x6] =	wrdreg s14;
	(pc) =	sbr.rel .LBB2_1-.Ltmp0, $4  }
0xf: {  	[dreg:$0x7] =	wrdreg s8;
	s13 =	sadd.s32 s12, s1;
	s14 =	smul.u32 $0x2800, s3  }
0x10: {  	s31 =	sadd.s32 s4, s17;
	s7 =	sadd.s32 s7, s18;
	s17 =	sadd.s32 s17, s30  }
0x11: {  	s18 =	sadd.s32 s18, s0;
	s19 =	smax.u32 s9, $0x1;
	[dreg:$0x8] =	wrdreg s31  }
0x12: {  	s20 =	sadd.s32 $0x1000, s10;
	s9 =	sadd.s32 $0x281000, s10;
	[dreg:$0x9] =	wrdreg s7  }
.LBB2_7:
0x13: {  	_ =	swait.ge @!p1 [sflag:s11], $0x4000;
	s0 =	sand.u32 @!p3 $0x60, s7  }
0x14: {  	s7 =	sand.u32 @!p3 $0x1FF80, s12;
	[sflag:s11] =	ssyncset.done @!p1 $0x0;
	s0 =	sadd.s32 @!p3 s4, s0  }
0x15: {  	p2 =	seq.s32 s25, $0x1;
	s0 =	sadd.s32 @!p3 s7, s0;
	[sflag:s11] =	ssyncadd.s32 @!p1 $0xFFFFC000  }
0x16: {  	[tilespmem:s23], [sflag:$0x1] =	stream.linear.gather @!p3 [hbm4b:s0+s23], $0x80, $0x38;
	[tilespmem:$0x1C100] =	vst v63  }
0x17: {  	p1 =	por p2, p2;
	s0 =	simm.s32 @p2 $0x2  }
0x18: {  	[tilespmem:s24], [sflag:$0x3] =	stream.linear.gather @!p3 [hbm4b:s21+s23], $0x4000, $0x38;
	[tilespmem:$0x1C100] =	vst v63  }
0x19: {  	_ =	swait.ge @p1 [sflag:s0], $0x80  }
0x1a: {  	[sflag:s0] =	ssyncset.done @p1 $0x0  }
0x1b: {  	p2 =	sgt.u32 @p2 s31, $0x4D;
	s7 =	simm.s32 @p1 $0x4;
	[sflag:s0] =	ssyncadd.s32 @p1 $0xFFFFFF80  }
0x1c: {  	s8 =	simm.s32 @p1 $0x5;
	p2 =	por p2, !p1;
	_ =	swait.ge @p1 [sflag:s7], $0x4000  }
0x1d: {  	s11 =	simm.s32 @p1 $0x4100;
	s12 =	sadd.s32 @!p2 $0x20, s30;
	[sflag:s7] =	ssyncset.done @p1 $0x0  }
0x1e: {  	s12 =	sand.u32 @!p2 $0x70, s12;
	s0 =	simm.s32 @p1 $0x80;
	[sflag:s7] =	ssyncadd.s32 @p1 $0xFFFFC000  }
0x1f: {  	[spmem:s1] =	stream.indirect.scatter.add.f32 @p1 [tilespmem:s11], [sflag:$0x5], $0x80, s0, s0, $0xb8;
	[tilespmem:$0x1C100] =	vst v63  }
0x20: {  	s15 =	sadd.s32 @!p2 s30, s22;
	s7 =	sadd.s32 @!p2 s4, s12;
	_ =	swait.ge @p1 [sflag:s8], $0x4000  }
0x21: {  	s0 =	sand.u32 @!p2 $0x1FF80, s15;
	s11 =	simm.s32 @!p2 $0x80;
	[sflag:s8] =	ssyncset.done @p1 $0x0  }
0x22: {  	s0 =	sadd.s32 @!p2 s0, s7;
	s7 =	simm.s32 @!p2 $0x0;
	[sflag:s8] =	ssyncadd.s32 @p1 $0xFFFFC000  }
0x23: {  	[tilespmem:s11], [sflag:$0x2] =	stream.linear.gather @!p2 [hbm4b:s0+s7], $0x80, $0x38;
	[tilespmem:$0x1C100] =	vst v63  }
0x24: {  	s8 =	simm.s32 @!p1 $0x1;
	s0 =	simm.s32 @!p2 $0x4100  }
0x25: {  	[tilespmem:s0], [sflag:$0x4] =	stream.linear.gather @!p2 [hbm4b:s29+s7], $0x4000, $0x38;
	[tilespmem:$0x1C100] =	vst v63  }
0x26: {  	_ =	swait.ge @!p1 [sflag:s8], $0x80  }
0x27: {  	[sflag:s8] =	ssyncset.done @!p1 $0x0  }
0x28: {  	s12 =	simm.s32 @!p1 $0x80;
	s0 =	simm.s32 @!p1 $0x3;
	[sflag:s8] =	ssyncadd.s32 @!p1 $0xFFFFFF80  }
0x29: {  	s11 =	simm.s32 @!p1 $0x0;
	p2 =	sgt.u32 @!p1 s31, $0x4D;
	_ =	swait.ge @!p1 [sflag:s0], $0x4000  }
0x2a: {  	s7 =	simm.s32 @!p1 $0x100;
	p2 =	por p2, p1;
	[sflag:s0] =	ssyncset.done @!p1 $0x0  }
0x2b: {  	s8 =	simm.s32 @!p1 $0x5;
	[sflag:s0] =	ssyncadd.s32 @!p1 $0xFFFFC000;
	s0 =	sadd.s32 @!p2 $0x20, s30  }
0x2c: {  	[spmem:s1] =	stream.indirect.scatter.add.f32 @!p1 [tilespmem:s7], [sflag:$0x5], $0x80, s11, s12, $0xb8;
	[tilespmem:$0x1C100] =	vst v63  }
0x2d: {  	s7 =	sadd.s32 @!p2 s30, s22;
	s0 =	sand.u32 @!p2 $0x60, s0;
	_ =	swait.ge @!p1 [sflag:s8], $0x4000  }
0x2e: {  	s7 =	sand.u32 @!p2 $0x1FF80, s7;
	s0 =	sadd.s32 @!p2 s4, s0;
	[sflag:s8] =	ssyncset.done @!p1 $0x0  }
0x2f: {  	s11 =	simm.s32 @!p2 $0x0;
	s0 =	sadd.s32 @!p2 s7, s0;
	[sflag:s8] =	ssyncadd.s32 @!p1 $0xFFFFC000  }
0x30: {  	[tilespmem:s11], [sflag:$0x1] =	stream.linear.gather @!p2 [hbm4b:s0+s11], $0x80, $0x38;
	[tilespmem:$0x1C100] =	vst v63  }
0x31: {  	s16 =	simm.s32 $0x80;
	s0 =	simm.s32 @!p2 $0x100  }
0x32: {  	[tilespmem:s0], [sflag:$0x3] =	stream.linear.gather @!p2 [hbm4b:s29+s11], $0x4000, $0x38;
	[tilespmem:$0x1C100] =	vst v63  }
0x33: {  	s25 =	simm.s32 $0x4100;
	s15 =	simm.s32 $0x100;
	s0 =	rddreg [dreg:$0x4]  }
.LBB2_8:
0x34: {  	s2 =	sadd.s32 $0x1, s2  }
0x35: {  	s0 =	sadd.s32 s0, s14;
	p1 =	sne.s32 s2, s19  }
.Ltmp1:
0x36: {  	[bflag:$0x0] =	sbarrier.arrive $0xFFFF;
	s7 =	sshrl.u32 s13, $0x3;
	(pc) =	sbr.rel @!p1 .LBB2_9-.Ltmp1, $4  }
0x37: {  	[hbm:s0], [sflag:s28] =	dma.local [spmem:s7], $0x2800  }
0x38: {  	_ =	swait.ge [sflag:s26], $0x2800  }
0x39: {  	[sflag:s26] =	ssyncset.done $0x0  }
0x3a: {  	[sflag:s26] =	ssyncadd.s32 $0xFFFFD800  }
.LBB2_1:
.Ltmp2:
0x3b: {  	(pc) =	sbr.rel @!p0 .LBB2_2-.Ltmp2, $2  }
0x3c: {  	_ =	sdelay $0x2  }
0x3d: {  	s0 =	simm.s32 $0x0  }
0x3e: {  	s7 =	rddreg [dreg:$0x8]  }
0x3f: {  	[tilespmem:s0], [sflag:$0x1] =	stream.linear.gather [hbm4b:s7+s0], $0x80, $0x38;
	[tilespmem:$0x1C100] =	vst v63  }
0x40: {  	s21 =	rddreg [dreg:$0x9]  }
0x41: {  	[tilespmem:s15], [sflag:$0x3] =	stream.linear.gather [hbm4b:s21+s0], $0x4000, $0x38;
	[tilespmem:$0x1C100] =	vst v63  }
0x42: {  	s23 =	sshll.u32 s3, $0x6  }
0x43: {  	[tilespmem:s16], [sflag:$0x2] =	stream.linear.gather [hbm4b:s17+s0], $0x80, $0x38;
	[tilespmem:$0x1C100] =	vst v63  }
0x44: {  	s24 =	sshrl.u32 s13, $0x3;
	s28 =	sor.u32 $0x1C05, s23  }
0x45: {  	[tilespmem:s25], [sflag:$0x4] =	stream.linear.gather [hbm4b:s18+s0], $0x4000, $0x38;
	[tilespmem:$0x1C100] =	vst v63  }
0x46: {  	[spmem:s24], [sflag:s28] =	dma.local [hbm:s5], $0x2800  }
0x47: {  	_ =	swait.ge [sflag:s26], $0x2800  }
0x48: {  	s25 =	sand.u32 $0x1, s0;
	[sflag:s26] =	ssyncset.done $0x0  }
0x49: {  	p2 =	seq.s32 s25, $0x1;
	[sflag:s26] =	ssyncadd.s32 $0xFFFFD800  }
0x4a: {  	s0 =	simm.s32 @p2 $0x2;
	p1 =	por p2, p2;
	[bflag:$0x0] =	sbarrier.arrive $0xFFFF  }
0x4b: {  	_ =	swait.ge @p1 [sflag:s0], $0x80  }
0x4c: {  	s30 =	simm.s32 $0x10;
	[sflag:s0] =	ssyncset.done @p1 $0x0  }
0x4d: {  	p2 =	por @p2 $0x0, $0x0;
	s7 =	simm.s32 @p1 $0x4;
	[sflag:s0] =	ssyncadd.s32 @p1 $0xFFFFFF80  }
0x4e: {  	s8 =	simm.s32 @p1 $0x5;
	p2 =	por p2, !p1;
	_ =	swait.ge @p1 [sflag:s7], $0x4000  }
0x4f: {  	s11 =	simm.s32 @p1 $0x4100;
	s12 =	simm.s32 @!p2 $0x20;
	[sflag:s7] =	ssyncset.done @p1 $0x0  }
0x50: {  	s12 =	sand.u32 @!p2 $0x70, s12;
	s0 =	simm.s32 @p1 $0x80;
	[sflag:s7] =	ssyncadd.s32 @p1 $0xFFFFC000  }
0x51: {  	[spmem:s1] =	stream.indirect.scatter.add.f32 @p1 [tilespmem:s11], [sflag:$0x5], $0x80, s0, s0, $0xb8;
	[tilespmem:$0x1C100] =	vst v63  }
0x52: {  	s21 =	sadd.s32 @!p2 $0x0, s22;
	s7 =	sadd.s32 @!p2 s4, s12;
	_ =	swait.ge @p1 [sflag:s8], $0x4000  }
0x53: {  	s0 =	sand.u32 @!p2 $0x1FF80, s21;
	s11 =	simm.s32 @!p2 $0x80;
	[sflag:s8] =	ssyncset.done @p1 $0x0  }
0x54: {  	s0 =	sadd.s32 @!p2 s0, s7;
	s7 =	simm.s32 @!p2 $0x0;
	[sflag:s8] =	ssyncadd.s32 @p1 $0xFFFFC000  }
0x55: {  	[tilespmem:s11], [sflag:$0x2] =	stream.linear.gather @!p2 [hbm4b:s0+s7], $0x80, $0x38;
	[tilespmem:$0x1C100] =	vst v63  }
0x56: {  	s31 =	simm.s32 $0x1;
	s8 =	simm.s32 @!p1 $0x1;
	s0 =	simm.s32 @!p2 $0x4100  }
0x57: {  	[tilespmem:s0], [sflag:$0x4] =	stream.linear.gather @!p2 [hbm4b:s9+s7], $0x4000, $0x38;
	[tilespmem:$0x1C100] =	vst v63  }
0x58: {  	s29 =	sadd.s32 $0x800, s9;
	s25 =	sand.u32 $0x1, s31;
	_ =	swait.ge @!p1 [sflag:s8], $0x80  }
0x59: {  	s12 =	simm.s32 @!p1 $0x80;
	s21 =	smov.u32 s9;
	[sflag:s8] =	ssyncset.done @!p1 $0x0  }
0x5a: {  	s7 =	simm.s32 @!p1 $0x3;
	p2 =	por @!p1 $0x0, $0x0;
	[sflag:s8] =	ssyncadd.s32 @!p1 $0xFFFFFF80  }
0x5b: {  	s11 =	simm.s32 @!p1 $0x0;
	p3 =	por p2, p1;
	_ =	swait.ge @!p1 [sflag:s7], $0x4000  }
0x5c: {  	s0 =	simm.s32 $0x20;
	s23 =	simm.s32 @!p3 $0x0;
	[sflag:s7] =	ssyncset.done @!p1 $0x0  }
0x5d: {  	s24 =	simm.s32 @!p3 $0x100;
	s8 =	simm.s32 @!p1 $0x100;
	[sflag:s7] =	ssyncadd.s32 @!p1 $0xFFFFC000  }
0x5e: {  	[spmem:s1] =	stream.indirect.scatter.add.f32 @!p1 [tilespmem:s8], [sflag:$0x5], $0x80, s11, s12, $0xb8;
	[tilespmem:$0x1C100] =	vst v63  }
0x5f: {  	s7 =	simm.s32 @!p3 $0x20;
	s11 =	simm.s32 @!p1 $0x5;
	s12 =	sadd.s32 @!p3 $0x0, s22  }
.LBB2_6:
0x60: {  	p2 =	seq.s32 s25, $0x1;
	_ =	swait.ge @!p1 [sflag:s11], $0x4000;
	s25 =	sand.u32 @!p3 $0x60, s7  }
0x61: {  	s7 =	smov.u32 s30;
	s30 =	smov.u32 s0;
	s8 =	smov.u32 s31  }
0x62: {  	s12 =	sand.u32 @!p3 $0x1FF80, s12;
	[sflag:s11] =	ssyncset.done @!p1 $0x0;
	s25 =	sadd.s32 @!p3 s4, s25  }
0x63: {  	p4 =	sgt.u32 @p2 s31, $0x4D;
	s15 =	simm.s32 @p2 $0x2;
	s12 =	sadd.s32 @!p3 s12, s25  }
0x64: {  	s0 =	sadd.s32 $0x10, s0;
	[sflag:s11] =	ssyncadd.s32 @!p1 $0xFFFFC000;
	p1 =	por p2, p2  }
0x65: {  	[tilespmem:s23], [sflag:$0x1] =	stream.linear.gather @!p3 [hbm4b:s12+s23], $0x80, $0x38;
	[tilespmem:$0x1C100] =	vst v63  }
0x66: {  	p2 =	sne.s32 s0, $0x500  }
0x67: {  	[tilespmem:s24], [sflag:$0x3] =	stream.linear.gather @!p3 [hbm4b:s21+s23], $0x4000, $0x38;
	[tilespmem:$0x1C100] =	vst v63  }
0x68: {  	s11 =	simm.s32 @p1 $0x4;
	s21 =	smov.u32 s29;
	_ =	swait.ge @p1 [sflag:s15], $0x80  }
0x69: {  	s12 =	simm.s32 @p1 $0x5;
	p3 =	por p4, !p1;
	[sflag:s15] =	ssyncset.done @p1 $0x0  }
0x6a: {  	s23 =	simm.s32 @p1 $0x4100;
	[sflag:s15] =	ssyncadd.s32 @p1 $0xFFFFFF80;
	s15 =	simm.s32 @p1 $0x80  }
0x6b: {  	s24 =	sadd.s32 @!p3 s7, s22;
	s25 =	sadd.s32 @!p3 $0x20, s7;
	_ =	swait.ge @p1 [sflag:s11], $0x4000  }
0x6c: {  	s24 =	sand.u32 @!p3 $0x1FF80, s24;
	s25 =	sand.u32 @!p3 $0x70, s25;
	[sflag:s11] =	ssyncset.done @p1 $0x0  }
0x6d: {  	[sflag:s11] =	ssyncadd.s32 @p1 $0xFFFFC000;
	s11 =	sadd.s32 @!p3 s4, s25  }
0x6e: {  	[spmem:s1] =	stream.indirect.scatter.add.f32 @p1 [tilespmem:s23], [sflag:$0x5], $0x80, s15, s15, $0xb8;
	[tilespmem:$0x1C100] =	vst v63  }
0x6f: {  	s11 =	sadd.s32 @!p3 s24, s11;
	s15 =	simm.s32 @!p3 $0x0;
	_ =	swait.ge @p1 [sflag:s12], $0x4000  }
0x70: {  	s31 =	sadd.s32 $0x1, s31;
	s23 =	simm.s32 @!p3 $0x80;
	[sflag:s12] =	ssyncset.done @p1 $0x0  }
0x71: {  	s24 =	simm.s32 @!p1 $0x1;
	[sflag:s12] =	ssyncadd.s32 @p1 $0xFFFFC000;
	s12 =	simm.s32 @!p3 $0x4100  }
0x72: {  	[tilespmem:s23], [sflag:$0x2] =	stream.linear.gather @!p3 [hbm4b:s11+s15], $0x80, $0x38;
	[tilespmem:$0x1C100] =	vst v63  }
0x73: {  	s29 =	sadd.s32 $0x800, s29;
	s25 =	sand.u32 $0x1, s31  }
0x74: {  	[tilespmem:s12], [sflag:$0x4] =	stream.linear.gather @!p3 [hbm4b:s21+s15], $0x4000, $0x38;
	[tilespmem:$0x1C100] =	vst v63  }
0x75: {  	s11 =	simm.s32 @!p1 $0x5;
	s12 =	simm.s32 @!p1 $0x3;
	_ =	swait.ge @!p1 [sflag:s24], $0x80  }
0x76: {  	s15 =	simm.s32 @!p1 $0x100;
	p3 =	sgt.u32 @!p1 s8, $0x4D;
	[sflag:s24] =	ssyncset.done @!p1 $0x0  }
.Ltmp3:
0x77: {  	s8 =	simm.s32 @!p1 $0x0;
	[sflag:s24] =	ssyncadd.s32 @!p1 $0xFFFFFF80;
	(pc) =	sbr.rel @p2 .LBB2_6-.Ltmp3, $4  }
0x78: {  	s16 =	simm.s32 @!p1 $0x80;
	p3 =	por p3, p1;
	_ =	swait.ge @!p1 [sflag:s12], $0x4000  }
0x79: {  	s23 =	simm.s32 @!p3 $0x0;
	s24 =	simm.s32 @!p3 $0x100;
	[sflag:s12] =	ssyncset.done @!p1 $0x0  }
0x7a: {  	[sflag:s12] =	ssyncadd.s32 @!p1 $0xFFFFC000;
	s12 =	sadd.s32 @!p3 s7, s22;
	s7 =	sadd.s32 @!p3 $0x20, s7  }
0x7b: {  	[spmem:s1] =	stream.indirect.scatter.add.f32 @!p1 [tilespmem:s15], [sflag:$0x5], $0x80, s8, s16, $0xb8;
	[tilespmem:$0x1C100] =	vst v63  }
.Ltmp4:
0x7c: {  	_ = 	snop;
	(pc) =	sbr.rel .LBB2_7-.Ltmp4, $1  }
0x7d: {  	_ =	sdelay $0x3  }
.LBB2_2:
0x7e: {  	s7 =	rddreg [dreg:$0x5]  }
0x7f: {  	[tilespmem:s0], [sflag:$0x1] =	stream.linear.gather [hbm4b:s7+s0], $0x80, $0x38;
	[tilespmem:$0x1C100] =	vst v63  }
0x80: {  	_ = 	snop  }
0x81: {  	[tilespmem:s15], [sflag:$0x3] =	stream.linear.gather [hbm4b:s10+s0], $0x4000, $0x38;
	[tilespmem:$0x1C100] =	vst v63  }
0x82: {  	s11 =	rddreg [dreg:$0x6];
	s21 =	sshll.u32 s3, $0x6  }
0x83: {  	[tilespmem:s16], [sflag:$0x2] =	stream.linear.gather [hbm4b:s11+s0], $0x80, $0x38;
	[tilespmem:$0x1C100] =	vst v63  }
0x84: {  	s12 =	rddreg [dreg:$0x7];
	s23 =	sshrl.u32 s13, $0x3;
	s28 =	sor.u32 $0x1C05, s21  }
0x85: {  	[tilespmem:s25], [sflag:$0x4] =	stream.linear.gather [hbm4b:s12+s0], $0x4000, $0x38;
	[tilespmem:$0x1C100] =	vst v63  }
0x86: {  	[spmem:s23], [sflag:s28] =	dma.local [hbm:s5], $0x2800  }
0x87: {  	_ =	swait.ge [sflag:s26], $0x2800  }
0x88: {  	s24 =	sand.u32 $0x1, s0;
	[sflag:s26] =	ssyncset.done $0x0  }
0x89: {  	p1 =	seq.s32 s24, $0x1;
	[sflag:s26] =	ssyncadd.s32 $0xFFFFD800  }
0x8a: {  	s0 =	simm.s32 @p1 $0x2;
	[bflag:$0x0] =	sbarrier.arrive $0xFFFF  }
0x8b: {  	_ =	swait.ge @p1 [sflag:s0], $0x80  }
0x8c: {  	[sflag:s0] =	ssyncset.done @p1 $0x0  }
0x8d: {  	s7 =	simm.s32 $0x20;
	[sflag:s0] =	ssyncadd.s32 @p1 $0xFFFFFF80;
	s0 =	simm.s32 @p1 $0x4  }
0x8e: {  	p2 =	por @p1 $0x0, $0x0;
	s8 =	simm.s32 @p1 $0x4100;
	_ =	swait.ge @p1 [sflag:s0], $0x4000  }
0x8f: {  	p2 =	por p2, !p1;
	s11 =	simm.s32 @p1 $0x5;
	[sflag:s0] =	ssyncset.done @p1 $0x0  }
0x90: {  	s12 =	simm.s32 @!p2 $0x80;
	[sflag:s0] =	ssyncadd.s32 @p1 $0xFFFFC000;
	s0 =	simm.s32 @p1 $0x80  }
0x91: {  	[spmem:s1] =	stream.indirect.scatter.add.f32 @p1 [tilespmem:s8], [sflag:$0x5], $0x80, s0, s0, $0xb8;
	[tilespmem:$0x1C100] =	vst v63  }
0x92: {  	s0 =	sadd.s32 @!p2 $0x20, s6;
	s8 =	sand.u32 @!p2 $0x70, s7;
	_ =	swait.ge @p1 [sflag:s11], $0x4000  }
0x93: {  	s0 =	sand.u32 @!p2 $0xFF80, s0;
	s8 =	sadd.s32 @!p2 s4, s8;
	[sflag:s11] =	ssyncset.done @p1 $0x0  }
0x94: {  	s0 =	sadd.s32 @!p2 s0, s8;
	s8 =	simm.s32 @!p2 $0x0;
	[sflag:s11] =	ssyncadd.s32 @p1 $0xFFFFC000  }
0x95: {  	[tilespmem:s12], [sflag:$0x2] =	stream.linear.gather @!p2 [hbm4b:s0+s8], $0x80, $0x38;
	[tilespmem:$0x1C100] =	vst v63  }
0x96: {  	s11 =	simm.s32 @!p1 $0x1;
	s0 =	simm.s32 @!p2 $0x4100  }
0x97: {  	[tilespmem:s0], [sflag:$0x4] =	stream.linear.gather @!p2 [hbm4b:s20+s8], $0x4000, $0x38;
	[tilespmem:$0x1C100] =	vst v63  }
0x98: {  	_ =	swait.ge @!p1 [sflag:s11], $0x80  }
0x99: {  	s30 =	simm.s32 $0x30;
	s31 =	simm.s32 $0x1;
	[sflag:s11] =	ssyncset.done @!p1 $0x0  }
0x9a: {  	s29 =	sadd.s32 $0x800, s20;
	s0 =	simm.s32 @!p1 $0x3;
	[sflag:s11] =	ssyncadd.s32 @!p1 $0xFFFFFF80  }
0x9b: {  	s12 =	simm.s32 @!p1 $0x0;
	p2 =	por @!p1 $0x0, $0x0;
	_ =	swait.ge @!p1 [sflag:s0], $0x4000  }
0x9c: {  	s8 =	simm.s32 @!p1 $0x100;
	p3 =	por p2, p1;
	[sflag:s0] =	ssyncset.done @!p1 $0x0  }
0x9d: {  	s11 =	simm.s32 @!p1 $0x5;
	[sflag:s0] =	ssyncadd.s32 @!p1 $0xFFFFC000;
	s0 =	simm.s32 @!p1 $0x80  }
0x9e: {  	[spmem:s1] =	stream.indirect.scatter.add.f32 @!p1 [tilespmem:s8], [sflag:$0x5], $0x80, s12, s0, $0xb8;
	[tilespmem:$0x1C100] =	vst v63  }
0x9f: {  	s7 =	sand.u32 @!p3 $0x60, s7;
	s0 =	sadd.s32 @!p3 $0x20, s6;
	_ =	swait.ge @!p1 [sflag:s11], $0x4000  }
0xa0: {  	s7 =	sadd.s32 @!p3 s4, s7;
	s0 =	sand.u32 @!p3 $0xFF80, s0;
	[sflag:s11] =	ssyncset.done @!p1 $0x0  }
0xa1: {  	s0 =	sadd.s32 @!p3 s0, s7;
	[sflag:s11] =	ssyncadd.s32 @!p1 $0xFFFFC000;
	s11 =	simm.s32 @!p3 $0x0  }
0xa2: {  	[tilespmem:s11], [sflag:$0x1] =	stream.linear.gather @!p3 [hbm4b:s0+s11], $0x80, $0x38;
	[tilespmem:$0x1C100] =	vst v63  }
0xa3: {  	s21 =	smov.u32 s20;
	s8 =	sand.u32 $0x1, s31;
	s0 =	simm.s32 $0x40  }
.LBB2_3:
0xa4: {  	p1 =	seq.s32 s8, $0x1;
	s8 =	simm.s32 @!p3 $0x100  }
0xa5: {  	s7 =	smov.u32 s30;
	s30 =	smov.u32 s0;
	s0 =	sadd.s32 $0x10, s0  }
0xa6: {  	p5 =	sgt.u32 @p1 s31, $0x4D;
	s12 =	simm.s32 @p1 $0x2;
	p4 =	sgt.u32 @!p1 s31, $0x4D  }
0xa7: {  	[tilespmem:s8], [sflag:$0x3] =	stream.linear.gather @!p3 [hbm4b:s21+s11], $0x4000, $0x38;
	[tilespmem:$0x1C100] =	vst v63  }
0xa8: {  	p2 =	seq.s32 s0, $0x520;
	s21 =	smov.u32 s29;
	_ =	swait.ge @p1 [sflag:s12], $0x80  }
0xa9: {  	[sflag:s12] =	ssyncset.done @p1 $0x0  }
0xaa: {  	s8 =	simm.s32 @p1 $0x4;
	[sflag:s12] =	ssyncadd.s32 @p1 $0xFFFFFF80  }
0xab: {  	s11 =	simm.s32 @p1 $0x4100;
	_ =	swait.ge @p1 [sflag:s8], $0x4000  }
0xac: {  	p3 =	por p5, !p1;
	s12 =	simm.s32 @p1 $0x5;
	[sflag:s8] =	ssyncset.done @p1 $0x0  }
0xad: {  	s23 =	simm.s32 @!p3 $0x80;
	[sflag:s8] =	ssyncadd.s32 @p1 $0xFFFFC000;
	s8 =	simm.s32 @p1 $0x80  }
0xae: {  	[spmem:s1] =	stream.indirect.scatter.add.f32 @p1 [tilespmem:s11], [sflag:$0x5], $0x80, s8, s8, $0xb8;
	[tilespmem:$0x1C100] =	vst v63  }
0xaf: {  	s8 =	sadd.s32 @!p3 s7, s6;
	s11 =	sand.u32 @!p3 $0x70, s7;
	_ =	swait.ge @p1 [sflag:s12], $0x4000  }
0xb0: {  	s8 =	sand.u32 @!p3 $0xFF80, s8;
	s11 =	sadd.s32 @!p3 s4, s11;
	[sflag:s12] =	ssyncset.done @p1 $0x0  }
0xb1: {  	s8 =	sadd.s32 @!p3 s8, s11;
	s11 =	simm.s32 @!p3 $0x0;
	[sflag:s12] =	ssyncadd.s32 @p1 $0xFFFFC000  }
0xb2: {  	[tilespmem:s23], [sflag:$0x2] =	stream.linear.gather @!p3 [hbm4b:s8+s11], $0x80, $0x38;
	[tilespmem:$0x1C100] =	vst v63  }
0xb3: {  	s12 =	simm.s32 @!p1 $0x1;
	s8 =	simm.s32 @!p3 $0x4100  }
0xb4: {  	[tilespmem:s8], [sflag:$0x4] =	stream.linear.gather @!p3 [hbm4b:s29+s11], $0x4000, $0x38;
	[tilespmem:$0x1C100] =	vst v63  }
0xb5: {  	_ =	swait.ge @!p1 [sflag:s12], $0x80  }
0xb6: {  	s29 =	sadd.s32 $0x800, s29;
	[sflag:s12] =	ssyncset.done @!p1 $0x0  }
0xb7: {  	s31 =	sadd.s32 $0x1, s31;
	s11 =	simm.s32 @!p1 $0x3;
	[sflag:s12] =	ssyncadd.s32 @!p1 $0xFFFFFF80  }
0xb8: {  	s8 =	sand.u32 $0x1, s31;
	p3 =	por p4, p1;
	_ =	swait.ge @!p1 [sflag:s11], $0x4000  }
0xb9: {  	s23 =	simm.s32 @!p1 $0x5;
	s12 =	simm.s32 @!p1 $0x100;
	[sflag:s11] =	ssyncset.done @!p1 $0x0  }
0xba: {  	s24 =	simm.s32 @!p1 $0x0;
	[sflag:s11] =	ssyncadd.s32 @!p1 $0xFFFFC000;
	s11 =	simm.s32 @!p1 $0x80  }
0xbb: {  	[spmem:s1] =	stream.indirect.scatter.add.f32 @!p1 [tilespmem:s12], [sflag:$0x5], $0x80, s24, s11, $0xb8;
	[tilespmem:$0x1C100] =	vst v63  }
.Ltmp5:
0xbc: {  	_ = 	snop;
	(pc) =	sbr.rel @!p2 .LBB2_3-.Ltmp5, $4  }
0xbd: {  	s11 =	sadd.s32 @!p3 s7, s6;
	s7 =	sand.u32 @!p3 $0x60, s7;
	_ =	swait.ge @!p1 [sflag:s23], $0x4000  }
0xbe: {  	s11 =	sand.u32 @!p3 $0xFF80, s11;
	s7 =	sadd.s32 @!p3 s4, s7;
	[sflag:s23] =	ssyncset.done @!p1 $0x0  }
0xbf: {  	s7 =	sadd.s32 @!p3 s11, s7;
	s11 =	simm.s32 @!p3 $0x0;
	[sflag:s23] =	ssyncadd.s32 @!p1 $0xFFFFC000  }
0xc0: {  	[tilespmem:s11], [sflag:$0x1] =	stream.linear.gather @!p3 [hbm4b:s7+s11], $0x80, $0x38;
	[tilespmem:$0x1C100] =	vst v63  }
0xc1: {  	p1 =	seq.s32 s8, $0x1  }
0xc2: {  	s0 =	simm.s32 @!p3 $0x100;
	s7 =	simm.s32 @p1 $0x2  }
0xc3: {  	[tilespmem:s0], [sflag:$0x3] =	stream.linear.gather @!p3 [hbm4b:s21+s11], $0x4000, $0x38;
	[tilespmem:$0x1C100] =	vst v63  }
0xc4: {  	_ =	swait.ge @p1 [sflag:s7], $0x80  }
0xc5: {  	[sflag:s7] =	ssyncset.done @p1 $0x0  }
0xc6: {  	s0 =	simm.s32 @p1 $0x4;
	p2 =	sgt.u32 @p1 s31, $0x4D;
	[sflag:s7] =	ssyncadd.s32 @p1 $0xFFFFFF80  }
0xc7: {  	p2 =	por p2, !p1;
	_ =	swait.ge @p1 [sflag:s0], $0x4000  }
0xc8: {  	s8 =	simm.s32 @p1 $0x5;
	s11 =	simm.s32 @!p2 $0x80;
	[sflag:s0] =	ssyncset.done @p1 $0x0  }
0xc9: {  	s7 =	simm.s32 @p1 $0x4100;
	[sflag:s0] =	ssyncadd.s32 @p1 $0xFFFFC000;
	s0 =	simm.s32 @p1 $0x80  }
0xca: {  	[spmem:s1] =	stream.indirect.scatter.add.f32 @p1 [tilespmem:s7], [sflag:$0x5], $0x80, s0, s0, $0xb8;
	[tilespmem:$0x1C100] =	vst v63  }
0xcb: {  	s0 =	sadd.s32 @!p2 s30, s6;
	s7 =	sand.u32 @!p2 $0x70, s30;
	_ =	swait.ge @p1 [sflag:s8], $0x4000  }
0xcc: {  	s0 =	sand.u32 @!p2 $0xFF80, s0;
	s7 =	sadd.s32 @!p2 s4, s7;
	[sflag:s8] =	ssyncset.done @p1 $0x0  }
0xcd: {  	s0 =	sadd.s32 @!p2 s0, s7;
	s7 =	simm.s32 @!p2 $0x0;
	[sflag:s8] =	ssyncadd.s32 @p1 $0xFFFFC000  }
0xce: {  	[tilespmem:s11], [sflag:$0x2] =	stream.linear.gather @!p2 [hbm4b:s0+s7], $0x80, $0x38;
	[tilespmem:$0x1C100] =	vst v63  }
0xcf: {  	s8 =	simm.s32 @!p1 $0x1;
	s0 =	simm.s32 @!p2 $0x4100  }
0xd0: {  	[tilespmem:s0], [sflag:$0x4] =	stream.linear.gather @!p2 [hbm4b:s29+s7], $0x4000, $0x38;
	[tilespmem:$0x1C100] =	vst v63  }
0xd1: {  	_ =	swait.ge @!p1 [sflag:s8], $0x80  }
0xd2: {  	[sflag:s8] =	ssyncset.done @!p1 $0x0  }
0xd3: {  	s0 =	simm.s32 @!p1 $0x3;
	[sflag:s8] =	ssyncadd.s32 @!p1 $0xFFFFFF80  }
0xd4: {  	s11 =	simm.s32 @!p1 $0x0;
	_ =	swait.ge @!p1 [sflag:s0], $0x4000  }
0xd5: {  	p2 =	sgt.u32 @!p1 s31, $0x4D;
	s7 =	simm.s32 @!p1 $0x100;
	[sflag:s0] =	ssyncset.done @!p1 $0x0  }
0xd6: {  	p2 =	por p2, p1;
	[sflag:s0] =	ssyncadd.s32 @!p1 $0xFFFFC000;
	s0 =	simm.s32 @!p1 $0x80  }
0xd7: {  	[spmem:s1] =	stream.indirect.scatter.add.f32 @!p1 [tilespmem:s7], [sflag:$0x5], $0x80, s11, s0, $0xb8;
	[tilespmem:$0x1C100] =	vst v63  }
0xd8: {  	s8 =	simm.s32 @!p1 $0x5;
	s0 =	sadd.s32 @!p2 s30, s6;
	s7 =	sand.u32 @!p2 $0x60, s30  }
0xd9: {  	_ =	swait.ge @!p1 [sflag:s8], $0x4000;
	s0 =	sand.u32 @!p2 $0xFF80, s0;
	s7 =	sadd.s32 @!p2 s4, s7  }
0xda: {  	[sflag:s8] =	ssyncset.done @!p1 $0x0;
	s0 =	sadd.s32 @!p2 s0, s7  }
.Ltmp6:
0xdb: {  	s7 =	simm.s32 @!p2 $0x0;
	[sflag:s8] =	ssyncadd.s32 @!p1 $0xFFFFC000;
	(pc) =	sbr.rel .LBB2_8-.Ltmp6, $4  }
0xdc: {  	[tilespmem:s7], [sflag:$0x1] =	stream.linear.gather @!p2 [hbm4b:s0+s7], $0x80, $0x38;
	[tilespmem:$0x1C100] =	vst v63  }
0xdd: {  	s0 =	simm.s32 @!p2 $0x100  }
0xde: {  	[tilespmem:s0], [sflag:$0x3] =	stream.linear.gather @!p2 [hbm4b:s29+s7], $0x4000, $0x38;
	[tilespmem:$0x1C100] =	vst v63  }
0xdf: {  	s0 =	rddreg [dreg:$0x3]  }
.LBB2_9:
0xe0: {  	_ =	sfence.sel $0x180000  }
0xe1: {  	[bflag:$0x0] =	sbarrier.arrive $0xFFFF  }
0xe2: {  	_ =	strace $0x90000050  }
0xe3: {  	[bflag:$0x2] =	sbarrier.arrive $0xFFFF  }
0xe4: {  	p0 =	sne.s32 s3, $0x0;
	s0 =	rddreg [dreg:$0x2]  }
0xe5: {  	s0 =	sadd.s32 @!p0 $0x100000, s0  }
0xe6: {  	[sflag:s0] =	ssyncadd.tile.s32 @!p0 $0x1;
	_ =	shalt  }
.Lfunc_end2:
_tile_overlayer_lowered:
.L_overlay_start_2:
0xe7: {  	(tag) =	ssettag $0x2  }
0xe8: {  	s0 =	rddreg [dreg:$0x0];
	s2 =	stileid.u32  }
0xe9: {  	s1 =	rddreg [dreg:$0x1];
	p0 =	sne.s32 s2, $0x0  }
0xea: {  	s3 =	rddreg [dreg:$0x2];
	[bflag:$0x3] =	sbarrier.arrive $0xFFFF;
	s2 =	simm.s32 @!p0 $0x1C05  }
0xeb: {  	[timem:s3], [sflag:s2] =	dma.local @!p0 [hbm:s0], s1  }
0xec: {  	s0 =	simm.s32 @!p0 $0x5  }
0xed: {  	_ =	swait.ge @!p0 [sflag:s0], s1  }
0xee: {  	s1 =	ssub.s32 @!p0 $0x0, s1;
	[sflag:s0] =	ssyncset.done @!p0 $0x0  }
0xef: {  	[sflag:s0] =	ssyncadd.s32 @!p0 s1  }
0xf0: {  	[bflag:$0x3] =	sbarrier.arrive $0xFFFF  }
0xf1: {  	_ =	shalt  }

// kernel: kernel.27.cloned.1.call-start
scs
__scs_entry_jumppad:
0x0: {  	(pc) =	sbr.rel $0x88, $3  }
0x1: {  	(tag) =	ssettag $0x0;
	lr =	simm.s32 $0x1  }
0x2: {  	[smem:$0x3F92] =	sst lr;
	_ =	strace $0xD0000000  }
0x3: {  	_ = 	snop  }
0x4: {  	_ = 	snop  }
0x5: {  	_ = 	snop  }
0x6: {  	_ = 	snop  }
0x7: {  	_ = 	snop  }
__scs_overlays_trampoline_lowered:
0x8: {  	[smem:$0x3FA1] =	sst s0  }
0x9: {  	[smem:$0x3FA2] =	sst s1  }
0xa: {  	[smem:$0x3FA3] =	sst s2  }
0xb: {  	[smem:$0x3FA4] =	sst s3  }
0xc: {  	[smem:$0x3FA5] =	sst s4  }
0xd: {  	[smem:$0x3FA6] =	sst s5  }
0xe: {  	[smem:$0x3FA7] =	sst s6  }
0xf: {  	[smem:$0x3FA8] =	sst s7  }
0x10: {  	[smem:$0x3FA9] =	sst s8  }
0x11: {  	[smem:$0x3FAA] =	sst s9;
	s0 =	simm.s32 @!p0 $0x0  }
0x12: {  	s1 =	sld [smem:$0x3F90];
	s0 =	simm.s32 @p0 $0x1  }
0x13: {  	[smem:$0x3FAB] =	sst s0;
	s0 =	simm.s32 @!p1 $0x0  }
0x14: {  	s2 =	sld [smem:$0x3F8F];
	s0 =	simm.s32 @p1 $0x1  }
0x15: {  	[smem:$0x3FAC] =	sst s0;
	s0 =	simm.s32 @!p2 $0x0  }
0x16: {  	s3 =	sld [smem:$0x3FDB];
	s0 =	simm.s32 @p2 $0x1  }
0x17: {  	s4 =	simm.s32 $0x1BF5;
	[smem:$0x3FAE] =	sst s0  }
0x18: {  	s0 =	sld [smem:$0x3F91];
	_ =	swait.ge [sflag:s4], $0x0  }
0x19: {  	s7 =	sld [smem:$0x3F92]  }
0x1a: {  	s8 =	sadd.s32 $0xFFFFE003, lr  }
0x1b: {  	s9 =	sadd.s32 $0xFFFFFEF7, lr;
	s5 =	simm.s32 $0xFFFFFFFF;
	p2 =	slt.u32 s8, $0xFFFFF086  }
0x1c: {  	p1 =	slt.u32 s9, $0xF7A;
	s5 =	simm.s32 @!p2 $0x0  }
0x1d: {  	s5 =	simm.s32 @p1 $0x1;
	p0 =	seq.s32 s7, s2  }
0x1e: {  	s7 =	smul.u32 @!p0 $0xF7A, s2;
	p2 =	seq.s32 @!p0 s5, $0x0  }
0x1f: {  	s9 =	smul.u32 $0xF7A, s1;
	s8 =	simm.s32 @!p0 $0x1BF5;
	p2 =	por !p2, p0  }
0x20: {  	[sflag:s8] =	ssyncset.s32 @!p0 $0xFFFFF086;
	s6 =	sadd.s32 @!p0 s3, s7;
	s7 =	simm.s32 @!p0 $0x108  }
0x21: {  	s3 =	sadd.s32 s3, s9;
	s6 =	sadd.s32 @!p0 $0x88, s6;
	s7 =	simm.s32 @p2 $0x1082  }
0x22: {  	[simem:s7], [sflag:s8] =	dma.local @!p0 [hbm:s6], $0xF7A  }
0x23: {  	s9 =	sor.u32 $0xD0000000, s2;
	s6 =	simm.s32 $0x108;
	_ =	swait.ge @!p0 [sflag:s8], $0x0  }
0x24: {  	s3 =	sadd.s32 $0x88, s3;
	s6 =	simm.s32 @!p1 $0x1082;
	[sflag:s4] =	ssyncset.s32 $0xFFFFF086  }
0x25: {  	[simem:s6], [sflag:s4] =	dma.local [hbm:s3], $0xF7A  }
0x26: {  	[smem:$0x3F92] =	sst s1;
	(tag) =	ssettag s2;
	_ =	strace s9  }
0x27: {  	s1 =	sld [smem:$0x3FA2]  }
0x28: {  	s2 =	sld [smem:$0x3FA3]  }
0x29: {  	s4 =	sld [smem:$0x3FA5]  }
0x2a: {  	p0 =	seq.s32 s5, $0x0;
	s5 =	sld [smem:$0x3FA6]  }
0x2b: {  	s6 =	sld [smem:$0x3FA7]  }
0x2c: {  	s7 =	sld [smem:$0x3FA8]  }
0x2d: {  	s3 =	simm.s32 $0x108;
	s8 =	sld [smem:$0x3FA9]  }
0x2e: {  	s3 =	simm.s32 @!p0 $0x1082;
	s9 =	sld [smem:$0x3FAA]  }
0x2f: {  	lr =	sadd.s32 s0, s3;
	s0 =	sld [smem:$0x3FA1]  }
0x30: {  	s3 =	sld [smem:$0x3FA4]  }
0x31: {  	[smem:$0x3FAD] =	sst s10  }
0x32: {  	s10 =	sld [smem:$0x3FAB];
	_ =	sdelay $0x3  }
0x33: {  	p0 =	seq.s32 s10, $0x1;
	s10 =	sld [smem:$0x3FAD];
	_ =	sdelay $0x3  }
0x34: {  	[smem:$0x3FAD] =	sst s10  }
0x35: {  	s10 =	sld [smem:$0x3FAC];
	_ =	sdelay $0x3  }
0x36: {  	p1 =	seq.s32 s10, $0x1;
	s10 =	sld [smem:$0x3FAD];
	_ =	sdelay $0x3  }
0x37: {  	[smem:$0x3FAD] =	sst s10  }
0x38: {  	s10 =	sld [smem:$0x3FAE]  }
0x39: {  	_ = 	snop;
	(pc) =	sbr.ind lr, $3  }
0x3a: {  	_ = 	snop  }
0x3b: {  	_ = 	snop  }
0x3c: {  	p2 =	seq.s32 s10, $0x1;
	s10 =	sld [smem:$0x3FAD]  }
0x3d: {  	_ =	shalt  }
0x3e: {  	_ =	shalt  }
0x3f: {  	_ =	shalt  }
0x40: {  	_ =	shalt  }
0x41: {  	_ =	shalt  }
0x42: {  	_ =	shalt  }
0x43: {  	_ =	shalt  }
0x44: {  	_ =	shalt  }
0x45: {  	_ =	shalt  }
0x46: {  	_ =	shalt  }
0x47: {  	_ =	shalt  }
0x48: {  	_ =	shalt  }
0x49: {  	_ =	shalt  }
0x4a: {  	_ =	shalt  }
0x4b: {  	_ =	shalt  }
0x4c: {  	_ =	shalt  }
0x4d: {  	_ =	shalt  }
0x4e: {  	_ =	shalt  }
0x4f: {  	_ =	shalt  }
0x50: {  	_ =	shalt  }
0x51: {  	_ =	shalt  }
0x52: {  	_ =	shalt  }
0x53: {  	_ =	shalt  }
0x54: {  	_ =	shalt  }
0x55: {  	_ =	shalt  }
0x56: {  	_ =	shalt  }
0x57: {  	_ =	shalt  }
0x58: {  	_ =	shalt  }
0x59: {  	_ =	shalt  }
0x5a: {  	_ =	shalt  }
0x5b: {  	_ =	shalt  }
0x5c: {  	_ =	shalt  }
0x5d: {  	_ =	shalt  }
0x5e: {  	_ =	shalt  }
0x5f: {  	_ =	shalt  }
0x60: {  	_ =	shalt  }
0x61: {  	_ =	shalt  }
0x62: {  	_ =	shalt  }
0x63: {  	_ =	shalt  }
0x64: {  	_ =	shalt  }
0x65: {  	_ =	shalt  }
0x66: {  	_ =	shalt  }
0x67: {  	_ =	shalt  }
0x68: {  	_ =	shalt  }
0x69: {  	_ =	shalt  }
0x6a: {  	_ =	shalt  }
0x6b: {  	_ =	shalt  }
0x6c: {  	_ =	shalt  }
0x6d: {  	_ =	shalt  }
0x6e: {  	_ =	shalt  }
0x6f: {  	_ =	shalt  }
0x70: {  	_ =	shalt  }
0x71: {  	_ =	shalt  }
0x72: {  	_ =	shalt  }
0x73: {  	_ =	shalt  }
0x74: {  	_ =	shalt  }
0x75: {  	_ =	shalt  }
0x76: {  	_ =	shalt  }
0x77: {  	_ =	shalt  }
0x78: {  	_ =	shalt  }
0x79: {  	_ =	shalt  }
0x7a: {  	_ =	shalt  }
0x7b: {  	_ =	shalt  }
0x7c: {  	_ =	shalt  }
0x7d: {  	_ =	shalt  }
0x7e: {  	_ =	shalt  }
0x7f: {  	_ =	shalt  }
0x80: {  	_ =	shalt  }
0x81: {  	_ =	shalt  }
0x82: {  	_ =	shalt  }
0x83: {  	_ =	shalt  }
0x84: {  	_ =	shalt  }
0x85: {  	_ =	shalt  }
0x86: {  	_ =	shalt  }
0x87: {  	_ =	shalt  }
.Lfunc_end0:
.L_simem_size_0:
called_computation.4_lowered:
.L_overlay_start_0:
0x88: {  	s2 =	sld [smem:$0x3FD9]  }
0x89: {  	s3 =	sld [smem:$0x3FFE];
	_ =	sdelay $0x1  }
0x8a: {  	s1 =	srdreg.scid  }
0x8b: {  	s0 =	sand.u32 $0x1, s1  }
0x8c: {  	s16 =	sshll.u32 s0, $0xA;
	s2 =	sadd.s32 s3, s2  }
0x8d: {  	s2 =	sadd.s32 s2, s16  }
0x8e: {  	[smem:$0x3FB9] =	sst s2  }
0x8f: {  	_ = 	snop  }
0x90: {  	(tm) =	ssettm $0x1  }
0x91: {  	s17 =	sld [smem:$0x3FFB];
	_ =	sdelay $0x3  }
0x92: {  	_ =	strace s17  }
0x93: {  	s2 =	sld [smem:$0x3FFC];
	_ =	sdelay $0x3  }
0x94: {  	_ =	strace s2  }
0x95: {  	s2 =	sld [smem:$0x3FFD];
	_ =	sdelay $0x3  }
0x96: {  	_ =	strace s2  }
0x97: {  	_ =	strace $0x8FFFFFFF  }
0x98: {  	s18 =	sld [smem:$0x3FDB];
	_ =	sdelay $0x1  }
0x99: {  	s19 =	simm.s32 $_scs_section_size  }
0x9a: {  	s4 =	simm.s32 $_size__tile_overlayer_lowered;
	s5 =	simm.s32 $_tile_overlayer_lowered  }
0x9b: {  	s22 =	simm.s32 $0x1BFF;
	s21 =	sshll.u32 s5, $0x1;
	s2 =	sadd.s32 s19, s18  }
0x9c: {  	s6 =	simm.s32 $0x0;
	s20 =	sshll.u32 s4, $0x1;
	s4 =	sadd.s32 s21, s2  }
0x9d: {  	[timem:s6], [sflag:s22] =	dma.local [hbm:s4], s20  }
0x9e: {  	_ =	swait.ge [sflag:s22], s20  }
0x9f: {  	s3 =	ssub.s32 $0x0, s20;
	[sflag:s22] =	ssyncset.done $0x0  }
0xa0: {  	[sflag:s22] =	ssyncadd.s32 s3;
	_ =	sdelay $0x1  }
0xa1: {  	s23 =	simm.s32 $0x1B8B  }
0xa2: {  	_ =	swait.ge [sflag:s23], $0x1  }
0xa3: {  	[sflag:s23] =	ssyncset.done $0x0  }
0xa4: {  	s25 =	simm.s32 $0x1B8E;
	s24 =	sld [smem:$0x3FFE];
	[sflag:s23] =	ssyncadd.s32 $0xFFFFFFFF  }
0xa5: {  	s26 =	simm.s32 $execute0_lowered;
	[smem:$0x3FD2] =	sst s25  }
0xa6: {  	s4 =	sshll.u32 s26, $0x1;
	_ =	strace $0x80000052;
	[dreg:$0x1] =	wrdreg $0xFFFFFFFF  }
0xa7: {  	s28 =	simm.s32 $_size_execute0_lowered;
	s2 =	sadd.s32 s2, s4;
	[dreg:$0x0] =	wrdreg $0x0  }
0xa8: {  	s4 =	sshll.u32 s28, $0x1;
	[dreg:$0x2] =	wrdreg s2  }
0xa9: {  	[dreg:$0x3] =	wrdreg s4  }
0xaa: {  	[dreg:$0x4] =	wrdreg $0xC0  }
0xab: {  	_ =	task [dreg:s6], $0x5FFFF  }
0xac: {  	[dreg:$0x1] =	wrdreg $0xFFFFFFFF  }
0xad: {  	[dreg:$0x0] =	wrdreg $0x60  }
0xae: {  	[dreg:$0x2] =	wrdreg s24  }
0xaf: {  	[dreg:$0x3] =	wrdreg $0x81000  }
0xb0: {  	[dreg:$0x4] =	wrdreg $0x9  }
0xb1: {  	_ =	task.clear_ibuf [dreg:s6], $0x5FFFF;
	_ =	strace $0x90000052  }
0xb2: {  	s29 =	simm.s32 $0x9;
	_ =	strace $0x80000054  }
0xb3: {  	_ =	swait.ge [sflag:s29], $0x1  }
0xb4: {  	[sflag:s29] =	ssyncadd.s32 $0xFFFFFFFF  }
0xb5: {  	_ =	strace $0x90000054  }
0xb6: {  	_ =	sfence  }
0xb7: {  	s30 =	sld [smem:$0x0];
	_ =	sdelay $0x2  }
0xb8: {  	s31 =	sshll.u32 s1, $0xD;
	s1 =	sshrl.u32 s1, $0x2  }
0xb9: {  	s3 =	sand.u32 $0x4000, s31;
	s1 =	sadd.s32 s1, s30  }
0xba: {  	s0 =	sor.u32 s3, s0;
	s1 =	sshll.u32 s1, $0x11  }
0xbb: {  	s0 =	sor.u32 s1, s0  }
0xbc: {  	s0 =	sadd.s32 $0x8F2B, s0  }
0xbd: {  	[sflag:s0] =	ssyncadd.remote.s32 $0x1  }
0xbe: {  	_ =	sfence.sel $0xFFFF  }
0xbf: {  	[dreg:$0x0] =	wrdreg $0xFFFFFFFF;
	(pc) =	sbr.abs _section_cstart, $3  }
0xc0: {  	[dreg:$0x1] =	wrdreg $0xFFFFFFFF  }
0xc1: {  	_ =	task.clear_ibuf [dreg:s6], $0x2FFFF;
	_ =	strace $0x9FFFFFFF  }
0xc2: {  	(tm) =	ssettm $0x7FFFFFFF  }
0xc3: {  	_ =	shalt  }
tec
execute0_lowered:
.L_overlay_start_1:
0x0: {  	(tag) =	ssettag $0x1  }
0x1: {  	s6 =	rddreg [dreg:$0x0]  }
0x2: {  	s2 =	rddreg [dreg:$0x1];
	s3 =	simm.s32 $0x0;
	s1 =	stileid.u32  }
0x3: {  	s5 =	srdreg.scid;
	s17 =	simm.s32 $0x6;
	s18 =	simm.s32 $0x80  }
0x4: {  	s19 =	simm.s32 $0x2;
	s20 =	simm.s32 $0x3;
	s4 =	smul.u32 $0x2800, s1  }
0x5: {  	[smem:$0x7FF] =	sst s3;
	s7 =	smul.u32 $0x50000, s1;
	s10 =	sand.u32 $0x1, s5  }
0x6: {  	s5 =	sadd.s32 $0x13200, s6;
	s31 =	sshll.u32 s1, $0x6;
	_ =	strace $0x80000053  }
0x7: {  	s9 =	ssub.s32 $0x2, s10;
	p0 =	seq.s32 s10, $0x1;
	s8 =	sadd.s32 s4, s6  }
0x8: {  	s4 =	sadd.s32 $0x9200, s6;
	s15 =	sadd.s32 s7, s6;
	s6 =	smul.u32 $0xA00, s1  }
.Ltmp0:
0x9: {  	s11 =	sshrl.u32 s9, $0x1;
	s7 =	sshrl.u32 s7, $0x2;
	(pc) =	sbr.rel .LBB2_1-.Ltmp0, $4  }
0xa: {  	s13 =	ssub.s32 s9, s11;
	s16 =	sadd.s32 s7, s2;
	s7 =	sadd.s32 $0x1FA00, s8  }
0xb: {  	s8 =	sor.u32 $0x1C06, s31;
	s14 =	sadd.s32 $0x47A00, s15;
	s15 =	sadd.s32 $0xA46E00, s15  }
0xc: {  	s9 =	sadd.s32 s4, s6;
	s11 =	sadd.s32 s5, s6;
	s13 =	smax.u32 s13, $0x1  }
0xd: {  	s16 =	sshrl.u32 s16, $0x3;
	s10 =	sadd.s32 $0x10, s9;
	s12 =	sadd.s32 $0x10, s11  }
.LBB2_7:
0xe: {  	p4 =	por p6, !p2;
	[sflag:s26] =	ssyncadd.s32 @!p5 $0xFFFFC000  }
0xf: {  	[hbm4b:s28+s29] =	stream.linear.scatter @!p5 [tilespmem:s30], [sflag:$0x2], $0x4000, $0x38;
	[tilespmem:$0x1C100] =	vst v63  }
0x10: {  	s24 =	simm.s32 @!p1 $0x0;
	s0 =	simm.s32 @!p4 $0x3  }
0x11: {  	[tilespmem:s24], [sflag:$0x4] =	stream.linear.gather @!p1 [hbm4b:s25+s24], $0x80, $0x38;
	[tilespmem:$0x1C100] =	vst v63  }
0x12: {  	_ =	swait.ge @!p4 [sflag:s0], $0x4000  }
0x13: {  	[sflag:s0] =	ssyncset.done @!p4 $0x0  }
0x14: {  	[sflag:s0] =	ssyncadd.s32 @!p4 $0xFFFFC000;
	s0 =	simm.s32 @p2 $0x5  }
0x15: {  	_ =	swait.ge @p2 [sflag:s0], $0x80  }
0x16: {  	p1 =	slt.u32 @!p2 s22, $0x2;
	s24 =	simm.s32 @p2 $0x1;
	[sflag:s0] =	ssyncset.done @p2 $0x0  }
0x17: {  	s25 =	simm.s32 @p2 $0x4100;
	[sflag:s0] =	ssyncadd.s32 @p2 $0xFFFFFF80;
	s0 =	simm.s32 @p2 $0x80  }
0x18: {  	[tilespmem:s25], [sflag:$0x1] =	stream.indirect.gather @p2 [spmem:s2], $0x80, s0, s0, $0xb8;
	[tilespmem:$0x1C100] =	vst v63  }
0x19: {  	p4 =	por p1, p2;
	p1 =	por p3, !p2;
	_ =	swait.ge @p2 [sflag:s24], $0x4000  }
0x1a: {  	s26 =	sand.u32 @!p1 $0x70, s23;
	[sflag:s24] =	ssyncset.done @p2 $0x0  }
0x1b: {  	s28 =	simm.s32 @!p1 $0x80;
	[sflag:s24] =	ssyncadd.s32 @p2 $0xFFFFC000;
	s24 =	sadd.s32 @!p1 s23, s6  }
0x1c: {  	s26 =	sadd.s32 @!p1 s5, s26;
	s0 =	simm.s32 @p2 $0x0;
	s24 =	sand.u32 @!p1 $0x1FF80, s24  }
0x1d: {  	[hbm4b:s21+s0] =	stream.linear.scatter @p2 [tilespmem:s25], [sflag:$0x3], $0x4000, $0x38;
	[tilespmem:$0x1C100] =	vst v63  }
0x1e: {  	s25 =	simm.s32 @!p4 $0x2;
	s0 =	sadd.s32 @!p1 s24, s26;
	s24 =	simm.s32 @!p1 $0x0  }
0x1f: {  	[tilespmem:s28], [sflag:$0x5] =	stream.linear.gather @!p1 [hbm4b:s0+s24], $0x80, $0x38;
	[tilespmem:$0x1C100] =	vst v63  }
0x20: {  	_ =	swait.ge @!p4 [sflag:s25], $0x4000  }
0x21: {  	p1 =	por p2, p2;
	[sflag:s25] =	ssyncset.done @!p4 $0x0  }
0x22: {  	s0 =	simm.s32 @!p1 $0x4;
	[sflag:s25] =	ssyncadd.s32 @!p4 $0xFFFFC000  }
0x23: {  	p3 =	sgt.u32 @!p2 s22, $0x9D;
	_ =	swait.ge @!p1 [sflag:s0], $0x80  }
0x24: {  	s22 =	simm.s32 @!p1 $0x1;
	s24 =	simm.s32 @!p1 $0x0;
	[sflag:s0] =	ssyncset.done @!p1 $0x0  }
0x25: {  	s25 =	simm.s32 @!p1 $0x100;
	[sflag:s0] =	ssyncadd.s32 @!p1 $0xFFFFFF80;
	s0 =	simm.s32 @!p1 $0x80  }
0x26: {  	[tilespmem:s25], [sflag:$0x1] =	stream.indirect.gather @!p1 [spmem:s2], $0x80, s24, s0, $0xb8;
	[tilespmem:$0x1C100] =	vst v63  }
0x27: {  	p2 =	por p3, p2;
	_ =	swait.ge @!p1 [sflag:s22], $0x4000  }
0x28: {  	s0 =	sadd.s32 @!p2 s23, s6;
	s23 =	sand.u32 @!p2 $0x60, s23;
	[sflag:s22] =	ssyncset.done @!p1 $0x0  }
0x29: {  	s0 =	sand.u32 @!p2 $0x1FF80, s0;
	s23 =	sadd.s32 @!p2 s5, s23;
	[sflag:s22] =	ssyncadd.s32 @!p1 $0xFFFFC000  }
0x2a: {  	[hbm4b:s21+s24] =	stream.linear.scatter @!p1 [tilespmem:s25], [sflag:$0x2], $0x4000, $0x38;
	[tilespmem:$0x1C100] =	vst v63  }
0x2b: {  	s0 =	sadd.s32 @!p2 s0, s23;
	s21 =	simm.s32 @!p2 $0x0  }
0x2c: {  	[tilespmem:s21], [sflag:$0x4] =	stream.linear.gather @!p2 [hbm4b:s0+s21], $0x80, $0x38;
	[tilespmem:$0x1C100] =	vst v63  }
.LBB2_8:
0x2d: {  	s3 =	sadd.s32 $0x1, s3  }
0x2e: {  	_ =	swait.ge [sflag:s19], $0x4000;
	p1 =	sne.s32 s3, s13  }
.Ltmp1:
0x2f: {  	[sflag:s19] =	ssyncset.done $0x0;
	(pc) =	sbr.rel @!p1 .LBB2_9-.Ltmp1, $4  }
0x30: {  	[sflag:s19] =	ssyncadd.s32 $0xFFFFC000  }
0x31: {  	_ =	swait.ge [sflag:s20], $0x4000  }
0x32: {  	[sflag:s20] =	ssyncset.done $0x0  }
0x33: {  	[sflag:s20] =	ssyncadd.s32 $0xFFFFC000  }
.LBB2_1:
0x34: {  	[spmem:s16], [sflag:s8] =	dma.local [hbm:s7], $0x2800  }
.Ltmp2:
0x35: {  	_ =	swait.ge [sflag:s17], $0x2800;
	(pc) =	sbr.rel @!p0 .LBB2_2-.Ltmp2, $3  }
0x36: {  	[sflag:s17] =	ssyncset.done $0x0  }
0x37: {  	[sflag:s17] =	ssyncadd.s32 $0xFFFFD800  }
0x38: {  	[bflag:$0x0] =	sbarrier.arrive $0xFFFF;
	_ =	sdelay $0x1  }
0x39: {  	s0 =	simm.s32 $0x0  }
0x3a: {  	[tilespmem:s0], [sflag:$0x4] =	stream.linear.gather [hbm4b:s11+s0], $0x80, $0x38;
	[tilespmem:$0x1C100] =	vst v63  }
0x3b: {  	_ = 	snop  }
0x3c: {  	[tilespmem:s18], [sflag:$0x5] =	stream.linear.gather [hbm4b:s12+s0], $0x80, $0x38;
	[tilespmem:$0x1C100] =	vst v63  }
0x3d: {  	s0 =	sand.u32 $0x1, s0  }
0x3e: {  	p2 =	seq.s32 s0, $0x1  }
0x3f: {  	p1 =	por @p2 $0x1, $0x1  }
0x40: {  	p1 =	por p1, !p2  }
0x41: {  	s0 =	simm.s32 @!p1 $0x3  }
0x42: {  	s21 =	simm.s32 $0x20;
	s22 =	simm.s32 $0x1;
	_ =	swait.ge @!p1 [sflag:s0], $0x4000  }
0x43: {  	s24 =	simm.s32 $0x2;
	s31 =	sand.u32 $0x1, s22;
	[sflag:s0] =	ssyncset.done @!p1 $0x0  }
0x44: {  	p4 =	por @p2 $0x0, $0x0;
	[sflag:s0] =	ssyncadd.s32 @!p1 $0xFFFFC000;
	s0 =	simm.s32 @p2 $0x5  }
0x45: {  	p3 =	por @!p2 $0x1, $0x1;
	s23 =	simm.s32 @p2 $0x1;
	_ =	swait.ge @p2 [sflag:s0], $0x80  }
0x46: {  	s25 =	simm.s32 @p2 $0x4100;
	s26 =	simm.s32 @p2 $0x0;
	[sflag:s0] =	ssyncset.done @p2 $0x0  }
0x47: {  	p5 =	por p2, p2;
	[sflag:s0] =	ssyncadd.s32 @p2 $0xFFFFFF80;
	s0 =	simm.s32 @p2 $0x80  }
0x48: {  	[tilespmem:s25], [sflag:$0x1] =	stream.indirect.gather @p2 [spmem:s2], $0x80, s0, s0, $0xb8;
	[tilespmem:$0x1C100] =	vst v63  }
0x49: {  	p3 =	por p3, p2;
	p4 =	por p4, !p2;
	_ =	swait.ge @p2 [sflag:s23], $0x4000  }
0x4a: {  	s28 =	sand.u32 @!p4 $0x70, s21;
	s29 =	simm.s32 @!p4 $0x80;
	[sflag:s23] =	ssyncset.done @p2 $0x0  }
0x4b: {  	p1 =	por @!p2 $0x0, $0x0;
	[sflag:s23] =	ssyncadd.s32 @p2 $0xFFFFC000;
	s23 =	sadd.s32 @!p4 $0x20, s6  }
0x4c: {  	s28 =	sadd.s32 @!p4 s5, s28;
	p1 =	por p1, p2;
	s23 =	sand.u32 @!p4 $0x1FF80, s23  }
0x4d: {  	[hbm4b:s15+s26] =	stream.linear.scatter @p2 [tilespmem:s25], [sflag:$0x3], $0x4000, $0x38;
	[tilespmem:$0x1C100] =	vst v63  }
0x4e: {  	s25 =	simm.s32 @!p4 $0x0;
	s26 =	simm.s32 @!p3 $0x2;
	s23 =	sadd.s32 @!p4 s23, s28  }
0x4f: {  	[tilespmem:s29], [sflag:$0x5] =	stream.linear.gather @!p4 [hbm4b:s23+s25], $0x80, $0x38;
	[tilespmem:$0x1C100] =	vst v63  }
0x50: {  	s21 =	sand.u32 @!p1 $0x60, s21;
	s0 =	sadd.s32 @!p1 $0x20, s6;
	_ =	swait.ge @!p3 [sflag:s26], $0x4000  }
0x51: {  	s21 =	sadd.s32 @!p1 s5, s21;
	s0 =	sand.u32 @!p1 $0x1FF80, s0;
	[sflag:s26] =	ssyncset.done @!p3 $0x0  }
0x52: {  	s25 =	sadd.s32 @!p1 s0, s21;
	s0 =	simm.s32 @!p5 $0x4;
	[sflag:s26] =	ssyncadd.s32 @!p3 $0xFFFFC000  }
0x53: {  	s30 =	simm.s32 @!p5 $0x100;
	p2 =	seq.s32 s31, $0x1;
	_ =	swait.ge @!p5 [sflag:s0], $0x80  }
0x54: {  	p6 =	por @p2 $0x1, $0x1;
	s29 =	simm.s32 @!p5 $0x0;
	[sflag:s0] =	ssyncset.done @!p5 $0x0  }
0x55: {  	s26 =	simm.s32 @!p5 $0x1;
	[sflag:s0] =	ssyncadd.s32 @!p5 $0xFFFFFF80;
	s0 =	simm.s32 @!p5 $0x80  }
0x56: {  	[tilespmem:s30], [sflag:$0x1] =	stream.indirect.gather @!p5 [spmem:s2], $0x80, s29, s0, $0xb8;
	[tilespmem:$0x1C100] =	vst v63  }
0x57: {  	s28 =	smov.u32 s15;
	s21 =	sadd.s32 $0x800, s15;
	_ =	swait.ge @!p5 [sflag:s26], $0x4000  }
0x58: {  	s23 =	simm.s32 $0x30;
	p3 =	por @p2 $0x0, $0x0;
	[sflag:s26] =	ssyncset.done @!p5 $0x0  }
.LBB2_6:
0x59: {  	p4 =	por p6, !p2  }
0x5a: {  	p6 =	slt.u32 @!p2 s22, $0x2;
	[sflag:s26] =	ssyncadd.s32 @!p5 $0xFFFFC000;
	s0 =	smov.u32 s24  }
0x5b: {  	[hbm4b:s28+s29] =	stream.linear.scatter @!p5 [tilespmem:s30], [sflag:$0x2], $0x4000, $0x38;
	[tilespmem:$0x1C100] =	vst v63  }
0x5c: {  	s26 =	simm.s32 @!p4 $0x3;
	p5 =	sgt.u32 @!p2 s22, $0x9D;
	s22 =	simm.s32 @!p1 $0x0  }
0x5d: {  	[tilespmem:s22], [sflag:$0x4] =	stream.linear.gather @!p1 [hbm4b:s25+s22], $0x80, $0x38;
	[tilespmem:$0x1C100] =	vst v63  }
0x5e: {  	s24 =	sadd.s32 $0x1, s24;
	p1 =	por p5, p2;
	_ =	swait.ge @!p4 [sflag:s26], $0x4000  }
0x5f: {  	s22 =	sadd.s32 @!p1 s23, s6;
	s25 =	sand.u32 @!p1 $0x60, s23;
	[sflag:s26] =	ssyncset.done @!p4 $0x0  }
0x60: {  	s22 =	sand.u32 @!p1 $0x1FF80, s22;
	[sflag:s26] =	ssyncadd.s32 @!p4 $0xFFFFC000;
	s26 =	simm.s32 @p2 $0x5  }
0x61: {  	s25 =	sadd.s32 @!p1 s5, s25;
	p4 =	sne.s32 s24, $0xA0;
	_ =	swait.ge @p2 [sflag:s26], $0x80  }
0x62: {  	s28 =	simm.s32 @p2 $0x1;
	s25 =	sadd.s32 @!p1 s22, s25;
	[sflag:s26] =	ssyncset.done @p2 $0x0  }
0x63: {  	s22 =	simm.s32 @p2 $0x80;
	[sflag:s26] =	ssyncadd.s32 @p2 $0xFFFFFF80;
	s26 =	simm.s32 @p2 $0x4100  }
0x64: {  	[tilespmem:s26], [sflag:$0x1] =	stream.indirect.gather @p2 [spmem:s2], $0x80, s22, s22, $0xb8;
	[tilespmem:$0x1C100] =	vst v63  }
0x65: {  	p6 =	por p6, p2;
	s22 =	smov.u32 s0;
	_ =	swait.ge @p2 [sflag:s28], $0x4000  }
0x66: {  	p3 =	por p3, !p2;
	s0 =	simm.s32 @p2 $0x0;
	[sflag:s28] =	ssyncset.done @p2 $0x0  }
0x67: {  	s29 =	sand.u32 @!p3 $0x70, s23;
	[sflag:s28] =	ssyncadd.s32 @p2 $0xFFFFC000;
	s28 =	sadd.s32 @!p3 s23, s6  }
0x68: {  	s30 =	simm.s32 @!p3 $0x80;
	s29 =	sadd.s32 @!p3 s5, s29;
	s28 =	sand.u32 @!p3 $0x1FF80, s28  }
0x69: {  	[hbm4b:s21+s0] =	stream.linear.scatter @p2 [tilespmem:s26], [sflag:$0x3], $0x4000, $0x38;
	[tilespmem:$0x1C100] =	vst v63  }
0x6a: {  	s0 =	sadd.s32 @!p3 s28, s29;
	s26 =	simm.s32 @!p3 $0x0;
	s29 =	simm.s32 @!p6 $0x2  }
0x6b: {  	[tilespmem:s30], [sflag:$0x5] =	stream.linear.gather @!p3 [hbm4b:s0+s26], $0x80, $0x38;
	[tilespmem:$0x1C100] =	vst v63  }
0x6c: {  	p5 =	por p2, p2;
	s28 =	smov.u32 s21;
	_ =	swait.ge @!p6 [sflag:s29], $0x4000  }
0x6d: {  	[sflag:s29] =	ssyncset.done @!p6 $0x0  }
0x6e: {  	s21 =	sadd.s32 $0x800, s21;
	s0 =	simm.s32 @!p5 $0x4;
	[sflag:s29] =	ssyncadd.s32 @!p6 $0xFFFFC000  }
0x6f: {  	s26 =	simm.s32 @!p5 $0x1;
	s30 =	simm.s32 @!p5 $0x100;
	_ =	swait.ge @!p5 [sflag:s0], $0x80  }
.Ltmp3:
0x70: {  	s29 =	simm.s32 @!p5 $0x0;
	[sflag:s0] =	ssyncset.done @!p5 $0x0;
	(pc) =	sbr.rel @p4 .LBB2_6-.Ltmp3, $4  }
0x71: {  	s31 =	sand.u32 $0x1, s22;
	[sflag:s0] =	ssyncadd.s32 @!p5 $0xFFFFFF80;
	s0 =	simm.s32 @!p5 $0x80  }
0x72: {  	[tilespmem:s30], [sflag:$0x1] =	stream.indirect.gather @!p5 [spmem:s2], $0x80, s29, s0, $0xb8;
	[tilespmem:$0x1C100] =	vst v63  }
0x73: {  	s23 =	sadd.s32 $0x10, s23;
	p2 =	seq.s32 s31, $0x1;
	_ =	swait.ge @!p5 [sflag:s26], $0x4000  }
0x74: {  	p3 =	sgt.u32 @p2 s22, $0x9D;
	p6 =	slt.u32 @p2 s22, $0x2;
	[sflag:s26] =	ssyncset.done @!p5 $0x0  }
.Ltmp4:
0x75: {  	_ = 	snop;
	(pc) =	sbr.rel .LBB2_7-.Ltmp4, $1  }
0x76: {  	_ =	sdelay $0x3  }
.LBB2_2:
0x77: {  	s21 =	simm.s32 $0x0  }
0x78: {  	[tilespmem:s21], [sflag:$0x4] =	stream.linear.gather [hbm4b:s9+s21], $0x80, $0x38;
	[tilespmem:$0x1C100] =	vst v63  }
0x79: {  	_ = 	snop  }
0x7a: {  	[tilespmem:s18], [sflag:$0x5] =	stream.linear.gather [hbm4b:s10+s21], $0x80, $0x38;
	[tilespmem:$0x1C100] =	vst v63  }
0x7b: {  	s21 =	sand.u32 $0x1, s21  }
0x7c: {  	p2 =	seq.s32 s21, $0x1  }
0x7d: {  	p1 =	por @p2 $0x1, $0x1  }
0x7e: {  	p1 =	por p1, !p2  }
0x7f: {  	s21 =	simm.s32 @!p1 $0x3  }
0x80: {  	s23 =	simm.s32 $0x20;
	s22 =	simm.s32 $0x1;
	_ =	swait.ge @!p1 [sflag:s21], $0x4000  }
0x81: {  	s24 =	simm.s32 $0x2;
	p4 =	por @p2 $0x0, $0x0;
	[sflag:s21] =	ssyncset.done @!p1 $0x0  }
0x82: {  	p3 =	por @!p2 $0x1, $0x1;
	[sflag:s21] =	ssyncadd.s32 @!p1 $0xFFFFC000;
	s21 =	simm.s32 @p2 $0x5  }
0x83: {  	s25 =	simm.s32 @p2 $0x1;
	s26 =	simm.s32 @p2 $0x4100;
	_ =	swait.ge @p2 [sflag:s21], $0x80  }
0x84: {  	s28 =	simm.s32 @p2 $0x0;
	p5 =	por p2, p2;
	[sflag:s21] =	ssyncset.done @p2 $0x0  }
0x85: {  	p4 =	por p4, !p2;
	[sflag:s21] =	ssyncadd.s32 @p2 $0xFFFFFF80;
	s21 =	simm.s32 @p2 $0x80  }
0x86: {  	[tilespmem:s26], [sflag:$0x1] =	stream.indirect.gather @p2 [spmem:s2], $0x80, s21, s21, $0xb8;
	[tilespmem:$0x1C100] =	vst v63  }
0x87: {  	p3 =	por p3, p2;
	s29 =	sand.u32 @!p4 $0x70, s23;
	_ =	swait.ge @p2 [sflag:s25], $0x4000  }
0x88: {  	s30 =	simm.s32 @!p4 $0x80;
	p1 =	por @!p2 $0x0, $0x0;
	[sflag:s25] =	ssyncset.done @p2 $0x0  }
0x89: {  	p1 =	por p1, p2;
	[sflag:s25] =	ssyncadd.s32 @p2 $0xFFFFC000;
	s25 =	sadd.s32 @!p4 $0x20, s6  }
0x8a: {  	s29 =	sadd.s32 @!p4 s4, s29;
	s23 =	sand.u32 @!p1 $0x60, s23;
	s25 =	sand.u32 @!p4 $0x1FF80, s25  }
0x8b: {  	[hbm4b:s14+s28] =	stream.linear.scatter @p2 [tilespmem:s26], [sflag:$0x3], $0x4000, $0x38;
	[tilespmem:$0x1C100] =	vst v63  }
0x8c: {  	s26 =	simm.s32 @!p4 $0x0;
	s28 =	simm.s32 @!p3 $0x2;
	s25 =	sadd.s32 @!p4 s25, s29  }
0x8d: {  	[tilespmem:s30], [sflag:$0x5] =	stream.linear.gather @!p4 [hbm4b:s25+s26], $0x80, $0x38;
	[tilespmem:$0x1C100] =	vst v63  }
0x8e: {  	s23 =	sadd.s32 @!p1 s4, s23;
	s21 =	sadd.s32 @!p1 $0x20, s6;
	_ =	swait.ge @!p3 [sflag:s28], $0x4000  }
0x8f: {  	s21 =	sand.u32 @!p1 $0x1FF80, s21;
	s29 =	simm.s32 @!p5 $0x0;
	[sflag:s28] =	ssyncset.done @!p3 $0x0  }
0x90: {  	s25 =	sadd.s32 @!p1 s21, s23;
	s23 =	simm.s32 @!p5 $0x4;
	[sflag:s28] =	ssyncadd.s32 @!p3 $0xFFFFC000  }
0x91: {  	s26 =	simm.s32 @!p5 $0x1;
	s21 =	sadd.s32 $0x800, s14;
	_ =	swait.ge @!p5 [sflag:s23], $0x80  }
0x92: {  	s30 =	simm.s32 @!p5 $0x100;
	s28 =	sand.u32 $0x1, s22;
	[sflag:s23] =	ssyncset.done @!p5 $0x0  }
0x93: {  	p2 =	seq.s32 s28, $0x1;
	[sflag:s23] =	ssyncadd.s32 @!p5 $0xFFFFFF80;
	s23 =	simm.s32 @!p5 $0x80  }
0x94: {  	[tilespmem:s30], [sflag:$0x1] =	stream.indirect.gather @!p5 [spmem:s2], $0x80, s29, s23, $0xb8;
	[tilespmem:$0x1C100] =	vst v63  }
0x95: {  	s28 =	smov.u32 s14;
	p6 =	por @p2 $0x1, $0x1;
	_ =	swait.ge @!p5 [sflag:s26], $0x4000  }
0x96: {  	p3 =	por @p2 $0x0, $0x0;
	s23 =	simm.s32 $0x30;
	[sflag:s26] =	ssyncset.done @!p5 $0x0  }
.LBB2_3:
0x97: {  	p4 =	por p6, !p2  }
0x98: {  	p6 =	slt.u32 @!p2 s22, $0x2;
	[sflag:s26] =	ssyncadd.s32 @!p5 $0xFFFFC000;
	s26 =	smov.u32 s24  }
0x99: {  	[hbm4b:s28+s29] =	stream.linear.scatter @!p5 [tilespmem:s30], [sflag:$0x2], $0x4000, $0x38;
	[tilespmem:$0x1C100] =	vst v63  }
0x9a: {  	s28 =	simm.s32 @!p4 $0x3;
	p5 =	sgt.u32 @!p2 s22, $0x9D;
	s22 =	simm.s32 @!p1 $0x0  }
0x9b: {  	[tilespmem:s22], [sflag:$0x4] =	stream.linear.gather @!p1 [hbm4b:s25+s22], $0x80, $0x38;
	[tilespmem:$0x1C100] =	vst v63  }
0x9c: {  	s24 =	sadd.s32 $0x1, s24;
	p1 =	por p5, p2;
	_ =	swait.ge @!p4 [sflag:s28], $0x4000  }
0x9d: {  	s22 =	sadd.s32 @!p1 s23, s6;
	s25 =	sand.u32 @!p1 $0x60, s23;
	[sflag:s28] =	ssyncset.done @!p4 $0x0  }
0x9e: {  	s22 =	sand.u32 @!p1 $0x1FF80, s22;
	[sflag:s28] =	ssyncadd.s32 @!p4 $0xFFFFC000;
	s28 =	simm.s32 @p2 $0x5  }
0x9f: {  	s25 =	sadd.s32 @!p1 s4, s25;
	p4 =	seq.s32 s24, $0xA0;
	_ =	swait.ge @p2 [sflag:s28], $0x80  }
0xa0: {  	s29 =	simm.s32 @p2 $0x1;
	s25 =	sadd.s32 @!p1 s22, s25;
	[sflag:s28] =	ssyncset.done @p2 $0x0  }
0xa1: {  	s22 =	simm.s32 @p2 $0x80;
	[sflag:s28] =	ssyncadd.s32 @p2 $0xFFFFFF80;
	s28 =	simm.s32 @p2 $0x4100  }
0xa2: {  	[tilespmem:s28], [sflag:$0x1] =	stream.indirect.gather @p2 [spmem:s2], $0x80, s22, s22, $0xb8;
	[tilespmem:$0x1C100] =	vst v63  }
0xa3: {  	p6 =	por p6, p2;
	s22 =	smov.u32 s26;
	_ =	swait.ge @p2 [sflag:s29], $0x4000  }
0xa4: {  	p3 =	por p3, !p2;
	s26 =	simm.s32 @p2 $0x0;
	[sflag:s29] =	ssyncset.done @p2 $0x0  }
0xa5: {  	s30 =	sand.u32 @!p3 $0x70, s23;
	[sflag:s29] =	ssyncadd.s32 @p2 $0xFFFFC000;
	s29 =	sadd.s32 @!p3 s23, s6  }
0xa6: {  	s31 =	simm.s32 @!p3 $0x80;
	s30 =	sadd.s32 @!p3 s4, s30;
	s29 =	sand.u32 @!p3 $0x1FF80, s29  }
0xa7: {  	[hbm4b:s21+s26] =	stream.linear.scatter @p2 [tilespmem:s28], [sflag:$0x3], $0x4000, $0x38;
	[tilespmem:$0x1C100] =	vst v63  }
0xa8: {  	s26 =	sadd.s32 @!p3 s29, s30;
	s28 =	simm.s32 @!p3 $0x0;
	s29 =	simm.s32 @!p6 $0x2  }
0xa9: {  	[tilespmem:s31], [sflag:$0x5] =	stream.linear.gather @!p3 [hbm4b:s26+s28], $0x80, $0x38;
	[tilespmem:$0x1C100] =	vst v63  }
0xaa: {  	p5 =	por p2, p2;
	s28 =	smov.u32 s21;
	_ =	swait.ge @!p6 [sflag:s29], $0x4000  }
0xab: {  	[sflag:s29] =	ssyncset.done @!p6 $0x0  }
0xac: {  	s30 =	simm.s32 @!p5 $0x100;
	s31 =	simm.s32 @!p5 $0x4;
	[sflag:s29] =	ssyncadd.s32 @!p6 $0xFFFFC000  }
0xad: {  	s26 =	simm.s32 @!p5 $0x1;
	s21 =	sadd.s32 $0x800, s21;
	_ =	swait.ge @!p5 [sflag:s31], $0x80  }
.Ltmp5:
0xae: {  	s29 =	simm.s32 @!p5 $0x0;
	[sflag:s31] =	ssyncset.done @!p5 $0x0;
	(pc) =	sbr.rel @!p4 .LBB2_3-.Ltmp5, $4  }
0xaf: {  	s0 =	sand.u32 $0x1, s22;
	[sflag:s31] =	ssyncadd.s32 @!p5 $0xFFFFFF80;
	s31 =	simm.s32 @!p5 $0x80  }
0xb0: {  	[tilespmem:s30], [sflag:$0x1] =	stream.indirect.gather @!p5 [spmem:s2], $0x80, s29, s31, $0xb8;
	[tilespmem:$0x1C100] =	vst v63  }
0xb1: {  	s23 =	sadd.s32 $0x10, s23;
	p2 =	seq.s32 s0, $0x1;
	_ =	swait.ge @!p5 [sflag:s26], $0x4000  }
0xb2: {  	p3 =	sgt.u32 @p2 s22, $0x9D;
	p6 =	slt.u32 @p2 s22, $0x2;
	[sflag:s26] =	ssyncset.done @!p5 $0x0  }
0xb3: {  	p4 =	por p6, !p2;
	[sflag:s26] =	ssyncadd.s32 @!p5 $0xFFFFC000  }
0xb4: {  	[hbm4b:s28+s29] =	stream.linear.scatter @!p5 [tilespmem:s30], [sflag:$0x2], $0x4000, $0x38;
	[tilespmem:$0x1C100] =	vst v63  }
0xb5: {  	s24 =	simm.s32 @!p1 $0x0;
	s0 =	simm.s32 @!p4 $0x3  }
0xb6: {  	[tilespmem:s24], [sflag:$0x4] =	stream.linear.gather @!p1 [hbm4b:s25+s24], $0x80, $0x38;
	[tilespmem:$0x1C100] =	vst v63  }
0xb7: {  	_ =	swait.ge @!p4 [sflag:s0], $0x4000  }
0xb8: {  	[sflag:s0] =	ssyncset.done @!p4 $0x0  }
0xb9: {  	[sflag:s0] =	ssyncadd.s32 @!p4 $0xFFFFC000;
	s0 =	simm.s32 @p2 $0x5  }
0xba: {  	_ =	swait.ge @p2 [sflag:s0], $0x80  }
0xbb: {  	p1 =	slt.u32 @!p2 s22, $0x2;
	s24 =	simm.s32 @p2 $0x1;
	[sflag:s0] =	ssyncset.done @p2 $0x0  }
0xbc: {  	s25 =	simm.s32 @p2 $0x4100;
	[sflag:s0] =	ssyncadd.s32 @p2 $0xFFFFFF80;
	s0 =	simm.s32 @p2 $0x80  }
0xbd: {  	[tilespmem:s25], [sflag:$0x1] =	stream.indirect.gather @p2 [spmem:s2], $0x80, s0, s0, $0xb8;
	[tilespmem:$0x1C100] =	vst v63  }
0xbe: {  	p4 =	por p1, p2;
	p1 =	por p3, !p2;
	_ =	swait.ge @p2 [sflag:s24], $0x4000  }
0xbf: {  	s26 =	sand.u32 @!p1 $0x70, s23;
	[sflag:s24] =	ssyncset.done @p2 $0x0  }
0xc0: {  	s28 =	simm.s32 @!p1 $0x80;
	[sflag:s24] =	ssyncadd.s32 @p2 $0xFFFFC000;
	s24 =	sadd.s32 @!p1 s23, s6  }
0xc1: {  	s26 =	sadd.s32 @!p1 s4, s26;
	s0 =	simm.s32 @p2 $0x0;
	s24 =	sand.u32 @!p1 $0x1FF80, s24  }
0xc2: {  	[hbm4b:s21+s0] =	stream.linear.scatter @p2 [tilespmem:s25], [sflag:$0x3], $0x4000, $0x38;
	[tilespmem:$0x1C100] =	vst v63  }
0xc3: {  	s25 =	simm.s32 @!p4 $0x2;
	s0 =	sadd.s32 @!p1 s24, s26;
	s24 =	simm.s32 @!p1 $0x0  }
0xc4: {  	[tilespmem:s28], [sflag:$0x5] =	stream.linear.gather @!p1 [hbm4b:s0+s24], $0x80, $0x38;
	[tilespmem:$0x1C100] =	vst v63  }
0xc5: {  	_ =	swait.ge @!p4 [sflag:s25], $0x4000  }
0xc6: {  	p1 =	por p2, p2;
	[sflag:s25] =	ssyncset.done @!p4 $0x0  }
0xc7: {  	p3 =	sgt.u32 @!p2 s22, $0x9D;
	s0 =	simm.s32 @!p1 $0x4;
	[sflag:s25] =	ssyncadd.s32 @!p4 $0xFFFFC000  }
0xc8: {  	p2 =	por p3, p2;
	_ =	swait.ge @!p1 [sflag:s0], $0x80  }
0xc9: {  	s22 =	simm.s32 @!p1 $0x1;
	s24 =	simm.s32 @!p1 $0x0;
	[sflag:s0] =	ssyncset.done @!p1 $0x0  }
0xca: {  	s25 =	simm.s32 @!p1 $0x100;
	[sflag:s0] =	ssyncadd.s32 @!p1 $0xFFFFFF80;
	s0 =	simm.s32 @!p1 $0x80  }
0xcb: {  	[tilespmem:s25], [sflag:$0x1] =	stream.indirect.gather @!p1 [spmem:s2], $0x80, s24, s0, $0xb8;
	[tilespmem:$0x1C100] =	vst v63  }
0xcc: {  	s0 =	sadd.s32 @!p2 s23, s6;
	_ =	swait.ge @!p1 [sflag:s22], $0x4000  }
.Ltmp6:
0xcd: {  	s23 =	sand.u32 @!p2 $0x60, s23;
	[sflag:s22] =	ssyncset.done @!p1 $0x0;
	(pc) =	sbr.rel .LBB2_8-.Ltmp6, $4  }
0xce: {  	s0 =	sand.u32 @!p2 $0x1FF80, s0;
	s23 =	sadd.s32 @!p2 s4, s23;
	[sflag:s22] =	ssyncadd.s32 @!p1 $0xFFFFC000  }
0xcf: {  	[hbm4b:s21+s24] =	stream.linear.scatter @!p1 [tilespmem:s25], [sflag:$0x2], $0x4000, $0x38;
	[tilespmem:$0x1C100] =	vst v63  }
0xd0: {  	s0 =	sadd.s32 @!p2 s0, s23;
	s21 =	simm.s32 @!p2 $0x0  }
0xd1: {  	[tilespmem:s21], [sflag:$0x4] =	stream.linear.gather @!p2 [hbm4b:s0+s21], $0x80, $0x38;
	[tilespmem:$0x1C100] =	vst v63  }
.LBB2_9:
0xd2: {  	_ =	sfence.sel $0x180000  }
0xd3: {  	[bflag:$0x0] =	sbarrier.arrive $0xFFFF  }
0xd4: {  	_ =	strace $0x90000053  }
0xd5: {  	[bflag:$0x2] =	sbarrier.arrive $0xFFFF  }
0xd6: {  	p0 =	sne.s32 s1, $0x0;
	s0 =	rddreg [dreg:$0x2]  }
0xd7: {  	s0 =	sadd.s32 @!p0 $0x100000, s0  }
0xd8: {  	[sflag:s0] =	ssyncadd.tile.s32 @!p0 $0x1;
	_ =	shalt  }
.Lfunc_end2:
_tile_overlayer_lowered:
.L_overlay_start_2:
0xd9: {  	(tag) =	ssettag $0x2  }
0xda: {  	s0 =	rddreg [dreg:$0x0];
	s2 =	stileid.u32  }
0xdb: {  	s1 =	rddreg [dreg:$0x1];
	p0 =	sne.s32 s2, $0x0  }
0xdc: {  	s3 =	rddreg [dreg:$0x2];
	[bflag:$0x3] =	sbarrier.arrive $0xFFFF;
	s2 =	simm.s32 @!p0 $0x1C06  }
0xdd: {  	[timem:s3], [sflag:s2] =	dma.local @!p0 [hbm:s0], s1  }
0xde: {  	s0 =	simm.s32 @!p0 $0x6  }
0xdf: {  	_ =	swait.ge @!p0 [sflag:s0], s1  }
0xe0: {  	s1 =	ssub.s32 @!p0 $0x0, s1;
	[sflag:s0] =	ssyncset.done @!p0 $0x0  }
0xe1: {  	[sflag:s0] =	ssyncadd.s32 @!p0 s1  }
0xe2: {  	[bflag:$0x3] =	sbarrier.arrive $0xFFFF  }
0xe3: {  	_ =	shalt  }

// kernel: kernel.30.cloned.1.call-start
scs
__scs_entry_jumppad:
0x0: {  	(pc) =	sbr.rel $0x88, $3  }
0x1: {  	(tag) =	ssettag $0x0;
	lr =	simm.s32 $0x1  }
0x2: {  	[smem:$0x3F92] =	sst lr;
	_ =	strace $0xD0000000  }
0x3: {  	_ = 	snop  }
0x4: {  	_ = 	snop  }
0x5: {  	_ = 	snop  }
0x6: {  	_ = 	snop  }
0x7: {  	_ = 	snop  }
__scs_overlays_trampoline_lowered:
0x8: {  	[smem:$0x3FA1] =	sst s0  }
0x9: {  	[smem:$0x3FA2] =	sst s1  }
0xa: {  	[smem:$0x3FA3] =	sst s2  }
0xb: {  	[smem:$0x3FA4] =	sst s3  }
0xc: {  	[smem:$0x3FA5] =	sst s4  }
0xd: {  	[smem:$0x3FA6] =	sst s5  }
0xe: {  	[smem:$0x3FA7] =	sst s6  }
0xf: {  	[smem:$0x3FA8] =	sst s7  }
0x10: {  	[smem:$0x3FA9] =	sst s8  }
0x11: {  	[smem:$0x3FAA] =	sst s9;
	s0 =	simm.s32 @!p0 $0x0  }
0x12: {  	s1 =	sld [smem:$0x3F90];
	s0 =	simm.s32 @p0 $0x1  }
0x13: {  	[smem:$0x3FAB] =	sst s0;
	s0 =	simm.s32 @!p1 $0x0  }
0x14: {  	s2 =	sld [smem:$0x3F8F];
	s0 =	simm.s32 @p1 $0x1  }
0x15: {  	[smem:$0x3FAC] =	sst s0;
	s0 =	simm.s32 @!p2 $0x0  }
0x16: {  	s3 =	sld [smem:$0x3FDB];
	s0 =	simm.s32 @p2 $0x1  }
0x17: {  	s4 =	simm.s32 $0x1BF5;
	[smem:$0x3FAE] =	sst s0  }
0x18: {  	s0 =	sld [smem:$0x3F91];
	_ =	swait.ge [sflag:s4], $0x0  }
0x19: {  	s7 =	sld [smem:$0x3F92]  }
0x1a: {  	s8 =	sadd.s32 $0xFFFFE003, lr  }
0x1b: {  	s9 =	sadd.s32 $0xFFFFFEF7, lr;
	s5 =	simm.s32 $0xFFFFFFFF;
	p2 =	slt.u32 s8, $0xFFFFF086  }
0x1c: {  	p1 =	slt.u32 s9, $0xF7A;
	s5 =	simm.s32 @!p2 $0x0  }
0x1d: {  	s5 =	simm.s32 @p1 $0x1;
	p0 =	seq.s32 s7, s2  }
0x1e: {  	s7 =	smul.u32 @!p0 $0xF7A, s2;
	p2 =	seq.s32 @!p0 s5, $0x0  }
0x1f: {  	s9 =	smul.u32 $0xF7A, s1;
	s8 =	simm.s32 @!p0 $0x1BF5;
	p2 =	por !p2, p0  }
0x20: {  	[sflag:s8] =	ssyncset.s32 @!p0 $0xFFFFF086;
	s6 =	sadd.s32 @!p0 s3, s7;
	s7 =	simm.s32 @!p0 $0x108  }
0x21: {  	s3 =	sadd.s32 s3, s9;
	s6 =	sadd.s32 @!p0 $0x88, s6;
	s7 =	simm.s32 @p2 $0x1082  }
0x22: {  	[simem:s7], [sflag:s8] =	dma.local @!p0 [hbm:s6], $0xF7A  }
0x23: {  	s9 =	sor.u32 $0xD0000000, s2;
	s6 =	simm.s32 $0x108;
	_ =	swait.ge @!p0 [sflag:s8], $0x0  }
0x24: {  	s3 =	sadd.s32 $0x88, s3;
	s6 =	simm.s32 @!p1 $0x1082;
	[sflag:s4] =	ssyncset.s32 $0xFFFFF086  }
0x25: {  	[simem:s6], [sflag:s4] =	dma.local [hbm:s3], $0xF7A  }
0x26: {  	[smem:$0x3F92] =	sst s1;
	(tag) =	ssettag s2;
	_ =	strace s9  }
0x27: {  	s1 =	sld [smem:$0x3FA2]  }
0x28: {  	s2 =	sld [smem:$0x3FA3]  }
0x29: {  	s4 =	sld [smem:$0x3FA5]  }
0x2a: {  	p0 =	seq.s32 s5, $0x0;
	s5 =	sld [smem:$0x3FA6]  }
0x2b: {  	s6 =	sld [smem:$0x3FA7]  }
0x2c: {  	s7 =	sld [smem:$0x3FA8]  }
0x2d: {  	s3 =	simm.s32 $0x108;
	s8 =	sld [smem:$0x3FA9]  }
0x2e: {  	s3 =	simm.s32 @!p0 $0x1082;
	s9 =	sld [smem:$0x3FAA]  }
0x2f: {  	lr =	sadd.s32 s0, s3;
	s0 =	sld [smem:$0x3FA1]  }
0x30: {  	s3 =	sld [smem:$0x3FA4]  }
0x31: {  	[smem:$0x3FAD] =	sst s10  }
0x32: {  	s10 =	sld [smem:$0x3FAB];
	_ =	sdelay $0x3  }
0x33: {  	p0 =	seq.s32 s10, $0x1;
	s10 =	sld [smem:$0x3FAD];
	_ =	sdelay $0x3  }
0x34: {  	[smem:$0x3FAD] =	sst s10  }
0x35: {  	s10 =	sld [smem:$0x3FAC];
	_ =	sdelay $0x3  }
0x36: {  	p1 =	seq.s32 s10, $0x1;
	s10 =	sld [smem:$0x3FAD];
	_ =	sdelay $0x3  }
0x37: {  	[smem:$0x3FAD] =	sst s10  }
0x38: {  	s10 =	sld [smem:$0x3FAE]  }
0x39: {  	_ = 	snop;
	(pc) =	sbr.ind lr, $3  }
0x3a: {  	_ = 	snop  }
0x3b: {  	_ = 	snop  }
0x3c: {  	p2 =	seq.s32 s10, $0x1;
	s10 =	sld [smem:$0x3FAD]  }
0x3d: {  	_ =	shalt  }
0x3e: {  	_ =	shalt  }
0x3f: {  	_ =	shalt  }
0x40: {  	_ =	shalt  }
0x41: {  	_ =	shalt  }
0x42: {  	_ =	shalt  }
0x43: {  	_ =	shalt  }
0x44: {  	_ =	shalt  }
0x45: {  	_ =	shalt  }
0x46: {  	_ =	shalt  }
0x47: {  	_ =	shalt  }
0x48: {  	_ =	shalt  }
0x49: {  	_ =	shalt  }
0x4a: {  	_ =	shalt  }
0x4b: {  	_ =	shalt  }
0x4c: {  	_ =	shalt  }
0x4d: {  	_ =	shalt  }
0x4e: {  	_ =	shalt  }
0x4f: {  	_ =	shalt  }
0x50: {  	_ =	shalt  }
0x51: {  	_ =	shalt  }
0x52: {  	_ =	shalt  }
0x53: {  	_ =	shalt  }
0x54: {  	_ =	shalt  }
0x55: {  	_ =	shalt  }
0x56: {  	_ =	shalt  }
0x57: {  	_ =	shalt  }
0x58: {  	_ =	shalt  }
0x59: {  	_ =	shalt  }
0x5a: {  	_ =	shalt  }
0x5b: {  	_ =	shalt  }
0x5c: {  	_ =	shalt  }
0x5d: {  	_ =	shalt  }
0x5e: {  	_ =	shalt  }
0x5f: {  	_ =	shalt  }
0x60: {  	_ =	shalt  }
0x61: {  	_ =	shalt  }
0x62: {  	_ =	shalt  }
0x63: {  	_ =	shalt  }
0x64: {  	_ =	shalt  }
0x65: {  	_ =	shalt  }
0x66: {  	_ =	shalt  }
0x67: {  	_ =	shalt  }
0x68: {  	_ =	shalt  }
0x69: {  	_ =	shalt  }
0x6a: {  	_ =	shalt  }
0x6b: {  	_ =	shalt  }
0x6c: {  	_ =	shalt  }
0x6d: {  	_ =	shalt  }
0x6e: {  	_ =	shalt  }
0x6f: {  	_ =	shalt  }
0x70: {  	_ =	shalt  }
0x71: {  	_ =	shalt  }
0x72: {  	_ =	shalt  }
0x73: {  	_ =	shalt  }
0x74: {  	_ =	shalt  }
0x75: {  	_ =	shalt  }
0x76: {  	_ =	shalt  }
0x77: {  	_ =	shalt  }
0x78: {  	_ =	shalt  }
0x79: {  	_ =	shalt  }
0x7a: {  	_ =	shalt  }
0x7b: {  	_ =	shalt  }
0x7c: {  	_ =	shalt  }
0x7d: {  	_ =	shalt  }
0x7e: {  	_ =	shalt  }
0x7f: {  	_ =	shalt  }
0x80: {  	_ =	shalt  }
0x81: {  	_ =	shalt  }
0x82: {  	_ =	shalt  }
0x83: {  	_ =	shalt  }
0x84: {  	_ =	shalt  }
0x85: {  	_ =	shalt  }
0x86: {  	_ =	shalt  }
0x87: {  	_ =	shalt  }
.Lfunc_end0:
.L_simem_size_0:
called_computation.5_lowered:
.L_overlay_start_0:
0x88: {  	s2 =	sld [smem:$0x3FD9]  }
0x89: {  	s3 =	sld [smem:$0x3FFE];
	_ =	sdelay $0x1  }
0x8a: {  	s1 =	srdreg.scid  }
0x8b: {  	s0 =	sand.u32 $0x1, s1  }
0x8c: {  	s16 =	sshll.u32 s0, $0xA;
	s2 =	sadd.s32 s3, s2  }
0x8d: {  	s2 =	sadd.s32 s2, s16  }
0x8e: {  	[smem:$0x3FB9] =	sst s2  }
0x8f: {  	_ = 	snop  }
0x90: {  	(tm) =	ssettm $0x1  }
0x91: {  	s17 =	sld [smem:$0x3FFB];
	_ =	sdelay $0x3  }
0x92: {  	_ =	strace s17  }
0x93: {  	s2 =	sld [smem:$0x3FFC];
	_ =	sdelay $0x3  }
0x94: {  	_ =	strace s2  }
0x95: {  	s2 =	sld [smem:$0x3FFD];
	_ =	sdelay $0x3  }
0x96: {  	_ =	strace s2  }
0x97: {  	_ =	strace $0x8FFFFFFF  }
0x98: {  	s18 =	sld [smem:$0x3FDB];
	_ =	sdelay $0x1  }
0x99: {  	s19 =	simm.s32 $_scs_section_size  }
0x9a: {  	s4 =	simm.s32 $_size__tile_overlayer_lowered;
	s5 =	simm.s32 $_tile_overlayer_lowered  }
0x9b: {  	s22 =	simm.s32 $0x1BFF;
	s21 =	sshll.u32 s5, $0x1;
	s2 =	sadd.s32 s19, s18  }
0x9c: {  	s6 =	simm.s32 $0x0;
	s20 =	sshll.u32 s4, $0x1;
	s4 =	sadd.s32 s21, s2  }
0x9d: {  	[timem:s6], [sflag:s22] =	dma.local [hbm:s4], s20  }
0x9e: {  	_ =	swait.ge [sflag:s22], s20  }
0x9f: {  	s3 =	ssub.s32 $0x0, s20;
	[sflag:s22] =	ssyncset.done $0x0  }
0xa0: {  	[sflag:s22] =	ssyncadd.s32 s3;
	_ =	sdelay $0x1  }
0xa1: {  	s23 =	simm.s32 $0x1B8B  }
0xa2: {  	_ =	swait.ge [sflag:s23], $0x1  }
0xa3: {  	[sflag:s23] =	ssyncset.done $0x0  }
0xa4: {  	s25 =	simm.s32 $0x1B8E;
	s24 =	sld [smem:$0x3FFE];
	[sflag:s23] =	ssyncadd.s32 $0xFFFFFFFF  }
0xa5: {  	s26 =	simm.s32 $execute0_lowered;
	[smem:$0x3FD2] =	sst s25  }
0xa6: {  	s4 =	sshll.u32 s26, $0x1;
	_ =	strace $0x80000055;
	[dreg:$0x1] =	wrdreg $0xFFFFFFFF  }
0xa7: {  	s28 =	simm.s32 $_size_execute0_lowered;
	s2 =	sadd.s32 s2, s4;
	[dreg:$0x0] =	wrdreg $0x0  }
0xa8: {  	s4 =	sshll.u32 s28, $0x1;
	[dreg:$0x2] =	wrdreg s2  }
0xa9: {  	[dreg:$0x3] =	wrdreg s4  }
0xaa: {  	[dreg:$0x4] =	wrdreg $0xC0  }
0xab: {  	_ =	task [dreg:s6], $0x5FFFF  }
0xac: {  	[dreg:$0x1] =	wrdreg $0xFFFFFFFF  }
0xad: {  	[dreg:$0x0] =	wrdreg $0x60  }
0xae: {  	[dreg:$0x2] =	wrdreg s24  }
0xaf: {  	[dreg:$0x3] =	wrdreg $0x81000  }
0xb0: {  	[dreg:$0x4] =	wrdreg $0x9  }
0xb1: {  	_ =	task.clear_ibuf [dreg:s6], $0x5FFFF;
	_ =	strace $0x90000055  }
0xb2: {  	s29 =	simm.s32 $0x9;
	_ =	strace $0x80000057  }
0xb3: {  	_ =	swait.ge [sflag:s29], $0x1  }
0xb4: {  	[sflag:s29] =	ssyncadd.s32 $0xFFFFFFFF  }
0xb5: {  	_ =	strace $0x90000057  }
0xb6: {  	_ =	sfence  }
0xb7: {  	s30 =	sld [smem:$0x0];
	_ =	sdelay $0x2  }
0xb8: {  	s31 =	sshll.u32 s1, $0xD;
	s1 =	sshrl.u32 s1, $0x2  }
0xb9: {  	s3 =	sand.u32 $0x4000, s31;
	s1 =	sadd.s32 s1, s30  }
0xba: {  	s0 =	sor.u32 s3, s0;
	s1 =	sshll.u32 s1, $0x11  }
0xbb: {  	s0 =	sor.u32 s1, s0  }
0xbc: {  	s0 =	sadd.s32 $0x8F2B, s0  }
0xbd: {  	[sflag:s0] =	ssyncadd.remote.s32 $0x1  }
0xbe: {  	_ =	sfence.sel $0xFFFF  }
0xbf: {  	[dreg:$0x0] =	wrdreg $0xFFFFFFFF;
	(pc) =	sbr.abs _section_cstart, $3  }
0xc0: {  	[dreg:$0x1] =	wrdreg $0xFFFFFFFF  }
0xc1: {  	_ =	task.clear_ibuf [dreg:s6], $0x2FFFF;
	_ =	strace $0x9FFFFFFF  }
0xc2: {  	(tm) =	ssettm $0x7FFFFFFF  }
0xc3: {  	_ =	shalt  }
tec
execute0_lowered:
.L_overlay_start_1:
0x0: {  	(tag) =	ssettag $0x1  }
0x1: {  	s0 =	rddreg [dreg:$0x0]  }
0x2: {  	s1 =	rddreg [dreg:$0x1];
	s2 =	simm.s32 $0x0;
	s3 =	srdreg.scid  }
0x3: {  	s15 =	simm.s32 $0x100;
	s16 =	simm.s32 $0x80;
	[smem:$0x7FF] =	sst s2  }
0x4: {  	s7 =	sadd.s32 $0xF46E00, s0;
	s8 =	sand.u32 $0x1, s3;
	s4 =	sadd.s32 $0x13200, s0  }
0x5: {  	s3 =	stileid.u32;
	s5 =	sadd.s32 $0x1D200, s0;
	s11 =	sadd.s32 $0x1FA00, s0  }
0x6: {  	s26 =	sadd.s32 $0x47A00, s0;
	s30 =	sadd.s32 $0x13210, s0;
	s0 =	sadd.s32 $0xF47600, s0  }
0x7: {  	s25 =	simm.s32 $0x4100;
	_ =	strace $0x80000056;
	s6 =	smul.u32 $0x500, s3  }
0x8: {  	s9 =	ssub.s32 $0x2, s8;
	[dreg:$0x3] =	wrdreg s11;
	s29 =	smul.u32 $0x28000, s3  }
0x9: {  	[dreg:$0x4] =	wrdreg s26;
	s12 =	smul.u32 $0x50000, s3;
	s13 =	sor.u32 $0x10, s3  }
0xa: {  	p0 =	seq.s32 s8, $0x1;
	s10 =	sshrl.u32 s9, $0x1;
	s17 =	smul.u32 $0x500, s13  }
0xb: {  	s26 =	simm.s32 $0x5;
	s18 =	smul.u32 $0x28000, s13;
	s9 =	ssub.s32 s9, s10  }
0xc: {  	s28 =	sadd.s32 s4, s6;
	s10 =	sadd.s32 s7, s29;
	s14 =	sadd.s32 s6, s30  }
0xd: {  	s12 =	sshrl.u32 s12, $0x2;
	s8 =	sadd.s32 s29, s0;
	[dreg:$0x5] =	wrdreg s28  }
.Ltmp0:
0xe: {  	s22 =	sadd.s32 $0x5020, s6;
	[dreg:$0x6] =	wrdreg s14;
	(pc) =	sbr.rel .LBB2_1-.Ltmp0, $4  }
0xf: {  	[dreg:$0x7] =	wrdreg s8;
	s13 =	sadd.s32 s12, s1;
	s14 =	smul.u32 $0x2800, s3  }
0x10: {  	s31 =	sadd.s32 s4, s17;
	s7 =	sadd.s32 s7, s18;
	s17 =	sadd.s32 s17, s30  }
0x11: {  	s18 =	sadd.s32 s18, s0;
	s19 =	smax.u32 s9, $0x1;
	[dreg:$0x8] =	wrdreg s31  }
0x12: {  	s20 =	sadd.s32 $0x1000, s10;
	s9 =	sadd.s32 $0x281000, s10;
	[dreg:$0x9] =	wrdreg s7  }
.LBB2_7:
0x13: {  	_ =	swait.ge @!p1 [sflag:s11], $0x4000;
	s0 =	sand.u32 @!p3 $0x60, s7  }
0x14: {  	s7 =	sand.u32 @!p3 $0x1FF80, s12;
	[sflag:s11] =	ssyncset.done @!p1 $0x0;
	s0 =	sadd.s32 @!p3 s4, s0  }
0x15: {  	p2 =	seq.s32 s25, $0x1;
	s0 =	sadd.s32 @!p3 s7, s0;
	[sflag:s11] =	ssyncadd.s32 @!p1 $0xFFFFC000  }
0x16: {  	[tilespmem:s23], [sflag:$0x1] =	stream.linear.gather @!p3 [hbm4b:s0+s23], $0x80, $0x38;
	[tilespmem:$0x1C100] =	vst v63  }
0x17: {  	p1 =	por p2, p2;
	s0 =	simm.s32 @p2 $0x2  }
0x18: {  	[tilespmem:s24], [sflag:$0x3] =	stream.linear.gather @!p3 [hbm4b:s21+s23], $0x4000, $0x38;
	[tilespmem:$0x1C100] =	vst v63  }
0x19: {  	_ =	swait.ge @p1 [sflag:s0], $0x80  }
0x1a: {  	[sflag:s0] =	ssyncset.done @p1 $0x0  }
0x1b: {  	p2 =	sgt.u32 @p2 s31, $0x4D;
	s7 =	simm.s32 @p1 $0x4;
	[sflag:s0] =	ssyncadd.s32 @p1 $0xFFFFFF80  }
0x1c: {  	s8 =	simm.s32 @p1 $0x5;
	p2 =	por p2, !p1;
	_ =	swait.ge @p1 [sflag:s7], $0x4000  }
0x1d: {  	s11 =	simm.s32 @p1 $0x4100;
	s12 =	sadd.s32 @!p2 $0x20, s30;
	[sflag:s7] =	ssyncset.done @p1 $0x0  }
0x1e: {  	s12 =	sand.u32 @!p2 $0x70, s12;
	s0 =	simm.s32 @p1 $0x80;
	[sflag:s7] =	ssyncadd.s32 @p1 $0xFFFFC000  }
0x1f: {  	[spmem:s1] =	stream.indirect.scatter.add.f32 @p1 [tilespmem:s11], [sflag:$0x5], $0x80, s0, s0, $0xb8;
	[tilespmem:$0x1C100] =	vst v63  }
0x20: {  	s15 =	sadd.s32 @!p2 s30, s22;
	s7 =	sadd.s32 @!p2 s4, s12;
	_ =	swait.ge @p1 [sflag:s8], $0x4000  }
0x21: {  	s0 =	sand.u32 @!p2 $0x1FF80, s15;
	s11 =	simm.s32 @!p2 $0x80;
	[sflag:s8] =	ssyncset.done @p1 $0x0  }
0x22: {  	s0 =	sadd.s32 @!p2 s0, s7;
	s7 =	simm.s32 @!p2 $0x0;
	[sflag:s8] =	ssyncadd.s32 @p1 $0xFFFFC000  }
0x23: {  	[tilespmem:s11], [sflag:$0x2] =	stream.linear.gather @!p2 [hbm4b:s0+s7], $0x80, $0x38;
	[tilespmem:$0x1C100] =	vst v63  }
0x24: {  	s8 =	simm.s32 @!p1 $0x1;
	s0 =	simm.s32 @!p2 $0x4100  }
0x25: {  	[tilespmem:s0], [sflag:$0x4] =	stream.linear.gather @!p2 [hbm4b:s29+s7], $0x4000, $0x38;
	[tilespmem:$0x1C100] =	vst v63  }
0x26: {  	_ =	swait.ge @!p1 [sflag:s8], $0x80  }
0x27: {  	[sflag:s8] =	ssyncset.done @!p1 $0x0  }
0x28: {  	s12 =	simm.s32 @!p1 $0x80;
	s0 =	simm.s32 @!p1 $0x3;
	[sflag:s8] =	ssyncadd.s32 @!p1 $0xFFFFFF80  }
0x29: {  	s11 =	simm.s32 @!p1 $0x0;
	p2 =	sgt.u32 @!p1 s31, $0x4D;
	_ =	swait.ge @!p1 [sflag:s0], $0x4000  }
0x2a: {  	s7 =	simm.s32 @!p1 $0x100;
	p2 =	por p2, p1;
	[sflag:s0] =	ssyncset.done @!p1 $0x0  }
0x2b: {  	s8 =	simm.s32 @!p1 $0x5;
	[sflag:s0] =	ssyncadd.s32 @!p1 $0xFFFFC000;
	s0 =	sadd.s32 @!p2 $0x20, s30  }
0x2c: {  	[spmem:s1] =	stream.indirect.scatter.add.f32 @!p1 [tilespmem:s7], [sflag:$0x5], $0x80, s11, s12, $0xb8;
	[tilespmem:$0x1C100] =	vst v63  }
0x2d: {  	s7 =	sadd.s32 @!p2 s30, s22;
	s0 =	sand.u32 @!p2 $0x60, s0;
	_ =	swait.ge @!p1 [sflag:s8], $0x4000  }
0x2e: {  	s7 =	sand.u32 @!p2 $0x1FF80, s7;
	s0 =	sadd.s32 @!p2 s4, s0;
	[sflag:s8] =	ssyncset.done @!p1 $0x0  }
0x2f: {  	s11 =	simm.s32 @!p2 $0x0;
	s0 =	sadd.s32 @!p2 s7, s0;
	[sflag:s8] =	ssyncadd.s32 @!p1 $0xFFFFC000  }
0x30: {  	[tilespmem:s11], [sflag:$0x1] =	stream.linear.gather @!p2 [hbm4b:s0+s11], $0x80, $0x38;
	[tilespmem:$0x1C100] =	vst v63  }
0x31: {  	s16 =	simm.s32 $0x80;
	s0 =	simm.s32 @!p2 $0x100  }
0x32: {  	[tilespmem:s0], [sflag:$0x3] =	stream.linear.gather @!p2 [hbm4b:s29+s11], $0x4000, $0x38;
	[tilespmem:$0x1C100] =	vst v63  }
0x33: {  	s25 =	simm.s32 $0x4100;
	s15 =	simm.s32 $0x100;
	s0 =	rddreg [dreg:$0x4]  }
.LBB2_8:
0x34: {  	s2 =	sadd.s32 $0x1, s2  }
0x35: {  	s0 =	sadd.s32 s0, s14;
	p1 =	sne.s32 s2, s19  }
.Ltmp1:
0x36: {  	[bflag:$0x0] =	sbarrier.arrive $0xFFFF;
	s7 =	sshrl.u32 s13, $0x3;
	(pc) =	sbr.rel @!p1 .LBB2_9-.Ltmp1, $4  }
0x37: {  	[hbm:s0], [sflag:s28] =	dma.local [spmem:s7], $0x2800  }
0x38: {  	_ =	swait.ge [sflag:s26], $0x2800  }
0x39: {  	[sflag:s26] =	ssyncset.done $0x0  }
0x3a: {  	[sflag:s26] =	ssyncadd.s32 $0xFFFFD800  }
.LBB2_1:
.Ltmp2:
0x3b: {  	(pc) =	sbr.rel @!p0 .LBB2_2-.Ltmp2, $2  }
0x3c: {  	_ =	sdelay $0x2  }
0x3d: {  	s0 =	simm.s32 $0x0  }
0x3e: {  	s7 =	rddreg [dreg:$0x8]  }
0x3f: {  	[tilespmem:s0], [sflag:$0x1] =	stream.linear.gather [hbm4b:s7+s0], $0x80, $0x38;
	[tilespmem:$0x1C100] =	vst v63  }
0x40: {  	s21 =	rddreg [dreg:$0x9]  }
0x41: {  	[tilespmem:s15], [sflag:$0x3] =	stream.linear.gather [hbm4b:s21+s0], $0x4000, $0x38;
	[tilespmem:$0x1C100] =	vst v63  }
0x42: {  	s23 =	sshll.u32 s3, $0x6  }
0x43: {  	[tilespmem:s16], [sflag:$0x2] =	stream.linear.gather [hbm4b:s17+s0], $0x80, $0x38;
	[tilespmem:$0x1C100] =	vst v63  }
0x44: {  	s24 =	sshrl.u32 s13, $0x3;
	s28 =	sor.u32 $0x1C05, s23  }
0x45: {  	[tilespmem:s25], [sflag:$0x4] =	stream.linear.gather [hbm4b:s18+s0], $0x4000, $0x38;
	[tilespmem:$0x1C100] =	vst v63  }
0x46: {  	[spmem:s24], [sflag:s28] =	dma.local [hbm:s5], $0x2800  }
0x47: {  	_ =	swait.ge [sflag:s26], $0x2800  }
0x48: {  	s25 =	sand.u32 $0x1, s0;
	[sflag:s26] =	ssyncset.done $0x0  }
0x49: {  	p2 =	seq.s32 s25, $0x1;
	[sflag:s26] =	ssyncadd.s32 $0xFFFFD800  }
0x4a: {  	s0 =	simm.s32 @p2 $0x2;
	p1 =	por p2, p2;
	[bflag:$0x0] =	sbarrier.arrive $0xFFFF  }
0x4b: {  	_ =	swait.ge @p1 [sflag:s0], $0x80  }
0x4c: {  	s30 =	simm.s32 $0x10;
	[sflag:s0] =	ssyncset.done @p1 $0x0  }
0x4d: {  	p2 =	por @p2 $0x0, $0x0;
	s7 =	simm.s32 @p1 $0x4;
	[sflag:s0] =	ssyncadd.s32 @p1 $0xFFFFFF80  }
0x4e: {  	s8 =	simm.s32 @p1 $0x5;
	p2 =	por p2, !p1;
	_ =	swait.ge @p1 [sflag:s7], $0x4000  }
0x4f: {  	s11 =	simm.s32 @p1 $0x4100;
	s12 =	simm.s32 @!p2 $0x20;
	[sflag:s7] =	ssyncset.done @p1 $0x0  }
0x50: {  	s12 =	sand.u32 @!p2 $0x70, s12;
	s0 =	simm.s32 @p1 $0x80;
	[sflag:s7] =	ssyncadd.s32 @p1 $0xFFFFC000  }
0x51: {  	[spmem:s1] =	stream.indirect.scatter.add.f32 @p1 [tilespmem:s11], [sflag:$0x5], $0x80, s0, s0, $0xb8;
	[tilespmem:$0x1C100] =	vst v63  }
0x52: {  	s21 =	sadd.s32 @!p2 $0x0, s22;
	s7 =	sadd.s32 @!p2 s4, s12;
	_ =	swait.ge @p1 [sflag:s8], $0x4000  }
0x53: {  	s0 =	sand.u32 @!p2 $0x1FF80, s21;
	s11 =	simm.s32 @!p2 $0x80;
	[sflag:s8] =	ssyncset.done @p1 $0x0  }
0x54: {  	s0 =	sadd.s32 @!p2 s0, s7;
	s7 =	simm.s32 @!p2 $0x0;
	[sflag:s8] =	ssyncadd.s32 @p1 $0xFFFFC000  }
0x55: {  	[tilespmem:s11], [sflag:$0x2] =	stream.linear.gather @!p2 [hbm4b:s0+s7], $0x80, $0x38;
	[tilespmem:$0x1C100] =	vst v63  }
0x56: {  	s31 =	simm.s32 $0x1;
	s8 =	simm.s32 @!p1 $0x1;
	s0 =	simm.s32 @!p2 $0x4100  }
0x57: {  	[tilespmem:s0], [sflag:$0x4] =	stream.linear.gather @!p2 [hbm4b:s9+s7], $0x4000, $0x38;
	[tilespmem:$0x1C100] =	vst v63  }
0x58: {  	s29 =	sadd.s32 $0x800, s9;
	s25 =	sand.u32 $0x1, s31;
	_ =	swait.ge @!p1 [sflag:s8], $0x80  }
0x59: {  	s12 =	simm.s32 @!p1 $0x80;
	s21 =	smov.u32 s9;
	[sflag:s8] =	ssyncset.done @!p1 $0x0  }
0x5a: {  	s7 =	simm.s32 @!p1 $0x3;
	p2 =	por @!p1 $0x0, $0x0;
	[sflag:s8] =	ssyncadd.s32 @!p1 $0xFFFFFF80  }
0x5b: {  	s11 =	simm.s32 @!p1 $0x0;
	p3 =	por p2, p1;
	_ =	swait.ge @!p1 [sflag:s7], $0x4000  }
0x5c: {  	s0 =	simm.s32 $0x20;
	s23 =	simm.s32 @!p3 $0x0;
	[sflag:s7] =	ssyncset.done @!p1 $0x0  }
0x5d: {  	s24 =	simm.s32 @!p3 $0x100;
	s8 =	simm.s32 @!p1 $0x100;
	[sflag:s7] =	ssyncadd.s32 @!p1 $0xFFFFC000  }
0x5e: {  	[spmem:s1] =	stream.indirect.scatter.add.f32 @!p1 [tilespmem:s8], [sflag:$0x5], $0x80, s11, s12, $0xb8;
	[tilespmem:$0x1C100] =	vst v63  }
0x5f: {  	s7 =	simm.s32 @!p3 $0x20;
	s11 =	simm.s32 @!p1 $0x5;
	s12 =	sadd.s32 @!p3 $0x0, s22  }
.LBB2_6:
0x60: {  	p2 =	seq.s32 s25, $0x1;
	_ =	swait.ge @!p1 [sflag:s11], $0x4000;
	s25 =	sand.u32 @!p3 $0x60, s7  }
0x61: {  	s7 =	smov.u32 s30;
	s30 =	smov.u32 s0;
	s8 =	smov.u32 s31  }
0x62: {  	s12 =	sand.u32 @!p3 $0x1FF80, s12;
	[sflag:s11] =	ssyncset.done @!p1 $0x0;
	s25 =	sadd.s32 @!p3 s4, s25  }
0x63: {  	p4 =	sgt.u32 @p2 s31, $0x4D;
	s15 =	simm.s32 @p2 $0x2;
	s12 =	sadd.s32 @!p3 s12, s25  }
0x64: {  	s0 =	sadd.s32 $0x10, s0;
	[sflag:s11] =	ssyncadd.s32 @!p1 $0xFFFFC000;
	p1 =	por p2, p2  }
0x65: {  	[tilespmem:s23], [sflag:$0x1] =	stream.linear.gather @!p3 [hbm4b:s12+s23], $0x80, $0x38;
	[tilespmem:$0x1C100] =	vst v63  }
0x66: {  	p2 =	sne.s32 s0, $0x500  }
0x67: {  	[tilespmem:s24], [sflag:$0x3] =	stream.linear.gather @!p3 [hbm4b:s21+s23], $0x4000, $0x38;
	[tilespmem:$0x1C100] =	vst v63  }
0x68: {  	s11 =	simm.s32 @p1 $0x4;
	s21 =	smov.u32 s29;
	_ =	swait.ge @p1 [sflag:s15], $0x80  }
0x69: {  	s12 =	simm.s32 @p1 $0x5;
	p3 =	por p4, !p1;
	[sflag:s15] =	ssyncset.done @p1 $0x0  }
0x6a: {  	s23 =	simm.s32 @p1 $0x4100;
	[sflag:s15] =	ssyncadd.s32 @p1 $0xFFFFFF80;
	s15 =	simm.s32 @p1 $0x80  }
0x6b: {  	s24 =	sadd.s32 @!p3 s7, s22;
	s25 =	sadd.s32 @!p3 $0x20, s7;
	_ =	swait.ge @p1 [sflag:s11], $0x4000  }
0x6c: {  	s24 =	sand.u32 @!p3 $0x1FF80, s24;
	s25 =	sand.u32 @!p3 $0x70, s25;
	[sflag:s11] =	ssyncset.done @p1 $0x0  }
0x6d: {  	[sflag:s11] =	ssyncadd.s32 @p1 $0xFFFFC000;
	s11 =	sadd.s32 @!p3 s4, s25  }
0x6e: {  	[spmem:s1] =	stream.indirect.scatter.add.f32 @p1 [tilespmem:s23], [sflag:$0x5], $0x80, s15, s15, $0xb8;
	[tilespmem:$0x1C100] =	vst v63  }
0x6f: {  	s11 =	sadd.s32 @!p3 s24, s11;
	s15 =	simm.s32 @!p3 $0x0;
	_ =	swait.ge @p1 [sflag:s12], $0x4000  }
0x70: {  	s31 =	sadd.s32 $0x1, s31;
	s23 =	simm.s32 @!p3 $0x80;
	[sflag:s12] =	ssyncset.done @p1 $0x0  }
0x71: {  	s24 =	simm.s32 @!p1 $0x1;
	[sflag:s12] =	ssyncadd.s32 @p1 $0xFFFFC000;
	s12 =	simm.s32 @!p3 $0x4100  }
0x72: {  	[tilespmem:s23], [sflag:$0x2] =	stream.linear.gather @!p3 [hbm4b:s11+s15], $0x80, $0x38;
	[tilespmem:$0x1C100] =	vst v63  }
0x73: {  	s29 =	sadd.s32 $0x800, s29;
	s25 =	sand.u32 $0x1, s31  }
0x74: {  	[tilespmem:s12], [sflag:$0x4] =	stream.linear.gather @!p3 [hbm4b:s21+s15], $0x4000, $0x38;
	[tilespmem:$0x1C100] =	vst v63  }
0x75: {  	s11 =	simm.s32 @!p1 $0x5;
	s12 =	simm.s32 @!p1 $0x3;
	_ =	swait.ge @!p1 [sflag:s24], $0x80  }
0x76: {  	s15 =	simm.s32 @!p1 $0x100;
	p3 =	sgt.u32 @!p1 s8, $0x4D;
	[sflag:s24] =	ssyncset.done @!p1 $0x0  }
.Ltmp3:
0x77: {  	s8 =	simm.s32 @!p1 $0x0;
	[sflag:s24] =	ssyncadd.s32 @!p1 $0xFFFFFF80;
	(pc) =	sbr.rel @p2 .LBB2_6-.Ltmp3, $4  }
0x78: {  	s16 =	simm.s32 @!p1 $0x80;
	p3 =	por p3, p1;
	_ =	swait.ge @!p1 [sflag:s12], $0x4000  }
0x79: {  	s23 =	simm.s32 @!p3 $0x0;
	s24 =	simm.s32 @!p3 $0x100;
	[sflag:s12] =	ssyncset.done @!p1 $0x0  }
0x7a: {  	[sflag:s12] =	ssyncadd.s32 @!p1 $0xFFFFC000;
	s12 =	sadd.s32 @!p3 s7, s22;
	s7 =	sadd.s32 @!p3 $0x20, s7  }
0x7b: {  	[spmem:s1] =	stream.indirect.scatter.add.f32 @!p1 [tilespmem:s15], [sflag:$0x5], $0x80, s8, s16, $0xb8;
	[tilespmem:$0x1C100] =	vst v63  }
.Ltmp4:
0x7c: {  	_ = 	snop;
	(pc) =	sbr.rel .LBB2_7-.Ltmp4, $1  }
0x7d: {  	_ =	sdelay $0x3  }
.LBB2_2:
0x7e: {  	s7 =	rddreg [dreg:$0x5]  }
0x7f: {  	[tilespmem:s0], [sflag:$0x1] =	stream.linear.gather [hbm4b:s7+s0], $0x80, $0x38;
	[tilespmem:$0x1C100] =	vst v63  }
0x80: {  	_ = 	snop  }
0x81: {  	[tilespmem:s15], [sflag:$0x3] =	stream.linear.gather [hbm4b:s10+s0], $0x4000, $0x38;
	[tilespmem:$0x1C100] =	vst v63  }
0x82: {  	s11 =	rddreg [dreg:$0x6];
	s21 =	sshll.u32 s3, $0x6  }
0x83: {  	[tilespmem:s16], [sflag:$0x2] =	stream.linear.gather [hbm4b:s11+s0], $0x80, $0x38;
	[tilespmem:$0x1C100] =	vst v63  }
0x84: {  	s12 =	rddreg [dreg:$0x7];
	s23 =	sshrl.u32 s13, $0x3;
	s28 =	sor.u32 $0x1C05, s21  }
0x85: {  	[tilespmem:s25], [sflag:$0x4] =	stream.linear.gather [hbm4b:s12+s0], $0x4000, $0x38;
	[tilespmem:$0x1C100] =	vst v63  }
0x86: {  	[spmem:s23], [sflag:s28] =	dma.local [hbm:s5], $0x2800  }
0x87: {  	_ =	swait.ge [sflag:s26], $0x2800  }
0x88: {  	s24 =	sand.u32 $0x1, s0;
	[sflag:s26] =	ssyncset.done $0x0  }
0x89: {  	p1 =	seq.s32 s24, $0x1;
	[sflag:s26] =	ssyncadd.s32 $0xFFFFD800  }
0x8a: {  	s0 =	simm.s32 @p1 $0x2;
	[bflag:$0x0] =	sbarrier.arrive $0xFFFF  }
0x8b: {  	_ =	swait.ge @p1 [sflag:s0], $0x80  }
0x8c: {  	[sflag:s0] =	ssyncset.done @p1 $0x0  }
0x8d: {  	s7 =	simm.s32 $0x20;
	[sflag:s0] =	ssyncadd.s32 @p1 $0xFFFFFF80;
	s0 =	simm.s32 @p1 $0x4  }
0x8e: {  	p2 =	por @p1 $0x0, $0x0;
	s8 =	simm.s32 @p1 $0x4100;
	_ =	swait.ge @p1 [sflag:s0], $0x4000  }
0x8f: {  	p2 =	por p2, !p1;
	s11 =	simm.s32 @p1 $0x5;
	[sflag:s0] =	ssyncset.done @p1 $0x0  }
0x90: {  	s12 =	simm.s32 @!p2 $0x80;
	[sflag:s0] =	ssyncadd.s32 @p1 $0xFFFFC000;
	s0 =	simm.s32 @p1 $0x80  }
0x91: {  	[spmem:s1] =	stream.indirect.scatter.add.f32 @p1 [tilespmem:s8], [sflag:$0x5], $0x80, s0, s0, $0xb8;
	[tilespmem:$0x1C100] =	vst v63  }
0x92: {  	s0 =	sadd.s32 @!p2 $0x20, s6;
	s8 =	sand.u32 @!p2 $0x70, s7;
	_ =	swait.ge @p1 [sflag:s11], $0x4000  }
0x93: {  	s0 =	sand.u32 @!p2 $0xFF80, s0;
	s8 =	sadd.s32 @!p2 s4, s8;
	[sflag:s11] =	ssyncset.done @p1 $0x0  }
0x94: {  	s0 =	sadd.s32 @!p2 s0, s8;
	s8 =	simm.s32 @!p2 $0x0;
	[sflag:s11] =	ssyncadd.s32 @p1 $0xFFFFC000  }
0x95: {  	[tilespmem:s12], [sflag:$0x2] =	stream.linear.gather @!p2 [hbm4b:s0+s8], $0x80, $0x38;
	[tilespmem:$0x1C100] =	vst v63  }
0x96: {  	s11 =	simm.s32 @!p1 $0x1;
	s0 =	simm.s32 @!p2 $0x4100  }
0x97: {  	[tilespmem:s0], [sflag:$0x4] =	stream.linear.gather @!p2 [hbm4b:s20+s8], $0x4000, $0x38;
	[tilespmem:$0x1C100] =	vst v63  }
0x98: {  	_ =	swait.ge @!p1 [sflag:s11], $0x80  }
0x99: {  	s30 =	simm.s32 $0x30;
	s31 =	simm.s32 $0x1;
	[sflag:s11] =	ssyncset.done @!p1 $0x0  }
0x9a: {  	s29 =	sadd.s32 $0x800, s20;
	s0 =	simm.s32 @!p1 $0x3;
	[sflag:s11] =	ssyncadd.s32 @!p1 $0xFFFFFF80  }
0x9b: {  	s12 =	simm.s32 @!p1 $0x0;
	p2 =	por @!p1 $0x0, $0x0;
	_ =	swait.ge @!p1 [sflag:s0], $0x4000  }
0x9c: {  	s8 =	simm.s32 @!p1 $0x100;
	p3 =	por p2, p1;
	[sflag:s0] =	ssyncset.done @!p1 $0x0  }
0x9d: {  	s11 =	simm.s32 @!p1 $0x5;
	[sflag:s0] =	ssyncadd.s32 @!p1 $0xFFFFC000;
	s0 =	simm.s32 @!p1 $0x80  }
0x9e: {  	[spmem:s1] =	stream.indirect.scatter.add.f32 @!p1 [tilespmem:s8], [sflag:$0x5], $0x80, s12, s0, $0xb8;
	[tilespmem:$0x1C100] =	vst v63  }
0x9f: {  	s7 =	sand.u32 @!p3 $0x60, s7;
	s0 =	sadd.s32 @!p3 $0x20, s6;
	_ =	swait.ge @!p1 [sflag:s11], $0x4000  }
0xa0: {  	s7 =	sadd.s32 @!p3 s4, s7;
	s0 =	sand.u32 @!p3 $0xFF80, s0;
	[sflag:s11] =	ssyncset.done @!p1 $0x0  }
0xa1: {  	s0 =	sadd.s32 @!p3 s0, s7;
	[sflag:s11] =	ssyncadd.s32 @!p1 $0xFFFFC000;
	s11 =	simm.s32 @!p3 $0x0  }
0xa2: {  	[tilespmem:s11], [sflag:$0x1] =	stream.linear.gather @!p3 [hbm4b:s0+s11], $0x80, $0x38;
	[tilespmem:$0x1C100] =	vst v63  }
0xa3: {  	s21 =	smov.u32 s20;
	s8 =	sand.u32 $0x1, s31;
	s0 =	simm.s32 $0x40  }
.LBB2_3:
0xa4: {  	p1 =	seq.s32 s8, $0x1;
	s8 =	simm.s32 @!p3 $0x100  }
0xa5: {  	s7 =	smov.u32 s30;
	s30 =	smov.u32 s0;
	s0 =	sadd.s32 $0x10, s0  }
0xa6: {  	p5 =	sgt.u32 @p1 s31, $0x4D;
	s12 =	simm.s32 @p1 $0x2;
	p4 =	sgt.u32 @!p1 s31, $0x4D  }
0xa7: {  	[tilespmem:s8], [sflag:$0x3] =	stream.linear.gather @!p3 [hbm4b:s21+s11], $0x4000, $0x38;
	[tilespmem:$0x1C100] =	vst v63  }
0xa8: {  	p2 =	seq.s32 s0, $0x520;
	s21 =	smov.u32 s29;
	_ =	swait.ge @p1 [sflag:s12], $0x80  }
0xa9: {  	[sflag:s12] =	ssyncset.done @p1 $0x0  }
0xaa: {  	s8 =	simm.s32 @p1 $0x4;
	[sflag:s12] =	ssyncadd.s32 @p1 $0xFFFFFF80  }
0xab: {  	s11 =	simm.s32 @p1 $0x4100;
	_ =	swait.ge @p1 [sflag:s8], $0x4000  }
0xac: {  	p3 =	por p5, !p1;
	s12 =	simm.s32 @p1 $0x5;
	[sflag:s8] =	ssyncset.done @p1 $0x0  }
0xad: {  	s23 =	simm.s32 @!p3 $0x80;
	[sflag:s8] =	ssyncadd.s32 @p1 $0xFFFFC000;
	s8 =	simm.s32 @p1 $0x80  }
0xae: {  	[spmem:s1] =	stream.indirect.scatter.add.f32 @p1 [tilespmem:s11], [sflag:$0x5], $0x80, s8, s8, $0xb8;
	[tilespmem:$0x1C100] =	vst v63  }
0xaf: {  	s8 =	sadd.s32 @!p3 s7, s6;
	s11 =	sand.u32 @!p3 $0x70, s7;
	_ =	swait.ge @p1 [sflag:s12], $0x4000  }
0xb0: {  	s8 =	sand.u32 @!p3 $0xFF80, s8;
	s11 =	sadd.s32 @!p3 s4, s11;
	[sflag:s12] =	ssyncset.done @p1 $0x0  }
0xb1: {  	s8 =	sadd.s32 @!p3 s8, s11;
	s11 =	simm.s32 @!p3 $0x0;
	[sflag:s12] =	ssyncadd.s32 @p1 $0xFFFFC000  }
0xb2: {  	[tilespmem:s23], [sflag:$0x2] =	stream.linear.gather @!p3 [hbm4b:s8+s11], $0x80, $0x38;
	[tilespmem:$0x1C100] =	vst v63  }
0xb3: {  	s12 =	simm.s32 @!p1 $0x1;
	s8 =	simm.s32 @!p3 $0x4100  }
0xb4: {  	[tilespmem:s8], [sflag:$0x4] =	stream.linear.gather @!p3 [hbm4b:s29+s11], $0x4000, $0x38;
	[tilespmem:$0x1C100] =	vst v63  }
0xb5: {  	_ =	swait.ge @!p1 [sflag:s12], $0x80  }
0xb6: {  	s29 =	sadd.s32 $0x800, s29;
	[sflag:s12] =	ssyncset.done @!p1 $0x0  }
0xb7: {  	s31 =	sadd.s32 $0x1, s31;
	s11 =	simm.s32 @!p1 $0x3;
	[sflag:s12] =	ssyncadd.s32 @!p1 $0xFFFFFF80  }
0xb8: {  	s8 =	sand.u32 $0x1, s31;
	p3 =	por p4, p1;
	_ =	swait.ge @!p1 [sflag:s11], $0x4000  }
0xb9: {  	s23 =	simm.s32 @!p1 $0x5;
	s12 =	simm.s32 @!p1 $0x100;
	[sflag:s11] =	ssyncset.done @!p1 $0x0  }
0xba: {  	s24 =	simm.s32 @!p1 $0x0;
	[sflag:s11] =	ssyncadd.s32 @!p1 $0xFFFFC000;
	s11 =	simm.s32 @!p1 $0x80  }
0xbb: {  	[spmem:s1] =	stream.indirect.scatter.add.f32 @!p1 [tilespmem:s12], [sflag:$0x5], $0x80, s24, s11, $0xb8;
	[tilespmem:$0x1C100] =	vst v63  }
.Ltmp5:
0xbc: {  	_ = 	snop;
	(pc) =	sbr.rel @!p2 .LBB2_3-.Ltmp5, $4  }
0xbd: {  	s11 =	sadd.s32 @!p3 s7, s6;
	s7 =	sand.u32 @!p3 $0x60, s7;
	_ =	swait.ge @!p1 [sflag:s23], $0x4000  }
0xbe: {  	s11 =	sand.u32 @!p3 $0xFF80, s11;
	s7 =	sadd.s32 @!p3 s4, s7;
	[sflag:s23] =	ssyncset.done @!p1 $0x0  }
0xbf: {  	s7 =	sadd.s32 @!p3 s11, s7;
	s11 =	simm.s32 @!p3 $0x0;
	[sflag:s23] =	ssyncadd.s32 @!p1 $0xFFFFC000  }
0xc0: {  	[tilespmem:s11], [sflag:$0x1] =	stream.linear.gather @!p3 [hbm4b:s7+s11], $0x80, $0x38;
	[tilespmem:$0x1C100] =	vst v63  }
0xc1: {  	p1 =	seq.s32 s8, $0x1  }
0xc2: {  	s0 =	simm.s32 @!p3 $0x100;
	s7 =	simm.s32 @p1 $0x2  }
0xc3: {  	[tilespmem:s0], [sflag:$0x3] =	stream.linear.gather @!p3 [hbm4b:s21+s11], $0x4000, $0x38;
	[tilespmem:$0x1C100] =	vst v63  }
0xc4: {  	_ =	swait.ge @p1 [sflag:s7], $0x80  }
0xc5: {  	[sflag:s7] =	ssyncset.done @p1 $0x0  }
0xc6: {  	s0 =	simm.s32 @p1 $0x4;
	p2 =	sgt.u32 @p1 s31, $0x4D;
	[sflag:s7] =	ssyncadd.s32 @p1 $0xFFFFFF80  }
0xc7: {  	p2 =	por p2, !p1;
	_ =	swait.ge @p1 [sflag:s0], $0x4000  }
0xc8: {  	s8 =	simm.s32 @p1 $0x5;
	s11 =	simm.s32 @!p2 $0x80;
	[sflag:s0] =	ssyncset.done @p1 $0x0  }
0xc9: {  	s7 =	simm.s32 @p1 $0x4100;
	[sflag:s0] =	ssyncadd.s32 @p1 $0xFFFFC000;
	s0 =	simm.s32 @p1 $0x80  }
0xca: {  	[spmem:s1] =	stream.indirect.scatter.add.f32 @p1 [tilespmem:s7], [sflag:$0x5], $0x80, s0, s0, $0xb8;
	[tilespmem:$0x1C100] =	vst v63  }
0xcb: {  	s0 =	sadd.s32 @!p2 s30, s6;
	s7 =	sand.u32 @!p2 $0x70, s30;
	_ =	swait.ge @p1 [sflag:s8], $0x4000  }
0xcc: {  	s0 =	sand.u32 @!p2 $0xFF80, s0;
	s7 =	sadd.s32 @!p2 s4, s7;
	[sflag:s8] =	ssyncset.done @p1 $0x0  }
0xcd: {  	s0 =	sadd.s32 @!p2 s0, s7;
	s7 =	simm.s32 @!p2 $0x0;
	[sflag:s8] =	ssyncadd.s32 @p1 $0xFFFFC000  }
0xce: {  	[tilespmem:s11], [sflag:$0x2] =	stream.linear.gather @!p2 [hbm4b:s0+s7], $0x80, $0x38;
	[tilespmem:$0x1C100] =	vst v63  }
0xcf: {  	s8 =	simm.s32 @!p1 $0x1;
	s0 =	simm.s32 @!p2 $0x4100  }
0xd0: {  	[tilespmem:s0], [sflag:$0x4] =	stream.linear.gather @!p2 [hbm4b:s29+s7], $0x4000, $0x38;
	[tilespmem:$0x1C100] =	vst v63  }
0xd1: {  	_ =	swait.ge @!p1 [sflag:s8], $0x80  }
0xd2: {  	[sflag:s8] =	ssyncset.done @!p1 $0x0  }
0xd3: {  	s0 =	simm.s32 @!p1 $0x3;
	[sflag:s8] =	ssyncadd.s32 @!p1 $0xFFFFFF80  }
0xd4: {  	s11 =	simm.s32 @!p1 $0x0;
	_ =	swait.ge @!p1 [sflag:s0], $0x4000  }
0xd5: {  	p2 =	sgt.u32 @!p1 s31, $0x4D;
	s7 =	simm.s32 @!p1 $0x100;
	[sflag:s0] =	ssyncset.done @!p1 $0x0  }
0xd6: {  	p2 =	por p2, p1;
	[sflag:s0] =	ssyncadd.s32 @!p1 $0xFFFFC000;
	s0 =	simm.s32 @!p1 $0x80  }
0xd7: {  	[spmem:s1] =	stream.indirect.scatter.add.f32 @!p1 [tilespmem:s7], [sflag:$0x5], $0x80, s11, s0, $0xb8;
	[tilespmem:$0x1C100] =	vst v63  }
0xd8: {  	s8 =	simm.s32 @!p1 $0x5;
	s0 =	sadd.s32 @!p2 s30, s6;
	s7 =	sand.u32 @!p2 $0x60, s30  }
0xd9: {  	_ =	swait.ge @!p1 [sflag:s8], $0x4000;
	s0 =	sand.u32 @!p2 $0xFF80, s0;
	s7 =	sadd.s32 @!p2 s4, s7  }
0xda: {  	[sflag:s8] =	ssyncset.done @!p1 $0x0;
	s0 =	sadd.s32 @!p2 s0, s7  }
.Ltmp6:
0xdb: {  	s7 =	simm.s32 @!p2 $0x0;
	[sflag:s8] =	ssyncadd.s32 @!p1 $0xFFFFC000;
	(pc) =	sbr.rel .LBB2_8-.Ltmp6, $4  }
0xdc: {  	[tilespmem:s7], [sflag:$0x1] =	stream.linear.gather @!p2 [hbm4b:s0+s7], $0x80, $0x38;
	[tilespmem:$0x1C100] =	vst v63  }
0xdd: {  	s0 =	simm.s32 @!p2 $0x100  }
0xde: {  	[tilespmem:s0], [sflag:$0x3] =	stream.linear.gather @!p2 [hbm4b:s29+s7], $0x4000, $0x38;
	[tilespmem:$0x1C100] =	vst v63  }
0xdf: {  	s0 =	rddreg [dreg:$0x3]  }
.LBB2_9:
0xe0: {  	_ =	sfence.sel $0x180000  }
0xe1: {  	[bflag:$0x0] =	sbarrier.arrive $0xFFFF  }
0xe2: {  	_ =	strace $0x90000056  }
0xe3: {  	[bflag:$0x2] =	sbarrier.arrive $0xFFFF  }
0xe4: {  	p0 =	sne.s32 s3, $0x0;
	s0 =	rddreg [dreg:$0x2]  }
0xe5: {  	s0 =	sadd.s32 @!p0 $0x100000, s0  }
0xe6: {  	[sflag:s0] =	ssyncadd.tile.s32 @!p0 $0x1;
	_ =	shalt  }
.Lfunc_end2:
_tile_overlayer_lowered:
.L_overlay_start_2:
0xe7: {  	(tag) =	ssettag $0x2  }
0xe8: {  	s0 =	rddreg [dreg:$0x0];
	s2 =	stileid.u32  }
0xe9: {  	s1 =	rddreg [dreg:$0x1];
	p0 =	sne.s32 s2, $0x0  }
0xea: {  	s3 =	rddreg [dreg:$0x2];
	[bflag:$0x3] =	sbarrier.arrive $0xFFFF;
	s2 =	simm.s32 @!p0 $0x1C05  }
0xeb: {  	[timem:s3], [sflag:s2] =	dma.local @!p0 [hbm:s0], s1  }
0xec: {  	s0 =	simm.s32 @!p0 $0x5  }
0xed: {  	_ =	swait.ge @!p0 [sflag:s0], s1  }
0xee: {  	s1 =	ssub.s32 @!p0 $0x0, s1;
	[sflag:s0] =	ssyncset.done @!p0 $0x0  }
0xef: {  	[sflag:s0] =	ssyncadd.s32 @!p0 s1  }
0xf0: {  	[bflag:$0x3] =	sbarrier.arrive $0xFFFF  }
0xf1: {  	_ =	shalt  }

</sc_bundles>
